<compile_context>
chip_gen: v7x
topology: tpu7x:2x2x1
jax: 0.10.2.dev20260603
libtpu: 0.0.44.dev20260713+nightly
codegen_flags: <defaults>
</compile_context>

<pallas_src>
import functools

import jax
import jax.numpy as jnp
from jax import lax
from jax.experimental import pallas as pl
from jax.experimental.pallas import tpu as pltpu
from jax.experimental.pallas import tpu_sc as plsc

_NC = 2
_NS = 16
_NW = _NC * _NS
_LANES = 16


def _build_kernel(B, S, V, D):
    assert S % _NW == 0
    P = S // _NW
    assert D % _LANES == 0
    mesh = plsc.VectorSubcoreMesh(
        core_axis_name="c", subcore_axis_name="s",
        num_cores=_NC, num_subcores=_NS,
    )

    @functools.partial(
        pl.kernel,
        out_type=jax.ShapeDtypeStruct((B * S, D), jnp.float32),
        mesh=mesh,
        scratch_types=[
            pltpu.VMEM((P,), jnp.int32),
            pltpu.VMEM((P,), jnp.int32),
            pltpu.VMEM((P, D), jnp.float32),
            pltpu.VMEM((P, D), jnp.float32),
            pltpu.VMEM((P, D), jnp.float32),
            pltpu.SemaphoreType.DMA,
            pltpu.SemaphoreType.DMA,
        ],
    )
    def k(x_hbm, tok_hbm, pos_hbm, out_hbm,
          idx0, idx1, rows0, rows1, pos_v, sem0, sem1):
        wid = lax.axis_index("s") * _NC + lax.axis_index("c")
        p0 = wid * P

        pltpu.sync_copy(pos_hbm.at[pl.ds(p0, P), :], pos_v)

        bufs = ((idx0, rows0, sem0), (idx1, rows1, sem1))

        def start_gather(b, buf):
            idx_v, rows_v, sem = bufs[buf]
            pltpu.sync_copy(x_hbm.at[pl.ds(b * S + p0, P)], idx_v)
            return pltpu.async_copy(tok_hbm.at[idx_v], rows_v, sem)

        def add_pos(rows_v):
            def body(i, carry):
                for j in range(D // _LANES):
                    sl = pl.ds(j * _LANES, _LANES)
                    plsc.addupdate(rows_v.at[i, sl], pos_v[i, sl])
                return carry
            lax.fori_loop(0, P, body, 0, unroll=2)

        desc = start_gather(0, 0)
        for b in range(B):
            buf = b % 2
            _, rows_v, _ = bufs[buf]
            nxt_desc = start_gather(b + 1, 1 - buf) if b + 1 < B else None
            desc.wait()
            add_pos(rows_v)
            pltpu.sync_copy(rows_v, out_hbm.at[pl.ds(b * S + p0, P), :])
            desc = nxt_desc

    return k


def kernel(x, token_table, pos_table):
    B, S = x.shape
    V, D = token_table.shape
    k = _build_kernel(B, S, V, D)
    out = k(x.reshape(-1).astype(jnp.int32), token_table, pos_table)
    return out.reshape(B, S, D)

# --- scband reference (transcript-rebuilt; emitter-appended) ---
"""Pipeline reference for scband-embeddings-12283606466672 (READ-ONLY COPY).

The authoritative reference and input builder live on the scoring server;
editing this copy changes nothing except your own understanding.
"""

import jax, jax.numpy as jnp
import numpy as np

VOCAB = 100000
N_EMBD = 128
MAX_POS = 2048
B, S = 16, 2048

def setup_inputs(seed: int = 0) -> dict:
    key = jax.random.key(seed)
    k1, k2, k3 = jax.random.split(key, 3)
    x = jax.random.randint(k1, (B, S), 0, VOCAB, dtype=jnp.int64) if jax.config.jax_enable_x64 else jax.random.randint(k1, (B, S), 0, VOCAB, dtype=jnp.int32)
    token_table = jax.random.normal(k2, (VOCAB, N_EMBD), dtype=jnp.float32) * 0.02
    pos_table = jax.random.normal(k3, (MAX_POS, N_EMBD), dtype=jnp.float32) * 0.02
    return {"x": x, "token_table": token_table, "pos_table": pos_table}

def reference(x, token_table, pos_table):
    # token embedding: gather rows from token_table
    tokens = jnp.take(token_table, x, axis=0)  # [B, S, N_EMBD]
    # position embedding: arange(S) broadcast over batch
    positions = jnp.arange(x.shape[1])
    pos_emb = jnp.take(pos_table, positions, axis=0)  # [S, N_EMBD]
    out = tokens + pos_emb[None, :, :]
    return out

if __name__ == "__main__":
    import jax
    _d = setup_inputs()
    print(jax.jit(kernel)(*tuple(_d.values())))

</pallas_src>

<mosaic_0001>
#map = affine_map<(d0, d1) -> (0)>
#map1 = affine_map<(d0, d1) -> (0, 0)>
module attributes {stable_mosaic.version = 14 : i64} {
  func.func @k(%arg0: i32, %arg1: i32, %arg2: memref<32768xi32, #tpu.memory_space<hbm>>, %arg3: memref<100000x128xf32, #tpu.memory_space<hbm>>, %arg4: memref<2048x128xf32, #tpu.memory_space<hbm>>, %arg5: memref<32768x128xf32, #tpu.memory_space<hbm>>, %arg6: memref<64xi32, #tpu.memory_space<vmem>>, %arg7: memref<64xi32, #tpu.memory_space<vmem>>, %arg8: memref<64x128xf32, #tpu.memory_space<vmem>>, %arg9: memref<64x128xf32, #tpu.memory_space<vmem>>, %arg10: memref<64x128xf32, #tpu.memory_space<vmem>>, %arg11: memref<!tpu.dma_semaphore, #tpu.memory_space<semaphore_mem>>, %arg12: memref<!tpu.dma_semaphore, #tpu.memory_space<semaphore_mem>>) attributes {dimension_semantics = [#tpu.dimension_semantics<core_parallel>, #tpu.dimension_semantics<subcore_parallel>], iteration_bounds = array<i64: 2, 16>, scalar_prefetch = 0 : i64, scratch_operands = 7 : i64, tpu.core_type = #tpu.core_type<sc_vector_subcore>, window_params = [{transform_indices = #map}, {transform_indices = #map1}, {transform_indices = #map1}, {transform_indices = #map1}]} {
    %mul3A = arith.constant 2 : i32
    %mul3A_0 = arith.muli %arg1, %mul3A : i32
    %add3A = arith.addi %mul3A_0, %arg0 : i32
    %mul3A_1 = arith.constant 64 : i32
    %mul3A_2 = arith.muli %add3A, %mul3A_1 : i32
    "tpu.region"() ({
      %run_scoped3A = tpu.sem_alloc : memref<!tpu.dma_semaphore, #tpu.memory_space<semaphore_mem>>
      %dma_start3A_256 = arith.constant 0 : i32
      %dma_start3A_257 = tpu.memref_slice %arg4[%mul3A_2, %dma_start3A_256] : memref<2048x128xf32, #tpu.memory_space<hbm>> -> memref<64x128xf32, #tpu.memory_space<hbm>>
      %dma_start3A_258 = arith.constant 0 : i32
      %dma_start3A_259 = tpu.memref_slice %arg4[%mul3A_2, %dma_start3A_258] : memref<2048x128xf32, #tpu.memory_space<hbm>> -> memref<64x128xf32, #tpu.memory_space<hbm>>
      tpu.enqueue_dma source(%dma_start3A_259 : memref<64x128xf32, #tpu.memory_space<hbm>>) target(%arg10 : memref<64x128xf32, #tpu.memory_space<vmem>>) target_semaphore(%run_scoped3A : memref<!tpu.dma_semaphore, #tpu.memory_space<semaphore_mem>>)
      %dma_wait3A_260 = arith.constant 0 : i32
      %dma_wait3A_261 = tpu.memref_slice %arg4[%mul3A_2, %dma_wait3A_260] : memref<2048x128xf32, #tpu.memory_space<hbm>> -> memref<64x128xf32, #tpu.memory_space<hbm>>
      %dma_wait3A_262 = arith.constant 0 : i32
      %dma_wait3A_263 = tpu.memref_slice %arg4[%mul3A_2, %dma_wait3A_262] : memref<2048x128xf32, #tpu.memory_space<hbm>> -> memref<64x128xf32, #tpu.memory_space<hbm>>
      tpu.wait_dma2 semaphore(%run_scoped3A : memref<!tpu.dma_semaphore, #tpu.memory_space<semaphore_mem>>) src(%dma_wait3A_263 : memref<64x128xf32, #tpu.memory_space<hbm>>) dst(%arg10 : memref<64x128xf32, #tpu.memory_space<vmem>>)
      tpu.yield
    }) : () -> ()
    %add3A_3 = arith.constant 0 : i32
    %add3A_4 = arith.addi %add3A_3, %mul3A_2 : i32
    "tpu.region"() ({
      %run_scoped3A = tpu.sem_alloc : memref<!tpu.dma_semaphore, #tpu.memory_space<semaphore_mem>>
      %dma_start3A_256 = tpu.memref_slice %arg2[%add3A_4] : memref<32768xi32, #tpu.memory_space<hbm>> -> memref<64xi32, #tpu.memory_space<hbm>>
      %dma_start3A_257 = tpu.memref_slice %arg2[%add3A_4] : memref<32768xi32, #tpu.memory_space<hbm>> -> memref<64xi32, #tpu.memory_space<hbm>>
      tpu.enqueue_dma source(%dma_start3A_257 : memref<64xi32, #tpu.memory_space<hbm>>) target(%arg6 : memref<64xi32, #tpu.memory_space<vmem>>) target_semaphore(%run_scoped3A : memref<!tpu.dma_semaphore, #tpu.memory_space<semaphore_mem>>)
      %dma_wait3A_258 = tpu.memref_slice %arg2[%add3A_4] : memref<32768xi32, #tpu.memory_space<hbm>> -> memref<64xi32, #tpu.memory_space<hbm>>
      %dma_wait3A_259 = tpu.memref_slice %arg2[%add3A_4] : memref<32768xi32, #tpu.memory_space<hbm>> -> memref<64xi32, #tpu.memory_space<hbm>>
      tpu.wait_dma2 semaphore(%run_scoped3A : memref<!tpu.dma_semaphore, #tpu.memory_space<semaphore_mem>>) src(%dma_wait3A_259 : memref<64xi32, #tpu.memory_space<hbm>>) dst(%arg6 : memref<64xi32, #tpu.memory_space<vmem>>)
      tpu.yield
    }) : () -> ()
    %dma_start3A = arith.constant 0 : i32
    %dma_start3A_5 = arith.constant 0 : i32
    %dma_start3A_6 = tpu.memref_slice %arg3[%dma_start3A, %dma_start3A_5] : memref<100000x128xf32, #tpu.memory_space<hbm>> -> memref<100000x128xf32, #tpu.memory_space<hbm>>
    tpu.enqueue_indirect_dma source(%dma_start3A_6 : memref<100000x128xf32, #tpu.memory_space<hbm>>) target(%arg8 : memref<64x128xf32, #tpu.memory_space<vmem>>) offsets(%arg6 : memref<64xi32, #tpu.memory_space<vmem>>) semaphore(%arg11 : memref<!tpu.dma_semaphore, #tpu.memory_space<semaphore_mem>>)
    %add3A_7 = arith.constant 2048 : i32
    %add3A_8 = arith.addi %add3A_7, %mul3A_2 : i32
    "tpu.region"() ({
      %run_scoped3A = tpu.sem_alloc : memref<!tpu.dma_semaphore, #tpu.memory_space<semaphore_mem>>
      %dma_start3A_256 = tpu.memref_slice %arg2[%add3A_8] : memref<32768xi32, #tpu.memory_space<hbm>> -> memref<64xi32, #tpu.memory_space<hbm>>
      %dma_start3A_257 = tpu.memref_slice %arg2[%add3A_8] : memref<32768xi32, #tpu.memory_space<hbm>> -> memref<64xi32, #tpu.memory_space<hbm>>
      tpu.enqueue_dma source(%dma_start3A_257 : memref<64xi32, #tpu.memory_space<hbm>>) target(%arg7 : memref<64xi32, #tpu.memory_space<vmem>>) target_semaphore(%run_scoped3A : memref<!tpu.dma_semaphore, #tpu.memory_space<semaphore_mem>>)
      %dma_wait3A_258 = tpu.memref_slice %arg2[%add3A_8] : memref<32768xi32, #tpu.memory_space<hbm>> -> memref<64xi32, #tpu.memory_space<hbm>>
      %dma_wait3A_259 = tpu.memref_slice %arg2[%add3A_8] : memref<32768xi32, #tpu.memory_space<hbm>> -> memref<64xi32, #tpu.memory_space<hbm>>
      tpu.wait_dma2 semaphore(%run_scoped3A : memref<!tpu.dma_semaphore, #tpu.memory_space<semaphore_mem>>) src(%dma_wait3A_259 : memref<64xi32, #tpu.memory_space<hbm>>) dst(%arg7 : memref<64xi32, #tpu.memory_space<vmem>>)
      tpu.yield
    }) : () -> ()
    %dma_start3A_9 = arith.constant 0 : i32
    %dma_start3A_10 = arith.constant 0 : i32
    %dma_start3A_11 = tpu.memref_slice %arg3[%dma_start3A_9, %dma_start3A_10] : memref<100000x128xf32, #tpu.memory_space<hbm>> -> memref<100000x128xf32, #tpu.memory_space<hbm>>
    tpu.enqueue_indirect_dma source(%dma_start3A_11 : memref<100000x128xf32, #tpu.memory_space<hbm>>) target(%arg9 : memref<64x128xf32, #tpu.memory_space<vmem>>) offsets(%arg7 : memref<64xi32, #tpu.memory_space<vmem>>) semaphore(%arg12 : memref<!tpu.dma_semaphore, #tpu.memory_space<semaphore_mem>>)
    %dma_wait3A = arith.constant 0 : i32
    %dma_wait3A_12 = arith.constant 0 : i32
    %dma_wait3A_13 = tpu.memref_slice %arg3[%dma_wait3A, %dma_wait3A_12] : memref<100000x128xf32, #tpu.memory_space<hbm>> -> memref<100000x128xf32, #tpu.memory_space<hbm>>
    tpu.wait_indirect_dma semaphore(%arg11 : memref<!tpu.dma_semaphore, #tpu.memory_space<semaphore_mem>>) src(%dma_wait3A_13 : memref<100000x128xf32, #tpu.memory_space<hbm>>) dst(%arg8 : memref<64x128xf32, #tpu.memory_space<vmem>>)
    %scan3A = arith.constant 0 : i32
    %scan3A_14 = arith.constant 0 : i32
    %scan3A_15 = arith.constant 64 : i32
    %scan3A_16 = arith.addi %scan3A_14, %scan3A_15 : i32
    %scan3A_17 = arith.constant 2 : i32
    scf.for %scan3A_256 = %scan3A_14 to %scan3A_16 step %scan3A_17  : i32 {
      %get3A = arith.index_cast %scan3A_256 : i32 to index
      %get3A_257 = arith.constant 0 : index
      %get3A_258 = tpu.vector_load %arg10[%get3A, %get3A_257] {strides = array<i32>} : memref<64x128xf32, #tpu.memory_space<vmem>>, vector<1x16xf32>,
      %get3A_259 = vector.shape_cast %get3A_258 : vector<1x16xf32> to vector<16xf32>
      %swap3A = arith.index_cast %scan3A_256 : i32 to index
      %swap3A_260 = arith.constant 0 : index
      %swap3A_261 = tpu.vector_load %arg8[%swap3A, %swap3A_260] {strides = array<i32>} : memref<64x128xf32, #tpu.memory_space<vmem>>, vector<1x16xf32>,
      %swap3A_262 = vector.shape_cast %swap3A_261 : vector<1x16xf32> to vector<16xf32>
      %swap3A_263 = vector.shape_cast %get3A_259 : vector<16xf32> to vector<1x16xf32>
      tpu.vector_store %arg8[%swap3A, %swap3A_260], %swap3A_263 {add = true, strides = array<i32>} : memref<64x128xf32, #tpu.memory_space<vmem>>, vector<1x16xf32>,
      %get3A_264 = arith.index_cast %scan3A_256 : i32 to index
      %get3A_265 = arith.constant 16 : index
      %get3A_266 = tpu.vector_load %arg10[%get3A_264, %get3A_265] {strides = array<i32>} : memref<64x128xf32, #tpu.memory_space<vmem>>, vector<1x16xf32>,
      %get3A_267 = vector.shape_cast %get3A_266 : vector<1x16xf32> to vector<16xf32>
      %swap3A_268 = arith.index_cast %scan3A_256 : i32 to index
      %swap3A_269 = arith.constant 16 : index
      %swap3A_270 = tpu.vector_load %arg8[%swap3A_268, %swap3A_269] {strides = array<i32>} : memref<64x128xf32, #tpu.memory_space<vmem>>, vector<1x16xf32>,
      %swap3A_271 = vector.shape_cast %swap3A_270 : vector<1x16xf32> to vector<16xf32>
      %swap3A_272 = vector.shape_cast %get3A_267 : vector<16xf32> to vector<1x16xf32>
      tpu.vector_store %arg8[%swap3A_268, %swap3A_269], %swap3A_272 {add = true, strides = array<i32>} : memref<64x128xf32, #tpu.memory_space<vmem>>, vector<1x16xf32>,
      %get3A_273 = arith.index_cast %scan3A_256 : i32 to index
      %get3A_274 = arith.constant 32 : index
      %get3A_275 = tpu.vector_load %arg10[%get3A_273, %get3A_274] {strides = array<i32>} : memref<64x128xf32, #tpu.memory_space<vmem>>, vector<1x16xf32>,
      %get3A_276 = vector.shape_cast %get3A_275 : vector<1x16xf32> to vector<16xf32>
      %swap3A_277 = arith.index_cast %scan3A_256 : i32 to index
      %swap3A_278 = arith.constant 32 : index
      %swap3A_279 = tpu.vector_load %arg8[%swap3A_277, %swap3A_278] {strides = array<i32>} : memref<64x128xf32, #tpu.memory_space<vmem>>, vector<1x16xf32>,
      %swap3A_280 = vector.shape_cast %swap3A_279 : vector<1x16xf32> to vector<16xf32>
      %swap3A_281 = vector.shape_cast %get3A_276 : vector<16xf32> to vector<1x16xf32>
      tpu.vector_store %arg8[%swap3A_277, %swap3A_278], %swap3A_281 {add = true, strides = array<i32>} : memref<64x128xf32, #tpu.memory_space<vmem>>, vector<1x16xf32>,
      %get3A_282 = arith.index_cast %scan3A_256 : i32 to index
      %get3A_283 = arith.constant 48 : index
      %get3A_284 = tpu.vector_load %arg10[%get3A_282, %get3A_283] {strides = array<i32>} : memref<64x128xf32, #tpu.memory_space<vmem>>, vector<1x16xf32>,
      %get3A_285 = vector.shape_cast %get3A_284 : vector<1x16xf32> to vector<16xf32>
      %swap3A_286 = arith.index_cast %scan3A_256 : i32 to index
      %swap3A_287 = arith.constant 48 : index
      %swap3A_288 = tpu.vector_load %arg8[%swap3A_286, %swap3A_287] {strides = array<i32>} : memref<64x128xf32, #tpu.memory_space<vmem>>, vector<1x16xf32>,
      %swap3A_289 = vector.shape_cast %swap3A_288 : vector<1x16xf32> to vector<16xf32>
      %swap3A_290 = vector.shape_cast %get3A_285 : vector<16xf32> to vector<1x16xf32>
      tpu.vector_store %arg8[%swap3A_286, %swap3A_287], %swap3A_290 {add = true, strides = array<i32>} : memref<64x128xf32, #tpu.memory_space<vmem>>, vector<1x16xf32>,
      %get3A_291 = arith.index_cast %scan3A_256 : i32 to index
      %get3A_292 = arith.constant 64 : index
      %get3A_293 = tpu.vector_load %arg10[%get3A_291, %get3A_292] {strides = array<i32>} : memref<64x128xf32, #tpu.memory_space<vmem>>, vector<1x16xf32>,
      %get3A_294 = vector.shape_cast %get3A_293 : vector<1x16xf32> to vector<16xf32>
      %swap3A_295 = arith.index_cast %scan3A_256 : i32 to index
      %swap3A_296 = arith.constant 64 : index
      %swap3A_297 = tpu.vector_load %arg8[%swap3A_295, %swap3A_296] {strides = array<i32>} : memref<64x128xf32, #tpu.memory_space<vmem>>, vector<1x16xf32>,
      %swap3A_298 = vector.shape_cast %swap3A_297 : vector<1x16xf32> to vector<16xf32>
      %swap3A_299 = vector.shape_cast %get3A_294 : vector<16xf32> to vector<1x16xf32>
      tpu.vector_store %arg8[%swap3A_295, %swap3A_296], %swap3A_299 {add = true, strides = array<i32>} : memref<64x128xf32, #tpu.memory_space<vmem>>, vector<1x16xf32>,
      %get3A_300 = arith.index_cast %scan3A_256 : i32 to index
      %get3A_301 = arith.constant 80 : index
      %get3A_302 = tpu.vector_load %arg10[%get3A_300, %get3A_301] {strides = array<i32>} : memref<64x128xf32, #tpu.memory_space<vmem>>, vector<1x16xf32>,
      %get3A_303 = vector.shape_cast %get3A_302 : vector<1x16xf32> to vector<16xf32>
      %swap3A_304 = arith.index_cast %scan3A_256 : i32 to index
      %swap3A_305 = arith.constant 80 : index
      %swap3A_306 = tpu.vector_load %arg8[%swap3A_304, %swap3A_305] {strides = array<i32>} : memref<64x128xf32, #tpu.memory_space<vmem>>, vector<1x16xf32>,
      %swap3A_307 = vector.shape_cast %swap3A_306 : vector<1x16xf32> to vector<16xf32>
      %swap3A_308 = vector.shape_cast %get3A_303 : vector<16xf32> to vector<1x16xf32>
      tpu.vector_store %arg8[%swap3A_304, %swap3A_305], %swap3A_308 {add = true, strides = array<i32>} : memref<64x128xf32, #tpu.memory_space<vmem>>, vector<1x16xf32>,
      %get3A_309 = arith.index_cast %scan3A_256 : i32 to index
      %get3A_310 = arith.constant 96 : index
      %get3A_311 = tpu.vector_load %arg10[%get3A_309, %get3A_310] {strides = array<i32>} : memref<64x128xf32, #tpu.memory_space<vmem>>, vector<1x16xf32>,
      %get3A_312 = vector.shape_cast %get3A_311 : vector<1x16xf32> to vector<16xf32>
      %swap3A_313 = arith.index_cast %scan3A_256 : i32 to index
      %swap3A_314 = arith.constant 96 : index
      %swap3A_315 = tpu.vector_load %arg8[%swap3A_313, %swap3A_314] {strides = array<i32>} : memref<64x128xf32, #tpu.memory_space<vmem>>, vector<1x16xf32>,
      %swap3A_316 = vector.shape_cast %swap3A_315 : vector<1x16xf32> to vector<16xf32>
      %swap3A_317 = vector.shape_cast %get3A_312 : vector<16xf32> to vector<1x16xf32>
      tpu.vector_store %arg8[%swap3A_313, %swap3A_314], %swap3A_317 {add = true, strides = array<i32>} : memref<64x128xf32, #tpu.memory_space<vmem>>, vector<1x16xf32>,
      %get3A_318 = arith.index_cast %scan3A_256 : i32 to index
      %get3A_319 = arith.constant 112 : index
      %get3A_320 = tpu.vector_load %arg10[%get3A_318, %get3A_319] {strides = array<i32>} : memref<64x128xf32, #tpu.memory_space<vmem>>, vector<1x16xf32>,
      %get3A_321 = vector.shape_cast %get3A_320 : vector<1x16xf32> to vector<16xf32>
      %swap3A_322 = arith.index_cast %scan3A_256 : i32 to index
      %swap3A_323 = arith.constant 112 : index
      %swap3A_324 = tpu.vector_load %arg8[%swap3A_322, %swap3A_323] {strides = array<i32>} : memref<64x128xf32, #tpu.memory_space<vmem>>, vector<1x16xf32>,
      %swap3A_325 = vector.shape_cast %swap3A_324 : vector<1x16xf32> to vector<16xf32>
      %swap3A_326 = vector.shape_cast %get3A_321 : vector<16xf32> to vector<1x16xf32>
      tpu.vector_store %arg8[%swap3A_322, %swap3A_323], %swap3A_326 {add = true, strides = array<i32>} : memref<64x128xf32, #tpu.memory_space<vmem>>, vector<1x16xf32>,
      %scan3A_327 = arith.constant 1 : i32
      %scan3A_328 = arith.addi %scan3A_256, %scan3A_327 : i32
      %get3A_329 = arith.index_cast %scan3A_328 : i32 to index
      %get3A_330 = arith.constant 0 : index
      %get3A_331 = tpu.vector_load %arg10[%get3A_329, %get3A_330] {strides = array<i32>} : memref<64x128xf32, #tpu.memory_space<vmem>>, vector<1x16xf32>,
      %get3A_332 = vector.shape_cast %get3A_331 : vector<1x16xf32> to vector<16xf32>
      %swap3A_333 = arith.index_cast %scan3A_328 : i32 to index
      %swap3A_334 = arith.constant 0 : index
      %swap3A_335 = tpu.vector_load %arg8[%swap3A_333, %swap3A_334] {strides = array<i32>} : memref<64x128xf32, #tpu.memory_space<vmem>>, vector<1x16xf32>,
      %swap3A_336 = vector.shape_cast %swap3A_335 : vector<1x16xf32> to vector<16xf32>
      %swap3A_337 = vector.shape_cast %get3A_332 : vector<16xf32> to vector<1x16xf32>
      tpu.vector_store %arg8[%swap3A_333, %swap3A_334], %swap3A_337 {add = true, strides = array<i32>} : memref<64x128xf32, #tpu.memory_space<vmem>>, vector<1x16xf32>,
      %get3A_338 = arith.index_cast %scan3A_328 : i32 to index
      %get3A_339 = arith.constant 16 : index
      %get3A_340 = tpu.vector_load %arg10[%get3A_338, %get3A_339] {strides = array<i32>} : memref<64x128xf32, #tpu.memory_space<vmem>>, vector<1x16xf32>,
      %get3A_341 = vector.shape_cast %get3A_340 : vector<1x16xf32> to vector<16xf32>
      %swap3A_342 = arith.index_cast %scan3A_328 : i32 to index
      %swap3A_343 = arith.constant 16 : index
      %swap3A_344 = tpu.vector_load %arg8[%swap3A_342, %swap3A_343] {strides = array<i32>} : memref<64x128xf32, #tpu.memory_space<vmem>>, vector<1x16xf32>,
      %swap3A_345 = vector.shape_cast %swap3A_344 : vector<1x16xf32> to vector<16xf32>
      %swap3A_346 = vector.shape_cast %get3A_341 : vector<16xf32> to vector<1x16xf32>
      tpu.vector_store %arg8[%swap3A_342, %swap3A_343], %swap3A_346 {add = true, strides = array<i32>} : memref<64x128xf32, #tpu.memory_space<vmem>>, vector<1x16xf32>,
      %get3A_347 = arith.index_cast %scan3A_328 : i32 to index
      %get3A_348 = arith.constant 32 : index
      %get3A_349 = tpu.vector_load %arg10[%get3A_347, %get3A_348] {strides = array<i32>} : memref<64x128xf32, #tpu.memory_space<vmem>>, vector<1x16xf32>,
      %get3A_350 = vector.shape_cast %get3A_349 : vector<1x16xf32> to vector<16xf32>
      %swap3A_351 = arith.index_cast %scan3A_328 : i32 to index
      %swap3A_352 = arith.constant 32 : index
      %swap3A_353 = tpu.vector_load %arg8[%swap3A_351, %swap3A_352] {strides = array<i32>} : memref<64x128xf32, #tpu.memory_space<vmem>>, vector<1x16xf32>,
      %swap3A_354 = vector.shape_cast %swap3A_353 : vector<1x16xf32> to vector<16xf32>
      %swap3A_355 = vector.shape_cast %get3A_350 : vector<16xf32> to vector<1x16xf32>
      tpu.vector_store %arg8[%swap3A_351, %swap3A_352], %swap3A_355 {add = true, strides = array<i32>} : memref<64x128xf32, #tpu.memory_space<vmem>>, vector<1x16xf32>,
      %get3A_356 = arith.index_cast %scan3A_328 : i32 to index
      %get3A_357 = arith.constant 48 : index
      %get3A_358 = tpu.vector_load %arg10[%get3A_356, %get3A_357] {strides = array<i32>} : memref<64x128xf32, #tpu.memory_space<vmem>>, vector<1x16xf32>,
      %get3A_359 = vector.shape_cast %get3A_358 : vector<1x16xf32> to vector<16xf32>
      %swap3A_360 = arith.index_cast %scan3A_328 : i32 to index
      %swap3A_361 = arith.constant 48 : index
      %swap3A_362 = tpu.vector_load %arg8[%swap3A_360, %swap3A_361] {strides = array<i32>} : memref<64x128xf32, #tpu.memory_space<vmem>>, vector<1x16xf32>,
      %swap3A_363 = vector.shape_cast %swap3A_362 : vector<1x16xf32> to vector<16xf32>
      %swap3A_364 = vector.shape_cast %get3A_359 : vector<16xf32> to vector<1x16xf32>
      tpu.vector_store %arg8[%swap3A_360, %swap3A_361], %swap3A_364 {add = true, strides = array<i32>} : memref<64x128xf32, #tpu.memory_space<vmem>>, vector<1x16xf32>,
      %get3A_365 = arith.index_cast %scan3A_328 : i32 to index
      %get3A_366 = arith.constant 64 : index
      %get3A_367 = tpu.vector_load %arg10[%get3A_365, %get3A_366] {strides = array<i32>} : memref<64x128xf32, #tpu.memory_space<vmem>>, vector<1x16xf32>,
      %get3A_368 = vector.shape_cast %get3A_367 : vector<1x16xf32> to vector<16xf32>
      %swap3A_369 = arith.index_cast %scan3A_328 : i32 to index
      %swap3A_370 = arith.constant 64 : index
      %swap3A_371 = tpu.vector_load %arg8[%swap3A_369, %swap3A_370] {strides = array<i32>} : memref<64x128xf32, #tpu.memory_space<vmem>>, vector<1x16xf32>,
      %swap3A_372 = vector.shape_cast %swap3A_371 : vector<1x16xf32> to vector<16xf32>
      %swap3A_373 = vector.shape_cast %get3A_368 : vector<16xf32> to vector<1x16xf32>
      tpu.vector_store %arg8[%swap3A_369, %swap3A_370], %swap3A_373 {add = true, strides = array<i32>} : memref<64x128xf32, #tpu.memory_space<vmem>>, vector<1x16xf32>,
      %get3A_374 = arith.index_cast %scan3A_328 : i32 to index
      %get3A_375 = arith.constant 80 : index
      %get3A_376 = tpu.vector_load %arg10[%get3A_374, %get3A_375] {strides = array<i32>} : memref<64x128xf32, #tpu.memory_space<vmem>>, vector<1x16xf32>,
      %get3A_377 = vector.shape_cast %get3A_376 : vector<1x16xf32> to vector<16xf32>
      %swap3A_378 = arith.index_cast %scan3A_328 : i32 to index
      %swap3A_379 = arith.constant 80 : index
      %swap3A_380 = tpu.vector_load %arg8[%swap3A_378, %swap3A_379] {strides = array<i32>} : memref<64x128xf32, #tpu.memory_space<vmem>>, vector<1x16xf32>,
      %swap3A_381 = vector.shape_cast %swap3A_380 : vector<1x16xf32> to vector<16xf32>
      %swap3A_382 = vector.shape_cast %get3A_377 : vector<16xf32> to vector<1x16xf32>
      tpu.vector_store %arg8[%swap3A_378, %swap3A_379], %swap3A_382 {add = true, strides = array<i32>} : memref<64x128xf32, #tpu.memory_space<vmem>>, vector<1x16xf32>,
      %get3A_383 = arith.index_cast %scan3A_328 : i32 to index
      %get3A_384 = arith.constant 96 : index
      %get3A_385 = tpu.vector_load %arg10[%get3A_383, %get3A_384] {strides = array<i32>} : memref<64x128xf32, #tpu.memory_space<vmem>>, vector<1x16xf32>,
      %get3A_386 = vector.shape_cast %get3A_385 : vector<1x16xf32> to vector<16xf32>
      %swap3A_387 = arith.index_cast %scan3A_328 : i32 to index
      %swap3A_388 = arith.constant 96 : index
      %swap3A_389 = tpu.vector_load %arg8[%swap3A_387, %swap3A_388] {strides = array<i32>} : memref<64x128xf32, #tpu.memory_space<vmem>>, vector<1x16xf32>,
      %swap3A_390 = vector.shape_cast %swap3A_389 : vector<1x16xf32> to vector<16xf32>
      %swap3A_391 = vector.shape_cast %get3A_386 : vector<16xf32> to vector<1x16xf32>
      tpu.vector_store %arg8[%swap3A_387, %swap3A_388], %swap3A_391 {add = true, strides = array<i32>} : memref<64x128xf32, #tpu.memory_space<vmem>>, vector<1x16xf32>,
      %get3A_392 = arith.index_cast %scan3A_328 : i32 to index
      %get3A_393 = arith.constant 112 : index
      %get3A_394 = tpu.vector_load %arg10[%get3A_392, %get3A_393] {strides = array<i32>} : memref<64x128xf32, #tpu.memory_space<vmem>>, vector<1x16xf32>,
      %get3A_395 = vector.shape_cast %get3A_394 : vector<1x16xf32> to vector<16xf32>
      %swap3A_396 = arith.index_cast %scan3A_328 : i32 to index
      %swap3A_397 = arith.constant 112 : index
      %swap3A_398 = tpu.vector_load %arg8[%swap3A_396, %swap3A_397] {strides = array<i32>} : memref<64x128xf32, #tpu.memory_space<vmem>>, vector<1x16xf32>,
      %swap3A_399 = vector.shape_cast %swap3A_398 : vector<1x16xf32> to vector<16xf32>
      %swap3A_400 = vector.shape_cast %get3A_395 : vector<16xf32> to vector<1x16xf32>
      tpu.vector_store %arg8[%swap3A_396, %swap3A_397], %swap3A_400 {add = true, strides = array<i32>} : memref<64x128xf32, #tpu.memory_space<vmem>>, vector<1x16xf32>,
    }
    %scan3A_18 = arith.constant 64 : i32
    %add3A_19 = arith.constant 0 : i32
    %add3A_20 = arith.addi %add3A_19, %mul3A_2 : i32
    "tpu.region"() ({
      %run_scoped3A = tpu.sem_alloc : memref<!tpu.dma_semaphore, #tpu.memory_space<semaphore_mem>>
      %dma_start3A_256 = arith.constant 0 : i32
      %dma_start3A_257 = tpu.memref_slice %arg5[%add3A_20, %dma_start3A_256] : memref<32768x128xf32, #tpu.memory_space<hbm>> -> memref<64x128xf32, #tpu.memory_space<hbm>>
      %dma_start3A_258 = arith.constant 0 : i32
      %dma_start3A_259 = tpu.memref_slice %arg5[%add3A_20, %dma_start3A_258] : memref<32768x128xf32, #tpu.memory_space<hbm>> -> memref<64x128xf32, #tpu.memory_space<hbm>>
      tpu.enqueue_dma source(%arg8 : memref<64x128xf32, #tpu.memory_space<vmem>>) target(%dma_start3A_259 : memref<64x128xf32, #tpu.memory_space<hbm>>) target_semaphore(%run_scoped3A : memref<!tpu.dma_semaphore, #tpu.memory_space<semaphore_mem>>)
      %dma_wait3A_260 = arith.constant 0 : i32
      %dma_wait3A_261 = tpu.memref_slice %arg5[%add3A_20, %dma_wait3A_260] : memref<32768x128xf32, #tpu.memory_space<hbm>> -> memref<64x128xf32, #tpu.memory_space<hbm>>
      %dma_wait3A_262 = arith.constant 0 : i32
      %dma_wait3A_263 = tpu.memref_slice %arg5[%add3A_20, %dma_wait3A_262] : memref<32768x128xf32, #tpu.memory_space<hbm>> -> memref<64x128xf32, #tpu.memory_space<hbm>>
      tpu.wait_dma2 semaphore(%run_scoped3A : memref<!tpu.dma_semaphore, #tpu.memory_space<semaphore_mem>>) src(%arg8 : memref<64x128xf32, #tpu.memory_space<vmem>>) dst(%dma_wait3A_263 : memref<64x128xf32, #tpu.memory_space<hbm>>)
      tpu.yield
    }) : () -> ()
    %add3A_21 = arith.constant 4096 : i32
    %add3A_22 = arith.addi %add3A_21, %mul3A_2 : i32
    "tpu.region"() ({
      %run_scoped3A = tpu.sem_alloc : memref<!tpu.dma_semaphore, #tpu.memory_space<semaphore_mem>>
      %dma_start3A_256 = tpu.memref_slice %arg2[%add3A_22] : memref<32768xi32, #tpu.memory_space<hbm>> -> memref<64xi32, #tpu.memory_space<hbm>>
      %dma_start3A_257 = tpu.memref_slice %arg2[%add3A_22] : memref<32768xi32, #tpu.memory_space<hbm>> -> memref<64xi32, #tpu.memory_space<hbm>>
      tpu.enqueue_dma source(%dma_start3A_257 : memref<64xi32, #tpu.memory_space<hbm>>) target(%arg6 : memref<64xi32, #tpu.memory_space<vmem>>) target_semaphore(%run_scoped3A : memref<!tpu.dma_semaphore, #tpu.memory_space<semaphore_mem>>)
      %dma_wait3A_258 = tpu.memref_slice %arg2[%add3A_22] : memref<32768xi32, #tpu.memory_space<hbm>> -> memref<64xi32, #tpu.memory_space<hbm>>
      %dma_wait3A_259 = tpu.memref_slice %arg2[%add3A_22] : memref<32768xi32, #tpu.memory_space<hbm>> -> memref<64xi32, #tpu.memory_space<hbm>>
      tpu.wait_dma2 semaphore(%run_scoped3A : memref<!tpu.dma_semaphore, #tpu.memory_space<semaphore_mem>>) src(%dma_wait3A_259 : memref<64xi32, #tpu.memory_space<hbm>>) dst(%arg6 : memref<64xi32, #tpu.memory_space<vmem>>)
      tpu.yield
    }) : () -> ()
    %dma_start3A_23 = arith.constant 0 : i32
    %dma_start3A_24 = arith.constant 0 : i32
    %dma_start3A_25 = tpu.memref_slice %arg3[%dma_start3A_23, %dma_start3A_24] : memref<100000x128xf32, #tpu.memory_space<hbm>> -> memref<100000x128xf32, #tpu.memory_space<hbm>>
    tpu.enqueue_indirect_dma source(%dma_start3A_25 : memref<100000x128xf32, #tpu.memory_space<hbm>>) target(%arg8 : memref<64x128xf32, #tpu.memory_space<vmem>>) offsets(%arg6 : memref<64xi32, #tpu.memory_space<vmem>>) semaphore(%arg11 : memref<!tpu.dma_semaphore, #tpu.memory_space<semaphore_mem>>)
    %dma_wait3A_26 = arith.constant 0 : i32
    %dma_wait3A_27 = arith.constant 0 : i32
    %dma_wait3A_28 = tpu.memref_slice %arg3[%dma_wait3A_26, %dma_wait3A_27] : memref<100000x128xf32, #tpu.memory_space<hbm>> -> memref<100000x128xf32, #tpu.memory_space<hbm>>
    tpu.wait_indirect_dma semaphore(%arg12 : memref<!tpu.dma_semaphore, #tpu.memory_space<semaphore_mem>>) src(%dma_wait3A_28 : memref<100000x128xf32, #tpu.memory_space<hbm>>) dst(%arg9 : memref<64x128xf32, #tpu.memory_space<vmem>>)
    %scan3A_29 = arith.constant 0 : i32
    %scan3A_30 = arith.constant 0 : i32
    %scan3A_31 = arith.constant 64 : i32
    %scan3A_32 = arith.addi %scan3A_30, %scan3A_31 : i32
    %scan3A_33 = arith.constant 2 : i32
    scf.for %scan3A_256 = %scan3A_30 to %scan3A_32 step %scan3A_33  : i32 {
      %get3A = arith.index_cast %scan3A_256 : i32 to index
      %get3A_257 = arith.constant 0 : index
      %get3A_258 = tpu.vector_load %arg10[%get3A, %get3A_257] {strides = array<i32>} : memref<64x128xf32, #tpu.memory_space<vmem>>, vector<1x16xf32>,
      %get3A_259 = vector.shape_cast %get3A_258 : vector<1x16xf32> to vector<16xf32>
      %swap3A = arith.index_cast %scan3A_256 : i32 to index
      %swap3A_260 = arith.constant 0 : index
      %swap3A_261 = tpu.vector_load %arg9[%swap3A, %swap3A_260] {strides = array<i32>} : memref<64x128xf32, #tpu.memory_space<vmem>>, vector<1x16xf32>,
      %swap3A_262 = vector.shape_cast %swap3A_261 : vector<1x16xf32> to vector<16xf32>
      %swap3A_263 = vector.shape_cast %get3A_259 : vector<16xf32> to vector<1x16xf32>
      tpu.vector_store %arg9[%swap3A, %swap3A_260], %swap3A_263 {add = true, strides = array<i32>} : memref<64x128xf32, #tpu.memory_space<vmem>>, vector<1x16xf32>,
      %get3A_264 = arith.index_cast %scan3A_256 : i32 to index
      %get3A_265 = arith.constant 16 : index
      %get3A_266 = tpu.vector_load %arg10[%get3A_264, %get3A_265] {strides = array<i32>} : memref<64x128xf32, #tpu.memory_space<vmem>>, vector<1x16xf32>,
      %get3A_267 = vector.shape_cast %get3A_266 : vector<1x16xf32> to vector<16xf32>
      %swap3A_268 = arith.index_cast %scan3A_256 : i32 to index
      %swap3A_269 = arith.constant 16 : index
      %swap3A_270 = tpu.vector_load %arg9[%swap3A_268, %swap3A_269] {strides = array<i32>} : memref<64x128xf32, #tpu.memory_space<vmem>>, vector<1x16xf32>,
      %swap3A_271 = vector.shape_cast %swap3A_270 : vector<1x16xf32> to vector<16xf32>
      %swap3A_272 = vector.shape_cast %get3A_267 : vector<16xf32> to vector<1x16xf32>
      tpu.vector_store %arg9[%swap3A_268, %swap3A_269], %swap3A_272 {add = true, strides = array<i32>} : memref<64x128xf32, #tpu.memory_space<vmem>>, vector<1x16xf32>,
      %get3A_273 = arith.index_cast %scan3A_256 : i32 to index
      %get3A_274 = arith.constant 32 : index
      %get3A_275 = tpu.vector_load %arg10[%get3A_273, %get3A_274] {strides = array<i32>} : memref<64x128xf32, #tpu.memory_space<vmem>>, vector<1x16xf32>,
      %get3A_276 = vector.shape_cast %get3A_275 : vector<1x16xf32> to vector<16xf32>
      %swap3A_277 = arith.index_cast %scan3A_256 : i32 to index
      %swap3A_278 = arith.constant 32 : index
      %swap3A_279 = tpu.vector_load %arg9[%swap3A_277, %swap3A_278] {strides = array<i32>} : memref<64x128xf32, #tpu.memory_space<vmem>>, vector<1x16xf32>,
      %swap3A_280 = vector.shape_cast %swap3A_279 : vector<1x16xf32> to vector<16xf32>
      %swap3A_281 = vector.shape_cast %get3A_276 : vector<16xf32> to vector<1x16xf32>
      tpu.vector_store %arg9[%swap3A_277, %swap3A_278], %swap3A_281 {add = true, strides = array<i32>} : memref<64x128xf32, #tpu.memory_space<vmem>>, vector<1x16xf32>,
      %get3A_282 = arith.index_cast %scan3A_256 : i32 to index
      %get3A_283 = arith.constant 48 : index
      %get3A_284 = tpu.vector_load %arg10[%get3A_282, %get3A_283] {strides = array<i32>} : memref<64x128xf32, #tpu.memory_space<vmem>>, vector<1x16xf32>,
      %get3A_285 = vector.shape_cast %get3A_284 : vector<1x16xf32> to vector<16xf32>
      %swap3A_286 = arith.index_cast %scan3A_256 : i32 to index
      %swap3A_287 = arith.constant 48 : index
      %swap3A_288 = tpu.vector_load %arg9[%swap3A_286, %swap3A_287] {strides = array<i32>} : memref<64x128xf32, #tpu.memory_space<vmem>>, vector<1x16xf32>,
      %swap3A_289 = vector.shape_cast %swap3A_288 : vector<1x16xf32> to vector<16xf32>
      %swap3A_290 = vector.shape_cast %get3A_285 : vector<16xf32> to vector<1x16xf32>
      tpu.vector_store %arg9[%swap3A_286, %swap3A_287], %swap3A_290 {add = true, strides = array<i32>} : memref<64x128xf32, #tpu.memory_space<vmem>>, vector<1x16xf32>,
      %get3A_291 = arith.index_cast %scan3A_256 : i32 to index
      %get3A_292 = arith.constant 64 : index
      %get3A_293 = tpu.vector_load %arg10[%get3A_291, %get3A_292] {strides = array<i32>} : memref<64x128xf32, #tpu.memory_space<vmem>>, vector<1x16xf32>,
      %get3A_294 = vector.shape_cast %get3A_293 : vector<1x16xf32> to vector<16xf32>
      %swap3A_295 = arith.index_cast %scan3A_256 : i32 to index
      %swap3A_296 = arith.constant 64 : index
      %swap3A_297 = tpu.vector_load %arg9[%swap3A_295, %swap3A_296] {strides = array<i32>} : memref<64x128xf32, #tpu.memory_space<vmem>>, vector<1x16xf32>,
      %swap3A_298 = vector.shape_cast %swap3A_297 : vector<1x16xf32> to vector<16xf32>
      %swap3A_299 = vector.shape_cast %get3A_294 : vector<16xf32> to vector<1x16xf32>
      tpu.vector_store %arg9[%swap3A_295, %swap3A_296], %swap3A_299 {add = true, strides = array<i32>} : memref<64x128xf32, #tpu.memory_space<vmem>>, vector<1x16xf32>,
      %get3A_300 = arith.index_cast %scan3A_256 : i32 to index
      %get3A_301 = arith.constant 80 : index
      %get3A_302 = tpu.vector_load %arg10[%get3A_300, %get3A_301] {strides = array<i32>} : memref<64x128xf32, #tpu.memory_space<vmem>>, vector<1x16xf32>,
      %get3A_303 = vector.shape_cast %get3A_302 : vector<1x16xf32> to vector<16xf32>
      %swap3A_304 = arith.index_cast %scan3A_256 : i32 to index
      %swap3A_305 = arith.constant 80 : index
      %swap3A_306 = tpu.vector_load %arg9[%swap3A_304, %swap3A_305] {strides = array<i32>} : memref<64x128xf32, #tpu.memory_space<vmem>>, vector<1x16xf32>,
      %swap3A_307 = vector.shape_cast %swap3A_306 : vector<1x16xf32> to vector<16xf32>
      %swap3A_308 = vector.shape_cast %get3A_303 : vector<16xf32> to vector<1x16xf32>
      tpu.vector_store %arg9[%swap3A_304, %swap3A_305], %swap3A_308 {add = true, strides = array<i32>} : memref<64x128xf32, #tpu.memory_space<vmem>>, vector<1x16xf32>,
      %get3A_309 = arith.index_cast %scan3A_256 : i32 to index
      %get3A_310 = arith.constant 96 : index
      %get3A_311 = tpu.vector_load %arg10[%get3A_309, %get3A_310] {strides = array<i32>} : memref<64x128xf32, #tpu.memory_space<vmem>>, vector<1x16xf32>,
      %get3A_312 = vector.shape_cast %get3A_311 : vector<1x16xf32> to vector<16xf32>
      %swap3A_313 = arith.index_cast %scan3A_256 : i32 to index
      %swap3A_314 = arith.constant 96 : index
      %swap3A_315 = tpu.vector_load %arg9[%swap3A_313, %swap3A_314] {strides = array<i32>} : memref<64x128xf32, #tpu.memory_space<vmem>>, vector<1x16xf32>,
      %swap3A_316 = vector.shape_cast %swap3A_315 : vector<1x16xf32> to vector<16xf32>
      %swap3A_317 = vector.shape_cast %get3A_312 : vector<16xf32> to vector<1x16xf32>
      tpu.vector_store %arg9[%swap3A_313, %swap3A_314], %swap3A_317 {add = true, strides = array<i32>} : memref<64x128xf32, #tpu.memory_space<vmem>>, vector<1x16xf32>,
      %get3A_318 = arith.index_cast %scan3A_256 : i32 to index
      %get3A_319 = arith.constant 112 : index
      %get3A_320 = tpu.vector_load %arg10[%get3A_318, %get3A_319] {strides = array<i32>} : memref<64x128xf32, #tpu.memory_space<vmem>>, vector<1x16xf32>,
      %get3A_321 = vector.shape_cast %get3A_320 : vector<1x16xf32> to vector<16xf32>
      %swap3A_322 = arith.index_cast %scan3A_256 : i32 to index
      %swap3A_323 = arith.constant 112 : index
      %swap3A_324 = tpu.vector_load %arg9[%swap3A_322, %swap3A_323] {strides = array<i32>} : memref<64x128xf32, #tpu.memory_space<vmem>>, vector<1x16xf32>,
      %swap3A_325 = vector.shape_cast %swap3A_324 : vector<1x16xf32> to vector<16xf32>
      %swap3A_326 = vector.shape_cast %get3A_321 : vector<16xf32> to vector<1x16xf32>
      tpu.vector_store %arg9[%swap3A_322, %swap3A_323], %swap3A_326 {add = true, strides = array<i32>} : memref<64x128xf32, #tpu.memory_space<vmem>>, vector<1x16xf32>,
      %scan3A_327 = arith.constant 1 : i32
      %scan3A_328 = arith.addi %scan3A_256, %scan3A_327 : i32
      %get3A_329 = arith.index_cast %scan3A_328 : i32 to index
      %get3A_330 = arith.constant 0 : index
      %get3A_331 = tpu.vector_load %arg10[%get3A_329, %get3A_330] {strides = array<i32>} : memref<64x128xf32, #tpu.memory_space<vmem>>, vector<1x16xf32>,
      %get3A_332 = vector.shape_cast %get3A_331 : vector<1x16xf32> to vector<16xf32>
      %swap3A_333 = arith.index_cast %scan3A_328 : i32 to index
      %swap3A_334 = arith.constant 0 : index
      %swap3A_335 = tpu.vector_load %arg9[%swap3A_333, %swap3A_334] {strides = array<i32>} : memref<64x128xf32, #tpu.memory_space<vmem>>, vector<1x16xf32>,
      %swap3A_336 = vector.shape_cast %swap3A_335 : vector<1x16xf32> to vector<16xf32>
      %swap3A_337 = vector.shape_cast %get3A_332 : vector<16xf32> to vector<1x16xf32>
      tpu.vector_store %arg9[%swap3A_333, %swap3A_334], %swap3A_337 {add = true, strides = array<i32>} : memref<64x128xf32, #tpu.memory_space<vmem>>, vector<1x16xf32>,
      %get3A_338 = arith.index_cast %scan3A_328 : i32 to index
      %get3A_339 = arith.constant 16 : index
      %get3A_340 = tpu.vector_load %arg10[%get3A_338, %get3A_339] {strides = array<i32>} : memref<64x128xf32, #tpu.memory_space<vmem>>, vector<1x16xf32>,
      %get3A_341 = vector.shape_cast %get3A_340 : vector<1x16xf32> to vector<16xf32>
      %swap3A_342 = arith.index_cast %scan3A_328 : i32 to index
      %swap3A_343 = arith.constant 16 : index
      %swap3A_344 = tpu.vector_load %arg9[%swap3A_342, %swap3A_343] {strides = array<i32>} : memref<64x128xf32, #tpu.memory_space<vmem>>, vector<1x16xf32>,
      %swap3A_345 = vector.shape_cast %swap3A_344 : vector<1x16xf32> to vector<16xf32>
      %swap3A_346 = vector.shape_cast %get3A_341 : vector<16xf32> to vector<1x16xf32>
      tpu.vector_store %arg9[%swap3A_342, %swap3A_343], %swap3A_346 {add = true, strides = array<i32>} : memref<64x128xf32, #tpu.memory_space<vmem>>, vector<1x16xf32>,
      %get3A_347 = arith.index_cast %scan3A_328 : i32 to index
      %get3A_348 = arith.constant 32 : index
      %get3A_349 = tpu.vector_load %arg10[%get3A_347, %get3A_348] {strides = array<i32>} : memref<64x128xf32, #tpu.memory_space<vmem>>, vector<1x16xf32>,
      %get3A_350 = vector.shape_cast %get3A_349 : vector<1x16xf32> to vector<16xf32>
      %swap3A_351 = arith.index_cast %scan3A_328 : i32 to index
      %swap3A_352 = arith.constant 32 : index
      %swap3A_353 = tpu.vector_load %arg9[%swap3A_351, %swap3A_352] {strides = array<i32>} : memref<64x128xf32, #tpu.memory_space<vmem>>, vector<1x16xf32>,
      %swap3A_354 = vector.shape_cast %swap3A_353 : vector<1x16xf32> to vector<16xf32>
      %swap3A_355 = vector.shape_cast %get3A_350 : vector<16xf32> to vector<1x16xf32>
      tpu.vector_store %arg9[%swap3A_351, %swap3A_352], %swap3A_355 {add = true, strides = array<i32>} : memref<64x128xf32, #tpu.memory_space<vmem>>, vector<1x16xf32>,
      %get3A_356 = arith.index_cast %scan3A_328 : i32 to index
      %get3A_357 = arith.constant 48 : index
      %get3A_358 = tpu.vector_load %arg10[%get3A_356, %get3A_357] {strides = array<i32>} : memref<64x128xf32, #tpu.memory_space<vmem>>, vector<1x16xf32>,
      %get3A_359 = vector.shape_cast %get3A_358 : vector<1x16xf32> to vector<16xf32>
      %swap3A_360 = arith.index_cast %scan3A_328 : i32 to index
      %swap3A_361 = arith.constant 48 : index
      %swap3A_362 = tpu.vector_load %arg9[%swap3A_360, %swap3A_361] {strides = array<i32>} : memref<64x128xf32, #tpu.memory_space<vmem>>, vector<1x16xf32>,
      %swap3A_363 = vector.shape_cast %swap3A_362 : vector<1x16xf32> to vector<16xf32>
      %swap3A_364 = vector.shape_cast %get3A_359 : vector<16xf32> to vector<1x16xf32>
      tpu.vector_store %arg9[%swap3A_360, %swap3A_361], %swap3A_364 {add = true, strides = array<i32>} : memref<64x128xf32, #tpu.memory_space<vmem>>, vector<1x16xf32>,
      %get3A_365 = arith.index_cast %scan3A_328 : i32 to index
      %get3A_366 = arith.constant 64 : index
      %get3A_367 = tpu.vector_load %arg10[%get3A_365, %get3A_366] {strides = array<i32>} : memref<64x128xf32, #tpu.memory_space<vmem>>, vector<1x16xf32>,
      %get3A_368 = vector.shape_cast %get3A_367 : vector<1x16xf32> to vector<16xf32>
      %swap3A_369 = arith.index_cast %scan3A_328 : i32 to index
      %swap3A_370 = arith.constant 64 : index
      %swap3A_371 = tpu.vector_load %arg9[%swap3A_369, %swap3A_370] {strides = array<i32>} : memref<64x128xf32, #tpu.memory_space<vmem>>, vector<1x16xf32>,
      %swap3A_372 = vector.shape_cast %swap3A_371 : vector<1x16xf32> to vector<16xf32>
      %swap3A_373 = vector.shape_cast %get3A_368 : vector<16xf32> to vector<1x16xf32>
      tpu.vector_store %arg9[%swap3A_369, %swap3A_370], %swap3A_373 {add = true, strides = array<i32>} : memref<64x128xf32, #tpu.memory_space<vmem>>, vector<1x16xf32>,
      %get3A_374 = arith.index_cast %scan3A_328 : i32 to index
      %get3A_375 = arith.constant 80 : index
      %get3A_376 = tpu.vector_load %arg10[%get3A_374, %get3A_375] {strides = array<i32>} : memref<64x128xf32, #tpu.memory_space<vmem>>, vector<1x16xf32>,
      %get3A_377 = vector.shape_cast %get3A_376 : vector<1x16xf32> to vector<16xf32>
      %swap3A_378 = arith.index_cast %scan3A_328 : i32 to index
      %swap3A_379 = arith.constant 80 : index
      %swap3A_380 = tpu.vector_load %arg9[%swap3A_378, %swap3A_379] {strides = array<i32>} : memref<64x128xf32, #tpu.memory_space<vmem>>, vector<1x16xf32>,
      %swap3A_381 = vector.shape_cast %swap3A_380 : vector<1x16xf32> to vector<16xf32>
      %swap3A_382 = vector.shape_cast %get3A_377 : vector<16xf32> to vector<1x16xf32>
      tpu.vector_store %arg9[%swap3A_378, %swap3A_379], %swap3A_382 {add = true, strides = array<i32>} : memref<64x128xf32, #tpu.memory_space<vmem>>, vector<1x16xf32>,
      %get3A_383 = arith.index_cast %scan3A_328 : i32 to index
      %get3A_384 = arith.constant 96 : index
      %get3A_385 = tpu.vector_load %arg10[%get3A_383, %get3A_384] {strides = array<i32>} : memref<64x128xf32, #tpu.memory_space<vmem>>, vector<1x16xf32>,
      %get3A_386 = vector.shape_cast %get3A_385 : vector<1x16xf32> to vector<16xf32>
      %swap3A_387 = arith.index_cast %scan3A_328 : i32 to index
      %swap3A_388 = arith.constant 96 : index
      %swap3A_389 = tpu.vector_load %arg9[%swap3A_387, %swap3A_388] {strides = array<i32>} : memref<64x128xf32, #tpu.memory_space<vmem>>, vector<1x16xf32>,
      %swap3A_390 = vector.shape_cast %swap3A_389 : vector<1x16xf32> to vector<16xf32>
      %swap3A_391 = vector.shape_cast %get3A_386 : vector<16xf32> to vector<1x16xf32>
      tpu.vector_store %arg9[%swap3A_387, %swap3A_388], %swap3A_391 {add = true, strides = array<i32>} : memref<64x128xf32, #tpu.memory_space<vmem>>, vector<1x16xf32>,
      %get3A_392 = arith.index_cast %scan3A_328 : i32 to index
      %get3A_393 = arith.constant 112 : index
      %get3A_394 = tpu.vector_load %arg10[%get3A_392, %get3A_393] {strides = array<i32>} : memref<64x128xf32, #tpu.memory_space<vmem>>, vector<1x16xf32>,
      %get3A_395 = vector.shape_cast %get3A_394 : vector<1x16xf32> to vector<16xf32>
      %swap3A_396 = arith.index_cast %scan3A_328 : i32 to index
      %swap3A_397 = arith.constant 112 : index
      %swap3A_398 = tpu.vector_load %arg9[%swap3A_396, %swap3A_397] {strides = array<i32>} : memref<64x128xf32, #tpu.memory_space<vmem>>, vector<1x16xf32>,
      %swap3A_399 = vector.shape_cast %swap3A_398 : vector<1x16xf32> to vector<16xf32>
      %swap3A_400 = vector.shape_cast %get3A_395 : vector<16xf32> to vector<1x16xf32>
      tpu.vector_store %arg9[%swap3A_396, %swap3A_397], %swap3A_400 {add = true, strides = array<i32>} : memref<64x128xf32, #tpu.memory_space<vmem>>, vector<1x16xf32>,
    }
    %scan3A_34 = arith.constant 64 : i32
    %add3A_35 = arith.constant 2048 : i32
    %add3A_36 = arith.addi %add3A_35, %mul3A_2 : i32
    "tpu.region"() ({
      %run_scoped3A = tpu.sem_alloc : memref<!tpu.dma_semaphore, #tpu.memory_space<semaphore_mem>>
      %dma_start3A_256 = arith.constant 0 : i32
      %dma_start3A_257 = tpu.memref_slice %arg5[%add3A_36, %dma_start3A_256] : memref<32768x128xf32, #tpu.memory_space<hbm>> -> memref<64x128xf32, #tpu.memory_space<hbm>>
      %dma_start3A_258 = arith.constant 0 : i32
      %dma_start3A_259 = tpu.memref_slice %arg5[%add3A_36, %dma_start3A_258] : memref<32768x128xf32, #tpu.memory_space<hbm>> -> memref<64x128xf32, #tpu.memory_space<hbm>>
      tpu.enqueue_dma source(%arg9 : memref<64x128xf32, #tpu.memory_space<vmem>>) target(%dma_start3A_259 : memref<64x128xf32, #tpu.memory_space<hbm>>) target_semaphore(%run_scoped3A : memref<!tpu.dma_semaphore, #tpu.memory_space<semaphore_mem>>)
      %dma_wait3A_260 = arith.constant 0 : i32
      %dma_wait3A_261 = tpu.memref_slice %arg5[%add3A_36, %dma_wait3A_260] : memref<32768x128xf32, #tpu.memory_space<hbm>> -> memref<64x128xf32, #tpu.memory_space<hbm>>
      %dma_wait3A_262 = arith.constant 0 : i32
      %dma_wait3A_263 = tpu.memref_slice %arg5[%add3A_36, %dma_wait3A_262] : memref<32768x128xf32, #tpu.memory_space<hbm>> -> memref<64x128xf32, #tpu.memory_space<hbm>>
      tpu.wait_dma2 semaphore(%run_scoped3A : memref<!tpu.dma_semaphore, #tpu.memory_space<semaphore_mem>>) src(%arg9 : memref<64x128xf32, #tpu.memory_space<vmem>>) dst(%dma_wait3A_263 : memref<64x128xf32, #tpu.memory_space<hbm>>)
      tpu.yield
    }) : () -> ()
    %add3A_37 = arith.constant 6144 : i32
    %add3A_38 = arith.addi %add3A_37, %mul3A_2 : i32
    "tpu.region"() ({
      %run_scoped3A = tpu.sem_alloc : memref<!tpu.dma_semaphore, #tpu.memory_space<semaphore_mem>>
      %dma_start3A_256 = tpu.memref_slice %arg2[%add3A_38] : memref<32768xi32, #tpu.memory_space<hbm>> -> memref<64xi32, #tpu.memory_space<hbm>>
      %dma_start3A_257 = tpu.memref_slice %arg2[%add3A_38] : memref<32768xi32, #tpu.memory_space<hbm>> -> memref<64xi32, #tpu.memory_space<hbm>>
      tpu.enqueue_dma source(%dma_start3A_257 : memref<64xi32, #tpu.memory_space<hbm>>) target(%arg7 : memref<64xi32, #tpu.memory_space<vmem>>) target_semaphore(%run_scoped3A : memref<!tpu.dma_semaphore, #tpu.memory_space<semaphore_mem>>)
      %dma_wait3A_258 = tpu.memref_slice %arg2[%add3A_38] : memref<32768xi32, #tpu.memory_space<hbm>> -> memref<64xi32, #tpu.memory_space<hbm>>
      %dma_wait3A_259 = tpu.memref_slice %arg2[%add3A_38] : memref<32768xi32, #tpu.memory_space<hbm>> -> memref<64xi32, #tpu.memory_space<hbm>>
      tpu.wait_dma2 semaphore(%run_scoped3A : memref<!tpu.dma_semaphore, #tpu.memory_space<semaphore_mem>>) src(%dma_wait3A_259 : memref<64xi32, #tpu.memory_space<hbm>>) dst(%arg7 : memref<64xi32, #tpu.memory_space<vmem>>)
      tpu.yield
    }) : () -> ()
    %dma_start3A_39 = arith.constant 0 : i32
    %dma_start3A_40 = arith.constant 0 : i32
    %dma_start3A_41 = tpu.memref_slice %arg3[%dma_start3A_39, %dma_start3A_40] : memref<100000x128xf32, #tpu.memory_space<hbm>> -> memref<100000x128xf32, #tpu.memory_space<hbm>>
    tpu.enqueue_indirect_dma source(%dma_start3A_41 : memref<100000x128xf32, #tpu.memory_space<hbm>>) target(%arg9 : memref<64x128xf32, #tpu.memory_space<vmem>>) offsets(%arg7 : memref<64xi32, #tpu.memory_space<vmem>>) semaphore(%arg12 : memref<!tpu.dma_semaphore, #tpu.memory_space<semaphore_mem>>)
    %dma_wait3A_42 = arith.constant 0 : i32
    %dma_wait3A_43 = arith.constant 0 : i32
    %dma_wait3A_44 = tpu.memref_slice %arg3[%dma_wait3A_42, %dma_wait3A_43] : memref<100000x128xf32, #tpu.memory_space<hbm>> -> memref<100000x128xf32, #tpu.memory_space<hbm>>
    tpu.wait_indirect_dma semaphore(%arg11 : memref<!tpu.dma_semaphore, #tpu.memory_space<semaphore_mem>>) src(%dma_wait3A_44 : memref<100000x128xf32, #tpu.memory_space<hbm>>) dst(%arg8 : memref<64x128xf32, #tpu.memory_space<vmem>>)
    %scan3A_45 = arith.constant 0 : i32
    %scan3A_46 = arith.constant 0 : i32
    %scan3A_47 = arith.constant 64 : i32
    %scan3A_48 = arith.addi %scan3A_46, %scan3A_47 : i32
    %scan3A_49 = arith.constant 2 : i32
    scf.for %scan3A_256 = %scan3A_46 to %scan3A_48 step %scan3A_49  : i32 {
      %get3A = arith.index_cast %scan3A_256 : i32 to index
      %get3A_257 = arith.constant 0 : index
      %get3A_258 = tpu.vector_load %arg10[%get3A, %get3A_257] {strides = array<i32>} : memref<64x128xf32, #tpu.memory_space<vmem>>, vector<1x16xf32>,
      %get3A_259 = vector.shape_cast %get3A_258 : vector<1x16xf32> to vector<16xf32>
      %swap3A = arith.index_cast %scan3A_256 : i32 to index
      %swap3A_260 = arith.constant 0 : index
      %swap3A_261 = tpu.vector_load %arg8[%swap3A, %swap3A_260] {strides = array<i32>} : memref<64x128xf32, #tpu.memory_space<vmem>>, vector<1x16xf32>,
      %swap3A_262 = vector.shape_cast %swap3A_261 : vector<1x16xf32> to vector<16xf32>
      %swap3A_263 = vector.shape_cast %get3A_259 : vector<16xf32> to vector<1x16xf32>
      tpu.vector_store %arg8[%swap3A, %swap3A_260], %swap3A_263 {add = true, strides = array<i32>} : memref<64x128xf32, #tpu.memory_space<vmem>>, vector<1x16xf32>,
      %get3A_264 = arith.index_cast %scan3A_256 : i32 to index
      %get3A_265 = arith.constant 16 : index
      %get3A_266 = tpu.vector_load %arg10[%get3A_264, %get3A_265] {strides = array<i32>} : memref<64x128xf32, #tpu.memory_space<vmem>>, vector<1x16xf32>,
      %get3A_267 = vector.shape_cast %get3A_266 : vector<1x16xf32> to vector<16xf32>
      %swap3A_268 = arith.index_cast %scan3A_256 : i32 to index
      %swap3A_269 = arith.constant 16 : index
      %swap3A_270 = tpu.vector_load %arg8[%swap3A_268, %swap3A_269] {strides = array<i32>} : memref<64x128xf32, #tpu.memory_space<vmem>>, vector<1x16xf32>,
      %swap3A_271 = vector.shape_cast %swap3A_270 : vector<1x16xf32> to vector<16xf32>
      %swap3A_272 = vector.shape_cast %get3A_267 : vector<16xf32> to vector<1x16xf32>
      tpu.vector_store %arg8[%swap3A_268, %swap3A_269], %swap3A_272 {add = true, strides = array<i32>} : memref<64x128xf32, #tpu.memory_space<vmem>>, vector<1x16xf32>,
      %get3A_273 = arith.index_cast %scan3A_256 : i32 to index
      %get3A_274 = arith.constant 32 : index
      %get3A_275 = tpu.vector_load %arg10[%get3A_273, %get3A_274] {strides = array<i32>} : memref<64x128xf32, #tpu.memory_space<vmem>>, vector<1x16xf32>,
      %get3A_276 = vector.shape_cast %get3A_275 : vector<1x16xf32> to vector<16xf32>
      %swap3A_277 = arith.index_cast %scan3A_256 : i32 to index
      %swap3A_278 = arith.constant 32 : index
      %swap3A_279 = tpu.vector_load %arg8[%swap3A_277, %swap3A_278] {strides = array<i32>} : memref<64x128xf32, #tpu.memory_space<vmem>>, vector<1x16xf32>,
      %swap3A_280 = vector.shape_cast %swap3A_279 : vector<1x16xf32> to vector<16xf32>
      %swap3A_281 = vector.shape_cast %get3A_276 : vector<16xf32> to vector<1x16xf32>
      tpu.vector_store %arg8[%swap3A_277, %swap3A_278], %swap3A_281 {add = true, strides = array<i32>} : memref<64x128xf32, #tpu.memory_space<vmem>>, vector<1x16xf32>,
      %get3A_282 = arith.index_cast %scan3A_256 : i32 to index
      %get3A_283 = arith.constant 48 : index
      %get3A_284 = tpu.vector_load %arg10[%get3A_282, %get3A_283] {strides = array<i32>} : memref<64x128xf32, #tpu.memory_space<vmem>>, vector<1x16xf32>,
      %get3A_285 = vector.shape_cast %get3A_284 : vector<1x16xf32> to vector<16xf32>
      %swap3A_286 = arith.index_cast %scan3A_256 : i32 to index
      %swap3A_287 = arith.constant 48 : index
      %swap3A_288 = tpu.vector_load %arg8[%swap3A_286, %swap3A_287] {strides = array<i32>} : memref<64x128xf32, #tpu.memory_space<vmem>>, vector<1x16xf32>,
      %swap3A_289 = vector.shape_cast %swap3A_288 : vector<1x16xf32> to vector<16xf32>
      %swap3A_290 = vector.shape_cast %get3A_285 : vector<16xf32> to vector<1x16xf32>
      tpu.vector_store %arg8[%swap3A_286, %swap3A_287], %swap3A_290 {add = true, strides = array<i32>} : memref<64x128xf32, #tpu.memory_space<vmem>>, vector<1x16xf32>,
      %get3A_291 = arith.index_cast %scan3A_256 : i32 to index
      %get3A_292 = arith.constant 64 : index
      %get3A_293 = tpu.vector_load %arg10[%get3A_291, %get3A_292] {strides = array<i32>} : memref<64x128xf32, #tpu.memory_space<vmem>>, vector<1x16xf32>,
      %get3A_294 = vector.shape_cast %get3A_293 : vector<1x16xf32> to vector<16xf32>
      %swap3A_295 = arith.index_cast %scan3A_256 : i32 to index
      %swap3A_296 = arith.constant 64 : index
      %swap3A_297 = tpu.vector_load %arg8[%swap3A_295, %swap3A_296] {strides = array<i32>} : memref<64x128xf32, #tpu.memory_space<vmem>>, vector<1x16xf32>,
      %swap3A_298 = vector.shape_cast %swap3A_297 : vector<1x16xf32> to vector<16xf32>
      %swap3A_299 = vector.shape_cast %get3A_294 : vector<16xf32> to vector<1x16xf32>
      tpu.vector_store %arg8[%swap3A_295, %swap3A_296], %swap3A_299 {add = true, strides = array<i32>} : memref<64x128xf32, #tpu.memory_space<vmem>>, vector<1x16xf32>,
      %get3A_300 = arith.index_cast %scan3A_256 : i32 to index
      %get3A_301 = arith.constant 80 : index
      %get3A_302 = tpu.vector_load %arg10[%get3A_300, %get3A_301] {strides = array<i32>} : memref<64x128xf32, #tpu.memory_space<vmem>>, vector<1x16xf32>,
      %get3A_303 = vector.shape_cast %get3A_302 : vector<1x16xf32> to vector<16xf32>
      %swap3A_304 = arith.index_cast %scan3A_256 : i32 to index
      %swap3A_305 = arith.constant 80 : index
      %swap3A_306 = tpu.vector_load %arg8[%swap3A_304, %swap3A_305] {strides = array<i32>} : memref<64x128xf32, #tpu.memory_space<vmem>>, vector<1x16xf32>,
      %swap3A_307 = vector.shape_cast %swap3A_306 : vector<1x16xf32> to vector<16xf32>
      %swap3A_308 = vector.shape_cast %get3A_303 : vector<16xf32> to vector<1x16xf32>
      tpu.vector_store %arg8[%swap3A_304, %swap3A_305], %swap3A_308 {add = true, strides = array<i32>} : memref<64x128xf32, #tpu.memory_space<vmem>>, vector<1x16xf32>,
      %get3A_309 = arith.index_cast %scan3A_256 : i32 to index
      %get3A_310 = arith.constant 96 : index
      %get3A_311 = tpu.vector_load %arg10[%get3A_309, %get3A_310] {strides = array<i32>} : memref<64x128xf32, #tpu.memory_space<vmem>>, vector<1x16xf32>,
      %get3A_312 = vector.shape_cast %get3A_311 : vector<1x16xf32> to vector<16xf32>
      %swap3A_313 = arith.index_cast %scan3A_256 : i32 to index
      %swap3A_314 = arith.constant 96 : index
      %swap3A_315 = tpu.vector_load %arg8[%swap3A_313, %swap3A_314] {strides = array<i32>} : memref<64x128xf32, #tpu.memory_space<vmem>>, vector<1x16xf32>,
      %swap3A_316 = vector.shape_cast %swap3A_315 : vector<1x16xf32> to vector<16xf32>
      %swap3A_317 = vector.shape_cast %get3A_312 : vector<16xf32> to vector<1x16xf32>
      tpu.vector_store %arg8[%swap3A_313, %swap3A_314], %swap3A_317 {add = true, strides = array<i32>} : memref<64x128xf32, #tpu.memory_space<vmem>>, vector<1x16xf32>,
      %get3A_318 = arith.index_cast %scan3A_256 : i32 to index
      %get3A_319 = arith.constant 112 : index
      %get3A_320 = tpu.vector_load %arg10[%get3A_318, %get3A_319] {strides = array<i32>} : memref<64x128xf32, #tpu.memory_space<vmem>>, vector<1x16xf32>,
      %get3A_321 = vector.shape_cast %get3A_320 : vector<1x16xf32> to vector<16xf32>
      %swap3A_322 = arith.index_cast %scan3A_256 : i32 to index
      %swap3A_323 = arith.constant 112 : index
      %swap3A_324 = tpu.vector_load %arg8[%swap3A_322, %swap3A_323] {strides = array<i32>} : memref<64x128xf32, #tpu.memory_space<vmem>>, vector<1x16xf32>,
      %swap3A_325 = vector.shape_cast %swap3A_324 : vector<1x16xf32> to vector<16xf32>
      %swap3A_326 = vector.shape_cast %get3A_321 : vector<16xf32> to vector<1x16xf32>
      tpu.vector_store %arg8[%swap3A_322, %swap3A_323], %swap3A_326 {add = true, strides = array<i32>} : memref<64x128xf32, #tpu.memory_space<vmem>>, vector<1x16xf32>,
      %scan3A_327 = arith.constant 1 : i32
      %scan3A_328 = arith.addi %scan3A_256, %scan3A_327 : i32
      %get3A_329 = arith.index_cast %scan3A_328 : i32 to index
      %get3A_330 = arith.constant 0 : index
      %get3A_331 = tpu.vector_load %arg10[%get3A_329, %get3A_330] {strides = array<i32>} : memref<64x128xf32, #tpu.memory_space<vmem>>, vector<1x16xf32>,
      %get3A_332 = vector.shape_cast %get3A_331 : vector<1x16xf32> to vector<16xf32>
      %swap3A_333 = arith.index_cast %scan3A_328 : i32 to index
      %swap3A_334 = arith.constant 0 : index
      %swap3A_335 = tpu.vector_load %arg8[%swap3A_333, %swap3A_334] {strides = array<i32>} : memref<64x128xf32, #tpu.memory_space<vmem>>, vector<1x16xf32>,
      %swap3A_336 = vector.shape_cast %swap3A_335 : vector<1x16xf32> to vector<16xf32>
      %swap3A_337 = vector.shape_cast %get3A_332 : vector<16xf32> to vector<1x16xf32>
      tpu.vector_store %arg8[%swap3A_333, %swap3A_334], %swap3A_337 {add = true, strides = array<i32>} : memref<64x128xf32, #tpu.memory_space<vmem>>, vector<1x16xf32>,
      %get3A_338 = arith.index_cast %scan3A_328 : i32 to index
      %get3A_339 = arith.constant 16 : index
      %get3A_340 = tpu.vector_load %arg10[%get3A_338, %get3A_339] {strides = array<i32>} : memref<64x128xf32, #tpu.memory_space<vmem>>, vector<1x16xf32>,
      %get3A_341 = vector.shape_cast %get3A_340 : vector<1x16xf32> to vector<16xf32>
      %swap3A_342 = arith.index_cast %scan3A_328 : i32 to index
      %swap3A_343 = arith.constant 16 : index
      %swap3A_344 = tpu.vector_load %arg8[%swap3A_342, %swap3A_343] {strides = array<i32>} : memref<64x128xf32, #tpu.memory_space<vmem>>, vector<1x16xf32>,
      %swap3A_345 = vector.shape_cast %swap3A_344 : vector<1x16xf32> to vector<16xf32>
      %swap3A_346 = vector.shape_cast %get3A_341 : vector<16xf32> to vector<1x16xf32>
      tpu.vector_store %arg8[%swap3A_342, %swap3A_343], %swap3A_346 {add = true, strides = array<i32>} : memref<64x128xf32, #tpu.memory_space<vmem>>, vector<1x16xf32>,
      %get3A_347 = arith.index_cast %scan3A_328 : i32 to index
      %get3A_348 = arith.constant 32 : index
      %get3A_349 = tpu.vector_load %arg10[%get3A_347, %get3A_348] {strides = array<i32>} : memref<64x128xf32, #tpu.memory_space<vmem>>, vector<1x16xf32>,
      %get3A_350 = vector.shape_cast %get3A_349 : vector<1x16xf32> to vector<16xf32>
      %swap3A_351 = arith.index_cast %scan3A_328 : i32 to index
      %swap3A_352 = arith.constant 32 : index
      %swap3A_353 = tpu.vector_load %arg8[%swap3A_351, %swap3A_352] {strides = array<i32>} : memref<64x128xf32, #tpu.memory_space<vmem>>, vector<1x16xf32>,
      %swap3A_354 = vector.shape_cast %swap3A_353 : vector<1x16xf32> to vector<16xf32>
      %swap3A_355 = vector.shape_cast %get3A_350 : vector<16xf32> to vector<1x16xf32>
      tpu.vector_store %arg8[%swap3A_351, %swap3A_352], %swap3A_355 {add = true, strides = array<i32>} : memref<64x128xf32, #tpu.memory_space<vmem>>, vector<1x16xf32>,
      %get3A_356 = arith.index_cast %scan3A_328 : i32 to index
      %get3A_357 = arith.constant 48 : index
      %get3A_358 = tpu.vector_load %arg10[%get3A_356, %get3A_357] {strides = array<i32>} : memref<64x128xf32, #tpu.memory_space<vmem>>, vector<1x16xf32>,
      %get3A_359 = vector.shape_cast %get3A_358 : vector<1x16xf32> to vector<16xf32>
      %swap3A_360 = arith.index_cast %scan3A_328 : i32 to index
      %swap3A_361 = arith.constant 48 : index
      %swap3A_362 = tpu.vector_load %arg8[%swap3A_360, %swap3A_361] {strides = array<i32>} : memref<64x128xf32, #tpu.memory_space<vmem>>, vector<1x16xf32>,
      %swap3A_363 = vector.shape_cast %swap3A_362 : vector<1x16xf32> to vector<16xf32>
      %swap3A_364 = vector.shape_cast %get3A_359 : vector<16xf32> to vector<1x16xf32>
      tpu.vector_store %arg8[%swap3A_360, %swap3A_361], %swap3A_364 {add = true, strides = array<i32>} : memref<64x128xf32, #tpu.memory_space<vmem>>, vector<1x16xf32>,
      %get3A_365 = arith.index_cast %scan3A_328 : i32 to index
      %get3A_366 = arith.constant 64 : index
      %get3A_367 = tpu.vector_load %arg10[%get3A_365, %get3A_366] {strides = array<i32>} : memref<64x128xf32, #tpu.memory_space<vmem>>, vector<1x16xf32>,
      %get3A_368 = vector.shape_cast %get3A_367 : vector<1x16xf32> to vector<16xf32>
      %swap3A_369 = arith.index_cast %scan3A_328 : i32 to index
      %swap3A_370 = arith.constant 64 : index
      %swap3A_371 = tpu.vector_load %arg8[%swap3A_369, %swap3A_370] {strides = array<i32>} : memref<64x128xf32, #tpu.memory_space<vmem>>, vector<1x16xf32>,
      %swap3A_372 = vector.shape_cast %swap3A_371 : vector<1x16xf32> to vector<16xf32>
      %swap3A_373 = vector.shape_cast %get3A_368 : vector<16xf32> to vector<1x16xf32>
      tpu.vector_store %arg8[%swap3A_369, %swap3A_370], %swap3A_373 {add = true, strides = array<i32>} : memref<64x128xf32, #tpu.memory_space<vmem>>, vector<1x16xf32>,
      %get3A_374 = arith.index_cast %scan3A_328 : i32 to index
      %get3A_375 = arith.constant 80 : index
      %get3A_376 = tpu.vector_load %arg10[%get3A_374, %get3A_375] {strides = array<i32>} : memref<64x128xf32, #tpu.memory_space<vmem>>, vector<1x16xf32>,
      %get3A_377 = vector.shape_cast %get3A_376 : vector<1x16xf32> to vector<16xf32>
      %swap3A_378 = arith.index_cast %scan3A_328 : i32 to index
      %swap3A_379 = arith.constant 80 : index
      %swap3A_380 = tpu.vector_load %arg8[%swap3A_378, %swap3A_379] {strides = array<i32>} : memref<64x128xf32, #tpu.memory_space<vmem>>, vector<1x16xf32>,
      %swap3A_381 = vector.shape_cast %swap3A_380 : vector<1x16xf32> to vector<16xf32>
      %swap3A_382 = vector.shape_cast %get3A_377 : vector<16xf32> to vector<1x16xf32>
      tpu.vector_store %arg8[%swap3A_378, %swap3A_379], %swap3A_382 {add = true, strides = array<i32>} : memref<64x128xf32, #tpu.memory_space<vmem>>, vector<1x16xf32>,
      %get3A_383 = arith.index_cast %scan3A_328 : i32 to index
      %get3A_384 = arith.constant 96 : index
      %get3A_385 = tpu.vector_load %arg10[%get3A_383, %get3A_384] {strides = array<i32>} : memref<64x128xf32, #tpu.memory_space<vmem>>, vector<1x16xf32>,
      %get3A_386 = vector.shape_cast %get3A_385 : vector<1x16xf32> to vector<16xf32>
      %swap3A_387 = arith.index_cast %scan3A_328 : i32 to index
      %swap3A_388 = arith.constant 96 : index
      %swap3A_389 = tpu.vector_load %arg8[%swap3A_387, %swap3A_388] {strides = array<i32>} : memref<64x128xf32, #tpu.memory_space<vmem>>, vector<1x16xf32>,
      %swap3A_390 = vector.shape_cast %swap3A_389 : vector<1x16xf32> to vector<16xf32>
      %swap3A_391 = vector.shape_cast %get3A_386 : vector<16xf32> to vector<1x16xf32>
      tpu.vector_store %arg8[%swap3A_387, %swap3A_388], %swap3A_391 {add = true, strides = array<i32>} : memref<64x128xf32, #tpu.memory_space<vmem>>, vector<1x16xf32>,
      %get3A_392 = arith.index_cast %scan3A_328 : i32 to index
      %get3A_393 = arith.constant 112 : index
      %get3A_394 = tpu.vector_load %arg10[%get3A_392, %get3A_393] {strides = array<i32>} : memref<64x128xf32, #tpu.memory_space<vmem>>, vector<1x16xf32>,
      %get3A_395 = vector.shape_cast %get3A_394 : vector<1x16xf32> to vector<16xf32>
      %swap3A_396 = arith.index_cast %scan3A_328 : i32 to index
      %swap3A_397 = arith.constant 112 : index
      %swap3A_398 = tpu.vector_load %arg8[%swap3A_396, %swap3A_397] {strides = array<i32>} : memref<64x128xf32, #tpu.memory_space<vmem>>, vector<1x16xf32>,
      %swap3A_399 = vector.shape_cast %swap3A_398 : vector<1x16xf32> to vector<16xf32>
      %swap3A_400 = vector.shape_cast %get3A_395 : vector<16xf32> to vector<1x16xf32>
      tpu.vector_store %arg8[%swap3A_396, %swap3A_397], %swap3A_400 {add = true, strides = array<i32>} : memref<64x128xf32, #tpu.memory_space<vmem>>, vector<1x16xf32>,
    }
    %scan3A_50 = arith.constant 64 : i32
    %add3A_51 = arith.constant 4096 : i32
    %add3A_52 = arith.addi %add3A_51, %mul3A_2 : i32
    "tpu.region"() ({
      %run_scoped3A = tpu.sem_alloc : memref<!tpu.dma_semaphore, #tpu.memory_space<semaphore_mem>>
      %dma_start3A_256 = arith.constant 0 : i32
      %dma_start3A_257 = tpu.memref_slice %arg5[%add3A_52, %dma_start3A_256] : memref<32768x128xf32, #tpu.memory_space<hbm>> -> memref<64x128xf32, #tpu.memory_space<hbm>>
      %dma_start3A_258 = arith.constant 0 : i32
      %dma_start3A_259 = tpu.memref_slice %arg5[%add3A_52, %dma_start3A_258] : memref<32768x128xf32, #tpu.memory_space<hbm>> -> memref<64x128xf32, #tpu.memory_space<hbm>>
      tpu.enqueue_dma source(%arg8 : memref<64x128xf32, #tpu.memory_space<vmem>>) target(%dma_start3A_259 : memref<64x128xf32, #tpu.memory_space<hbm>>) target_semaphore(%run_scoped3A : memref<!tpu.dma_semaphore, #tpu.memory_space<semaphore_mem>>)
      %dma_wait3A_260 = arith.constant 0 : i32
      %dma_wait3A_261 = tpu.memref_slice %arg5[%add3A_52, %dma_wait3A_260] : memref<32768x128xf32, #tpu.memory_space<hbm>> -> memref<64x128xf32, #tpu.memory_space<hbm>>
      %dma_wait3A_262 = arith.constant 0 : i32
      %dma_wait3A_263 = tpu.memref_slice %arg5[%add3A_52, %dma_wait3A_262] : memref<32768x128xf32, #tpu.memory_space<hbm>> -> memref<64x128xf32, #tpu.memory_space<hbm>>
      tpu.wait_dma2 semaphore(%run_scoped3A : memref<!tpu.dma_semaphore, #tpu.memory_space<semaphore_mem>>) src(%arg8 : memref<64x128xf32, #tpu.memory_space<vmem>>) dst(%dma_wait3A_263 : memref<64x128xf32, #tpu.memory_space<hbm>>)
      tpu.yield
    }) : () -> ()
    %add3A_53 = arith.constant 8192 : i32
    %add3A_54 = arith.addi %add3A_53, %mul3A_2 : i32
    "tpu.region"() ({
      %run_scoped3A = tpu.sem_alloc : memref<!tpu.dma_semaphore, #tpu.memory_space<semaphore_mem>>
      %dma_start3A_256 = tpu.memref_slice %arg2[%add3A_54] : memref<32768xi32, #tpu.memory_space<hbm>> -> memref<64xi32, #tpu.memory_space<hbm>>
      %dma_start3A_257 = tpu.memref_slice %arg2[%add3A_54] : memref<32768xi32, #tpu.memory_space<hbm>> -> memref<64xi32, #tpu.memory_space<hbm>>
      tpu.enqueue_dma source(%dma_start3A_257 : memref<64xi32, #tpu.memory_space<hbm>>) target(%arg6 : memref<64xi32, #tpu.memory_space<vmem>>) target_semaphore(%run_scoped3A : memref<!tpu.dma_semaphore, #tpu.memory_space<semaphore_mem>>)
      %dma_wait3A_258 = tpu.memref_slice %arg2[%add3A_54] : memref<32768xi32, #tpu.memory_space<hbm>> -> memref<64xi32, #tpu.memory_space<hbm>>
      %dma_wait3A_259 = tpu.memref_slice %arg2[%add3A_54] : memref<32768xi32, #tpu.memory_space<hbm>> -> memref<64xi32, #tpu.memory_space<hbm>>
      tpu.wait_dma2 semaphore(%run_scoped3A : memref<!tpu.dma_semaphore, #tpu.memory_space<semaphore_mem>>) src(%dma_wait3A_259 : memref<64xi32, #tpu.memory_space<hbm>>) dst(%arg6 : memref<64xi32, #tpu.memory_space<vmem>>)
      tpu.yield
    }) : () -> ()
    %dma_start3A_55 = arith.constant 0 : i32
    %dma_start3A_56 = arith.constant 0 : i32
    %dma_start3A_57 = tpu.memref_slice %arg3[%dma_start3A_55, %dma_start3A_56] : memref<100000x128xf32, #tpu.memory_space<hbm>> -> memref<100000x128xf32, #tpu.memory_space<hbm>>
    tpu.enqueue_indirect_dma source(%dma_start3A_57 : memref<100000x128xf32, #tpu.memory_space<hbm>>) target(%arg8 : memref<64x128xf32, #tpu.memory_space<vmem>>) offsets(%arg6 : memref<64xi32, #tpu.memory_space<vmem>>) semaphore(%arg11 : memref<!tpu.dma_semaphore, #tpu.memory_space<semaphore_mem>>)
    %dma_wait3A_58 = arith.constant 0 : i32
    %dma_wait3A_59 = arith.constant 0 : i32
    %dma_wait3A_60 = tpu.memref_slice %arg3[%dma_wait3A_58, %dma_wait3A_59] : memref<100000x128xf32, #tpu.memory_space<hbm>> -> memref<100000x128xf32, #tpu.memory_space<hbm>>
    tpu.wait_indirect_dma semaphore(%arg12 : memref<!tpu.dma_semaphore, #tpu.memory_space<semaphore_mem>>) src(%dma_wait3A_60 : memref<100000x128xf32, #tpu.memory_space<hbm>>) dst(%arg9 : memref<64x128xf32, #tpu.memory_space<vmem>>)
    %scan3A_61 = arith.constant 0 : i32
    %scan3A_62 = arith.constant 0 : i32
    %scan3A_63 = arith.constant 64 : i32
    %scan3A_64 = arith.addi %scan3A_62, %scan3A_63 : i32
    %scan3A_65 = arith.constant 2 : i32
    scf.for %scan3A_256 = %scan3A_62 to %scan3A_64 step %scan3A_65  : i32 {
      %get3A = arith.index_cast %scan3A_256 : i32 to index
      %get3A_257 = arith.constant 0 : index
      %get3A_258 = tpu.vector_load %arg10[%get3A, %get3A_257] {strides = array<i32>} : memref<64x128xf32, #tpu.memory_space<vmem>>, vector<1x16xf32>,
      %get3A_259 = vector.shape_cast %get3A_258 : vector<1x16xf32> to vector<16xf32>
      %swap3A = arith.index_cast %scan3A_256 : i32 to index
      %swap3A_260 = arith.constant 0 : index
      %swap3A_261 = tpu.vector_load %arg9[%swap3A, %swap3A_260] {strides = array<i32>} : memref<64x128xf32, #tpu.memory_space<vmem>>, vector<1x16xf32>,
      %swap3A_262 = vector.shape_cast %swap3A_261 : vector<1x16xf32> to vector<16xf32>
      %swap3A_263 = vector.shape_cast %get3A_259 : vector<16xf32> to vector<1x16xf32>
      tpu.vector_store %arg9[%swap3A, %swap3A_260], %swap3A_263 {add = true, strides = array<i32>} : memref<64x128xf32, #tpu.memory_space<vmem>>, vector<1x16xf32>,
      %get3A_264 = arith.index_cast %scan3A_256 : i32 to index
      %get3A_265 = arith.constant 16 : index
      %get3A_266 = tpu.vector_load %arg10[%get3A_264, %get3A_265] {strides = array<i32>} : memref<64x128xf32, #tpu.memory_space<vmem>>, vector<1x16xf32>,
      %get3A_267 = vector.shape_cast %get3A_266 : vector<1x16xf32> to vector<16xf32>
      %swap3A_268 = arith.index_cast %scan3A_256 : i32 to index
      %swap3A_269 = arith.constant 16 : index
      %swap3A_270 = tpu.vector_load %arg9[%swap3A_268, %swap3A_269] {strides = array<i32>} : memref<64x128xf32, #tpu.memory_space<vmem>>, vector<1x16xf32>,
      %swap3A_271 = vector.shape_cast %swap3A_270 : vector<1x16xf32> to vector<16xf32>
      %swap3A_272 = vector.shape_cast %get3A_267 : vector<16xf32> to vector<1x16xf32>
      tpu.vector_store %arg9[%swap3A_268, %swap3A_269], %swap3A_272 {add = true, strides = array<i32>} : memref<64x128xf32, #tpu.memory_space<vmem>>, vector<1x16xf32>,
      %get3A_273 = arith.index_cast %scan3A_256 : i32 to index
      %get3A_274 = arith.constant 32 : index
      %get3A_275 = tpu.vector_load %arg10[%get3A_273, %get3A_274] {strides = array<i32>} : memref<64x128xf32, #tpu.memory_space<vmem>>, vector<1x16xf32>,
      %get3A_276 = vector.shape_cast %get3A_275 : vector<1x16xf32> to vector<16xf32>
      %swap3A_277 = arith.index_cast %scan3A_256 : i32 to index
      %swap3A_278 = arith.constant 32 : index
      %swap3A_279 = tpu.vector_load %arg9[%swap3A_277, %swap3A_278] {strides = array<i32>} : memref<64x128xf32, #tpu.memory_space<vmem>>, vector<1x16xf32>,
      %swap3A_280 = vector.shape_cast %swap3A_279 : vector<1x16xf32> to vector<16xf32>
      %swap3A_281 = vector.shape_cast %get3A_276 : vector<16xf32> to vector<1x16xf32>
      tpu.vector_store %arg9[%swap3A_277, %swap3A_278], %swap3A_281 {add = true, strides = array<i32>} : memref<64x128xf32, #tpu.memory_space<vmem>>, vector<1x16xf32>,
      %get3A_282 = arith.index_cast %scan3A_256 : i32 to index
      %get3A_283 = arith.constant 48 : index
      %get3A_284 = tpu.vector_load %arg10[%get3A_282, %get3A_283] {strides = array<i32>} : memref<64x128xf32, #tpu.memory_space<vmem>>, vector<1x16xf32>,
      %get3A_285 = vector.shape_cast %get3A_284 : vector<1x16xf32> to vector<16xf32>
      %swap3A_286 = arith.index_cast %scan3A_256 : i32 to index
      %swap3A_287 = arith.constant 48 : index
      %swap3A_288 = tpu.vector_load %arg9[%swap3A_286, %swap3A_287] {strides = array<i32>} : memref<64x128xf32, #tpu.memory_space<vmem>>, vector<1x16xf32>,
      %swap3A_289 = vector.shape_cast %swap3A_288 : vector<1x16xf32> to vector<16xf32>
      %swap3A_290 = vector.shape_cast %get3A_285 : vector<16xf32> to vector<1x16xf32>
      tpu.vector_store %arg9[%swap3A_286, %swap3A_287], %swap3A_290 {add = true, strides = array<i32>} : memref<64x128xf32, #tpu.memory_space<vmem>>, vector<1x16xf32>,
      %get3A_291 = arith.index_cast %scan3A_256 : i32 to index
      %get3A_292 = arith.constant 64 : index
      %get3A_293 = tpu.vector_load %arg10[%get3A_291, %get3A_292] {strides = array<i32>} : memref<64x128xf32, #tpu.memory_space<vmem>>, vector<1x16xf32>,
      %get3A_294 = vector.shape_cast %get3A_293 : vector<1x16xf32> to vector<16xf32>
      %swap3A_295 = arith.index_cast %scan3A_256 : i32 to index
      %swap3A_296 = arith.constant 64 : index
      %swap3A_297 = tpu.vector_load %arg9[%swap3A_295, %swap3A_296] {strides = array<i32>} : memref<64x128xf32, #tpu.memory_space<vmem>>, vector<1x16xf32>,
      %swap3A_298 = vector.shape_cast %swap3A_297 : vector<1x16xf32> to vector<16xf32>
      %swap3A_299 = vector.shape_cast %get3A_294 : vector<16xf32> to vector<1x16xf32>
      tpu.vector_store %arg9[%swap3A_295, %swap3A_296], %swap3A_299 {add = true, strides = array<i32>} : memref<64x128xf32, #tpu.memory_space<vmem>>, vector<1x16xf32>,
      %get3A_300 = arith.index_cast %scan3A_256 : i32 to index
      %get3A_301 = arith.constant 80 : index
      %get3A_302 = tpu.vector_load %arg10[%get3A_300, %get3A_301] {strides = array<i32>} : memref<64x128xf32, #tpu.memory_space<vmem>>, vector<1x16xf32>,
      %get3A_303 = vector.shape_cast %get3A_302 : vector<1x16xf32> to vector<16xf32>
      %swap3A_304 = arith.index_cast %scan3A_256 : i32 to index
      %swap3A_305 = arith.constant 80 : index
      %swap3A_306 = tpu.vector_load %arg9[%swap3A_304, %swap3A_305] {strides = array<i32>} : memref<64x128xf32, #tpu.memory_space<vmem>>, vector<1x16xf32>,
      %swap3A_307 = vector.shape_cast %swap3A_306 : vector<1x16xf32> to vector<16xf32>
      %swap3A_308 = vector.shape_cast %get3A_303 : vector<16xf32> to vector<1x16xf32>
      tpu.vector_store %arg9[%swap3A_304, %swap3A_305], %swap3A_308 {add = true, strides = array<i32>} : memref<64x128xf32, #tpu.memory_space<vmem>>, vector<1x16xf32>,
      %get3A_309 = arith.index_cast %scan3A_256 : i32 to index
      %get3A_310 = arith.constant 96 : index
      %get3A_311 = tpu.vector_load %arg10[%get3A_309, %get3A_310] {strides = array<i32>} : memref<64x128xf32, #tpu.memory_space<vmem>>, vector<1x16xf32>,
      %get3A_312 = vector.shape_cast %get3A_311 : vector<1x16xf32> to vector<16xf32>
      %swap3A_313 = arith.index_cast %scan3A_256 : i32 to index
      %swap3A_314 = arith.constant 96 : index
      %swap3A_315 = tpu.vector_load %arg9[%swap3A_313, %swap3A_314] {strides = array<i32>} : memref<64x128xf32, #tpu.memory_space<vmem>>, vector<1x16xf32>,
      %swap3A_316 = vector.shape_cast %swap3A_315 : vector<1x16xf32> to vector<16xf32>
      %swap3A_317 = vector.shape_cast %get3A_312 : vector<16xf32> to vector<1x16xf32>
      tpu.vector_store %arg9[%swap3A_313, %swap3A_314], %swap3A_317 {add = true, strides = array<i32>} : memref<64x128xf32, #tpu.memory_space<vmem>>, vector<1x16xf32>,
      %get3A_318 = arith.index_cast %scan3A_256 : i32 to index
      %get3A_319 = arith.constant 112 : index
      %get3A_320 = tpu.vector_load %arg10[%get3A_318, %get3A_319] {strides = array<i32>} : memref<64x128xf32, #tpu.memory_space<vmem>>, vector<1x16xf32>,
      %get3A_321 = vector.shape_cast %get3A_320 : vector<1x16xf32> to vector<16xf32>
      %swap3A_322 = arith.index_cast %scan3A_256 : i32 to index
      %swap3A_323 = arith.constant 112 : index
      %swap3A_324 = tpu.vector_load %arg9[%swap3A_322, %swap3A_323] {strides = array<i32>} : memref<64x128xf32, #tpu.memory_space<vmem>>, vector<1x16xf32>,
      %swap3A_325 = vector.shape_cast %swap3A_324 : vector<1x16xf32> to vector<16xf32>
      %swap3A_326 = vector.shape_cast %get3A_321 : vector<16xf32> to vector<1x16xf32>
      tpu.vector_store %arg9[%swap3A_322, %swap3A_323], %swap3A_326 {add = true, strides = array<i32>} : memref<64x128xf32, #tpu.memory_space<vmem>>, vector<1x16xf32>,
      %scan3A_327 = arith.constant 1 : i32
      %scan3A_328 = arith.addi %scan3A_256, %scan3A_327 : i32
      %get3A_329 = arith.index_cast %scan3A_328 : i32 to index
      %get3A_330 = arith.constant 0 : index
      %get3A_331 = tpu.vector_load %arg10[%get3A_329, %get3A_330] {strides = array<i32>} : memref<64x128xf32, #tpu.memory_space<vmem>>, vector<1x16xf32>,
      %get3A_332 = vector.shape_cast %get3A_331 : vector<1x16xf32> to vector<16xf32>
      %swap3A_333 = arith.index_cast %scan3A_328 : i32 to index
      %swap3A_334 = arith.constant 0 : index
      %swap3A_335 = tpu.vector_load %arg9[%swap3A_333, %swap3A_334] {strides = array<i32>} : memref<64x128xf32, #tpu.memory_space<vmem>>, vector<1x16xf32>,
      %swap3A_336 = vector.shape_cast %swap3A_335 : vector<1x16xf32> to vector<16xf32>
      %swap3A_337 = vector.shape_cast %get3A_332 : vector<16xf32> to vector<1x16xf32>
      tpu.vector_store %arg9[%swap3A_333, %swap3A_334], %swap3A_337 {add = true, strides = array<i32>} : memref<64x128xf32, #tpu.memory_space<vmem>>, vector<1x16xf32>,
      %get3A_338 = arith.index_cast %scan3A_328 : i32 to index
      %get3A_339 = arith.constant 16 : index
      %get3A_340 = tpu.vector_load %arg10[%get3A_338, %get3A_339] {strides = array<i32>} : memref<64x128xf32, #tpu.memory_space<vmem>>, vector<1x16xf32>,
      %get3A_341 = vector.shape_cast %get3A_340 : vector<1x16xf32> to vector<16xf32>
      %swap3A_342 = arith.index_cast %scan3A_328 : i32 to index
      %swap3A_343 = arith.constant 16 : index
      %swap3A_344 = tpu.vector_load %arg9[%swap3A_342, %swap3A_343] {strides = array<i32>} : memref<64x128xf32, #tpu.memory_space<vmem>>, vector<1x16xf32>,
      %swap3A_345 = vector.shape_cast %swap3A_344 : vector<1x16xf32> to vector<16xf32>
      %swap3A_346 = vector.shape_cast %get3A_341 : vector<16xf32> to vector<1x16xf32>
      tpu.vector_store %arg9[%swap3A_342, %swap3A_343], %swap3A_346 {add = true, strides = array<i32>} : memref<64x128xf32, #tpu.memory_space<vmem>>, vector<1x16xf32>,
      %get3A_347 = arith.index_cast %scan3A_328 : i32 to index
      %get3A_348 = arith.constant 32 : index
      %get3A_349 = tpu.vector_load %arg10[%get3A_347, %get3A_348] {strides = array<i32>} : memref<64x128xf32, #tpu.memory_space<vmem>>, vector<1x16xf32>,
      %get3A_350 = vector.shape_cast %get3A_349 : vector<1x16xf32> to vector<16xf32>
      %swap3A_351 = arith.index_cast %scan3A_328 : i32 to index
      %swap3A_352 = arith.constant 32 : index
      %swap3A_353 = tpu.vector_load %arg9[%swap3A_351, %swap3A_352] {strides = array<i32>} : memref<64x128xf32, #tpu.memory_space<vmem>>, vector<1x16xf32>,
      %swap3A_354 = vector.shape_cast %swap3A_353 : vector<1x16xf32> to vector<16xf32>
      %swap3A_355 = vector.shape_cast %get3A_350 : vector<16xf32> to vector<1x16xf32>
      tpu.vector_store %arg9[%swap3A_351, %swap3A_352], %swap3A_355 {add = true, strides = array<i32>} : memref<64x128xf32, #tpu.memory_space<vmem>>, vector<1x16xf32>,
      %get3A_356 = arith.index_cast %scan3A_328 : i32 to index
      %get3A_357 = arith.constant 48 : index
      %get3A_358 = tpu.vector_load %arg10[%get3A_356, %get3A_357] {strides = array<i32>} : memref<64x128xf32, #tpu.memory_space<vmem>>, vector<1x16xf32>,
      %get3A_359 = vector.shape_cast %get3A_358 : vector<1x16xf32> to vector<16xf32>
      %swap3A_360 = arith.index_cast %scan3A_328 : i32 to index
      %swap3A_361 = arith.constant 48 : index
      %swap3A_362 = tpu.vector_load %arg9[%swap3A_360, %swap3A_361] {strides = array<i32>} : memref<64x128xf32, #tpu.memory_space<vmem>>, vector<1x16xf32>,
      %swap3A_363 = vector.shape_cast %swap3A_362 : vector<1x16xf32> to vector<16xf32>
      %swap3A_364 = vector.shape_cast %get3A_359 : vector<16xf32> to vector<1x16xf32>
      tpu.vector_store %arg9[%swap3A_360, %swap3A_361], %swap3A_364 {add = true, strides = array<i32>} : memref<64x128xf32, #tpu.memory_space<vmem>>, vector<1x16xf32>,
      %get3A_365 = arith.index_cast %scan3A_328 : i32 to index
      %get3A_366 = arith.constant 64 : index
      %get3A_367 = tpu.vector_load %arg10[%get3A_365, %get3A_366] {strides = array<i32>} : memref<64x128xf32, #tpu.memory_space<vmem>>, vector<1x16xf32>,
      %get3A_368 = vector.shape_cast %get3A_367 : vector<1x16xf32> to vector<16xf32>
      %swap3A_369 = arith.index_cast %scan3A_328 : i32 to index
      %swap3A_370 = arith.constant 64 : index
      %swap3A_371 = tpu.vector_load %arg9[%swap3A_369, %swap3A_370] {strides = array<i32>} : memref<64x128xf32, #tpu.memory_space<vmem>>, vector<1x16xf32>,
      %swap3A_372 = vector.shape_cast %swap3A_371 : vector<1x16xf32> to vector<16xf32>
      %swap3A_373 = vector.shape_cast %get3A_368 : vector<16xf32> to vector<1x16xf32>
      tpu.vector_store %arg9[%swap3A_369, %swap3A_370], %swap3A_373 {add = true, strides = array<i32>} : memref<64x128xf32, #tpu.memory_space<vmem>>, vector<1x16xf32>,
      %get3A_374 = arith.index_cast %scan3A_328 : i32 to index
      %get3A_375 = arith.constant 80 : index
      %get3A_376 = tpu.vector_load %arg10[%get3A_374, %get3A_375] {strides = array<i32>} : memref<64x128xf32, #tpu.memory_space<vmem>>, vector<1x16xf32>,
      %get3A_377 = vector.shape_cast %get3A_376 : vector<1x16xf32> to vector<16xf32>
      %swap3A_378 = arith.index_cast %scan3A_328 : i32 to index
      %swap3A_379 = arith.constant 80 : index
      %swap3A_380 = tpu.vector_load %arg9[%swap3A_378, %swap3A_379] {strides = array<i32>} : memref<64x128xf32, #tpu.memory_space<vmem>>, vector<1x16xf32>,
      %swap3A_381 = vector.shape_cast %swap3A_380 : vector<1x16xf32> to vector<16xf32>
      %swap3A_382 = vector.shape_cast %get3A_377 : vector<16xf32> to vector<1x16xf32>
      tpu.vector_store %arg9[%swap3A_378, %swap3A_379], %swap3A_382 {add = true, strides = array<i32>} : memref<64x128xf32, #tpu.memory_space<vmem>>, vector<1x16xf32>,
      %get3A_383 = arith.index_cast %scan3A_328 : i32 to index
      %get3A_384 = arith.constant 96 : index
      %get3A_385 = tpu.vector_load %arg10[%get3A_383, %get3A_384] {strides = array<i32>} : memref<64x128xf32, #tpu.memory_space<vmem>>, vector<1x16xf32>,
      %get3A_386 = vector.shape_cast %get3A_385 : vector<1x16xf32> to vector<16xf32>
      %swap3A_387 = arith.index_cast %scan3A_328 : i32 to index
      %swap3A_388 = arith.constant 96 : index
      %swap3A_389 = tpu.vector_load %arg9[%swap3A_387, %swap3A_388] {strides = array<i32>} : memref<64x128xf32, #tpu.memory_space<vmem>>, vector<1x16xf32>,
      %swap3A_390 = vector.shape_cast %swap3A_389 : vector<1x16xf32> to vector<16xf32>
      %swap3A_391 = vector.shape_cast %get3A_386 : vector<16xf32> to vector<1x16xf32>
      tpu.vector_store %arg9[%swap3A_387, %swap3A_388], %swap3A_391 {add = true, strides = array<i32>} : memref<64x128xf32, #tpu.memory_space<vmem>>, vector<1x16xf32>,
      %get3A_392 = arith.index_cast %scan3A_328 : i32 to index
      %get3A_393 = arith.constant 112 : index
      %get3A_394 = tpu.vector_load %arg10[%get3A_392, %get3A_393] {strides = array<i32>} : memref<64x128xf32, #tpu.memory_space<vmem>>, vector<1x16xf32>,
      %get3A_395 = vector.shape_cast %get3A_394 : vector<1x16xf32> to vector<16xf32>
      %swap3A_396 = arith.index_cast %scan3A_328 : i32 to index
      %swap3A_397 = arith.constant 112 : index
      %swap3A_398 = tpu.vector_load %arg9[%swap3A_396, %swap3A_397] {strides = array<i32>} : memref<64x128xf32, #tpu.memory_space<vmem>>, vector<1x16xf32>,
      %swap3A_399 = vector.shape_cast %swap3A_398 : vector<1x16xf32> to vector<16xf32>
      %swap3A_400 = vector.shape_cast %get3A_395 : vector<16xf32> to vector<1x16xf32>
      tpu.vector_store %arg9[%swap3A_396, %swap3A_397], %swap3A_400 {add = true, strides = array<i32>} : memref<64x128xf32, #tpu.memory_space<vmem>>, vector<1x16xf32>,
    }
    %scan3A_66 = arith.constant 64 : i32
    %add3A_67 = arith.constant 6144 : i32
    %add3A_68 = arith.addi %add3A_67, %mul3A_2 : i32
    "tpu.region"() ({
      %run_scoped3A = tpu.sem_alloc : memref<!tpu.dma_semaphore, #tpu.memory_space<semaphore_mem>>
      %dma_start3A_256 = arith.constant 0 : i32
      %dma_start3A_257 = tpu.memref_slice %arg5[%add3A_68, %dma_start3A_256] : memref<32768x128xf32, #tpu.memory_space<hbm>> -> memref<64x128xf32, #tpu.memory_space<hbm>>
      %dma_start3A_258 = arith.constant 0 : i32
      %dma_start3A_259 = tpu.memref_slice %arg5[%add3A_68, %dma_start3A_258] : memref<32768x128xf32, #tpu.memory_space<hbm>> -> memref<64x128xf32, #tpu.memory_space<hbm>>
      tpu.enqueue_dma source(%arg9 : memref<64x128xf32, #tpu.memory_space<vmem>>) target(%dma_start3A_259 : memref<64x128xf32, #tpu.memory_space<hbm>>) target_semaphore(%run_scoped3A : memref<!tpu.dma_semaphore, #tpu.memory_space<semaphore_mem>>)
      %dma_wait3A_260 = arith.constant 0 : i32
      %dma_wait3A_261 = tpu.memref_slice %arg5[%add3A_68, %dma_wait3A_260] : memref<32768x128xf32, #tpu.memory_space<hbm>> -> memref<64x128xf32, #tpu.memory_space<hbm>>
      %dma_wait3A_262 = arith.constant 0 : i32
      %dma_wait3A_263 = tpu.memref_slice %arg5[%add3A_68, %dma_wait3A_262] : memref<32768x128xf32, #tpu.memory_space<hbm>> -> memref<64x128xf32, #tpu.memory_space<hbm>>
      tpu.wait_dma2 semaphore(%run_scoped3A : memref<!tpu.dma_semaphore, #tpu.memory_space<semaphore_mem>>) src(%arg9 : memref<64x128xf32, #tpu.memory_space<vmem>>) dst(%dma_wait3A_263 : memref<64x128xf32, #tpu.memory_space<hbm>>)
      tpu.yield
    }) : () -> ()
    %add3A_69 = arith.constant 10240 : i32
    %add3A_70 = arith.addi %add3A_69, %mul3A_2 : i32
    "tpu.region"() ({
      %run_scoped3A = tpu.sem_alloc : memref<!tpu.dma_semaphore, #tpu.memory_space<semaphore_mem>>
      %dma_start3A_256 = tpu.memref_slice %arg2[%add3A_70] : memref<32768xi32, #tpu.memory_space<hbm>> -> memref<64xi32, #tpu.memory_space<hbm>>
      %dma_start3A_257 = tpu.memref_slice %arg2[%add3A_70] : memref<32768xi32, #tpu.memory_space<hbm>> -> memref<64xi32, #tpu.memory_space<hbm>>
      tpu.enqueue_dma source(%dma_start3A_257 : memref<64xi32, #tpu.memory_space<hbm>>) target(%arg7 : memref<64xi32, #tpu.memory_space<vmem>>) target_semaphore(%run_scoped3A : memref<!tpu.dma_semaphore, #tpu.memory_space<semaphore_mem>>)
      %dma_wait3A_258 = tpu.memref_slice %arg2[%add3A_70] : memref<32768xi32, #tpu.memory_space<hbm>> -> memref<64xi32, #tpu.memory_space<hbm>>
      %dma_wait3A_259 = tpu.memref_slice %arg2[%add3A_70] : memref<32768xi32, #tpu.memory_space<hbm>> -> memref<64xi32, #tpu.memory_space<hbm>>
      tpu.wait_dma2 semaphore(%run_scoped3A : memref<!tpu.dma_semaphore, #tpu.memory_space<semaphore_mem>>) src(%dma_wait3A_259 : memref<64xi32, #tpu.memory_space<hbm>>) dst(%arg7 : memref<64xi32, #tpu.memory_space<vmem>>)
      tpu.yield
    }) : () -> ()
    %dma_start3A_71 = arith.constant 0 : i32
    %dma_start3A_72 = arith.constant 0 : i32
    %dma_start3A_73 = tpu.memref_slice %arg3[%dma_start3A_71, %dma_start3A_72] : memref<100000x128xf32, #tpu.memory_space<hbm>> -> memref<100000x128xf32, #tpu.memory_space<hbm>>
    tpu.enqueue_indirect_dma source(%dma_start3A_73 : memref<100000x128xf32, #tpu.memory_space<hbm>>) target(%arg9 : memref<64x128xf32, #tpu.memory_space<vmem>>) offsets(%arg7 : memref<64xi32, #tpu.memory_space<vmem>>) semaphore(%arg12 : memref<!tpu.dma_semaphore, #tpu.memory_space<semaphore_mem>>)
    %dma_wait3A_74 = arith.constant 0 : i32
    %dma_wait3A_75 = arith.constant 0 : i32
    %dma_wait3A_76 = tpu.memref_slice %arg3[%dma_wait3A_74, %dma_wait3A_75] : memref<100000x128xf32, #tpu.memory_space<hbm>> -> memref<100000x128xf32, #tpu.memory_space<hbm>>
    tpu.wait_indirect_dma semaphore(%arg11 : memref<!tpu.dma_semaphore, #tpu.memory_space<semaphore_mem>>) src(%dma_wait3A_76 : memref<100000x128xf32, #tpu.memory_space<hbm>>) dst(%arg8 : memref<64x128xf32, #tpu.memory_space<vmem>>)
    %scan3A_77 = arith.constant 0 : i32
    %scan3A_78 = arith.constant 0 : i32
    %scan3A_79 = arith.constant 64 : i32
    %scan3A_80 = arith.addi %scan3A_78, %scan3A_79 : i32
    %scan3A_81 = arith.constant 2 : i32
    scf.for %scan3A_256 = %scan3A_78 to %scan3A_80 step %scan3A_81  : i32 {
      %get3A = arith.index_cast %scan3A_256 : i32 to index
      %get3A_257 = arith.constant 0 : index
      %get3A_258 = tpu.vector_load %arg10[%get3A, %get3A_257] {strides = array<i32>} : memref<64x128xf32, #tpu.memory_space<vmem>>, vector<1x16xf32>,
      %get3A_259 = vector.shape_cast %get3A_258 : vector<1x16xf32> to vector<16xf32>
      %swap3A = arith.index_cast %scan3A_256 : i32 to index
      %swap3A_260 = arith.constant 0 : index
      %swap3A_261 = tpu.vector_load %arg8[%swap3A, %swap3A_260] {strides = array<i32>} : memref<64x128xf32, #tpu.memory_space<vmem>>, vector<1x16xf32>,
      %swap3A_262 = vector.shape_cast %swap3A_261 : vector<1x16xf32> to vector<16xf32>
      %swap3A_263 = vector.shape_cast %get3A_259 : vector<16xf32> to vector<1x16xf32>
      tpu.vector_store %arg8[%swap3A, %swap3A_260], %swap3A_263 {add = true, strides = array<i32>} : memref<64x128xf32, #tpu.memory_space<vmem>>, vector<1x16xf32>,
      %get3A_264 = arith.index_cast %scan3A_256 : i32 to index
      %get3A_265 = arith.constant 16 : index
      %get3A_266 = tpu.vector_load %arg10[%get3A_264, %get3A_265] {strides = array<i32>} : memref<64x128xf32, #tpu.memory_space<vmem>>, vector<1x16xf32>,
      %get3A_267 = vector.shape_cast %get3A_266 : vector<1x16xf32> to vector<16xf32>
      %swap3A_268 = arith.index_cast %scan3A_256 : i32 to index
      %swap3A_269 = arith.constant 16 : index
      %swap3A_270 = tpu.vector_load %arg8[%swap3A_268, %swap3A_269] {strides = array<i32>} : memref<64x128xf32, #tpu.memory_space<vmem>>, vector<1x16xf32>,
      %swap3A_271 = vector.shape_cast %swap3A_270 : vector<1x16xf32> to vector<16xf32>
      %swap3A_272 = vector.shape_cast %get3A_267 : vector<16xf32> to vector<1x16xf32>
      tpu.vector_store %arg8[%swap3A_268, %swap3A_269], %swap3A_272 {add = true, strides = array<i32>} : memref<64x128xf32, #tpu.memory_space<vmem>>, vector<1x16xf32>,
      %get3A_273 = arith.index_cast %scan3A_256 : i32 to index
      %get3A_274 = arith.constant 32 : index
      %get3A_275 = tpu.vector_load %arg10[%get3A_273, %get3A_274] {strides = array<i32>} : memref<64x128xf32, #tpu.memory_space<vmem>>, vector<1x16xf32>,
      %get3A_276 = vector.shape_cast %get3A_275 : vector<1x16xf32> to vector<16xf32>
      %swap3A_277 = arith.index_cast %scan3A_256 : i32 to index
      %swap3A_278 = arith.constant 32 : index
      %swap3A_279 = tpu.vector_load %arg8[%swap3A_277, %swap3A_278] {strides = array<i32>} : memref<64x128xf32, #tpu.memory_space<vmem>>, vector<1x16xf32>,
      %swap3A_280 = vector.shape_cast %swap3A_279 : vector<1x16xf32> to vector<16xf32>
      %swap3A_281 = vector.shape_cast %get3A_276 : vector<16xf32> to vector<1x16xf32>
      tpu.vector_store %arg8[%swap3A_277, %swap3A_278], %swap3A_281 {add = true, strides = array<i32>} : memref<64x128xf32, #tpu.memory_space<vmem>>, vector<1x16xf32>,
      %get3A_282 = arith.index_cast %scan3A_256 : i32 to index
      %get3A_283 = arith.constant 48 : index
      %get3A_284 = tpu.vector_load %arg10[%get3A_282, %get3A_283] {strides = array<i32>} : memref<64x128xf32, #tpu.memory_space<vmem>>, vector<1x16xf32>,
      %get3A_285 = vector.shape_cast %get3A_284 : vector<1x16xf32> to vector<16xf32>
      %swap3A_286 = arith.index_cast %scan3A_256 : i32 to index
      %swap3A_287 = arith.constant 48 : index
      %swap3A_288 = tpu.vector_load %arg8[%swap3A_286, %swap3A_287] {strides = array<i32>} : memref<64x128xf32, #tpu.memory_space<vmem>>, vector<1x16xf32>,
      %swap3A_289 = vector.shape_cast %swap3A_288 : vector<1x16xf32> to vector<16xf32>
      %swap3A_290 = vector.shape_cast %get3A_285 : vector<16xf32> to vector<1x16xf32>
      tpu.vector_store %arg8[%swap3A_286, %swap3A_287], %swap3A_290 {add = true, strides = array<i32>} : memref<64x128xf32, #tpu.memory_space<vmem>>, vector<1x16xf32>,
      %get3A_291 = arith.index_cast %scan3A_256 : i32 to index
      %get3A_292 = arith.constant 64 : index
      %get3A_293 = tpu.vector_load %arg10[%get3A_291, %get3A_292] {strides = array<i32>} : memref<64x128xf32, #tpu.memory_space<vmem>>, vector<1x16xf32>,
      %get3A_294 = vector.shape_cast %get3A_293 : vector<1x16xf32> to vector<16xf32>
      %swap3A_295 = arith.index_cast %scan3A_256 : i32 to index
      %swap3A_296 = arith.constant 64 : index
      %swap3A_297 = tpu.vector_load %arg8[%swap3A_295, %swap3A_296] {strides = array<i32>} : memref<64x128xf32, #tpu.memory_space<vmem>>, vector<1x16xf32>,
      %swap3A_298 = vector.shape_cast %swap3A_297 : vector<1x16xf32> to vector<16xf32>
      %swap3A_299 = vector.shape_cast %get3A_294 : vector<16xf32> to vector<1x16xf32>
      tpu.vector_store %arg8[%swap3A_295, %swap3A_296], %swap3A_299 {add = true, strides = array<i32>} : memref<64x128xf32, #tpu.memory_space<vmem>>, vector<1x16xf32>,
      %get3A_300 = arith.index_cast %scan3A_256 : i32 to index
      %get3A_301 = arith.constant 80 : index
      %get3A_302 = tpu.vector_load %arg10[%get3A_300, %get3A_301] {strides = array<i32>} : memref<64x128xf32, #tpu.memory_space<vmem>>, vector<1x16xf32>,
      %get3A_303 = vector.shape_cast %get3A_302 : vector<1x16xf32> to vector<16xf32>
      %swap3A_304 = arith.index_cast %scan3A_256 : i32 to index
      %swap3A_305 = arith.constant 80 : index
      %swap3A_306 = tpu.vector_load %arg8[%swap3A_304, %swap3A_305] {strides = array<i32>} : memref<64x128xf32, #tpu.memory_space<vmem>>, vector<1x16xf32>,
      %swap3A_307 = vector.shape_cast %swap3A_306 : vector<1x16xf32> to vector<16xf32>
      %swap3A_308 = vector.shape_cast %get3A_303 : vector<16xf32> to vector<1x16xf32>
      tpu.vector_store %arg8[%swap3A_304, %swap3A_305], %swap3A_308 {add = true, strides = array<i32>} : memref<64x128xf32, #tpu.memory_space<vmem>>, vector<1x16xf32>,
      %get3A_309 = arith.index_cast %scan3A_256 : i32 to index
      %get3A_310 = arith.constant 96 : index
      %get3A_311 = tpu.vector_load %arg10[%get3A_309, %get3A_310] {strides = array<i32>} : memref<64x128xf32, #tpu.memory_space<vmem>>, vector<1x16xf32>,
      %get3A_312 = vector.shape_cast %get3A_311 : vector<1x16xf32> to vector<16xf32>
      %swap3A_313 = arith.index_cast %scan3A_256 : i32 to index
      %swap3A_314 = arith.constant 96 : index
      %swap3A_315 = tpu.vector_load %arg8[%swap3A_313, %swap3A_314] {strides = array<i32>} : memref<64x128xf32, #tpu.memory_space<vmem>>, vector<1x16xf32>,
      %swap3A_316 = vector.shape_cast %swap3A_315 : vector<1x16xf32> to vector<16xf32>
      %swap3A_317 = vector.shape_cast %get3A_312 : vector<16xf32> to vector<1x16xf32>
      tpu.vector_store %arg8[%swap3A_313, %swap3A_314], %swap3A_317 {add = true, strides = array<i32>} : memref<64x128xf32, #tpu.memory_space<vmem>>, vector<1x16xf32>,
      %get3A_318 = arith.index_cast %scan3A_256 : i32 to index
      %get3A_319 = arith.constant 112 : index
      %get3A_320 = tpu.vector_load %arg10[%get3A_318, %get3A_319] {strides = array<i32>} : memref<64x128xf32, #tpu.memory_space<vmem>>, vector<1x16xf32>,
      %get3A_321 = vector.shape_cast %get3A_320 : vector<1x16xf32> to vector<16xf32>
      %swap3A_322 = arith.index_cast %scan3A_256 : i32 to index
      %swap3A_323 = arith.constant 112 : index
      %swap3A_324 = tpu.vector_load %arg8[%swap3A_322, %swap3A_323] {strides = array<i32>} : memref<64x128xf32, #tpu.memory_space<vmem>>, vector<1x16xf32>,
      %swap3A_325 = vector.shape_cast %swap3A_324 : vector<1x16xf32> to vector<16xf32>
      %swap3A_326 = vector.shape_cast %get3A_321 : vector<16xf32> to vector<1x16xf32>
      tpu.vector_store %arg8[%swap3A_322, %swap3A_323], %swap3A_326 {add = true, strides = array<i32>} : memref<64x128xf32, #tpu.memory_space<vmem>>, vector<1x16xf32>,
      %scan3A_327 = arith.constant 1 : i32
      %scan3A_328 = arith.addi %scan3A_256, %scan3A_327 : i32
      %get3A_329 = arith.index_cast %scan3A_328 : i32 to index
      %get3A_330 = arith.constant 0 : index
      %get3A_331 = tpu.vector_load %arg10[%get3A_329, %get3A_330] {strides = array<i32>} : memref<64x128xf32, #tpu.memory_space<vmem>>, vector<1x16xf32>,
      %get3A_332 = vector.shape_cast %get3A_331 : vector<1x16xf32> to vector<16xf32>
      %swap3A_333 = arith.index_cast %scan3A_328 : i32 to index
      %swap3A_334 = arith.constant 0 : index
      %swap3A_335 = tpu.vector_load %arg8[%swap3A_333, %swap3A_334] {strides = array<i32>} : memref<64x128xf32, #tpu.memory_space<vmem>>, vector<1x16xf32>,
      %swap3A_336 = vector.shape_cast %swap3A_335 : vector<1x16xf32> to vector<16xf32>
      %swap3A_337 = vector.shape_cast %get3A_332 : vector<16xf32> to vector<1x16xf32>
      tpu.vector_store %arg8[%swap3A_333, %swap3A_334], %swap3A_337 {add = true, strides = array<i32>} : memref<64x128xf32, #tpu.memory_space<vmem>>, vector<1x16xf32>,
      %get3A_338 = arith.index_cast %scan3A_328 : i32 to index
      %get3A_339 = arith.constant 16 : index
      %get3A_340 = tpu.vector_load %arg10[%get3A_338, %get3A_339] {strides = array<i32>} : memref<64x128xf32, #tpu.memory_space<vmem>>, vector<1x16xf32>,
      %get3A_341 = vector.shape_cast %get3A_340 : vector<1x16xf32> to vector<16xf32>
      %swap3A_342 = arith.index_cast %scan3A_328 : i32 to index
      %swap3A_343 = arith.constant 16 : index
      %swap3A_344 = tpu.vector_load %arg8[%swap3A_342, %swap3A_343] {strides = array<i32>} : memref<64x128xf32, #tpu.memory_space<vmem>>, vector<1x16xf32>,
      %swap3A_345 = vector.shape_cast %swap3A_344 : vector<1x16xf32> to vector<16xf32>
      %swap3A_346 = vector.shape_cast %get3A_341 : vector<16xf32> to vector<1x16xf32>
      tpu.vector_store %arg8[%swap3A_342, %swap3A_343], %swap3A_346 {add = true, strides = array<i32>} : memref<64x128xf32, #tpu.memory_space<vmem>>, vector<1x16xf32>,
      %get3A_347 = arith.index_cast %scan3A_328 : i32 to index
      %get3A_348 = arith.constant 32 : index
      %get3A_349 = tpu.vector_load %arg10[%get3A_347, %get3A_348] {strides = array<i32>} : memref<64x128xf32, #tpu.memory_space<vmem>>, vector<1x16xf32>,
      %get3A_350 = vector.shape_cast %get3A_349 : vector<1x16xf32> to vector<16xf32>
      %swap3A_351 = arith.index_cast %scan3A_328 : i32 to index
      %swap3A_352 = arith.constant 32 : index
      %swap3A_353 = tpu.vector_load %arg8[%swap3A_351, %swap3A_352] {strides = array<i32>} : memref<64x128xf32, #tpu.memory_space<vmem>>, vector<1x16xf32>,
      %swap3A_354 = vector.shape_cast %swap3A_353 : vector<1x16xf32> to vector<16xf32>
      %swap3A_355 = vector.shape_cast %get3A_350 : vector<16xf32> to vector<1x16xf32>
      tpu.vector_store %arg8[%swap3A_351, %swap3A_352], %swap3A_355 {add = true, strides = array<i32>} : memref<64x128xf32, #tpu.memory_space<vmem>>, vector<1x16xf32>,
      %get3A_356 = arith.index_cast %scan3A_328 : i32 to index
      %get3A_357 = arith.constant 48 : index
      %get3A_358 = tpu.vector_load %arg10[%get3A_356, %get3A_357] {strides = array<i32>} : memref<64x128xf32, #tpu.memory_space<vmem>>, vector<1x16xf32>,
      %get3A_359 = vector.shape_cast %get3A_358 : vector<1x16xf32> to vector<16xf32>
      %swap3A_360 = arith.index_cast %scan3A_328 : i32 to index
      %swap3A_361 = arith.constant 48 : index
      %swap3A_362 = tpu.vector_load %arg8[%swap3A_360, %swap3A_361] {strides = array<i32>} : memref<64x128xf32, #tpu.memory_space<vmem>>, vector<1x16xf32>,
      %swap3A_363 = vector.shape_cast %swap3A_362 : vector<1x16xf32> to vector<16xf32>
      %swap3A_364 = vector.shape_cast %get3A_359 : vector<16xf32> to vector<1x16xf32>
      tpu.vector_store %arg8[%swap3A_360, %swap3A_361], %swap3A_364 {add = true, strides = array<i32>} : memref<64x128xf32, #tpu.memory_space<vmem>>, vector<1x16xf32>,
      %get3A_365 = arith.index_cast %scan3A_328 : i32 to index
      %get3A_366 = arith.constant 64 : index
      %get3A_367 = tpu.vector_load %arg10[%get3A_365, %get3A_366] {strides = array<i32>} : memref<64x128xf32, #tpu.memory_space<vmem>>, vector<1x16xf32>,
      %get3A_368 = vector.shape_cast %get3A_367 : vector<1x16xf32> to vector<16xf32>
      %swap3A_369 = arith.index_cast %scan3A_328 : i32 to index
      %swap3A_370 = arith.constant 64 : index
      %swap3A_371 = tpu.vector_load %arg8[%swap3A_369, %swap3A_370] {strides = array<i32>} : memref<64x128xf32, #tpu.memory_space<vmem>>, vector<1x16xf32>,
      %swap3A_372 = vector.shape_cast %swap3A_371 : vector<1x16xf32> to vector<16xf32>
      %swap3A_373 = vector.shape_cast %get3A_368 : vector<16xf32> to vector<1x16xf32>
      tpu.vector_store %arg8[%swap3A_369, %swap3A_370], %swap3A_373 {add = true, strides = array<i32>} : memref<64x128xf32, #tpu.memory_space<vmem>>, vector<1x16xf32>,
      %get3A_374 = arith.index_cast %scan3A_328 : i32 to index
      %get3A_375 = arith.constant 80 : index
      %get3A_376 = tpu.vector_load %arg10[%get3A_374, %get3A_375] {strides = array<i32>} : memref<64x128xf32, #tpu.memory_space<vmem>>, vector<1x16xf32>,
      %get3A_377 = vector.shape_cast %get3A_376 : vector<1x16xf32> to vector<16xf32>
      %swap3A_378 = arith.index_cast %scan3A_328 : i32 to index
      %swap3A_379 = arith.constant 80 : index
      %swap3A_380 = tpu.vector_load %arg8[%swap3A_378, %swap3A_379] {strides = array<i32>} : memref<64x128xf32, #tpu.memory_space<vmem>>, vector<1x16xf32>,
      %swap3A_381 = vector.shape_cast %swap3A_380 : vector<1x16xf32> to vector<16xf32>
      %swap3A_382 = vector.shape_cast %get3A_377 : vector<16xf32> to vector<1x16xf32>
      tpu.vector_store %arg8[%swap3A_378, %swap3A_379], %swap3A_382 {add = true, strides = array<i32>} : memref<64x128xf32, #tpu.memory_space<vmem>>, vector<1x16xf32>,
      %get3A_383 = arith.index_cast %scan3A_328 : i32 to index
      %get3A_384 = arith.constant 96 : index
      %get3A_385 = tpu.vector_load %arg10[%get3A_383, %get3A_384] {strides = array<i32>} : memref<64x128xf32, #tpu.memory_space<vmem>>, vector<1x16xf32>,
      %get3A_386 = vector.shape_cast %get3A_385 : vector<1x16xf32> to vector<16xf32>
      %swap3A_387 = arith.index_cast %scan3A_328 : i32 to index
      %swap3A_388 = arith.constant 96 : index
      %swap3A_389 = tpu.vector_load %arg8[%swap3A_387, %swap3A_388] {strides = array<i32>} : memref<64x128xf32, #tpu.memory_space<vmem>>, vector<1x16xf32>,
      %swap3A_390 = vector.shape_cast %swap3A_389 : vector<1x16xf32> to vector<16xf32>
      %swap3A_391 = vector.shape_cast %get3A_386 : vector<16xf32> to vector<1x16xf32>
      tpu.vector_store %arg8[%swap3A_387, %swap3A_388], %swap3A_391 {add = true, strides = array<i32>} : memref<64x128xf32, #tpu.memory_space<vmem>>, vector<1x16xf32>,
      %get3A_392 = arith.index_cast %scan3A_328 : i32 to index
      %get3A_393 = arith.constant 112 : index
      %get3A_394 = tpu.vector_load %arg10[%get3A_392, %get3A_393] {strides = array<i32>} : memref<64x128xf32, #tpu.memory_space<vmem>>, vector<1x16xf32>,
      %get3A_395 = vector.shape_cast %get3A_394 : vector<1x16xf32> to vector<16xf32>
      %swap3A_396 = arith.index_cast %scan3A_328 : i32 to index
      %swap3A_397 = arith.constant 112 : index
      %swap3A_398 = tpu.vector_load %arg8[%swap3A_396, %swap3A_397] {strides = array<i32>} : memref<64x128xf32, #tpu.memory_space<vmem>>, vector<1x16xf32>,
      %swap3A_399 = vector.shape_cast %swap3A_398 : vector<1x16xf32> to vector<16xf32>
      %swap3A_400 = vector.shape_cast %get3A_395 : vector<16xf32> to vector<1x16xf32>
      tpu.vector_store %arg8[%swap3A_396, %swap3A_397], %swap3A_400 {add = true, strides = array<i32>} : memref<64x128xf32, #tpu.memory_space<vmem>>, vector<1x16xf32>,
    }
    %scan3A_82 = arith.constant 64 : i32
    %add3A_83 = arith.constant 8192 : i32
    %add3A_84 = arith.addi %add3A_83, %mul3A_2 : i32
    "tpu.region"() ({
      %run_scoped3A = tpu.sem_alloc : memref<!tpu.dma_semaphore, #tpu.memory_space<semaphore_mem>>
      %dma_start3A_256 = arith.constant 0 : i32
      %dma_start3A_257 = tpu.memref_slice %arg5[%add3A_84, %dma_start3A_256] : memref<32768x128xf32, #tpu.memory_space<hbm>> -> memref<64x128xf32, #tpu.memory_space<hbm>>
      %dma_start3A_258 = arith.constant 0 : i32
      %dma_start3A_259 = tpu.memref_slice %arg5[%add3A_84, %dma_start3A_258] : memref<32768x128xf32, #tpu.memory_space<hbm>> -> memref<64x128xf32, #tpu.memory_space<hbm>>
      tpu.enqueue_dma source(%arg8 : memref<64x128xf32, #tpu.memory_space<vmem>>) target(%dma_start3A_259 : memref<64x128xf32, #tpu.memory_space<hbm>>) target_semaphore(%run_scoped3A : memref<!tpu.dma_semaphore, #tpu.memory_space<semaphore_mem>>)
      %dma_wait3A_260 = arith.constant 0 : i32
      %dma_wait3A_261 = tpu.memref_slice %arg5[%add3A_84, %dma_wait3A_260] : memref<32768x128xf32, #tpu.memory_space<hbm>> -> memref<64x128xf32, #tpu.memory_space<hbm>>
      %dma_wait3A_262 = arith.constant 0 : i32
      %dma_wait3A_263 = tpu.memref_slice %arg5[%add3A_84, %dma_wait3A_262] : memref<32768x128xf32, #tpu.memory_space<hbm>> -> memref<64x128xf32, #tpu.memory_space<hbm>>
      tpu.wait_dma2 semaphore(%run_scoped3A : memref<!tpu.dma_semaphore, #tpu.memory_space<semaphore_mem>>) src(%arg8 : memref<64x128xf32, #tpu.memory_space<vmem>>) dst(%dma_wait3A_263 : memref<64x128xf32, #tpu.memory_space<hbm>>)
      tpu.yield
    }) : () -> ()
    %add3A_85 = arith.constant 12288 : i32
    %add3A_86 = arith.addi %add3A_85, %mul3A_2 : i32
    "tpu.region"() ({
      %run_scoped3A = tpu.sem_alloc : memref<!tpu.dma_semaphore, #tpu.memory_space<semaphore_mem>>
      %dma_start3A_256 = tpu.memref_slice %arg2[%add3A_86] : memref<32768xi32, #tpu.memory_space<hbm>> -> memref<64xi32, #tpu.memory_space<hbm>>
      %dma_start3A_257 = tpu.memref_slice %arg2[%add3A_86] : memref<32768xi32, #tpu.memory_space<hbm>> -> memref<64xi32, #tpu.memory_space<hbm>>
      tpu.enqueue_dma source(%dma_start3A_257 : memref<64xi32, #tpu.memory_space<hbm>>) target(%arg6 : memref<64xi32, #tpu.memory_space<vmem>>) target_semaphore(%run_scoped3A : memref<!tpu.dma_semaphore, #tpu.memory_space<semaphore_mem>>)
      %dma_wait3A_258 = tpu.memref_slice %arg2[%add3A_86] : memref<32768xi32, #tpu.memory_space<hbm>> -> memref<64xi32, #tpu.memory_space<hbm>>
      %dma_wait3A_259 = tpu.memref_slice %arg2[%add3A_86] : memref<32768xi32, #tpu.memory_space<hbm>> -> memref<64xi32, #tpu.memory_space<hbm>>
      tpu.wait_dma2 semaphore(%run_scoped3A : memref<!tpu.dma_semaphore, #tpu.memory_space<semaphore_mem>>) src(%dma_wait3A_259 : memref<64xi32, #tpu.memory_space<hbm>>) dst(%arg6 : memref<64xi32, #tpu.memory_space<vmem>>)
      tpu.yield
    }) : () -> ()
    %dma_start3A_87 = arith.constant 0 : i32
    %dma_start3A_88 = arith.constant 0 : i32
    %dma_start3A_89 = tpu.memref_slice %arg3[%dma_start3A_87, %dma_start3A_88] : memref<100000x128xf32, #tpu.memory_space<hbm>> -> memref<100000x128xf32, #tpu.memory_space<hbm>>
    tpu.enqueue_indirect_dma source(%dma_start3A_89 : memref<100000x128xf32, #tpu.memory_space<hbm>>) target(%arg8 : memref<64x128xf32, #tpu.memory_space<vmem>>) offsets(%arg6 : memref<64xi32, #tpu.memory_space<vmem>>) semaphore(%arg11 : memref<!tpu.dma_semaphore, #tpu.memory_space<semaphore_mem>>)
    %dma_wait3A_90 = arith.constant 0 : i32
    %dma_wait3A_91 = arith.constant 0 : i32
    %dma_wait3A_92 = tpu.memref_slice %arg3[%dma_wait3A_90, %dma_wait3A_91] : memref<100000x128xf32, #tpu.memory_space<hbm>> -> memref<100000x128xf32, #tpu.memory_space<hbm>>
    tpu.wait_indirect_dma semaphore(%arg12 : memref<!tpu.dma_semaphore, #tpu.memory_space<semaphore_mem>>) src(%dma_wait3A_92 : memref<100000x128xf32, #tpu.memory_space<hbm>>) dst(%arg9 : memref<64x128xf32, #tpu.memory_space<vmem>>)
    %scan3A_93 = arith.constant 0 : i32
    %scan3A_94 = arith.constant 0 : i32
    %scan3A_95 = arith.constant 64 : i32
    %scan3A_96 = arith.addi %scan3A_94, %scan3A_95 : i32
    %scan3A_97 = arith.constant 2 : i32
    scf.for %scan3A_256 = %scan3A_94 to %scan3A_96 step %scan3A_97  : i32 {
      %get3A = arith.index_cast %scan3A_256 : i32 to index
      %get3A_257 = arith.constant 0 : index
      %get3A_258 = tpu.vector_load %arg10[%get3A, %get3A_257] {strides = array<i32>} : memref<64x128xf32, #tpu.memory_space<vmem>>, vector<1x16xf32>,
      %get3A_259 = vector.shape_cast %get3A_258 : vector<1x16xf32> to vector<16xf32>
      %swap3A = arith.index_cast %scan3A_256 : i32 to index
      %swap3A_260 = arith.constant 0 : index
      %swap3A_261 = tpu.vector_load %arg9[%swap3A, %swap3A_260] {strides = array<i32>} : memref<64x128xf32, #tpu.memory_space<vmem>>, vector<1x16xf32>,
      %swap3A_262 = vector.shape_cast %swap3A_261 : vector<1x16xf32> to vector<16xf32>
      %swap3A_263 = vector.shape_cast %get3A_259 : vector<16xf32> to vector<1x16xf32>
      tpu.vector_store %arg9[%swap3A, %swap3A_260], %swap3A_263 {add = true, strides = array<i32>} : memref<64x128xf32, #tpu.memory_space<vmem>>, vector<1x16xf32>,
      %get3A_264 = arith.index_cast %scan3A_256 : i32 to index
      %get3A_265 = arith.constant 16 : index
      %get3A_266 = tpu.vector_load %arg10[%get3A_264, %get3A_265] {strides = array<i32>} : memref<64x128xf32, #tpu.memory_space<vmem>>, vector<1x16xf32>,
      %get3A_267 = vector.shape_cast %get3A_266 : vector<1x16xf32> to vector<16xf32>
      %swap3A_268 = arith.index_cast %scan3A_256 : i32 to index
      %swap3A_269 = arith.constant 16 : index
      %swap3A_270 = tpu.vector_load %arg9[%swap3A_268, %swap3A_269] {strides = array<i32>} : memref<64x128xf32, #tpu.memory_space<vmem>>, vector<1x16xf32>,
      %swap3A_271 = vector.shape_cast %swap3A_270 : vector<1x16xf32> to vector<16xf32>
      %swap3A_272 = vector.shape_cast %get3A_267 : vector<16xf32> to vector<1x16xf32>
      tpu.vector_store %arg9[%swap3A_268, %swap3A_269], %swap3A_272 {add = true, strides = array<i32>} : memref<64x128xf32, #tpu.memory_space<vmem>>, vector<1x16xf32>,
      %get3A_273 = arith.index_cast %scan3A_256 : i32 to index
      %get3A_274 = arith.constant 32 : index
      %get3A_275 = tpu.vector_load %arg10[%get3A_273, %get3A_274] {strides = array<i32>} : memref<64x128xf32, #tpu.memory_space<vmem>>, vector<1x16xf32>,
      %get3A_276 = vector.shape_cast %get3A_275 : vector<1x16xf32> to vector<16xf32>
      %swap3A_277 = arith.index_cast %scan3A_256 : i32 to index
      %swap3A_278 = arith.constant 32 : index
      %swap3A_279 = tpu.vector_load %arg9[%swap3A_277, %swap3A_278] {strides = array<i32>} : memref<64x128xf32, #tpu.memory_space<vmem>>, vector<1x16xf32>,
      %swap3A_280 = vector.shape_cast %swap3A_279 : vector<1x16xf32> to vector<16xf32>
      %swap3A_281 = vector.shape_cast %get3A_276 : vector<16xf32> to vector<1x16xf32>
      tpu.vector_store %arg9[%swap3A_277, %swap3A_278], %swap3A_281 {add = true, strides = array<i32>} : memref<64x128xf32, #tpu.memory_space<vmem>>, vector<1x16xf32>,
      %get3A_282 = arith.index_cast %scan3A_256 : i32 to index
      %get3A_283 = arith.constant 48 : index
      %get3A_284 = tpu.vector_load %arg10[%get3A_282, %get3A_283] {strides = array<i32>} : memref<64x128xf32, #tpu.memory_space<vmem>>, vector<1x16xf32>,
      %get3A_285 = vector.shape_cast %get3A_284 : vector<1x16xf32> to vector<16xf32>
      %swap3A_286 = arith.index_cast %scan3A_256 : i32 to index
      %swap3A_287 = arith.constant 48 : index
      %swap3A_288 = tpu.vector_load %arg9[%swap3A_286, %swap3A_287] {strides = array<i32>} : memref<64x128xf32, #tpu.memory_space<vmem>>, vector<1x16xf32>,
      %swap3A_289 = vector.shape_cast %swap3A_288 : vector<1x16xf32> to vector<16xf32>
      %swap3A_290 = vector.shape_cast %get3A_285 : vector<16xf32> to vector<1x16xf32>
      tpu.vector_store %arg9[%swap3A_286, %swap3A_287], %swap3A_290 {add = true, strides = array<i32>} : memref<64x128xf32, #tpu.memory_space<vmem>>, vector<1x16xf32>,
      %get3A_291 = arith.index_cast %scan3A_256 : i32 to index
      %get3A_292 = arith.constant 64 : index
      %get3A_293 = tpu.vector_load %arg10[%get3A_291, %get3A_292] {strides = array<i32>} : memref<64x128xf32, #tpu.memory_space<vmem>>, vector<1x16xf32>,
      %get3A_294 = vector.shape_cast %get3A_293 : vector<1x16xf32> to vector<16xf32>
      %swap3A_295 = arith.index_cast %scan3A_256 : i32 to index
      %swap3A_296 = arith.constant 64 : index
      %swap3A_297 = tpu.vector_load %arg9[%swap3A_295, %swap3A_296] {strides = array<i32>} : memref<64x128xf32, #tpu.memory_space<vmem>>, vector<1x16xf32>,
      %swap3A_298 = vector.shape_cast %swap3A_297 : vector<1x16xf32> to vector<16xf32>
      %swap3A_299 = vector.shape_cast %get3A_294 : vector<16xf32> to vector<1x16xf32>
      tpu.vector_store %arg9[%swap3A_295, %swap3A_296], %swap3A_299 {add = true, strides = array<i32>} : memref<64x128xf32, #tpu.memory_space<vmem>>, vector<1x16xf32>,
      %get3A_300 = arith.index_cast %scan3A_256 : i32 to index
      %get3A_301 = arith.constant 80 : index
      %get3A_302 = tpu.vector_load %arg10[%get3A_300, %get3A_301] {strides = array<i32>} : memref<64x128xf32, #tpu.memory_space<vmem>>, vector<1x16xf32>,
      %get3A_303 = vector.shape_cast %get3A_302 : vector<1x16xf32> to vector<16xf32>
      %swap3A_304 = arith.index_cast %scan3A_256 : i32 to index
      %swap3A_305 = arith.constant 80 : index
      %swap3A_306 = tpu.vector_load %arg9[%swap3A_304, %swap3A_305] {strides = array<i32>} : memref<64x128xf32, #tpu.memory_space<vmem>>, vector<1x16xf32>,
      %swap3A_307 = vector.shape_cast %swap3A_306 : vector<1x16xf32> to vector<16xf32>
      %swap3A_308 = vector.shape_cast %get3A_303 : vector<16xf32> to vector<1x16xf32>
      tpu.vector_store %arg9[%swap3A_304, %swap3A_305], %swap3A_308 {add = true, strides = array<i32>} : memref<64x128xf32, #tpu.memory_space<vmem>>, vector<1x16xf32>,
      %get3A_309 = arith.index_cast %scan3A_256 : i32 to index
      %get3A_310 = arith.constant 96 : index
      %get3A_311 = tpu.vector_load %arg10[%get3A_309, %get3A_310] {strides = array<i32>} : memref<64x128xf32, #tpu.memory_space<vmem>>, vector<1x16xf32>,
      %get3A_312 = vector.shape_cast %get3A_311 : vector<1x16xf32> to vector<16xf32>
      %swap3A_313 = arith.index_cast %scan3A_256 : i32 to index
      %swap3A_314 = arith.constant 96 : index
      %swap3A_315 = tpu.vector_load %arg9[%swap3A_313, %swap3A_314] {strides = array<i32>} : memref<64x128xf32, #tpu.memory_space<vmem>>, vector<1x16xf32>,
      %swap3A_316 = vector.shape_cast %swap3A_315 : vector<1x16xf32> to vector<16xf32>
      %swap3A_317 = vector.shape_cast %get3A_312 : vector<16xf32> to vector<1x16xf32>
      tpu.vector_store %arg9[%swap3A_313, %swap3A_314], %swap3A_317 {add = true, strides = array<i32>} : memref<64x128xf32, #tpu.memory_space<vmem>>, vector<1x16xf32>,
      %get3A_318 = arith.index_cast %scan3A_256 : i32 to index
      %get3A_319 = arith.constant 112 : index
      %get3A_320 = tpu.vector_load %arg10[%get3A_318, %get3A_319] {strides = array<i32>} : memref<64x128xf32, #tpu.memory_space<vmem>>, vector<1x16xf32>,
      %get3A_321 = vector.shape_cast %get3A_320 : vector<1x16xf32> to vector<16xf32>
      %swap3A_322 = arith.index_cast %scan3A_256 : i32 to index
      %swap3A_323 = arith.constant 112 : index
      %swap3A_324 = tpu.vector_load %arg9[%swap3A_322, %swap3A_323] {strides = array<i32>} : memref<64x128xf32, #tpu.memory_space<vmem>>, vector<1x16xf32>,
      %swap3A_325 = vector.shape_cast %swap3A_324 : vector<1x16xf32> to vector<16xf32>
      %swap3A_326 = vector.shape_cast %get3A_321 : vector<16xf32> to vector<1x16xf32>
      tpu.vector_store %arg9[%swap3A_322, %swap3A_323], %swap3A_326 {add = true, strides = array<i32>} : memref<64x128xf32, #tpu.memory_space<vmem>>, vector<1x16xf32>,
      %scan3A_327 = arith.constant 1 : i32
      %scan3A_328 = arith.addi %scan3A_256, %scan3A_327 : i32
      %get3A_329 = arith.index_cast %scan3A_328 : i32 to index
      %get3A_330 = arith.constant 0 : index
      %get3A_331 = tpu.vector_load %arg10[%get3A_329, %get3A_330] {strides = array<i32>} : memref<64x128xf32, #tpu.memory_space<vmem>>, vector<1x16xf32>,
      %get3A_332 = vector.shape_cast %get3A_331 : vector<1x16xf32> to vector<16xf32>
      %swap3A_333 = arith.index_cast %scan3A_328 : i32 to index
      %swap3A_334 = arith.constant 0 : index
      %swap3A_335 = tpu.vector_load %arg9[%swap3A_333, %swap3A_334] {strides = array<i32>} : memref<64x128xf32, #tpu.memory_space<vmem>>, vector<1x16xf32>,
      %swap3A_336 = vector.shape_cast %swap3A_335 : vector<1x16xf32> to vector<16xf32>
      %swap3A_337 = vector.shape_cast %get3A_332 : vector<16xf32> to vector<1x16xf32>
      tpu.vector_store %arg9[%swap3A_333, %swap3A_334], %swap3A_337 {add = true, strides = array<i32>} : memref<64x128xf32, #tpu.memory_space<vmem>>, vector<1x16xf32>,
      %get3A_338 = arith.index_cast %scan3A_328 : i32 to index
      %get3A_339 = arith.constant 16 : index
      %get3A_340 = tpu.vector_load %arg10[%get3A_338, %get3A_339] {strides = array<i32>} : memref<64x128xf32, #tpu.memory_space<vmem>>, vector<1x16xf32>,
      %get3A_341 = vector.shape_cast %get3A_340 : vector<1x16xf32> to vector<16xf32>
      %swap3A_342 = arith.index_cast %scan3A_328 : i32 to index
      %swap3A_343 = arith.constant 16 : index
      %swap3A_344 = tpu.vector_load %arg9[%swap3A_342, %swap3A_343] {strides = array<i32>} : memref<64x128xf32, #tpu.memory_space<vmem>>, vector<1x16xf32>,
      %swap3A_345 = vector.shape_cast %swap3A_344 : vector<1x16xf32> to vector<16xf32>
      %swap3A_346 = vector.shape_cast %get3A_341 : vector<16xf32> to vector<1x16xf32>
      tpu.vector_store %arg9[%swap3A_342, %swap3A_343], %swap3A_346 {add = true, strides = array<i32>} : memref<64x128xf32, #tpu.memory_space<vmem>>, vector<1x16xf32>,
      %get3A_347 = arith.index_cast %scan3A_328 : i32 to index
      %get3A_348 = arith.constant 32 : index
      %get3A_349 = tpu.vector_load %arg10[%get3A_347, %get3A_348] {strides = array<i32>} : memref<64x128xf32, #tpu.memory_space<vmem>>, vector<1x16xf32>,
      %get3A_350 = vector.shape_cast %get3A_349 : vector<1x16xf32> to vector<16xf32>
      %swap3A_351 = arith.index_cast %scan3A_328 : i32 to index
      %swap3A_352 = arith.constant 32 : index
      %swap3A_353 = tpu.vector_load %arg9[%swap3A_351, %swap3A_352] {strides = array<i32>} : memref<64x128xf32, #tpu.memory_space<vmem>>, vector<1x16xf32>,
      %swap3A_354 = vector.shape_cast %swap3A_353 : vector<1x16xf32> to vector<16xf32>
      %swap3A_355 = vector.shape_cast %get3A_350 : vector<16xf32> to vector<1x16xf32>
      tpu.vector_store %arg9[%swap3A_351, %swap3A_352], %swap3A_355 {add = true, strides = array<i32>} : memref<64x128xf32, #tpu.memory_space<vmem>>, vector<1x16xf32>,
      %get3A_356 = arith.index_cast %scan3A_328 : i32 to index
      %get3A_357 = arith.constant 48 : index
      %get3A_358 = tpu.vector_load %arg10[%get3A_356, %get3A_357] {strides = array<i32>} : memref<64x128xf32, #tpu.memory_space<vmem>>, vector<1x16xf32>,
      %get3A_359 = vector.shape_cast %get3A_358 : vector<1x16xf32> to vector<16xf32>
      %swap3A_360 = arith.index_cast %scan3A_328 : i32 to index
      %swap3A_361 = arith.constant 48 : index
      %swap3A_362 = tpu.vector_load %arg9[%swap3A_360, %swap3A_361] {strides = array<i32>} : memref<64x128xf32, #tpu.memory_space<vmem>>, vector<1x16xf32>,
      %swap3A_363 = vector.shape_cast %swap3A_362 : vector<1x16xf32> to vector<16xf32>
      %swap3A_364 = vector.shape_cast %get3A_359 : vector<16xf32> to vector<1x16xf32>
      tpu.vector_store %arg9[%swap3A_360, %swap3A_361], %swap3A_364 {add = true, strides = array<i32>} : memref<64x128xf32, #tpu.memory_space<vmem>>, vector<1x16xf32>,
      %get3A_365 = arith.index_cast %scan3A_328 : i32 to index
      %get3A_366 = arith.constant 64 : index
      %get3A_367 = tpu.vector_load %arg10[%get3A_365, %get3A_366] {strides = array<i32>} : memref<64x128xf32, #tpu.memory_space<vmem>>, vector<1x16xf32>,
      %get3A_368 = vector.shape_cast %get3A_367 : vector<1x16xf32> to vector<16xf32>
      %swap3A_369 = arith.index_cast %scan3A_328 : i32 to index
      %swap3A_370 = arith.constant 64 : index
      %swap3A_371 = tpu.vector_load %arg9[%swap3A_369, %swap3A_370] {strides = array<i32>} : memref<64x128xf32, #tpu.memory_space<vmem>>, vector<1x16xf32>,
      %swap3A_372 = vector.shape_cast %swap3A_371 : vector<1x16xf32> to vector<16xf32>
      %swap3A_373 = vector.shape_cast %get3A_368 : vector<16xf32> to vector<1x16xf32>
      tpu.vector_store %arg9[%swap3A_369, %swap3A_370], %swap3A_373 {add = true, strides = array<i32>} : memref<64x128xf32, #tpu.memory_space<vmem>>, vector<1x16xf32>,
      %get3A_374 = arith.index_cast %scan3A_328 : i32 to index
      %get3A_375 = arith.constant 80 : index
      %get3A_376 = tpu.vector_load %arg10[%get3A_374, %get3A_375] {strides = array<i32>} : memref<64x128xf32, #tpu.memory_space<vmem>>, vector<1x16xf32>,
      %get3A_377 = vector.shape_cast %get3A_376 : vector<1x16xf32> to vector<16xf32>
      %swap3A_378 = arith.index_cast %scan3A_328 : i32 to index
      %swap3A_379 = arith.constant 80 : index
      %swap3A_380 = tpu.vector_load %arg9[%swap3A_378, %swap3A_379] {strides = array<i32>} : memref<64x128xf32, #tpu.memory_space<vmem>>, vector<1x16xf32>,
      %swap3A_381 = vector.shape_cast %swap3A_380 : vector<1x16xf32> to vector<16xf32>
      %swap3A_382 = vector.shape_cast %get3A_377 : vector<16xf32> to vector<1x16xf32>
      tpu.vector_store %arg9[%swap3A_378, %swap3A_379], %swap3A_382 {add = true, strides = array<i32>} : memref<64x128xf32, #tpu.memory_space<vmem>>, vector<1x16xf32>,
      %get3A_383 = arith.index_cast %scan3A_328 : i32 to index
      %get3A_384 = arith.constant 96 : index
      %get3A_385 = tpu.vector_load %arg10[%get3A_383, %get3A_384] {strides = array<i32>} : memref<64x128xf32, #tpu.memory_space<vmem>>, vector<1x16xf32>,
      %get3A_386 = vector.shape_cast %get3A_385 : vector<1x16xf32> to vector<16xf32>
      %swap3A_387 = arith.index_cast %scan3A_328 : i32 to index
      %swap3A_388 = arith.constant 96 : index
      %swap3A_389 = tpu.vector_load %arg9[%swap3A_387, %swap3A_388] {strides = array<i32>} : memref<64x128xf32, #tpu.memory_space<vmem>>, vector<1x16xf32>,
      %swap3A_390 = vector.shape_cast %swap3A_389 : vector<1x16xf32> to vector<16xf32>
      %swap3A_391 = vector.shape_cast %get3A_386 : vector<16xf32> to vector<1x16xf32>
      tpu.vector_store %arg9[%swap3A_387, %swap3A_388], %swap3A_391 {add = true, strides = array<i32>} : memref<64x128xf32, #tpu.memory_space<vmem>>, vector<1x16xf32>,
      %get3A_392 = arith.index_cast %scan3A_328 : i32 to index
      %get3A_393 = arith.constant 112 : index
      %get3A_394 = tpu.vector_load %arg10[%get3A_392, %get3A_393] {strides = array<i32>} : memref<64x128xf32, #tpu.memory_space<vmem>>, vector<1x16xf32>,
      %get3A_395 = vector.shape_cast %get3A_394 : vector<1x16xf32> to vector<16xf32>
      %swap3A_396 = arith.index_cast %scan3A_328 : i32 to index
      %swap3A_397 = arith.constant 112 : index
      %swap3A_398 = tpu.vector_load %arg9[%swap3A_396, %swap3A_397] {strides = array<i32>} : memref<64x128xf32, #tpu.memory_space<vmem>>, vector<1x16xf32>,
      %swap3A_399 = vector.shape_cast %swap3A_398 : vector<1x16xf32> to vector<16xf32>
      %swap3A_400 = vector.shape_cast %get3A_395 : vector<16xf32> to vector<1x16xf32>
      tpu.vector_store %arg9[%swap3A_396, %swap3A_397], %swap3A_400 {add = true, strides = array<i32>} : memref<64x128xf32, #tpu.memory_space<vmem>>, vector<1x16xf32>,
    }
    %scan3A_98 = arith.constant 64 : i32
    %add3A_99 = arith.constant 10240 : i32
    %add3A_100 = arith.addi %add3A_99, %mul3A_2 : i32
    "tpu.region"() ({
      %run_scoped3A = tpu.sem_alloc : memref<!tpu.dma_semaphore, #tpu.memory_space<semaphore_mem>>
      %dma_start3A_256 = arith.constant 0 : i32
      %dma_start3A_257 = tpu.memref_slice %arg5[%add3A_100, %dma_start3A_256] : memref<32768x128xf32, #tpu.memory_space<hbm>> -> memref<64x128xf32, #tpu.memory_space<hbm>>
      %dma_start3A_258 = arith.constant 0 : i32
      %dma_start3A_259 = tpu.memref_slice %arg5[%add3A_100, %dma_start3A_258] : memref<32768x128xf32, #tpu.memory_space<hbm>> -> memref<64x128xf32, #tpu.memory_space<hbm>>
      tpu.enqueue_dma source(%arg9 : memref<64x128xf32, #tpu.memory_space<vmem>>) target(%dma_start3A_259 : memref<64x128xf32, #tpu.memory_space<hbm>>) target_semaphore(%run_scoped3A : memref<!tpu.dma_semaphore, #tpu.memory_space<semaphore_mem>>)
      %dma_wait3A_260 = arith.constant 0 : i32
      %dma_wait3A_261 = tpu.memref_slice %arg5[%add3A_100, %dma_wait3A_260] : memref<32768x128xf32, #tpu.memory_space<hbm>> -> memref<64x128xf32, #tpu.memory_space<hbm>>
      %dma_wait3A_262 = arith.constant 0 : i32
      %dma_wait3A_263 = tpu.memref_slice %arg5[%add3A_100, %dma_wait3A_262] : memref<32768x128xf32, #tpu.memory_space<hbm>> -> memref<64x128xf32, #tpu.memory_space<hbm>>
      tpu.wait_dma2 semaphore(%run_scoped3A : memref<!tpu.dma_semaphore, #tpu.memory_space<semaphore_mem>>) src(%arg9 : memref<64x128xf32, #tpu.memory_space<vmem>>) dst(%dma_wait3A_263 : memref<64x128xf32, #tpu.memory_space<hbm>>)
      tpu.yield
    }) : () -> ()
    %add3A_101 = arith.constant 14336 : i32
    %add3A_102 = arith.addi %add3A_101, %mul3A_2 : i32
    "tpu.region"() ({
      %run_scoped3A = tpu.sem_alloc : memref<!tpu.dma_semaphore, #tpu.memory_space<semaphore_mem>>
      %dma_start3A_256 = tpu.memref_slice %arg2[%add3A_102] : memref<32768xi32, #tpu.memory_space<hbm>> -> memref<64xi32, #tpu.memory_space<hbm>>
      %dma_start3A_257 = tpu.memref_slice %arg2[%add3A_102] : memref<32768xi32, #tpu.memory_space<hbm>> -> memref<64xi32, #tpu.memory_space<hbm>>
      tpu.enqueue_dma source(%dma_start3A_257 : memref<64xi32, #tpu.memory_space<hbm>>) target(%arg7 : memref<64xi32, #tpu.memory_space<vmem>>) target_semaphore(%run_scoped3A : memref<!tpu.dma_semaphore, #tpu.memory_space<semaphore_mem>>)
      %dma_wait3A_258 = tpu.memref_slice %arg2[%add3A_102] : memref<32768xi32, #tpu.memory_space<hbm>> -> memref<64xi32, #tpu.memory_space<hbm>>
      %dma_wait3A_259 = tpu.memref_slice %arg2[%add3A_102] : memref<32768xi32, #tpu.memory_space<hbm>> -> memref<64xi32, #tpu.memory_space<hbm>>
      tpu.wait_dma2 semaphore(%run_scoped3A : memref<!tpu.dma_semaphore, #tpu.memory_space<semaphore_mem>>) src(%dma_wait3A_259 : memref<64xi32, #tpu.memory_space<hbm>>) dst(%arg7 : memref<64xi32, #tpu.memory_space<vmem>>)
      tpu.yield
    }) : () -> ()
    %dma_start3A_103 = arith.constant 0 : i32
    %dma_start3A_104 = arith.constant 0 : i32
    %dma_start3A_105 = tpu.memref_slice %arg3[%dma_start3A_103, %dma_start3A_104] : memref<100000x128xf32, #tpu.memory_space<hbm>> -> memref<100000x128xf32, #tpu.memory_space<hbm>>
    tpu.enqueue_indirect_dma source(%dma_start3A_105 : memref<100000x128xf32, #tpu.memory_space<hbm>>) target(%arg9 : memref<64x128xf32, #tpu.memory_space<vmem>>) offsets(%arg7 : memref<64xi32, #tpu.memory_space<vmem>>) semaphore(%arg12 : memref<!tpu.dma_semaphore, #tpu.memory_space<semaphore_mem>>)
    %dma_wait3A_106 = arith.constant 0 : i32
    %dma_wait3A_107 = arith.constant 0 : i32
    %dma_wait3A_108 = tpu.memref_slice %arg3[%dma_wait3A_106, %dma_wait3A_107] : memref<100000x128xf32, #tpu.memory_space<hbm>> -> memref<100000x128xf32, #tpu.memory_space<hbm>>
    tpu.wait_indirect_dma semaphore(%arg11 : memref<!tpu.dma_semaphore, #tpu.memory_space<semaphore_mem>>) src(%dma_wait3A_108 : memref<100000x128xf32, #tpu.memory_space<hbm>>) dst(%arg8 : memref<64x128xf32, #tpu.memory_space<vmem>>)
    %scan3A_109 = arith.constant 0 : i32
    %scan3A_110 = arith.constant 0 : i32
    %scan3A_111 = arith.constant 64 : i32
    %scan3A_112 = arith.addi %scan3A_110, %scan3A_111 : i32
    %scan3A_113 = arith.constant 2 : i32
    scf.for %scan3A_256 = %scan3A_110 to %scan3A_112 step %scan3A_113  : i32 {
      %get3A = arith.index_cast %scan3A_256 : i32 to index
      %get3A_257 = arith.constant 0 : index
      %get3A_258 = tpu.vector_load %arg10[%get3A, %get3A_257] {strides = array<i32>} : memref<64x128xf32, #tpu.memory_space<vmem>>, vector<1x16xf32>,
      %get3A_259 = vector.shape_cast %get3A_258 : vector<1x16xf32> to vector<16xf32>
      %swap3A = arith.index_cast %scan3A_256 : i32 to index
      %swap3A_260 = arith.constant 0 : index
      %swap3A_261 = tpu.vector_load %arg8[%swap3A, %swap3A_260] {strides = array<i32>} : memref<64x128xf32, #tpu.memory_space<vmem>>, vector<1x16xf32>,
      %swap3A_262 = vector.shape_cast %swap3A_261 : vector<1x16xf32> to vector<16xf32>
      %swap3A_263 = vector.shape_cast %get3A_259 : vector<16xf32> to vector<1x16xf32>
      tpu.vector_store %arg8[%swap3A, %swap3A_260], %swap3A_263 {add = true, strides = array<i32>} : memref<64x128xf32, #tpu.memory_space<vmem>>, vector<1x16xf32>,
      %get3A_264 = arith.index_cast %scan3A_256 : i32 to index
      %get3A_265 = arith.constant 16 : index
      %get3A_266 = tpu.vector_load %arg10[%get3A_264, %get3A_265] {strides = array<i32>} : memref<64x128xf32, #tpu.memory_space<vmem>>, vector<1x16xf32>,
      %get3A_267 = vector.shape_cast %get3A_266 : vector<1x16xf32> to vector<16xf32>
      %swap3A_268 = arith.index_cast %scan3A_256 : i32 to index
      %swap3A_269 = arith.constant 16 : index
      %swap3A_270 = tpu.vector_load %arg8[%swap3A_268, %swap3A_269] {strides = array<i32>} : memref<64x128xf32, #tpu.memory_space<vmem>>, vector<1x16xf32>,
      %swap3A_271 = vector.shape_cast %swap3A_270 : vector<1x16xf32> to vector<16xf32>
      %swap3A_272 = vector.shape_cast %get3A_267 : vector<16xf32> to vector<1x16xf32>
      tpu.vector_store %arg8[%swap3A_268, %swap3A_269], %swap3A_272 {add = true, strides = array<i32>} : memref<64x128xf32, #tpu.memory_space<vmem>>, vector<1x16xf32>,
      %get3A_273 = arith.index_cast %scan3A_256 : i32 to index
      %get3A_274 = arith.constant 32 : index
      %get3A_275 = tpu.vector_load %arg10[%get3A_273, %get3A_274] {strides = array<i32>} : memref<64x128xf32, #tpu.memory_space<vmem>>, vector<1x16xf32>,
      %get3A_276 = vector.shape_cast %get3A_275 : vector<1x16xf32> to vector<16xf32>
      %swap3A_277 = arith.index_cast %scan3A_256 : i32 to index
      %swap3A_278 = arith.constant 32 : index
      %swap3A_279 = tpu.vector_load %arg8[%swap3A_277, %swap3A_278] {strides = array<i32>} : memref<64x128xf32, #tpu.memory_space<vmem>>, vector<1x16xf32>,
      %swap3A_280 = vector.shape_cast %swap3A_279 : vector<1x16xf32> to vector<16xf32>
      %swap3A_281 = vector.shape_cast %get3A_276 : vector<16xf32> to vector<1x16xf32>
      tpu.vector_store %arg8[%swap3A_277, %swap3A_278], %swap3A_281 {add = true, strides = array<i32>} : memref<64x128xf32, #tpu.memory_space<vmem>>, vector<1x16xf32>,
      %get3A_282 = arith.index_cast %scan3A_256 : i32 to index
      %get3A_283 = arith.constant 48 : index
      %get3A_284 = tpu.vector_load %arg10[%get3A_282, %get3A_283] {strides = array<i32>} : memref<64x128xf32, #tpu.memory_space<vmem>>, vector<1x16xf32>,
      %get3A_285 = vector.shape_cast %get3A_284 : vector<1x16xf32> to vector<16xf32>
      %swap3A_286 = arith.index_cast %scan3A_256 : i32 to index
      %swap3A_287 = arith.constant 48 : index
      %swap3A_288 = tpu.vector_load %arg8[%swap3A_286, %swap3A_287] {strides = array<i32>} : memref<64x128xf32, #tpu.memory_space<vmem>>, vector<1x16xf32>,
      %swap3A_289 = vector.shape_cast %swap3A_288 : vector<1x16xf32> to vector<16xf32>
      %swap3A_290 = vector.shape_cast %get3A_285 : vector<16xf32> to vector<1x16xf32>
      tpu.vector_store %arg8[%swap3A_286, %swap3A_287], %swap3A_290 {add = true, strides = array<i32>} : memref<64x128xf32, #tpu.memory_space<vmem>>, vector<1x16xf32>,
      %get3A_291 = arith.index_cast %scan3A_256 : i32 to index
      %get3A_292 = arith.constant 64 : index
      %get3A_293 = tpu.vector_load %arg10[%get3A_291, %get3A_292] {strides = array<i32>} : memref<64x128xf32, #tpu.memory_space<vmem>>, vector<1x16xf32>,
      %get3A_294 = vector.shape_cast %get3A_293 : vector<1x16xf32> to vector<16xf32>
      %swap3A_295 = arith.index_cast %scan3A_256 : i32 to index
      %swap3A_296 = arith.constant 64 : index
      %swap3A_297 = tpu.vector_load %arg8[%swap3A_295, %swap3A_296] {strides = array<i32>} : memref<64x128xf32, #tpu.memory_space<vmem>>, vector<1x16xf32>,
      %swap3A_298 = vector.shape_cast %swap3A_297 : vector<1x16xf32> to vector<16xf32>
      %swap3A_299 = vector.shape_cast %get3A_294 : vector<16xf32> to vector<1x16xf32>
      tpu.vector_store %arg8[%swap3A_295, %swap3A_296], %swap3A_299 {add = true, strides = array<i32>} : memref<64x128xf32, #tpu.memory_space<vmem>>, vector<1x16xf32>,
      %get3A_300 = arith.index_cast %scan3A_256 : i32 to index
      %get3A_301 = arith.constant 80 : index
      %get3A_302 = tpu.vector_load %arg10[%get3A_300, %get3A_301] {strides = array<i32>} : memref<64x128xf32, #tpu.memory_space<vmem>>, vector<1x16xf32>,
      %get3A_303 = vector.shape_cast %get3A_302 : vector<1x16xf32> to vector<16xf32>
      %swap3A_304 = arith.index_cast %scan3A_256 : i32 to index
      %swap3A_305 = arith.constant 80 : index
      %swap3A_306 = tpu.vector_load %arg8[%swap3A_304, %swap3A_305] {strides = array<i32>} : memref<64x128xf32, #tpu.memory_space<vmem>>, vector<1x16xf32>,
      %swap3A_307 = vector.shape_cast %swap3A_306 : vector<1x16xf32> to vector<16xf32>
      %swap3A_308 = vector.shape_cast %get3A_303 : vector<16xf32> to vector<1x16xf32>
      tpu.vector_store %arg8[%swap3A_304, %swap3A_305], %swap3A_308 {add = true, strides = array<i32>} : memref<64x128xf32, #tpu.memory_space<vmem>>, vector<1x16xf32>,
      %get3A_309 = arith.index_cast %scan3A_256 : i32 to index
      %get3A_310 = arith.constant 96 : index
      %get3A_311 = tpu.vector_load %arg10[%get3A_309, %get3A_310] {strides = array<i32>} : memref<64x128xf32, #tpu.memory_space<vmem>>, vector<1x16xf32>,
      %get3A_312 = vector.shape_cast %get3A_311 : vector<1x16xf32> to vector<16xf32>
      %swap3A_313 = arith.index_cast %scan3A_256 : i32 to index
      %swap3A_314 = arith.constant 96 : index
      %swap3A_315 = tpu.vector_load %arg8[%swap3A_313, %swap3A_314] {strides = array<i32>} : memref<64x128xf32, #tpu.memory_space<vmem>>, vector<1x16xf32>,
      %swap3A_316 = vector.shape_cast %swap3A_315 : vector<1x16xf32> to vector<16xf32>
      %swap3A_317 = vector.shape_cast %get3A_312 : vector<16xf32> to vector<1x16xf32>
      tpu.vector_store %arg8[%swap3A_313, %swap3A_314], %swap3A_317 {add = true, strides = array<i32>} : memref<64x128xf32, #tpu.memory_space<vmem>>, vector<1x16xf32>,
      %get3A_318 = arith.index_cast %scan3A_256 : i32 to index
      %get3A_319 = arith.constant 112 : index
      %get3A_320 = tpu.vector_load %arg10[%get3A_318, %get3A_319] {strides = array<i32>} : memref<64x128xf32, #tpu.memory_space<vmem>>, vector<1x16xf32>,
      %get3A_321 = vector.shape_cast %get3A_320 : vector<1x16xf32> to vector<16xf32>
      %swap3A_322 = arith.index_cast %scan3A_256 : i32 to index
      %swap3A_323 = arith.constant 112 : index
      %swap3A_324 = tpu.vector_load %arg8[%swap3A_322, %swap3A_323] {strides = array<i32>} : memref<64x128xf32, #tpu.memory_space<vmem>>, vector<1x16xf32>,
      %swap3A_325 = vector.shape_cast %swap3A_324 : vector<1x16xf32> to vector<16xf32>
      %swap3A_326 = vector.shape_cast %get3A_321 : vector<16xf32> to vector<1x16xf32>
      tpu.vector_store %arg8[%swap3A_322, %swap3A_323], %swap3A_326 {add = true, strides = array<i32>} : memref<64x128xf32, #tpu.memory_space<vmem>>, vector<1x16xf32>,
      %scan3A_327 = arith.constant 1 : i32
      %scan3A_328 = arith.addi %scan3A_256, %scan3A_327 : i32
      %get3A_329 = arith.index_cast %scan3A_328 : i32 to index
      %get3A_330 = arith.constant 0 : index
      %get3A_331 = tpu.vector_load %arg10[%get3A_329, %get3A_330] {strides = array<i32>} : memref<64x128xf32, #tpu.memory_space<vmem>>, vector<1x16xf32>,
      %get3A_332 = vector.shape_cast %get3A_331 : vector<1x16xf32> to vector<16xf32>
      %swap3A_333 = arith.index_cast %scan3A_328 : i32 to index
      %swap3A_334 = arith.constant 0 : index
      %swap3A_335 = tpu.vector_load %arg8[%swap3A_333, %swap3A_334] {strides = array<i32>} : memref<64x128xf32, #tpu.memory_space<vmem>>, vector<1x16xf32>,
      %swap3A_336 = vector.shape_cast %swap3A_335 : vector<1x16xf32> to vector<16xf32>
      %swap3A_337 = vector.shape_cast %get3A_332 : vector<16xf32> to vector<1x16xf32>
      tpu.vector_store %arg8[%swap3A_333, %swap3A_334], %swap3A_337 {add = true, strides = array<i32>} : memref<64x128xf32, #tpu.memory_space<vmem>>, vector<1x16xf32>,
      %get3A_338 = arith.index_cast %scan3A_328 : i32 to index
      %get3A_339 = arith.constant 16 : index
      %get3A_340 = tpu.vector_load %arg10[%get3A_338, %get3A_339] {strides = array<i32>} : memref<64x128xf32, #tpu.memory_space<vmem>>, vector<1x16xf32>,
      %get3A_341 = vector.shape_cast %get3A_340 : vector<1x16xf32> to vector<16xf32>
      %swap3A_342 = arith.index_cast %scan3A_328 : i32 to index
      %swap3A_343 = arith.constant 16 : index
      %swap3A_344 = tpu.vector_load %arg8[%swap3A_342, %swap3A_343] {strides = array<i32>} : memref<64x128xf32, #tpu.memory_space<vmem>>, vector<1x16xf32>,
      %swap3A_345 = vector.shape_cast %swap3A_344 : vector<1x16xf32> to vector<16xf32>
      %swap3A_346 = vector.shape_cast %get3A_341 : vector<16xf32> to vector<1x16xf32>
      tpu.vector_store %arg8[%swap3A_342, %swap3A_343], %swap3A_346 {add = true, strides = array<i32>} : memref<64x128xf32, #tpu.memory_space<vmem>>, vector<1x16xf32>,
      %get3A_347 = arith.index_cast %scan3A_328 : i32 to index
      %get3A_348 = arith.constant 32 : index
      %get3A_349 = tpu.vector_load %arg10[%get3A_347, %get3A_348] {strides = array<i32>} : memref<64x128xf32, #tpu.memory_space<vmem>>, vector<1x16xf32>,
      %get3A_350 = vector.shape_cast %get3A_349 : vector<1x16xf32> to vector<16xf32>
      %swap3A_351 = arith.index_cast %scan3A_328 : i32 to index
      %swap3A_352 = arith.constant 32 : index
      %swap3A_353 = tpu.vector_load %arg8[%swap3A_351, %swap3A_352] {strides = array<i32>} : memref<64x128xf32, #tpu.memory_space<vmem>>, vector<1x16xf32>,
      %swap3A_354 = vector.shape_cast %swap3A_353 : vector<1x16xf32> to vector<16xf32>
      %swap3A_355 = vector.shape_cast %get3A_350 : vector<16xf32> to vector<1x16xf32>
      tpu.vector_store %arg8[%swap3A_351, %swap3A_352], %swap3A_355 {add = true, strides = array<i32>} : memref<64x128xf32, #tpu.memory_space<vmem>>, vector<1x16xf32>,
      %get3A_356 = arith.index_cast %scan3A_328 : i32 to index
      %get3A_357 = arith.constant 48 : index
      %get3A_358 = tpu.vector_load %arg10[%get3A_356, %get3A_357] {strides = array<i32>} : memref<64x128xf32, #tpu.memory_space<vmem>>, vector<1x16xf32>,
      %get3A_359 = vector.shape_cast %get3A_358 : vector<1x16xf32> to vector<16xf32>
      %swap3A_360 = arith.index_cast %scan3A_328 : i32 to index
      %swap3A_361 = arith.constant 48 : index
      %swap3A_362 = tpu.vector_load %arg8[%swap3A_360, %swap3A_361] {strides = array<i32>} : memref<64x128xf32, #tpu.memory_space<vmem>>, vector<1x16xf32>,
      %swap3A_363 = vector.shape_cast %swap3A_362 : vector<1x16xf32> to vector<16xf32>
      %swap3A_364 = vector.shape_cast %get3A_359 : vector<16xf32> to vector<1x16xf32>
      tpu.vector_store %arg8[%swap3A_360, %swap3A_361], %swap3A_364 {add = true, strides = array<i32>} : memref<64x128xf32, #tpu.memory_space<vmem>>, vector<1x16xf32>,
      %get3A_365 = arith.index_cast %scan3A_328 : i32 to index
      %get3A_366 = arith.constant 64 : index
      %get3A_367 = tpu.vector_load %arg10[%get3A_365, %get3A_366] {strides = array<i32>} : memref<64x128xf32, #tpu.memory_space<vmem>>, vector<1x16xf32>,
      %get3A_368 = vector.shape_cast %get3A_367 : vector<1x16xf32> to vector<16xf32>
      %swap3A_369 = arith.index_cast %scan3A_328 : i32 to index
      %swap3A_370 = arith.constant 64 : index
      %swap3A_371 = tpu.vector_load %arg8[%swap3A_369, %swap3A_370] {strides = array<i32>} : memref<64x128xf32, #tpu.memory_space<vmem>>, vector<1x16xf32>,
      %swap3A_372 = vector.shape_cast %swap3A_371 : vector<1x16xf32> to vector<16xf32>
      %swap3A_373 = vector.shape_cast %get3A_368 : vector<16xf32> to vector<1x16xf32>
      tpu.vector_store %arg8[%swap3A_369, %swap3A_370], %swap3A_373 {add = true, strides = array<i32>} : memref<64x128xf32, #tpu.memory_space<vmem>>, vector<1x16xf32>,
      %get3A_374 = arith.index_cast %scan3A_328 : i32 to index
      %get3A_375 = arith.constant 80 : index
      %get3A_376 = tpu.vector_load %arg10[%get3A_374, %get3A_375] {strides = array<i32>} : memref<64x128xf32, #tpu.memory_space<vmem>>, vector<1x16xf32>,
      %get3A_377 = vector.shape_cast %get3A_376 : vector<1x16xf32> to vector<16xf32>
      %swap3A_378 = arith.index_cast %scan3A_328 : i32 to index
      %swap3A_379 = arith.constant 80 : index
      %swap3A_380 = tpu.vector_load %arg8[%swap3A_378, %swap3A_379] {strides = array<i32>} : memref<64x128xf32, #tpu.memory_space<vmem>>, vector<1x16xf32>,
      %swap3A_381 = vector.shape_cast %swap3A_380 : vector<1x16xf32> to vector<16xf32>
      %swap3A_382 = vector.shape_cast %get3A_377 : vector<16xf32> to vector<1x16xf32>
      tpu.vector_store %arg8[%swap3A_378, %swap3A_379], %swap3A_382 {add = true, strides = array<i32>} : memref<64x128xf32, #tpu.memory_space<vmem>>, vector<1x16xf32>,
      %get3A_383 = arith.index_cast %scan3A_328 : i32 to index
      %get3A_384 = arith.constant 96 : index
      %get3A_385 = tpu.vector_load %arg10[%get3A_383, %get3A_384] {strides = array<i32>} : memref<64x128xf32, #tpu.memory_space<vmem>>, vector<1x16xf32>,
      %get3A_386 = vector.shape_cast %get3A_385 : vector<1x16xf32> to vector<16xf32>
      %swap3A_387 = arith.index_cast %scan3A_328 : i32 to index
      %swap3A_388 = arith.constant 96 : index
      %swap3A_389 = tpu.vector_load %arg8[%swap3A_387, %swap3A_388] {strides = array<i32>} : memref<64x128xf32, #tpu.memory_space<vmem>>, vector<1x16xf32>,
      %swap3A_390 = vector.shape_cast %swap3A_389 : vector<1x16xf32> to vector<16xf32>
      %swap3A_391 = vector.shape_cast %get3A_386 : vector<16xf32> to vector<1x16xf32>
      tpu.vector_store %arg8[%swap3A_387, %swap3A_388], %swap3A_391 {add = true, strides = array<i32>} : memref<64x128xf32, #tpu.memory_space<vmem>>, vector<1x16xf32>,
      %get3A_392 = arith.index_cast %scan3A_328 : i32 to index
      %get3A_393 = arith.constant 112 : index
      %get3A_394 = tpu.vector_load %arg10[%get3A_392, %get3A_393] {strides = array<i32>} : memref<64x128xf32, #tpu.memory_space<vmem>>, vector<1x16xf32>,
      %get3A_395 = vector.shape_cast %get3A_394 : vector<1x16xf32> to vector<16xf32>
      %swap3A_396 = arith.index_cast %scan3A_328 : i32 to index
      %swap3A_397 = arith.constant 112 : index
      %swap3A_398 = tpu.vector_load %arg8[%swap3A_396, %swap3A_397] {strides = array<i32>} : memref<64x128xf32, #tpu.memory_space<vmem>>, vector<1x16xf32>,
      %swap3A_399 = vector.shape_cast %swap3A_398 : vector<1x16xf32> to vector<16xf32>
      %swap3A_400 = vector.shape_cast %get3A_395 : vector<16xf32> to vector<1x16xf32>
      tpu.vector_store %arg8[%swap3A_396, %swap3A_397], %swap3A_400 {add = true, strides = array<i32>} : memref<64x128xf32, #tpu.memory_space<vmem>>, vector<1x16xf32>,
    }
    %scan3A_114 = arith.constant 64 : i32
    %add3A_115 = arith.constant 12288 : i32
    %add3A_116 = arith.addi %add3A_115, %mul3A_2 : i32
    "tpu.region"() ({
      %run_scoped3A = tpu.sem_alloc : memref<!tpu.dma_semaphore, #tpu.memory_space<semaphore_mem>>
      %dma_start3A_256 = arith.constant 0 : i32
      %dma_start3A_257 = tpu.memref_slice %arg5[%add3A_116, %dma_start3A_256] : memref<32768x128xf32, #tpu.memory_space<hbm>> -> memref<64x128xf32, #tpu.memory_space<hbm>>
      %dma_start3A_258 = arith.constant 0 : i32
      %dma_start3A_259 = tpu.memref_slice %arg5[%add3A_116, %dma_start3A_258] : memref<32768x128xf32, #tpu.memory_space<hbm>> -> memref<64x128xf32, #tpu.memory_space<hbm>>
      tpu.enqueue_dma source(%arg8 : memref<64x128xf32, #tpu.memory_space<vmem>>) target(%dma_start3A_259 : memref<64x128xf32, #tpu.memory_space<hbm>>) target_semaphore(%run_scoped3A : memref<!tpu.dma_semaphore, #tpu.memory_space<semaphore_mem>>)
      %dma_wait3A_260 = arith.constant 0 : i32
      %dma_wait3A_261 = tpu.memref_slice %arg5[%add3A_116, %dma_wait3A_260] : memref<32768x128xf32, #tpu.memory_space<hbm>> -> memref<64x128xf32, #tpu.memory_space<hbm>>
      %dma_wait3A_262 = arith.constant 0 : i32
      %dma_wait3A_263 = tpu.memref_slice %arg5[%add3A_116, %dma_wait3A_262] : memref<32768x128xf32, #tpu.memory_space<hbm>> -> memref<64x128xf32, #tpu.memory_space<hbm>>
      tpu.wait_dma2 semaphore(%run_scoped3A : memref<!tpu.dma_semaphore, #tpu.memory_space<semaphore_mem>>) src(%arg8 : memref<64x128xf32, #tpu.memory_space<vmem>>) dst(%dma_wait3A_263 : memref<64x128xf32, #tpu.memory_space<hbm>>)
      tpu.yield
    }) : () -> ()
    %add3A_117 = arith.constant 16384 : i32
    %add3A_118 = arith.addi %add3A_117, %mul3A_2 : i32
    "tpu.region"() ({
      %run_scoped3A = tpu.sem_alloc : memref<!tpu.dma_semaphore, #tpu.memory_space<semaphore_mem>>
      %dma_start3A_256 = tpu.memref_slice %arg2[%add3A_118] : memref<32768xi32, #tpu.memory_space<hbm>> -> memref<64xi32, #tpu.memory_space<hbm>>
      %dma_start3A_257 = tpu.memref_slice %arg2[%add3A_118] : memref<32768xi32, #tpu.memory_space<hbm>> -> memref<64xi32, #tpu.memory_space<hbm>>
      tpu.enqueue_dma source(%dma_start3A_257 : memref<64xi32, #tpu.memory_space<hbm>>) target(%arg6 : memref<64xi32, #tpu.memory_space<vmem>>) target_semaphore(%run_scoped3A : memref<!tpu.dma_semaphore, #tpu.memory_space<semaphore_mem>>)
      %dma_wait3A_258 = tpu.memref_slice %arg2[%add3A_118] : memref<32768xi32, #tpu.memory_space<hbm>> -> memref<64xi32, #tpu.memory_space<hbm>>
      %dma_wait3A_259 = tpu.memref_slice %arg2[%add3A_118] : memref<32768xi32, #tpu.memory_space<hbm>> -> memref<64xi32, #tpu.memory_space<hbm>>
      tpu.wait_dma2 semaphore(%run_scoped3A : memref<!tpu.dma_semaphore, #tpu.memory_space<semaphore_mem>>) src(%dma_wait3A_259 : memref<64xi32, #tpu.memory_space<hbm>>) dst(%arg6 : memref<64xi32, #tpu.memory_space<vmem>>)
      tpu.yield
    }) : () -> ()
    %dma_start3A_119 = arith.constant 0 : i32
    %dma_start3A_120 = arith.constant 0 : i32
    %dma_start3A_121 = tpu.memref_slice %arg3[%dma_start3A_119, %dma_start3A_120] : memref<100000x128xf32, #tpu.memory_space<hbm>> -> memref<100000x128xf32, #tpu.memory_space<hbm>>
    tpu.enqueue_indirect_dma source(%dma_start3A_121 : memref<100000x128xf32, #tpu.memory_space<hbm>>) target(%arg8 : memref<64x128xf32, #tpu.memory_space<vmem>>) offsets(%arg6 : memref<64xi32, #tpu.memory_space<vmem>>) semaphore(%arg11 : memref<!tpu.dma_semaphore, #tpu.memory_space<semaphore_mem>>)
    %dma_wait3A_122 = arith.constant 0 : i32
    %dma_wait3A_123 = arith.constant 0 : i32
    %dma_wait3A_124 = tpu.memref_slice %arg3[%dma_wait3A_122, %dma_wait3A_123] : memref<100000x128xf32, #tpu.memory_space<hbm>> -> memref<100000x128xf32, #tpu.memory_space<hbm>>
    tpu.wait_indirect_dma semaphore(%arg12 : memref<!tpu.dma_semaphore, #tpu.memory_space<semaphore_mem>>) src(%dma_wait3A_124 : memref<100000x128xf32, #tpu.memory_space<hbm>>) dst(%arg9 : memref<64x128xf32, #tpu.memory_space<vmem>>)
    %scan3A_125 = arith.constant 0 : i32
    %scan3A_126 = arith.constant 0 : i32
    %scan3A_127 = arith.constant 64 : i32
    %scan3A_128 = arith.addi %scan3A_126, %scan3A_127 : i32
    %scan3A_129 = arith.constant 2 : i32
    scf.for %scan3A_256 = %scan3A_126 to %scan3A_128 step %scan3A_129  : i32 {
      %get3A = arith.index_cast %scan3A_256 : i32 to index
      %get3A_257 = arith.constant 0 : index
      %get3A_258 = tpu.vector_load %arg10[%get3A, %get3A_257] {strides = array<i32>} : memref<64x128xf32, #tpu.memory_space<vmem>>, vector<1x16xf32>,
      %get3A_259 = vector.shape_cast %get3A_258 : vector<1x16xf32> to vector<16xf32>
      %swap3A = arith.index_cast %scan3A_256 : i32 to index
      %swap3A_260 = arith.constant 0 : index
      %swap3A_261 = tpu.vector_load %arg9[%swap3A, %swap3A_260] {strides = array<i32>} : memref<64x128xf32, #tpu.memory_space<vmem>>, vector<1x16xf32>,
      %swap3A_262 = vector.shape_cast %swap3A_261 : vector<1x16xf32> to vector<16xf32>
      %swap3A_263 = vector.shape_cast %get3A_259 : vector<16xf32> to vector<1x16xf32>
      tpu.vector_store %arg9[%swap3A, %swap3A_260], %swap3A_263 {add = true, strides = array<i32>} : memref<64x128xf32, #tpu.memory_space<vmem>>, vector<1x16xf32>,
      %get3A_264 = arith.index_cast %scan3A_256 : i32 to index
      %get3A_265 = arith.constant 16 : index
      %get3A_266 = tpu.vector_load %arg10[%get3A_264, %get3A_265] {strides = array<i32>} : memref<64x128xf32, #tpu.memory_space<vmem>>, vector<1x16xf32>,
      %get3A_267 = vector.shape_cast %get3A_266 : vector<1x16xf32> to vector<16xf32>
      %swap3A_268 = arith.index_cast %scan3A_256 : i32 to index
      %swap3A_269 = arith.constant 16 : index
      %swap3A_270 = tpu.vector_load %arg9[%swap3A_268, %swap3A_269] {strides = array<i32>} : memref<64x128xf32, #tpu.memory_space<vmem>>, vector<1x16xf32>,
      %swap3A_271 = vector.shape_cast %swap3A_270 : vector<1x16xf32> to vector<16xf32>
      %swap3A_272 = vector.shape_cast %get3A_267 : vector<16xf32> to vector<1x16xf32>
      tpu.vector_store %arg9[%swap3A_268, %swap3A_269], %swap3A_272 {add = true, strides = array<i32>} : memref<64x128xf32, #tpu.memory_space<vmem>>, vector<1x16xf32>,
      %get3A_273 = arith.index_cast %scan3A_256 : i32 to index
      %get3A_274 = arith.constant 32 : index
      %get3A_275 = tpu.vector_load %arg10[%get3A_273, %get3A_274] {strides = array<i32>} : memref<64x128xf32, #tpu.memory_space<vmem>>, vector<1x16xf32>,
      %get3A_276 = vector.shape_cast %get3A_275 : vector<1x16xf32> to vector<16xf32>
      %swap3A_277 = arith.index_cast %scan3A_256 : i32 to index
      %swap3A_278 = arith.constant 32 : index
      %swap3A_279 = tpu.vector_load %arg9[%swap3A_277, %swap3A_278] {strides = array<i32>} : memref<64x128xf32, #tpu.memory_space<vmem>>, vector<1x16xf32>,
      %swap3A_280 = vector.shape_cast %swap3A_279 : vector<1x16xf32> to vector<16xf32>
      %swap3A_281 = vector.shape_cast %get3A_276 : vector<16xf32> to vector<1x16xf32>
      tpu.vector_store %arg9[%swap3A_277, %swap3A_278], %swap3A_281 {add = true, strides = array<i32>} : memref<64x128xf32, #tpu.memory_space<vmem>>, vector<1x16xf32>,
      %get3A_282 = arith.index_cast %scan3A_256 : i32 to index
      %get3A_283 = arith.constant 48 : index
      %get3A_284 = tpu.vector_load %arg10[%get3A_282, %get3A_283] {strides = array<i32>} : memref<64x128xf32, #tpu.memory_space<vmem>>, vector<1x16xf32>,
      %get3A_285 = vector.shape_cast %get3A_284 : vector<1x16xf32> to vector<16xf32>
      %swap3A_286 = arith.index_cast %scan3A_256 : i32 to index
      %swap3A_287 = arith.constant 48 : index
      %swap3A_288 = tpu.vector_load %arg9[%swap3A_286, %swap3A_287] {strides = array<i32>} : memref<64x128xf32, #tpu.memory_space<vmem>>, vector<1x16xf32>,
      %swap3A_289 = vector.shape_cast %swap3A_288 : vector<1x16xf32> to vector<16xf32>
      %swap3A_290 = vector.shape_cast %get3A_285 : vector<16xf32> to vector<1x16xf32>
      tpu.vector_store %arg9[%swap3A_286, %swap3A_287], %swap3A_290 {add = true, strides = array<i32>} : memref<64x128xf32, #tpu.memory_space<vmem>>, vector<1x16xf32>,
      %get3A_291 = arith.index_cast %scan3A_256 : i32 to index
      %get3A_292 = arith.constant 64 : index
      %get3A_293 = tpu.vector_load %arg10[%get3A_291, %get3A_292] {strides = array<i32>} : memref<64x128xf32, #tpu.memory_space<vmem>>, vector<1x16xf32>,
      %get3A_294 = vector.shape_cast %get3A_293 : vector<1x16xf32> to vector<16xf32>
      %swap3A_295 = arith.index_cast %scan3A_256 : i32 to index
      %swap3A_296 = arith.constant 64 : index
      %swap3A_297 = tpu.vector_load %arg9[%swap3A_295, %swap3A_296] {strides = array<i32>} : memref<64x128xf32, #tpu.memory_space<vmem>>, vector<1x16xf32>,
      %swap3A_298 = vector.shape_cast %swap3A_297 : vector<1x16xf32> to vector<16xf32>
      %swap3A_299 = vector.shape_cast %get3A_294 : vector<16xf32> to vector<1x16xf32>
      tpu.vector_store %arg9[%swap3A_295, %swap3A_296], %swap3A_299 {add = true, strides = array<i32>} : memref<64x128xf32, #tpu.memory_space<vmem>>, vector<1x16xf32>,
      %get3A_300 = arith.index_cast %scan3A_256 : i32 to index
      %get3A_301 = arith.constant 80 : index
      %get3A_302 = tpu.vector_load %arg10[%get3A_300, %get3A_301] {strides = array<i32>} : memref<64x128xf32, #tpu.memory_space<vmem>>, vector<1x16xf32>,
      %get3A_303 = vector.shape_cast %get3A_302 : vector<1x16xf32> to vector<16xf32>
      %swap3A_304 = arith.index_cast %scan3A_256 : i32 to index
      %swap3A_305 = arith.constant 80 : index
      %swap3A_306 = tpu.vector_load %arg9[%swap3A_304, %swap3A_305] {strides = array<i32>} : memref<64x128xf32, #tpu.memory_space<vmem>>, vector<1x16xf32>,
      %swap3A_307 = vector.shape_cast %swap3A_306 : vector<1x16xf32> to vector<16xf32>
      %swap3A_308 = vector.shape_cast %get3A_303 : vector<16xf32> to vector<1x16xf32>
      tpu.vector_store %arg9[%swap3A_304, %swap3A_305], %swap3A_308 {add = true, strides = array<i32>} : memref<64x128xf32, #tpu.memory_space<vmem>>, vector<1x16xf32>,
      %get3A_309 = arith.index_cast %scan3A_256 : i32 to index
      %get3A_310 = arith.constant 96 : index
      %get3A_311 = tpu.vector_load %arg10[%get3A_309, %get3A_310] {strides = array<i32>} : memref<64x128xf32, #tpu.memory_space<vmem>>, vector<1x16xf32>,
      %get3A_312 = vector.shape_cast %get3A_311 : vector<1x16xf32> to vector<16xf32>
      %swap3A_313 = arith.index_cast %scan3A_256 : i32 to index
      %swap3A_314 = arith.constant 96 : index
      %swap3A_315 = tpu.vector_load %arg9[%swap3A_313, %swap3A_314] {strides = array<i32>} : memref<64x128xf32, #tpu.memory_space<vmem>>, vector<1x16xf32>,
      %swap3A_316 = vector.shape_cast %swap3A_315 : vector<1x16xf32> to vector<16xf32>
      %swap3A_317 = vector.shape_cast %get3A_312 : vector<16xf32> to vector<1x16xf32>
      tpu.vector_store %arg9[%swap3A_313, %swap3A_314], %swap3A_317 {add = true, strides = array<i32>} : memref<64x128xf32, #tpu.memory_space<vmem>>, vector<1x16xf32>,
      %get3A_318 = arith.index_cast %scan3A_256 : i32 to index
      %get3A_319 = arith.constant 112 : index
      %get3A_320 = tpu.vector_load %arg10[%get3A_318, %get3A_319] {strides = array<i32>} : memref<64x128xf32, #tpu.memory_space<vmem>>, vector<1x16xf32>,
      %get3A_321 = vector.shape_cast %get3A_320 : vector<1x16xf32> to vector<16xf32>
      %swap3A_322 = arith.index_cast %scan3A_256 : i32 to index
      %swap3A_323 = arith.constant 112 : index
      %swap3A_324 = tpu.vector_load %arg9[%swap3A_322, %swap3A_323] {strides = array<i32>} : memref<64x128xf32, #tpu.memory_space<vmem>>, vector<1x16xf32>,
      %swap3A_325 = vector.shape_cast %swap3A_324 : vector<1x16xf32> to vector<16xf32>
      %swap3A_326 = vector.shape_cast %get3A_321 : vector<16xf32> to vector<1x16xf32>
      tpu.vector_store %arg9[%swap3A_322, %swap3A_323], %swap3A_326 {add = true, strides = array<i32>} : memref<64x128xf32, #tpu.memory_space<vmem>>, vector<1x16xf32>,
      %scan3A_327 = arith.constant 1 : i32
      %scan3A_328 = arith.addi %scan3A_256, %scan3A_327 : i32
      %get3A_329 = arith.index_cast %scan3A_328 : i32 to index
      %get3A_330 = arith.constant 0 : index
      %get3A_331 = tpu.vector_load %arg10[%get3A_329, %get3A_330] {strides = array<i32>} : memref<64x128xf32, #tpu.memory_space<vmem>>, vector<1x16xf32>,
      %get3A_332 = vector.shape_cast %get3A_331 : vector<1x16xf32> to vector<16xf32>
      %swap3A_333 = arith.index_cast %scan3A_328 : i32 to index
      %swap3A_334 = arith.constant 0 : index
      %swap3A_335 = tpu.vector_load %arg9[%swap3A_333, %swap3A_334] {strides = array<i32>} : memref<64x128xf32, #tpu.memory_space<vmem>>, vector<1x16xf32>,
      %swap3A_336 = vector.shape_cast %swap3A_335 : vector<1x16xf32> to vector<16xf32>
      %swap3A_337 = vector.shape_cast %get3A_332 : vector<16xf32> to vector<1x16xf32>
      tpu.vector_store %arg9[%swap3A_333, %swap3A_334], %swap3A_337 {add = true, strides = array<i32>} : memref<64x128xf32, #tpu.memory_space<vmem>>, vector<1x16xf32>,
      %get3A_338 = arith.index_cast %scan3A_328 : i32 to index
      %get3A_339 = arith.constant 16 : index
      %get3A_340 = tpu.vector_load %arg10[%get3A_338, %get3A_339] {strides = array<i32>} : memref<64x128xf32, #tpu.memory_space<vmem>>, vector<1x16xf32>,
      %get3A_341 = vector.shape_cast %get3A_340 : vector<1x16xf32> to vector<16xf32>
      %swap3A_342 = arith.index_cast %scan3A_328 : i32 to index
      %swap3A_343 = arith.constant 16 : index
      %swap3A_344 = tpu.vector_load %arg9[%swap3A_342, %swap3A_343] {strides = array<i32>} : memref<64x128xf32, #tpu.memory_space<vmem>>, vector<1x16xf32>,
      %swap3A_345 = vector.shape_cast %swap3A_344 : vector<1x16xf32> to vector<16xf32>
      %swap3A_346 = vector.shape_cast %get3A_341 : vector<16xf32> to vector<1x16xf32>
      tpu.vector_store %arg9[%swap3A_342, %swap3A_343], %swap3A_346 {add = true, strides = array<i32>} : memref<64x128xf32, #tpu.memory_space<vmem>>, vector<1x16xf32>,
      %get3A_347 = arith.index_cast %scan3A_328 : i32 to index
      %get3A_348 = arith.constant 32 : index
      %get3A_349 = tpu.vector_load %arg10[%get3A_347, %get3A_348] {strides = array<i32>} : memref<64x128xf32, #tpu.memory_space<vmem>>, vector<1x16xf32>,
      %get3A_350 = vector.shape_cast %get3A_349 : vector<1x16xf32> to vector<16xf32>
      %swap3A_351 = arith.index_cast %scan3A_328 : i32 to index
      %swap3A_352 = arith.constant 32 : index
      %swap3A_353 = tpu.vector_load %arg9[%swap3A_351, %swap3A_352] {strides = array<i32>} : memref<64x128xf32, #tpu.memory_space<vmem>>, vector<1x16xf32>,
      %swap3A_354 = vector.shape_cast %swap3A_353 : vector<1x16xf32> to vector<16xf32>
      %swap3A_355 = vector.shape_cast %get3A_350 : vector<16xf32> to vector<1x16xf32>
      tpu.vector_store %arg9[%swap3A_351, %swap3A_352], %swap3A_355 {add = true, strides = array<i32>} : memref<64x128xf32, #tpu.memory_space<vmem>>, vector<1x16xf32>,
      %get3A_356 = arith.index_cast %scan3A_328 : i32 to index
      %get3A_357 = arith.constant 48 : index
      %get3A_358 = tpu.vector_load %arg10[%get3A_356, %get3A_357] {strides = array<i32>} : memref<64x128xf32, #tpu.memory_space<vmem>>, vector<1x16xf32>,
      %get3A_359 = vector.shape_cast %get3A_358 : vector<1x16xf32> to vector<16xf32>
      %swap3A_360 = arith.index_cast %scan3A_328 : i32 to index
      %swap3A_361 = arith.constant 48 : index
      %swap3A_362 = tpu.vector_load %arg9[%swap3A_360, %swap3A_361] {strides = array<i32>} : memref<64x128xf32, #tpu.memory_space<vmem>>, vector<1x16xf32>,
      %swap3A_363 = vector.shape_cast %swap3A_362 : vector<1x16xf32> to vector<16xf32>
      %swap3A_364 = vector.shape_cast %get3A_359 : vector<16xf32> to vector<1x16xf32>
      tpu.vector_store %arg9[%swap3A_360, %swap3A_361], %swap3A_364 {add = true, strides = array<i32>} : memref<64x128xf32, #tpu.memory_space<vmem>>, vector<1x16xf32>,
      %get3A_365 = arith.index_cast %scan3A_328 : i32 to index
      %get3A_366 = arith.constant 64 : index
      %get3A_367 = tpu.vector_load %arg10[%get3A_365, %get3A_366] {strides = array<i32>} : memref<64x128xf32, #tpu.memory_space<vmem>>, vector<1x16xf32>,
      %get3A_368 = vector.shape_cast %get3A_367 : vector<1x16xf32> to vector<16xf32>
      %swap3A_369 = arith.index_cast %scan3A_328 : i32 to index
      %swap3A_370 = arith.constant 64 : index
      %swap3A_371 = tpu.vector_load %arg9[%swap3A_369, %swap3A_370] {strides = array<i32>} : memref<64x128xf32, #tpu.memory_space<vmem>>, vector<1x16xf32>,
      %swap3A_372 = vector.shape_cast %swap3A_371 : vector<1x16xf32> to vector<16xf32>
      %swap3A_373 = vector.shape_cast %get3A_368 : vector<16xf32> to vector<1x16xf32>
      tpu.vector_store %arg9[%swap3A_369, %swap3A_370], %swap3A_373 {add = true, strides = array<i32>} : memref<64x128xf32, #tpu.memory_space<vmem>>, vector<1x16xf32>,
      %get3A_374 = arith.index_cast %scan3A_328 : i32 to index
      %get3A_375 = arith.constant 80 : index
      %get3A_376 = tpu.vector_load %arg10[%get3A_374, %get3A_375] {strides = array<i32>} : memref<64x128xf32, #tpu.memory_space<vmem>>, vector<1x16xf32>,
      %get3A_377 = vector.shape_cast %get3A_376 : vector<1x16xf32> to vector<16xf32>
      %swap3A_378 = arith.index_cast %scan3A_328 : i32 to index
      %swap3A_379 = arith.constant 80 : index
      %swap3A_380 = tpu.vector_load %arg9[%swap3A_378, %swap3A_379] {strides = array<i32>} : memref<64x128xf32, #tpu.memory_space<vmem>>, vector<1x16xf32>,
      %swap3A_381 = vector.shape_cast %swap3A_380 : vector<1x16xf32> to vector<16xf32>
      %swap3A_382 = vector.shape_cast %get3A_377 : vector<16xf32> to vector<1x16xf32>
      tpu.vector_store %arg9[%swap3A_378, %swap3A_379], %swap3A_382 {add = true, strides = array<i32>} : memref<64x128xf32, #tpu.memory_space<vmem>>, vector<1x16xf32>,
      %get3A_383 = arith.index_cast %scan3A_328 : i32 to index
      %get3A_384 = arith.constant 96 : index
      %get3A_385 = tpu.vector_load %arg10[%get3A_383, %get3A_384] {strides = array<i32>} : memref<64x128xf32, #tpu.memory_space<vmem>>, vector<1x16xf32>,
      %get3A_386 = vector.shape_cast %get3A_385 : vector<1x16xf32> to vector<16xf32>
      %swap3A_387 = arith.index_cast %scan3A_328 : i32 to index
      %swap3A_388 = arith.constant 96 : index
      %swap3A_389 = tpu.vector_load %arg9[%swap3A_387, %swap3A_388] {strides = array<i32>} : memref<64x128xf32, #tpu.memory_space<vmem>>, vector<1x16xf32>,
      %swap3A_390 = vector.shape_cast %swap3A_389 : vector<1x16xf32> to vector<16xf32>
      %swap3A_391 = vector.shape_cast %get3A_386 : vector<16xf32> to vector<1x16xf32>
      tpu.vector_store %arg9[%swap3A_387, %swap3A_388], %swap3A_391 {add = true, strides = array<i32>} : memref<64x128xf32, #tpu.memory_space<vmem>>, vector<1x16xf32>,
      %get3A_392 = arith.index_cast %scan3A_328 : i32 to index
      %get3A_393 = arith.constant 112 : index
      %get3A_394 = tpu.vector_load %arg10[%get3A_392, %get3A_393] {strides = array<i32>} : memref<64x128xf32, #tpu.memory_space<vmem>>, vector<1x16xf32>,
      %get3A_395 = vector.shape_cast %get3A_394 : vector<1x16xf32> to vector<16xf32>
      %swap3A_396 = arith.index_cast %scan3A_328 : i32 to index
      %swap3A_397 = arith.constant 112 : index
      %swap3A_398 = tpu.vector_load %arg9[%swap3A_396, %swap3A_397] {strides = array<i32>} : memref<64x128xf32, #tpu.memory_space<vmem>>, vector<1x16xf32>,
      %swap3A_399 = vector.shape_cast %swap3A_398 : vector<1x16xf32> to vector<16xf32>
      %swap3A_400 = vector.shape_cast %get3A_395 : vector<16xf32> to vector<1x16xf32>
      tpu.vector_store %arg9[%swap3A_396, %swap3A_397], %swap3A_400 {add = true, strides = array<i32>} : memref<64x128xf32, #tpu.memory_space<vmem>>, vector<1x16xf32>,
    }
    %scan3A_130 = arith.constant 64 : i32
    %add3A_131 = arith.constant 14336 : i32
    %add3A_132 = arith.addi %add3A_131, %mul3A_2 : i32
    "tpu.region"() ({
      %run_scoped3A = tpu.sem_alloc : memref<!tpu.dma_semaphore, #tpu.memory_space<semaphore_mem>>
      %dma_start3A_256 = arith.constant 0 : i32
      %dma_start3A_257 = tpu.memref_slice %arg5[%add3A_132, %dma_start3A_256] : memref<32768x128xf32, #tpu.memory_space<hbm>> -> memref<64x128xf32, #tpu.memory_space<hbm>>
      %dma_start3A_258 = arith.constant 0 : i32
      %dma_start3A_259 = tpu.memref_slice %arg5[%add3A_132, %dma_start3A_258] : memref<32768x128xf32, #tpu.memory_space<hbm>> -> memref<64x128xf32, #tpu.memory_space<hbm>>
      tpu.enqueue_dma source(%arg9 : memref<64x128xf32, #tpu.memory_space<vmem>>) target(%dma_start3A_259 : memref<64x128xf32, #tpu.memory_space<hbm>>) target_semaphore(%run_scoped3A : memref<!tpu.dma_semaphore, #tpu.memory_space<semaphore_mem>>)
      %dma_wait3A_260 = arith.constant 0 : i32
      %dma_wait3A_261 = tpu.memref_slice %arg5[%add3A_132, %dma_wait3A_260] : memref<32768x128xf32, #tpu.memory_space<hbm>> -> memref<64x128xf32, #tpu.memory_space<hbm>>
      %dma_wait3A_262 = arith.constant 0 : i32
      %dma_wait3A_263 = tpu.memref_slice %arg5[%add3A_132, %dma_wait3A_262] : memref<32768x128xf32, #tpu.memory_space<hbm>> -> memref<64x128xf32, #tpu.memory_space<hbm>>
      tpu.wait_dma2 semaphore(%run_scoped3A : memref<!tpu.dma_semaphore, #tpu.memory_space<semaphore_mem>>) src(%arg9 : memref<64x128xf32, #tpu.memory_space<vmem>>) dst(%dma_wait3A_263 : memref<64x128xf32, #tpu.memory_space<hbm>>)
      tpu.yield
    }) : () -> ()
    %add3A_133 = arith.constant 18432 : i32
    %add3A_134 = arith.addi %add3A_133, %mul3A_2 : i32
    "tpu.region"() ({
      %run_scoped3A = tpu.sem_alloc : memref<!tpu.dma_semaphore, #tpu.memory_space<semaphore_mem>>
      %dma_start3A_256 = tpu.memref_slice %arg2[%add3A_134] : memref<32768xi32, #tpu.memory_space<hbm>> -> memref<64xi32, #tpu.memory_space<hbm>>
      %dma_start3A_257 = tpu.memref_slice %arg2[%add3A_134] : memref<32768xi32, #tpu.memory_space<hbm>> -> memref<64xi32, #tpu.memory_space<hbm>>
      tpu.enqueue_dma source(%dma_start3A_257 : memref<64xi32, #tpu.memory_space<hbm>>) target(%arg7 : memref<64xi32, #tpu.memory_space<vmem>>) target_semaphore(%run_scoped3A : memref<!tpu.dma_semaphore, #tpu.memory_space<semaphore_mem>>)
      %dma_wait3A_258 = tpu.memref_slice %arg2[%add3A_134] : memref<32768xi32, #tpu.memory_space<hbm>> -> memref<64xi32, #tpu.memory_space<hbm>>
      %dma_wait3A_259 = tpu.memref_slice %arg2[%add3A_134] : memref<32768xi32, #tpu.memory_space<hbm>> -> memref<64xi32, #tpu.memory_space<hbm>>
      tpu.wait_dma2 semaphore(%run_scoped3A : memref<!tpu.dma_semaphore, #tpu.memory_space<semaphore_mem>>) src(%dma_wait3A_259 : memref<64xi32, #tpu.memory_space<hbm>>) dst(%arg7 : memref<64xi32, #tpu.memory_space<vmem>>)
      tpu.yield
    }) : () -> ()
    %dma_start3A_135 = arith.constant 0 : i32
    %dma_start3A_136 = arith.constant 0 : i32
    %dma_start3A_137 = tpu.memref_slice %arg3[%dma_start3A_135, %dma_start3A_136] : memref<100000x128xf32, #tpu.memory_space<hbm>> -> memref<100000x128xf32, #tpu.memory_space<hbm>>
    tpu.enqueue_indirect_dma source(%dma_start3A_137 : memref<100000x128xf32, #tpu.memory_space<hbm>>) target(%arg9 : memref<64x128xf32, #tpu.memory_space<vmem>>) offsets(%arg7 : memref<64xi32, #tpu.memory_space<vmem>>) semaphore(%arg12 : memref<!tpu.dma_semaphore, #tpu.memory_space<semaphore_mem>>)
    %dma_wait3A_138 = arith.constant 0 : i32
    %dma_wait3A_139 = arith.constant 0 : i32
    %dma_wait3A_140 = tpu.memref_slice %arg3[%dma_wait3A_138, %dma_wait3A_139] : memref<100000x128xf32, #tpu.memory_space<hbm>> -> memref<100000x128xf32, #tpu.memory_space<hbm>>
    tpu.wait_indirect_dma semaphore(%arg11 : memref<!tpu.dma_semaphore, #tpu.memory_space<semaphore_mem>>) src(%dma_wait3A_140 : memref<100000x128xf32, #tpu.memory_space<hbm>>) dst(%arg8 : memref<64x128xf32, #tpu.memory_space<vmem>>)
    %scan3A_141 = arith.constant 0 : i32
    %scan3A_142 = arith.constant 0 : i32
    %scan3A_143 = arith.constant 64 : i32
    %scan3A_144 = arith.addi %scan3A_142, %scan3A_143 : i32
    %scan3A_145 = arith.constant 2 : i32
    scf.for %scan3A_256 = %scan3A_142 to %scan3A_144 step %scan3A_145  : i32 {
      %get3A = arith.index_cast %scan3A_256 : i32 to index
      %get3A_257 = arith.constant 0 : index
      %get3A_258 = tpu.vector_load %arg10[%get3A, %get3A_257] {strides = array<i32>} : memref<64x128xf32, #tpu.memory_space<vmem>>, vector<1x16xf32>,
      %get3A_259 = vector.shape_cast %get3A_258 : vector<1x16xf32> to vector<16xf32>
      %swap3A = arith.index_cast %scan3A_256 : i32 to index
      %swap3A_260 = arith.constant 0 : index
      %swap3A_261 = tpu.vector_load %arg8[%swap3A, %swap3A_260] {strides = array<i32>} : memref<64x128xf32, #tpu.memory_space<vmem>>, vector<1x16xf32>,
      %swap3A_262 = vector.shape_cast %swap3A_261 : vector<1x16xf32> to vector<16xf32>
      %swap3A_263 = vector.shape_cast %get3A_259 : vector<16xf32> to vector<1x16xf32>
      tpu.vector_store %arg8[%swap3A, %swap3A_260], %swap3A_263 {add = true, strides = array<i32>} : memref<64x128xf32, #tpu.memory_space<vmem>>, vector<1x16xf32>,
      %get3A_264 = arith.index_cast %scan3A_256 : i32 to index
      %get3A_265 = arith.constant 16 : index
      %get3A_266 = tpu.vector_load %arg10[%get3A_264, %get3A_265] {strides = array<i32>} : memref<64x128xf32, #tpu.memory_space<vmem>>, vector<1x16xf32>,
      %get3A_267 = vector.shape_cast %get3A_266 : vector<1x16xf32> to vector<16xf32>
      %swap3A_268 = arith.index_cast %scan3A_256 : i32 to index
      %swap3A_269 = arith.constant 16 : index
      %swap3A_270 = tpu.vector_load %arg8[%swap3A_268, %swap3A_269] {strides = array<i32>} : memref<64x128xf32, #tpu.memory_space<vmem>>, vector<1x16xf32>,
      %swap3A_271 = vector.shape_cast %swap3A_270 : vector<1x16xf32> to vector<16xf32>
      %swap3A_272 = vector.shape_cast %get3A_267 : vector<16xf32> to vector<1x16xf32>
      tpu.vector_store %arg8[%swap3A_268, %swap3A_269], %swap3A_272 {add = true, strides = array<i32>} : memref<64x128xf32, #tpu.memory_space<vmem>>, vector<1x16xf32>,
      %get3A_273 = arith.index_cast %scan3A_256 : i32 to index
      %get3A_274 = arith.constant 32 : index
      %get3A_275 = tpu.vector_load %arg10[%get3A_273, %get3A_274] {strides = array<i32>} : memref<64x128xf32, #tpu.memory_space<vmem>>, vector<1x16xf32>,
      %get3A_276 = vector.shape_cast %get3A_275 : vector<1x16xf32> to vector<16xf32>
      %swap3A_277 = arith.index_cast %scan3A_256 : i32 to index
      %swap3A_278 = arith.constant 32 : index
      %swap3A_279 = tpu.vector_load %arg8[%swap3A_277, %swap3A_278] {strides = array<i32>} : memref<64x128xf32, #tpu.memory_space<vmem>>, vector<1x16xf32>,
      %swap3A_280 = vector.shape_cast %swap3A_279 : vector<1x16xf32> to vector<16xf32>
      %swap3A_281 = vector.shape_cast %get3A_276 : vector<16xf32> to vector<1x16xf32>
      tpu.vector_store %arg8[%swap3A_277, %swap3A_278], %swap3A_281 {add = true, strides = array<i32>} : memref<64x128xf32, #tpu.memory_space<vmem>>, vector<1x16xf32>,
      %get3A_282 = arith.index_cast %scan3A_256 : i32 to index
      %get3A_283 = arith.constant 48 : index
      %get3A_284 = tpu.vector_load %arg10[%get3A_282, %get3A_283] {strides = array<i32>} : memref<64x128xf32, #tpu.memory_space<vmem>>, vector<1x16xf32>,
      %get3A_285 = vector.shape_cast %get3A_284 : vector<1x16xf32> to vector<16xf32>
      %swap3A_286 = arith.index_cast %scan3A_256 : i32 to index
      %swap3A_287 = arith.constant 48 : index
      %swap3A_288 = tpu.vector_load %arg8[%swap3A_286, %swap3A_287] {strides = array<i32>} : memref<64x128xf32, #tpu.memory_space<vmem>>, vector<1x16xf32>,
      %swap3A_289 = vector.shape_cast %swap3A_288 : vector<1x16xf32> to vector<16xf32>
      %swap3A_290 = vector.shape_cast %get3A_285 : vector<16xf32> to vector<1x16xf32>
      tpu.vector_store %arg8[%swap3A_286, %swap3A_287], %swap3A_290 {add = true, strides = array<i32>} : memref<64x128xf32, #tpu.memory_space<vmem>>, vector<1x16xf32>,
      %get3A_291 = arith.index_cast %scan3A_256 : i32 to index
      %get3A_292 = arith.constant 64 : index
      %get3A_293 = tpu.vector_load %arg10[%get3A_291, %get3A_292] {strides = array<i32>} : memref<64x128xf32, #tpu.memory_space<vmem>>, vector<1x16xf32>,
      %get3A_294 = vector.shape_cast %get3A_293 : vector<1x16xf32> to vector<16xf32>
      %swap3A_295 = arith.index_cast %scan3A_256 : i32 to index
      %swap3A_296 = arith.constant 64 : index
      %swap3A_297 = tpu.vector_load %arg8[%swap3A_295, %swap3A_296] {strides = array<i32>} : memref<64x128xf32, #tpu.memory_space<vmem>>, vector<1x16xf32>,
      %swap3A_298 = vector.shape_cast %swap3A_297 : vector<1x16xf32> to vector<16xf32>
      %swap3A_299 = vector.shape_cast %get3A_294 : vector<16xf32> to vector<1x16xf32>
      tpu.vector_store %arg8[%swap3A_295, %swap3A_296], %swap3A_299 {add = true, strides = array<i32>} : memref<64x128xf32, #tpu.memory_space<vmem>>, vector<1x16xf32>,
      %get3A_300 = arith.index_cast %scan3A_256 : i32 to index
      %get3A_301 = arith.constant 80 : index
      %get3A_302 = tpu.vector_load %arg10[%get3A_300, %get3A_301] {strides = array<i32>} : memref<64x128xf32, #tpu.memory_space<vmem>>, vector<1x16xf32>,
      %get3A_303 = vector.shape_cast %get3A_302 : vector<1x16xf32> to vector<16xf32>
      %swap3A_304 = arith.index_cast %scan3A_256 : i32 to index
      %swap3A_305 = arith.constant 80 : index
      %swap3A_306 = tpu.vector_load %arg8[%swap3A_304, %swap3A_305] {strides = array<i32>} : memref<64x128xf32, #tpu.memory_space<vmem>>, vector<1x16xf32>,
      %swap3A_307 = vector.shape_cast %swap3A_306 : vector<1x16xf32> to vector<16xf32>
      %swap3A_308 = vector.shape_cast %get3A_303 : vector<16xf32> to vector<1x16xf32>
      tpu.vector_store %arg8[%swap3A_304, %swap3A_305], %swap3A_308 {add = true, strides = array<i32>} : memref<64x128xf32, #tpu.memory_space<vmem>>, vector<1x16xf32>,
      %get3A_309 = arith.index_cast %scan3A_256 : i32 to index
      %get3A_310 = arith.constant 96 : index
      %get3A_311 = tpu.vector_load %arg10[%get3A_309, %get3A_310] {strides = array<i32>} : memref<64x128xf32, #tpu.memory_space<vmem>>, vector<1x16xf32>,
      %get3A_312 = vector.shape_cast %get3A_311 : vector<1x16xf32> to vector<16xf32>
      %swap3A_313 = arith.index_cast %scan3A_256 : i32 to index
      %swap3A_314 = arith.constant 96 : index
      %swap3A_315 = tpu.vector_load %arg8[%swap3A_313, %swap3A_314] {strides = array<i32>} : memref<64x128xf32, #tpu.memory_space<vmem>>, vector<1x16xf32>,
      %swap3A_316 = vector.shape_cast %swap3A_315 : vector<1x16xf32> to vector<16xf32>
      %swap3A_317 = vector.shape_cast %get3A_312 : vector<16xf32> to vector<1x16xf32>
      tpu.vector_store %arg8[%swap3A_313, %swap3A_314], %swap3A_317 {add = true, strides = array<i32>} : memref<64x128xf32, #tpu.memory_space<vmem>>, vector<1x16xf32>,
      %get3A_318 = arith.index_cast %scan3A_256 : i32 to index
      %get3A_319 = arith.constant 112 : index
      %get3A_320 = tpu.vector_load %arg10[%get3A_318, %get3A_319] {strides = array<i32>} : memref<64x128xf32, #tpu.memory_space<vmem>>, vector<1x16xf32>,
      %get3A_321 = vector.shape_cast %get3A_320 : vector<1x16xf32> to vector<16xf32>
      %swap3A_322 = arith.index_cast %scan3A_256 : i32 to index
      %swap3A_323 = arith.constant 112 : index
      %swap3A_324 = tpu.vector_load %arg8[%swap3A_322, %swap3A_323] {strides = array<i32>} : memref<64x128xf32, #tpu.memory_space<vmem>>, vector<1x16xf32>,
      %swap3A_325 = vector.shape_cast %swap3A_324 : vector<1x16xf32> to vector<16xf32>
      %swap3A_326 = vector.shape_cast %get3A_321 : vector<16xf32> to vector<1x16xf32>
      tpu.vector_store %arg8[%swap3A_322, %swap3A_323], %swap3A_326 {add = true, strides = array<i32>} : memref<64x128xf32, #tpu.memory_space<vmem>>, vector<1x16xf32>,
      %scan3A_327 = arith.constant 1 : i32
      %scan3A_328 = arith.addi %scan3A_256, %scan3A_327 : i32
      %get3A_329 = arith.index_cast %scan3A_328 : i32 to index
      %get3A_330 = arith.constant 0 : index
      %get3A_331 = tpu.vector_load %arg10[%get3A_329, %get3A_330] {strides = array<i32>} : memref<64x128xf32, #tpu.memory_space<vmem>>, vector<1x16xf32>,
      %get3A_332 = vector.shape_cast %get3A_331 : vector<1x16xf32> to vector<16xf32>
      %swap3A_333 = arith.index_cast %scan3A_328 : i32 to index
      %swap3A_334 = arith.constant 0 : index
      %swap3A_335 = tpu.vector_load %arg8[%swap3A_333, %swap3A_334] {strides = array<i32>} : memref<64x128xf32, #tpu.memory_space<vmem>>, vector<1x16xf32>,
      %swap3A_336 = vector.shape_cast %swap3A_335 : vector<1x16xf32> to vector<16xf32>
      %swap3A_337 = vector.shape_cast %get3A_332 : vector<16xf32> to vector<1x16xf32>
      tpu.vector_store %arg8[%swap3A_333, %swap3A_334], %swap3A_337 {add = true, strides = array<i32>} : memref<64x128xf32, #tpu.memory_space<vmem>>, vector<1x16xf32>,
      %get3A_338 = arith.index_cast %scan3A_328 : i32 to index
      %get3A_339 = arith.constant 16 : index
      %get3A_340 = tpu.vector_load %arg10[%get3A_338, %get3A_339] {strides = array<i32>} : memref<64x128xf32, #tpu.memory_space<vmem>>, vector<1x16xf32>,
      %get3A_341 = vector.shape_cast %get3A_340 : vector<1x16xf32> to vector<16xf32>
      %swap3A_342 = arith.index_cast %scan3A_328 : i32 to index
      %swap3A_343 = arith.constant 16 : index
      %swap3A_344 = tpu.vector_load %arg8[%swap3A_342, %swap3A_343] {strides = array<i32>} : memref<64x128xf32, #tpu.memory_space<vmem>>, vector<1x16xf32>,
      %swap3A_345 = vector.shape_cast %swap3A_344 : vector<1x16xf32> to vector<16xf32>
      %swap3A_346 = vector.shape_cast %get3A_341 : vector<16xf32> to vector<1x16xf32>
      tpu.vector_store %arg8[%swap3A_342, %swap3A_343], %swap3A_346 {add = true, strides = array<i32>} : memref<64x128xf32, #tpu.memory_space<vmem>>, vector<1x16xf32>,
      %get3A_347 = arith.index_cast %scan3A_328 : i32 to index
      %get3A_348 = arith.constant 32 : index
      %get3A_349 = tpu.vector_load %arg10[%get3A_347, %get3A_348] {strides = array<i32>} : memref<64x128xf32, #tpu.memory_space<vmem>>, vector<1x16xf32>,
      %get3A_350 = vector.shape_cast %get3A_349 : vector<1x16xf32> to vector<16xf32>
      %swap3A_351 = arith.index_cast %scan3A_328 : i32 to index
      %swap3A_352 = arith.constant 32 : index
      %swap3A_353 = tpu.vector_load %arg8[%swap3A_351, %swap3A_352] {strides = array<i32>} : memref<64x128xf32, #tpu.memory_space<vmem>>, vector<1x16xf32>,
      %swap3A_354 = vector.shape_cast %swap3A_353 : vector<1x16xf32> to vector<16xf32>
      %swap3A_355 = vector.shape_cast %get3A_350 : vector<16xf32> to vector<1x16xf32>
      tpu.vector_store %arg8[%swap3A_351, %swap3A_352], %swap3A_355 {add = true, strides = array<i32>} : memref<64x128xf32, #tpu.memory_space<vmem>>, vector<1x16xf32>,
      %get3A_356 = arith.index_cast %scan3A_328 : i32 to index
      %get3A_357 = arith.constant 48 : index
      %get3A_358 = tpu.vector_load %arg10[%get3A_356, %get3A_357] {strides = array<i32>} : memref<64x128xf32, #tpu.memory_space<vmem>>, vector<1x16xf32>,
      %get3A_359 = vector.shape_cast %get3A_358 : vector<1x16xf32> to vector<16xf32>
      %swap3A_360 = arith.index_cast %scan3A_328 : i32 to index
      %swap3A_361 = arith.constant 48 : index
      %swap3A_362 = tpu.vector_load %arg8[%swap3A_360, %swap3A_361] {strides = array<i32>} : memref<64x128xf32, #tpu.memory_space<vmem>>, vector<1x16xf32>,
      %swap3A_363 = vector.shape_cast %swap3A_362 : vector<1x16xf32> to vector<16xf32>
      %swap3A_364 = vector.shape_cast %get3A_359 : vector<16xf32> to vector<1x16xf32>
      tpu.vector_store %arg8[%swap3A_360, %swap3A_361], %swap3A_364 {add = true, strides = array<i32>} : memref<64x128xf32, #tpu.memory_space<vmem>>, vector<1x16xf32>,
      %get3A_365 = arith.index_cast %scan3A_328 : i32 to index
      %get3A_366 = arith.constant 64 : index
      %get3A_367 = tpu.vector_load %arg10[%get3A_365, %get3A_366] {strides = array<i32>} : memref<64x128xf32, #tpu.memory_space<vmem>>, vector<1x16xf32>,
      %get3A_368 = vector.shape_cast %get3A_367 : vector<1x16xf32> to vector<16xf32>
      %swap3A_369 = arith.index_cast %scan3A_328 : i32 to index
      %swap3A_370 = arith.constant 64 : index
      %swap3A_371 = tpu.vector_load %arg8[%swap3A_369, %swap3A_370] {strides = array<i32>} : memref<64x128xf32, #tpu.memory_space<vmem>>, vector<1x16xf32>,
      %swap3A_372 = vector.shape_cast %swap3A_371 : vector<1x16xf32> to vector<16xf32>
      %swap3A_373 = vector.shape_cast %get3A_368 : vector<16xf32> to vector<1x16xf32>
      tpu.vector_store %arg8[%swap3A_369, %swap3A_370], %swap3A_373 {add = true, strides = array<i32>} : memref<64x128xf32, #tpu.memory_space<vmem>>, vector<1x16xf32>,
      %get3A_374 = arith.index_cast %scan3A_328 : i32 to index
      %get3A_375 = arith.constant 80 : index
      %get3A_376 = tpu.vector_load %arg10[%get3A_374, %get3A_375] {strides = array<i32>} : memref<64x128xf32, #tpu.memory_space<vmem>>, vector<1x16xf32>,
      %get3A_377 = vector.shape_cast %get3A_376 : vector<1x16xf32> to vector<16xf32>
      %swap3A_378 = arith.index_cast %scan3A_328 : i32 to index
      %swap3A_379 = arith.constant 80 : index
      %swap3A_380 = tpu.vector_load %arg8[%swap3A_378, %swap3A_379] {strides = array<i32>} : memref<64x128xf32, #tpu.memory_space<vmem>>, vector<1x16xf32>,
      %swap3A_381 = vector.shape_cast %swap3A_380 : vector<1x16xf32> to vector<16xf32>
      %swap3A_382 = vector.shape_cast %get3A_377 : vector<16xf32> to vector<1x16xf32>
      tpu.vector_store %arg8[%swap3A_378, %swap3A_379], %swap3A_382 {add = true, strides = array<i32>} : memref<64x128xf32, #tpu.memory_space<vmem>>, vector<1x16xf32>,
      %get3A_383 = arith.index_cast %scan3A_328 : i32 to index
      %get3A_384 = arith.constant 96 : index
      %get3A_385 = tpu.vector_load %arg10[%get3A_383, %get3A_384] {strides = array<i32>} : memref<64x128xf32, #tpu.memory_space<vmem>>, vector<1x16xf32>,
      %get3A_386 = vector.shape_cast %get3A_385 : vector<1x16xf32> to vector<16xf32>
      %swap3A_387 = arith.index_cast %scan3A_328 : i32 to index
      %swap3A_388 = arith.constant 96 : index
      %swap3A_389 = tpu.vector_load %arg8[%swap3A_387, %swap3A_388] {strides = array<i32>} : memref<64x128xf32, #tpu.memory_space<vmem>>, vector<1x16xf32>,
      %swap3A_390 = vector.shape_cast %swap3A_389 : vector<1x16xf32> to vector<16xf32>
      %swap3A_391 = vector.shape_cast %get3A_386 : vector<16xf32> to vector<1x16xf32>
      tpu.vector_store %arg8[%swap3A_387, %swap3A_388], %swap3A_391 {add = true, strides = array<i32>} : memref<64x128xf32, #tpu.memory_space<vmem>>, vector<1x16xf32>,
      %get3A_392 = arith.index_cast %scan3A_328 : i32 to index
      %get3A_393 = arith.constant 112 : index
      %get3A_394 = tpu.vector_load %arg10[%get3A_392, %get3A_393] {strides = array<i32>} : memref<64x128xf32, #tpu.memory_space<vmem>>, vector<1x16xf32>,
      %get3A_395 = vector.shape_cast %get3A_394 : vector<1x16xf32> to vector<16xf32>
      %swap3A_396 = arith.index_cast %scan3A_328 : i32 to index
      %swap3A_397 = arith.constant 112 : index
      %swap3A_398 = tpu.vector_load %arg8[%swap3A_396, %swap3A_397] {strides = array<i32>} : memref<64x128xf32, #tpu.memory_space<vmem>>, vector<1x16xf32>,
      %swap3A_399 = vector.shape_cast %swap3A_398 : vector<1x16xf32> to vector<16xf32>
      %swap3A_400 = vector.shape_cast %get3A_395 : vector<16xf32> to vector<1x16xf32>
      tpu.vector_store %arg8[%swap3A_396, %swap3A_397], %swap3A_400 {add = true, strides = array<i32>} : memref<64x128xf32, #tpu.memory_space<vmem>>, vector<1x16xf32>,
    }
    %scan3A_146 = arith.constant 64 : i32
    %add3A_147 = arith.constant 16384 : i32
    %add3A_148 = arith.addi %add3A_147, %mul3A_2 : i32
    "tpu.region"() ({
      %run_scoped3A = tpu.sem_alloc : memref<!tpu.dma_semaphore, #tpu.memory_space<semaphore_mem>>
      %dma_start3A_256 = arith.constant 0 : i32
      %dma_start3A_257 = tpu.memref_slice %arg5[%add3A_148, %dma_start3A_256] : memref<32768x128xf32, #tpu.memory_space<hbm>> -> memref<64x128xf32, #tpu.memory_space<hbm>>
      %dma_start3A_258 = arith.constant 0 : i32
      %dma_start3A_259 = tpu.memref_slice %arg5[%add3A_148, %dma_start3A_258] : memref<32768x128xf32, #tpu.memory_space<hbm>> -> memref<64x128xf32, #tpu.memory_space<hbm>>
      tpu.enqueue_dma source(%arg8 : memref<64x128xf32, #tpu.memory_space<vmem>>) target(%dma_start3A_259 : memref<64x128xf32, #tpu.memory_space<hbm>>) target_semaphore(%run_scoped3A : memref<!tpu.dma_semaphore, #tpu.memory_space<semaphore_mem>>)
      %dma_wait3A_260 = arith.constant 0 : i32
      %dma_wait3A_261 = tpu.memref_slice %arg5[%add3A_148, %dma_wait3A_260] : memref<32768x128xf32, #tpu.memory_space<hbm>> -> memref<64x128xf32, #tpu.memory_space<hbm>>
      %dma_wait3A_262 = arith.constant 0 : i32
      %dma_wait3A_263 = tpu.memref_slice %arg5[%add3A_148, %dma_wait3A_262] : memref<32768x128xf32, #tpu.memory_space<hbm>> -> memref<64x128xf32, #tpu.memory_space<hbm>>
      tpu.wait_dma2 semaphore(%run_scoped3A : memref<!tpu.dma_semaphore, #tpu.memory_space<semaphore_mem>>) src(%arg8 : memref<64x128xf32, #tpu.memory_space<vmem>>) dst(%dma_wait3A_263 : memref<64x128xf32, #tpu.memory_space<hbm>>)
      tpu.yield
    }) : () -> ()
    %add3A_149 = arith.constant 20480 : i32
    %add3A_150 = arith.addi %add3A_149, %mul3A_2 : i32
    "tpu.region"() ({
      %run_scoped3A = tpu.sem_alloc : memref<!tpu.dma_semaphore, #tpu.memory_space<semaphore_mem>>
      %dma_start3A_256 = tpu.memref_slice %arg2[%add3A_150] : memref<32768xi32, #tpu.memory_space<hbm>> -> memref<64xi32, #tpu.memory_space<hbm>>
      %dma_start3A_257 = tpu.memref_slice %arg2[%add3A_150] : memref<32768xi32, #tpu.memory_space<hbm>> -> memref<64xi32, #tpu.memory_space<hbm>>
      tpu.enqueue_dma source(%dma_start3A_257 : memref<64xi32, #tpu.memory_space<hbm>>) target(%arg6 : memref<64xi32, #tpu.memory_space<vmem>>) target_semaphore(%run_scoped3A : memref<!tpu.dma_semaphore, #tpu.memory_space<semaphore_mem>>)
      %dma_wait3A_258 = tpu.memref_slice %arg2[%add3A_150] : memref<32768xi32, #tpu.memory_space<hbm>> -> memref<64xi32, #tpu.memory_space<hbm>>
      %dma_wait3A_259 = tpu.memref_slice %arg2[%add3A_150] : memref<32768xi32, #tpu.memory_space<hbm>> -> memref<64xi32, #tpu.memory_space<hbm>>
      tpu.wait_dma2 semaphore(%run_scoped3A : memref<!tpu.dma_semaphore, #tpu.memory_space<semaphore_mem>>) src(%dma_wait3A_259 : memref<64xi32, #tpu.memory_space<hbm>>) dst(%arg6 : memref<64xi32, #tpu.memory_space<vmem>>)
      tpu.yield
    }) : () -> ()
    %dma_start3A_151 = arith.constant 0 : i32
    %dma_start3A_152 = arith.constant 0 : i32
    %dma_start3A_153 = tpu.memref_slice %arg3[%dma_start3A_151, %dma_start3A_152] : memref<100000x128xf32, #tpu.memory_space<hbm>> -> memref<100000x128xf32, #tpu.memory_space<hbm>>
    tpu.enqueue_indirect_dma source(%dma_start3A_153 : memref<100000x128xf32, #tpu.memory_space<hbm>>) target(%arg8 : memref<64x128xf32, #tpu.memory_space<vmem>>) offsets(%arg6 : memref<64xi32, #tpu.memory_space<vmem>>) semaphore(%arg11 : memref<!tpu.dma_semaphore, #tpu.memory_space<semaphore_mem>>)
    %dma_wait3A_154 = arith.constant 0 : i32
    %dma_wait3A_155 = arith.constant 0 : i32
    %dma_wait3A_156 = tpu.memref_slice %arg3[%dma_wait3A_154, %dma_wait3A_155] : memref<100000x128xf32, #tpu.memory_space<hbm>> -> memref<100000x128xf32, #tpu.memory_space<hbm>>
    tpu.wait_indirect_dma semaphore(%arg12 : memref<!tpu.dma_semaphore, #tpu.memory_space<semaphore_mem>>) src(%dma_wait3A_156 : memref<100000x128xf32, #tpu.memory_space<hbm>>) dst(%arg9 : memref<64x128xf32, #tpu.memory_space<vmem>>)
    %scan3A_157 = arith.constant 0 : i32
    %scan3A_158 = arith.constant 0 : i32
    %scan3A_159 = arith.constant 64 : i32
    %scan3A_160 = arith.addi %scan3A_158, %scan3A_159 : i32
    %scan3A_161 = arith.constant 2 : i32
    scf.for %scan3A_256 = %scan3A_158 to %scan3A_160 step %scan3A_161  : i32 {
      %get3A = arith.index_cast %scan3A_256 : i32 to index
      %get3A_257 = arith.constant 0 : index
      %get3A_258 = tpu.vector_load %arg10[%get3A, %get3A_257] {strides = array<i32>} : memref<64x128xf32, #tpu.memory_space<vmem>>, vector<1x16xf32>,
      %get3A_259 = vector.shape_cast %get3A_258 : vector<1x16xf32> to vector<16xf32>
      %swap3A = arith.index_cast %scan3A_256 : i32 to index
      %swap3A_260 = arith.constant 0 : index
      %swap3A_261 = tpu.vector_load %arg9[%swap3A, %swap3A_260] {strides = array<i32>} : memref<64x128xf32, #tpu.memory_space<vmem>>, vector<1x16xf32>,
      %swap3A_262 = vector.shape_cast %swap3A_261 : vector<1x16xf32> to vector<16xf32>
      %swap3A_263 = vector.shape_cast %get3A_259 : vector<16xf32> to vector<1x16xf32>
      tpu.vector_store %arg9[%swap3A, %swap3A_260], %swap3A_263 {add = true, strides = array<i32>} : memref<64x128xf32, #tpu.memory_space<vmem>>, vector<1x16xf32>,
      %get3A_264 = arith.index_cast %scan3A_256 : i32 to index
      %get3A_265 = arith.constant 16 : index
      %get3A_266 = tpu.vector_load %arg10[%get3A_264, %get3A_265] {strides = array<i32>} : memref<64x128xf32, #tpu.memory_space<vmem>>, vector<1x16xf32>,
      %get3A_267 = vector.shape_cast %get3A_266 : vector<1x16xf32> to vector<16xf32>
      %swap3A_268 = arith.index_cast %scan3A_256 : i32 to index
      %swap3A_269 = arith.constant 16 : index
      %swap3A_270 = tpu.vector_load %arg9[%swap3A_268, %swap3A_269] {strides = array<i32>} : memref<64x128xf32, #tpu.memory_space<vmem>>, vector<1x16xf32>,
      %swap3A_271 = vector.shape_cast %swap3A_270 : vector<1x16xf32> to vector<16xf32>
      %swap3A_272 = vector.shape_cast %get3A_267 : vector<16xf32> to vector<1x16xf32>
      tpu.vector_store %arg9[%swap3A_268, %swap3A_269], %swap3A_272 {add = true, strides = array<i32>} : memref<64x128xf32, #tpu.memory_space<vmem>>, vector<1x16xf32>,
      %get3A_273 = arith.index_cast %scan3A_256 : i32 to index
      %get3A_274 = arith.constant 32 : index
      %get3A_275 = tpu.vector_load %arg10[%get3A_273, %get3A_274] {strides = array<i32>} : memref<64x128xf32, #tpu.memory_space<vmem>>, vector<1x16xf32>,
      %get3A_276 = vector.shape_cast %get3A_275 : vector<1x16xf32> to vector<16xf32>
      %swap3A_277 = arith.index_cast %scan3A_256 : i32 to index
      %swap3A_278 = arith.constant 32 : index
      %swap3A_279 = tpu.vector_load %arg9[%swap3A_277, %swap3A_278] {strides = array<i32>} : memref<64x128xf32, #tpu.memory_space<vmem>>, vector<1x16xf32>,
      %swap3A_280 = vector.shape_cast %swap3A_279 : vector<1x16xf32> to vector<16xf32>
      %swap3A_281 = vector.shape_cast %get3A_276 : vector<16xf32> to vector<1x16xf32>
      tpu.vector_store %arg9[%swap3A_277, %swap3A_278], %swap3A_281 {add = true, strides = array<i32>} : memref<64x128xf32, #tpu.memory_space<vmem>>, vector<1x16xf32>,
      %get3A_282 = arith.index_cast %scan3A_256 : i32 to index
      %get3A_283 = arith.constant 48 : index
      %get3A_284 = tpu.vector_load %arg10[%get3A_282, %get3A_283] {strides = array<i32>} : memref<64x128xf32, #tpu.memory_space<vmem>>, vector<1x16xf32>,
      %get3A_285 = vector.shape_cast %get3A_284 : vector<1x16xf32> to vector<16xf32>
      %swap3A_286 = arith.index_cast %scan3A_256 : i32 to index
      %swap3A_287 = arith.constant 48 : index
      %swap3A_288 = tpu.vector_load %arg9[%swap3A_286, %swap3A_287] {strides = array<i32>} : memref<64x128xf32, #tpu.memory_space<vmem>>, vector<1x16xf32>,
      %swap3A_289 = vector.shape_cast %swap3A_288 : vector<1x16xf32> to vector<16xf32>
      %swap3A_290 = vector.shape_cast %get3A_285 : vector<16xf32> to vector<1x16xf32>
      tpu.vector_store %arg9[%swap3A_286, %swap3A_287], %swap3A_290 {add = true, strides = array<i32>} : memref<64x128xf32, #tpu.memory_space<vmem>>, vector<1x16xf32>,
      %get3A_291 = arith.index_cast %scan3A_256 : i32 to index
      %get3A_292 = arith.constant 64 : index
      %get3A_293 = tpu.vector_load %arg10[%get3A_291, %get3A_292] {strides = array<i32>} : memref<64x128xf32, #tpu.memory_space<vmem>>, vector<1x16xf32>,
      %get3A_294 = vector.shape_cast %get3A_293 : vector<1x16xf32> to vector<16xf32>
      %swap3A_295 = arith.index_cast %scan3A_256 : i32 to index
      %swap3A_296 = arith.constant 64 : index
      %swap3A_297 = tpu.vector_load %arg9[%swap3A_295, %swap3A_296] {strides = array<i32>} : memref<64x128xf32, #tpu.memory_space<vmem>>, vector<1x16xf32>,
      %swap3A_298 = vector.shape_cast %swap3A_297 : vector<1x16xf32> to vector<16xf32>
      %swap3A_299 = vector.shape_cast %get3A_294 : vector<16xf32> to vector<1x16xf32>
      tpu.vector_store %arg9[%swap3A_295, %swap3A_296], %swap3A_299 {add = true, strides = array<i32>} : memref<64x128xf32, #tpu.memory_space<vmem>>, vector<1x16xf32>,
      %get3A_300 = arith.index_cast %scan3A_256 : i32 to index
      %get3A_301 = arith.constant 80 : index
      %get3A_302 = tpu.vector_load %arg10[%get3A_300, %get3A_301] {strides = array<i32>} : memref<64x128xf32, #tpu.memory_space<vmem>>, vector<1x16xf32>,
      %get3A_303 = vector.shape_cast %get3A_302 : vector<1x16xf32> to vector<16xf32>
      %swap3A_304 = arith.index_cast %scan3A_256 : i32 to index
      %swap3A_305 = arith.constant 80 : index
      %swap3A_306 = tpu.vector_load %arg9[%swap3A_304, %swap3A_305] {strides = array<i32>} : memref<64x128xf32, #tpu.memory_space<vmem>>, vector<1x16xf32>,
      %swap3A_307 = vector.shape_cast %swap3A_306 : vector<1x16xf32> to vector<16xf32>
      %swap3A_308 = vector.shape_cast %get3A_303 : vector<16xf32> to vector<1x16xf32>
      tpu.vector_store %arg9[%swap3A_304, %swap3A_305], %swap3A_308 {add = true, strides = array<i32>} : memref<64x128xf32, #tpu.memory_space<vmem>>, vector<1x16xf32>,
      %get3A_309 = arith.index_cast %scan3A_256 : i32 to index
      %get3A_310 = arith.constant 96 : index
      %get3A_311 = tpu.vector_load %arg10[%get3A_309, %get3A_310] {strides = array<i32>} : memref<64x128xf32, #tpu.memory_space<vmem>>, vector<1x16xf32>,
      %get3A_312 = vector.shape_cast %get3A_311 : vector<1x16xf32> to vector<16xf32>
      %swap3A_313 = arith.index_cast %scan3A_256 : i32 to index
      %swap3A_314 = arith.constant 96 : index
      %swap3A_315 = tpu.vector_load %arg9[%swap3A_313, %swap3A_314] {strides = array<i32>} : memref<64x128xf32, #tpu.memory_space<vmem>>, vector<1x16xf32>,
      %swap3A_316 = vector.shape_cast %swap3A_315 : vector<1x16xf32> to vector<16xf32>
      %swap3A_317 = vector.shape_cast %get3A_312 : vector<16xf32> to vector<1x16xf32>
      tpu.vector_store %arg9[%swap3A_313, %swap3A_314], %swap3A_317 {add = true, strides = array<i32>} : memref<64x128xf32, #tpu.memory_space<vmem>>, vector<1x16xf32>,
      %get3A_318 = arith.index_cast %scan3A_256 : i32 to index
      %get3A_319 = arith.constant 112 : index
      %get3A_320 = tpu.vector_load %arg10[%get3A_318, %get3A_319] {strides = array<i32>} : memref<64x128xf32, #tpu.memory_space<vmem>>, vector<1x16xf32>,
      %get3A_321 = vector.shape_cast %get3A_320 : vector<1x16xf32> to vector<16xf32>
      %swap3A_322 = arith.index_cast %scan3A_256 : i32 to index
      %swap3A_323 = arith.constant 112 : index
      %swap3A_324 = tpu.vector_load %arg9[%swap3A_322, %swap3A_323] {strides = array<i32>} : memref<64x128xf32, #tpu.memory_space<vmem>>, vector<1x16xf32>,
      %swap3A_325 = vector.shape_cast %swap3A_324 : vector<1x16xf32> to vector<16xf32>
      %swap3A_326 = vector.shape_cast %get3A_321 : vector<16xf32> to vector<1x16xf32>
      tpu.vector_store %arg9[%swap3A_322, %swap3A_323], %swap3A_326 {add = true, strides = array<i32>} : memref<64x128xf32, #tpu.memory_space<vmem>>, vector<1x16xf32>,
      %scan3A_327 = arith.constant 1 : i32
      %scan3A_328 = arith.addi %scan3A_256, %scan3A_327 : i32
      %get3A_329 = arith.index_cast %scan3A_328 : i32 to index
      %get3A_330 = arith.constant 0 : index
      %get3A_331 = tpu.vector_load %arg10[%get3A_329, %get3A_330] {strides = array<i32>} : memref<64x128xf32, #tpu.memory_space<vmem>>, vector<1x16xf32>,
      %get3A_332 = vector.shape_cast %get3A_331 : vector<1x16xf32> to vector<16xf32>
      %swap3A_333 = arith.index_cast %scan3A_328 : i32 to index
      %swap3A_334 = arith.constant 0 : index
      %swap3A_335 = tpu.vector_load %arg9[%swap3A_333, %swap3A_334] {strides = array<i32>} : memref<64x128xf32, #tpu.memory_space<vmem>>, vector<1x16xf32>,
      %swap3A_336 = vector.shape_cast %swap3A_335 : vector<1x16xf32> to vector<16xf32>
      %swap3A_337 = vector.shape_cast %get3A_332 : vector<16xf32> to vector<1x16xf32>
      tpu.vector_store %arg9[%swap3A_333, %swap3A_334], %swap3A_337 {add = true, strides = array<i32>} : memref<64x128xf32, #tpu.memory_space<vmem>>, vector<1x16xf32>,
      %get3A_338 = arith.index_cast %scan3A_328 : i32 to index
      %get3A_339 = arith.constant 16 : index
      %get3A_340 = tpu.vector_load %arg10[%get3A_338, %get3A_339] {strides = array<i32>} : memref<64x128xf32, #tpu.memory_space<vmem>>, vector<1x16xf32>,
      %get3A_341 = vector.shape_cast %get3A_340 : vector<1x16xf32> to vector<16xf32>
      %swap3A_342 = arith.index_cast %scan3A_328 : i32 to index
      %swap3A_343 = arith.constant 16 : index
      %swap3A_344 = tpu.vector_load %arg9[%swap3A_342, %swap3A_343] {strides = array<i32>} : memref<64x128xf32, #tpu.memory_space<vmem>>, vector<1x16xf32>,
      %swap3A_345 = vector.shape_cast %swap3A_344 : vector<1x16xf32> to vector<16xf32>
      %swap3A_346 = vector.shape_cast %get3A_341 : vector<16xf32> to vector<1x16xf32>
      tpu.vector_store %arg9[%swap3A_342, %swap3A_343], %swap3A_346 {add = true, strides = array<i32>} : memref<64x128xf32, #tpu.memory_space<vmem>>, vector<1x16xf32>,
      %get3A_347 = arith.index_cast %scan3A_328 : i32 to index
      %get3A_348 = arith.constant 32 : index
      %get3A_349 = tpu.vector_load %arg10[%get3A_347, %get3A_348] {strides = array<i32>} : memref<64x128xf32, #tpu.memory_space<vmem>>, vector<1x16xf32>,
      %get3A_350 = vector.shape_cast %get3A_349 : vector<1x16xf32> to vector<16xf32>
      %swap3A_351 = arith.index_cast %scan3A_328 : i32 to index
      %swap3A_352 = arith.constant 32 : index
      %swap3A_353 = tpu.vector_load %arg9[%swap3A_351, %swap3A_352] {strides = array<i32>} : memref<64x128xf32, #tpu.memory_space<vmem>>, vector<1x16xf32>,
      %swap3A_354 = vector.shape_cast %swap3A_353 : vector<1x16xf32> to vector<16xf32>
      %swap3A_355 = vector.shape_cast %get3A_350 : vector<16xf32> to vector<1x16xf32>
      tpu.vector_store %arg9[%swap3A_351, %swap3A_352], %swap3A_355 {add = true, strides = array<i32>} : memref<64x128xf32, #tpu.memory_space<vmem>>, vector<1x16xf32>,
      %get3A_356 = arith.index_cast %scan3A_328 : i32 to index
      %get3A_357 = arith.constant 48 : index
      %get3A_358 = tpu.vector_load %arg10[%get3A_356, %get3A_357] {strides = array<i32>} : memref<64x128xf32, #tpu.memory_space<vmem>>, vector<1x16xf32>,
      %get3A_359 = vector.shape_cast %get3A_358 : vector<1x16xf32> to vector<16xf32>
      %swap3A_360 = arith.index_cast %scan3A_328 : i32 to index
      %swap3A_361 = arith.constant 48 : index
      %swap3A_362 = tpu.vector_load %arg9[%swap3A_360, %swap3A_361] {strides = array<i32>} : memref<64x128xf32, #tpu.memory_space<vmem>>, vector<1x16xf32>,
      %swap3A_363 = vector.shape_cast %swap3A_362 : vector<1x16xf32> to vector<16xf32>
      %swap3A_364 = vector.shape_cast %get3A_359 : vector<16xf32> to vector<1x16xf32>
      tpu.vector_store %arg9[%swap3A_360, %swap3A_361], %swap3A_364 {add = true, strides = array<i32>} : memref<64x128xf32, #tpu.memory_space<vmem>>, vector<1x16xf32>,
      %get3A_365 = arith.index_cast %scan3A_328 : i32 to index
      %get3A_366 = arith.constant 64 : index
      %get3A_367 = tpu.vector_load %arg10[%get3A_365, %get3A_366] {strides = array<i32>} : memref<64x128xf32, #tpu.memory_space<vmem>>, vector<1x16xf32>,
      %get3A_368 = vector.shape_cast %get3A_367 : vector<1x16xf32> to vector<16xf32>
      %swap3A_369 = arith.index_cast %scan3A_328 : i32 to index
      %swap3A_370 = arith.constant 64 : index
      %swap3A_371 = tpu.vector_load %arg9[%swap3A_369, %swap3A_370] {strides = array<i32>} : memref<64x128xf32, #tpu.memory_space<vmem>>, vector<1x16xf32>,
      %swap3A_372 = vector.shape_cast %swap3A_371 : vector<1x16xf32> to vector<16xf32>
      %swap3A_373 = vector.shape_cast %get3A_368 : vector<16xf32> to vector<1x16xf32>
      tpu.vector_store %arg9[%swap3A_369, %swap3A_370], %swap3A_373 {add = true, strides = array<i32>} : memref<64x128xf32, #tpu.memory_space<vmem>>, vector<1x16xf32>,
      %get3A_374 = arith.index_cast %scan3A_328 : i32 to index
      %get3A_375 = arith.constant 80 : index
      %get3A_376 = tpu.vector_load %arg10[%get3A_374, %get3A_375] {strides = array<i32>} : memref<64x128xf32, #tpu.memory_space<vmem>>, vector<1x16xf32>,
      %get3A_377 = vector.shape_cast %get3A_376 : vector<1x16xf32> to vector<16xf32>
      %swap3A_378 = arith.index_cast %scan3A_328 : i32 to index
      %swap3A_379 = arith.constant 80 : index
      %swap3A_380 = tpu.vector_load %arg9[%swap3A_378, %swap3A_379] {strides = array<i32>} : memref<64x128xf32, #tpu.memory_space<vmem>>, vector<1x16xf32>,
      %swap3A_381 = vector.shape_cast %swap3A_380 : vector<1x16xf32> to vector<16xf32>
      %swap3A_382 = vector.shape_cast %get3A_377 : vector<16xf32> to vector<1x16xf32>
      tpu.vector_store %arg9[%swap3A_378, %swap3A_379], %swap3A_382 {add = true, strides = array<i32>} : memref<64x128xf32, #tpu.memory_space<vmem>>, vector<1x16xf32>,
      %get3A_383 = arith.index_cast %scan3A_328 : i32 to index
      %get3A_384 = arith.constant 96 : index
      %get3A_385 = tpu.vector_load %arg10[%get3A_383, %get3A_384] {strides = array<i32>} : memref<64x128xf32, #tpu.memory_space<vmem>>, vector<1x16xf32>,
      %get3A_386 = vector.shape_cast %get3A_385 : vector<1x16xf32> to vector<16xf32>
      %swap3A_387 = arith.index_cast %scan3A_328 : i32 to index
      %swap3A_388 = arith.constant 96 : index
      %swap3A_389 = tpu.vector_load %arg9[%swap3A_387, %swap3A_388] {strides = array<i32>} : memref<64x128xf32, #tpu.memory_space<vmem>>, vector<1x16xf32>,
      %swap3A_390 = vector.shape_cast %swap3A_389 : vector<1x16xf32> to vector<16xf32>
      %swap3A_391 = vector.shape_cast %get3A_386 : vector<16xf32> to vector<1x16xf32>
      tpu.vector_store %arg9[%swap3A_387, %swap3A_388], %swap3A_391 {add = true, strides = array<i32>} : memref<64x128xf32, #tpu.memory_space<vmem>>, vector<1x16xf32>,
      %get3A_392 = arith.index_cast %scan3A_328 : i32 to index
      %get3A_393 = arith.constant 112 : index
      %get3A_394 = tpu.vector_load %arg10[%get3A_392, %get3A_393] {strides = array<i32>} : memref<64x128xf32, #tpu.memory_space<vmem>>, vector<1x16xf32>,
      %get3A_395 = vector.shape_cast %get3A_394 : vector<1x16xf32> to vector<16xf32>
      %swap3A_396 = arith.index_cast %scan3A_328 : i32 to index
      %swap3A_397 = arith.constant 112 : index
      %swap3A_398 = tpu.vector_load %arg9[%swap3A_396, %swap3A_397] {strides = array<i32>} : memref<64x128xf32, #tpu.memory_space<vmem>>, vector<1x16xf32>,
      %swap3A_399 = vector.shape_cast %swap3A_398 : vector<1x16xf32> to vector<16xf32>
      %swap3A_400 = vector.shape_cast %get3A_395 : vector<16xf32> to vector<1x16xf32>
      tpu.vector_store %arg9[%swap3A_396, %swap3A_397], %swap3A_400 {add = true, strides = array<i32>} : memref<64x128xf32, #tpu.memory_space<vmem>>, vector<1x16xf32>,
    }
    %scan3A_162 = arith.constant 64 : i32
    %add3A_163 = arith.constant 18432 : i32
    %add3A_164 = arith.addi %add3A_163, %mul3A_2 : i32
    "tpu.region"() ({
      %run_scoped3A = tpu.sem_alloc : memref<!tpu.dma_semaphore, #tpu.memory_space<semaphore_mem>>
      %dma_start3A_256 = arith.constant 0 : i32
      %dma_start3A_257 = tpu.memref_slice %arg5[%add3A_164, %dma_start3A_256] : memref<32768x128xf32, #tpu.memory_space<hbm>> -> memref<64x128xf32, #tpu.memory_space<hbm>>
      %dma_start3A_258 = arith.constant 0 : i32
      %dma_start3A_259 = tpu.memref_slice %arg5[%add3A_164, %dma_start3A_258] : memref<32768x128xf32, #tpu.memory_space<hbm>> -> memref<64x128xf32, #tpu.memory_space<hbm>>
      tpu.enqueue_dma source(%arg9 : memref<64x128xf32, #tpu.memory_space<vmem>>) target(%dma_start3A_259 : memref<64x128xf32, #tpu.memory_space<hbm>>) target_semaphore(%run_scoped3A : memref<!tpu.dma_semaphore, #tpu.memory_space<semaphore_mem>>)
      %dma_wait3A_260 = arith.constant 0 : i32
      %dma_wait3A_261 = tpu.memref_slice %arg5[%add3A_164, %dma_wait3A_260] : memref<32768x128xf32, #tpu.memory_space<hbm>> -> memref<64x128xf32, #tpu.memory_space<hbm>>
      %dma_wait3A_262 = arith.constant 0 : i32
      %dma_wait3A_263 = tpu.memref_slice %arg5[%add3A_164, %dma_wait3A_262] : memref<32768x128xf32, #tpu.memory_space<hbm>> -> memref<64x128xf32, #tpu.memory_space<hbm>>
      tpu.wait_dma2 semaphore(%run_scoped3A : memref<!tpu.dma_semaphore, #tpu.memory_space<semaphore_mem>>) src(%arg9 : memref<64x128xf32, #tpu.memory_space<vmem>>) dst(%dma_wait3A_263 : memref<64x128xf32, #tpu.memory_space<hbm>>)
      tpu.yield
    }) : () -> ()
    %add3A_165 = arith.constant 22528 : i32
    %add3A_166 = arith.addi %add3A_165, %mul3A_2 : i32
    "tpu.region"() ({
      %run_scoped3A = tpu.sem_alloc : memref<!tpu.dma_semaphore, #tpu.memory_space<semaphore_mem>>
      %dma_start3A_256 = tpu.memref_slice %arg2[%add3A_166] : memref<32768xi32, #tpu.memory_space<hbm>> -> memref<64xi32, #tpu.memory_space<hbm>>
      %dma_start3A_257 = tpu.memref_slice %arg2[%add3A_166] : memref<32768xi32, #tpu.memory_space<hbm>> -> memref<64xi32, #tpu.memory_space<hbm>>
      tpu.enqueue_dma source(%dma_start3A_257 : memref<64xi32, #tpu.memory_space<hbm>>) target(%arg7 : memref<64xi32, #tpu.memory_space<vmem>>) target_semaphore(%run_scoped3A : memref<!tpu.dma_semaphore, #tpu.memory_space<semaphore_mem>>)
      %dma_wait3A_258 = tpu.memref_slice %arg2[%add3A_166] : memref<32768xi32, #tpu.memory_space<hbm>> -> memref<64xi32, #tpu.memory_space<hbm>>
      %dma_wait3A_259 = tpu.memref_slice %arg2[%add3A_166] : memref<32768xi32, #tpu.memory_space<hbm>> -> memref<64xi32, #tpu.memory_space<hbm>>
      tpu.wait_dma2 semaphore(%run_scoped3A : memref<!tpu.dma_semaphore, #tpu.memory_space<semaphore_mem>>) src(%dma_wait3A_259 : memref<64xi32, #tpu.memory_space<hbm>>) dst(%arg7 : memref<64xi32, #tpu.memory_space<vmem>>)
      tpu.yield
    }) : () -> ()
    %dma_start3A_167 = arith.constant 0 : i32
    %dma_start3A_168 = arith.constant 0 : i32
    %dma_start3A_169 = tpu.memref_slice %arg3[%dma_start3A_167, %dma_start3A_168] : memref<100000x128xf32, #tpu.memory_space<hbm>> -> memref<100000x128xf32, #tpu.memory_space<hbm>>
    tpu.enqueue_indirect_dma source(%dma_start3A_169 : memref<100000x128xf32, #tpu.memory_space<hbm>>) target(%arg9 : memref<64x128xf32, #tpu.memory_space<vmem>>) offsets(%arg7 : memref<64xi32, #tpu.memory_space<vmem>>) semaphore(%arg12 : memref<!tpu.dma_semaphore, #tpu.memory_space<semaphore_mem>>)
    %dma_wait3A_170 = arith.constant 0 : i32
    %dma_wait3A_171 = arith.constant 0 : i32
    %dma_wait3A_172 = tpu.memref_slice %arg3[%dma_wait3A_170, %dma_wait3A_171] : memref<100000x128xf32, #tpu.memory_space<hbm>> -> memref<100000x128xf32, #tpu.memory_space<hbm>>
    tpu.wait_indirect_dma semaphore(%arg11 : memref<!tpu.dma_semaphore, #tpu.memory_space<semaphore_mem>>) src(%dma_wait3A_172 : memref<100000x128xf32, #tpu.memory_space<hbm>>) dst(%arg8 : memref<64x128xf32, #tpu.memory_space<vmem>>)
    %scan3A_173 = arith.constant 0 : i32
    %scan3A_174 = arith.constant 0 : i32
    %scan3A_175 = arith.constant 64 : i32
    %scan3A_176 = arith.addi %scan3A_174, %scan3A_175 : i32
    %scan3A_177 = arith.constant 2 : i32
    scf.for %scan3A_256 = %scan3A_174 to %scan3A_176 step %scan3A_177  : i32 {
      %get3A = arith.index_cast %scan3A_256 : i32 to index
      %get3A_257 = arith.constant 0 : index
      %get3A_258 = tpu.vector_load %arg10[%get3A, %get3A_257] {strides = array<i32>} : memref<64x128xf32, #tpu.memory_space<vmem>>, vector<1x16xf32>,
      %get3A_259 = vector.shape_cast %get3A_258 : vector<1x16xf32> to vector<16xf32>
      %swap3A = arith.index_cast %scan3A_256 : i32 to index
      %swap3A_260 = arith.constant 0 : index
      %swap3A_261 = tpu.vector_load %arg8[%swap3A, %swap3A_260] {strides = array<i32>} : memref<64x128xf32, #tpu.memory_space<vmem>>, vector<1x16xf32>,
      %swap3A_262 = vector.shape_cast %swap3A_261 : vector<1x16xf32> to vector<16xf32>
      %swap3A_263 = vector.shape_cast %get3A_259 : vector<16xf32> to vector<1x16xf32>
      tpu.vector_store %arg8[%swap3A, %swap3A_260], %swap3A_263 {add = true, strides = array<i32>} : memref<64x128xf32, #tpu.memory_space<vmem>>, vector<1x16xf32>,
      %get3A_264 = arith.index_cast %scan3A_256 : i32 to index
      %get3A_265 = arith.constant 16 : index
      %get3A_266 = tpu.vector_load %arg10[%get3A_264, %get3A_265] {strides = array<i32>} : memref<64x128xf32, #tpu.memory_space<vmem>>, vector<1x16xf32>,
      %get3A_267 = vector.shape_cast %get3A_266 : vector<1x16xf32> to vector<16xf32>
      %swap3A_268 = arith.index_cast %scan3A_256 : i32 to index
      %swap3A_269 = arith.constant 16 : index
      %swap3A_270 = tpu.vector_load %arg8[%swap3A_268, %swap3A_269] {strides = array<i32>} : memref<64x128xf32, #tpu.memory_space<vmem>>, vector<1x16xf32>,
      %swap3A_271 = vector.shape_cast %swap3A_270 : vector<1x16xf32> to vector<16xf32>
      %swap3A_272 = vector.shape_cast %get3A_267 : vector<16xf32> to vector<1x16xf32>
      tpu.vector_store %arg8[%swap3A_268, %swap3A_269], %swap3A_272 {add = true, strides = array<i32>} : memref<64x128xf32, #tpu.memory_space<vmem>>, vector<1x16xf32>,
      %get3A_273 = arith.index_cast %scan3A_256 : i32 to index
      %get3A_274 = arith.constant 32 : index
      %get3A_275 = tpu.vector_load %arg10[%get3A_273, %get3A_274] {strides = array<i32>} : memref<64x128xf32, #tpu.memory_space<vmem>>, vector<1x16xf32>,
      %get3A_276 = vector.shape_cast %get3A_275 : vector<1x16xf32> to vector<16xf32>
      %swap3A_277 = arith.index_cast %scan3A_256 : i32 to index
      %swap3A_278 = arith.constant 32 : index
      %swap3A_279 = tpu.vector_load %arg8[%swap3A_277, %swap3A_278] {strides = array<i32>} : memref<64x128xf32, #tpu.memory_space<vmem>>, vector<1x16xf32>,
      %swap3A_280 = vector.shape_cast %swap3A_279 : vector<1x16xf32> to vector<16xf32>
      %swap3A_281 = vector.shape_cast %get3A_276 : vector<16xf32> to vector<1x16xf32>
      tpu.vector_store %arg8[%swap3A_277, %swap3A_278], %swap3A_281 {add = true, strides = array<i32>} : memref<64x128xf32, #tpu.memory_space<vmem>>, vector<1x16xf32>,
      %get3A_282 = arith.index_cast %scan3A_256 : i32 to index
      %get3A_283 = arith.constant 48 : index
      %get3A_284 = tpu.vector_load %arg10[%get3A_282, %get3A_283] {strides = array<i32>} : memref<64x128xf32, #tpu.memory_space<vmem>>, vector<1x16xf32>,
      %get3A_285 = vector.shape_cast %get3A_284 : vector<1x16xf32> to vector<16xf32>
      %swap3A_286 = arith.index_cast %scan3A_256 : i32 to index
      %swap3A_287 = arith.constant 48 : index
      %swap3A_288 = tpu.vector_load %arg8[%swap3A_286, %swap3A_287] {strides = array<i32>} : memref<64x128xf32, #tpu.memory_space<vmem>>, vector<1x16xf32>,
      %swap3A_289 = vector.shape_cast %swap3A_288 : vector<1x16xf32> to vector<16xf32>
      %swap3A_290 = vector.shape_cast %get3A_285 : vector<16xf32> to vector<1x16xf32>
      tpu.vector_store %arg8[%swap3A_286, %swap3A_287], %swap3A_290 {add = true, strides = array<i32>} : memref<64x128xf32, #tpu.memory_space<vmem>>, vector<1x16xf32>,
      %get3A_291 = arith.index_cast %scan3A_256 : i32 to index
      %get3A_292 = arith.constant 64 : index
      %get3A_293 = tpu.vector_load %arg10[%get3A_291, %get3A_292] {strides = array<i32>} : memref<64x128xf32, #tpu.memory_space<vmem>>, vector<1x16xf32>,
      %get3A_294 = vector.shape_cast %get3A_293 : vector<1x16xf32> to vector<16xf32>
      %swap3A_295 = arith.index_cast %scan3A_256 : i32 to index
      %swap3A_296 = arith.constant 64 : index
      %swap3A_297 = tpu.vector_load %arg8[%swap3A_295, %swap3A_296] {strides = array<i32>} : memref<64x128xf32, #tpu.memory_space<vmem>>, vector<1x16xf32>,
      %swap3A_298 = vector.shape_cast %swap3A_297 : vector<1x16xf32> to vector<16xf32>
      %swap3A_299 = vector.shape_cast %get3A_294 : vector<16xf32> to vector<1x16xf32>
      tpu.vector_store %arg8[%swap3A_295, %swap3A_296], %swap3A_299 {add = true, strides = array<i32>} : memref<64x128xf32, #tpu.memory_space<vmem>>, vector<1x16xf32>,
      %get3A_300 = arith.index_cast %scan3A_256 : i32 to index
      %get3A_301 = arith.constant 80 : index
      %get3A_302 = tpu.vector_load %arg10[%get3A_300, %get3A_301] {strides = array<i32>} : memref<64x128xf32, #tpu.memory_space<vmem>>, vector<1x16xf32>,
      %get3A_303 = vector.shape_cast %get3A_302 : vector<1x16xf32> to vector<16xf32>
      %swap3A_304 = arith.index_cast %scan3A_256 : i32 to index
      %swap3A_305 = arith.constant 80 : index
      %swap3A_306 = tpu.vector_load %arg8[%swap3A_304, %swap3A_305] {strides = array<i32>} : memref<64x128xf32, #tpu.memory_space<vmem>>, vector<1x16xf32>,
      %swap3A_307 = vector.shape_cast %swap3A_306 : vector<1x16xf32> to vector<16xf32>
      %swap3A_308 = vector.shape_cast %get3A_303 : vector<16xf32> to vector<1x16xf32>
      tpu.vector_store %arg8[%swap3A_304, %swap3A_305], %swap3A_308 {add = true, strides = array<i32>} : memref<64x128xf32, #tpu.memory_space<vmem>>, vector<1x16xf32>,
      %get3A_309 = arith.index_cast %scan3A_256 : i32 to index
      %get3A_310 = arith.constant 96 : index
      %get3A_311 = tpu.vector_load %arg10[%get3A_309, %get3A_310] {strides = array<i32>} : memref<64x128xf32, #tpu.memory_space<vmem>>, vector<1x16xf32>,
      %get3A_312 = vector.shape_cast %get3A_311 : vector<1x16xf32> to vector<16xf32>
      %swap3A_313 = arith.index_cast %scan3A_256 : i32 to index
      %swap3A_314 = arith.constant 96 : index
      %swap3A_315 = tpu.vector_load %arg8[%swap3A_313, %swap3A_314] {strides = array<i32>} : memref<64x128xf32, #tpu.memory_space<vmem>>, vector<1x16xf32>,
      %swap3A_316 = vector.shape_cast %swap3A_315 : vector<1x16xf32> to vector<16xf32>
      %swap3A_317 = vector.shape_cast %get3A_312 : vector<16xf32> to vector<1x16xf32>
      tpu.vector_store %arg8[%swap3A_313, %swap3A_314], %swap3A_317 {add = true, strides = array<i32>} : memref<64x128xf32, #tpu.memory_space<vmem>>, vector<1x16xf32>,
      %get3A_318 = arith.index_cast %scan3A_256 : i32 to index
      %get3A_319 = arith.constant 112 : index
      %get3A_320 = tpu.vector_load %arg10[%get3A_318, %get3A_319] {strides = array<i32>} : memref<64x128xf32, #tpu.memory_space<vmem>>, vector<1x16xf32>,
      %get3A_321 = vector.shape_cast %get3A_320 : vector<1x16xf32> to vector<16xf32>
      %swap3A_322 = arith.index_cast %scan3A_256 : i32 to index
      %swap3A_323 = arith.constant 112 : index
      %swap3A_324 = tpu.vector_load %arg8[%swap3A_322, %swap3A_323] {strides = array<i32>} : memref<64x128xf32, #tpu.memory_space<vmem>>, vector<1x16xf32>,
      %swap3A_325 = vector.shape_cast %swap3A_324 : vector<1x16xf32> to vector<16xf32>
      %swap3A_326 = vector.shape_cast %get3A_321 : vector<16xf32> to vector<1x16xf32>
      tpu.vector_store %arg8[%swap3A_322, %swap3A_323], %swap3A_326 {add = true, strides = array<i32>} : memref<64x128xf32, #tpu.memory_space<vmem>>, vector<1x16xf32>,
      %scan3A_327 = arith.constant 1 : i32
      %scan3A_328 = arith.addi %scan3A_256, %scan3A_327 : i32
      %get3A_329 = arith.index_cast %scan3A_328 : i32 to index
      %get3A_330 = arith.constant 0 : index
      %get3A_331 = tpu.vector_load %arg10[%get3A_329, %get3A_330] {strides = array<i32>} : memref<64x128xf32, #tpu.memory_space<vmem>>, vector<1x16xf32>,
      %get3A_332 = vector.shape_cast %get3A_331 : vector<1x16xf32> to vector<16xf32>
      %swap3A_333 = arith.index_cast %scan3A_328 : i32 to index
      %swap3A_334 = arith.constant 0 : index
      %swap3A_335 = tpu.vector_load %arg8[%swap3A_333, %swap3A_334] {strides = array<i32>} : memref<64x128xf32, #tpu.memory_space<vmem>>, vector<1x16xf32>,
      %swap3A_336 = vector.shape_cast %swap3A_335 : vector<1x16xf32> to vector<16xf32>
      %swap3A_337 = vector.shape_cast %get3A_332 : vector<16xf32> to vector<1x16xf32>
      tpu.vector_store %arg8[%swap3A_333, %swap3A_334], %swap3A_337 {add = true, strides = array<i32>} : memref<64x128xf32, #tpu.memory_space<vmem>>, vector<1x16xf32>,
      %get3A_338 = arith.index_cast %scan3A_328 : i32 to index
      %get3A_339 = arith.constant 16 : index
      %get3A_340 = tpu.vector_load %arg10[%get3A_338, %get3A_339] {strides = array<i32>} : memref<64x128xf32, #tpu.memory_space<vmem>>, vector<1x16xf32>,
      %get3A_341 = vector.shape_cast %get3A_340 : vector<1x16xf32> to vector<16xf32>
      %swap3A_342 = arith.index_cast %scan3A_328 : i32 to index
      %swap3A_343 = arith.constant 16 : index
      %swap3A_344 = tpu.vector_load %arg8[%swap3A_342, %swap3A_343] {strides = array<i32>} : memref<64x128xf32, #tpu.memory_space<vmem>>, vector<1x16xf32>,
      %swap3A_345 = vector.shape_cast %swap3A_344 : vector<1x16xf32> to vector<16xf32>
      %swap3A_346 = vector.shape_cast %get3A_341 : vector<16xf32> to vector<1x16xf32>
      tpu.vector_store %arg8[%swap3A_342, %swap3A_343], %swap3A_346 {add = true, strides = array<i32>} : memref<64x128xf32, #tpu.memory_space<vmem>>, vector<1x16xf32>,
      %get3A_347 = arith.index_cast %scan3A_328 : i32 to index
      %get3A_348 = arith.constant 32 : index
      %get3A_349 = tpu.vector_load %arg10[%get3A_347, %get3A_348] {strides = array<i32>} : memref<64x128xf32, #tpu.memory_space<vmem>>, vector<1x16xf32>,
      %get3A_350 = vector.shape_cast %get3A_349 : vector<1x16xf32> to vector<16xf32>
      %swap3A_351 = arith.index_cast %scan3A_328 : i32 to index
      %swap3A_352 = arith.constant 32 : index
      %swap3A_353 = tpu.vector_load %arg8[%swap3A_351, %swap3A_352] {strides = array<i32>} : memref<64x128xf32, #tpu.memory_space<vmem>>, vector<1x16xf32>,
      %swap3A_354 = vector.shape_cast %swap3A_353 : vector<1x16xf32> to vector<16xf32>
      %swap3A_355 = vector.shape_cast %get3A_350 : vector<16xf32> to vector<1x16xf32>
      tpu.vector_store %arg8[%swap3A_351, %swap3A_352], %swap3A_355 {add = true, strides = array<i32>} : memref<64x128xf32, #tpu.memory_space<vmem>>, vector<1x16xf32>,
      %get3A_356 = arith.index_cast %scan3A_328 : i32 to index
      %get3A_357 = arith.constant 48 : index
      %get3A_358 = tpu.vector_load %arg10[%get3A_356, %get3A_357] {strides = array<i32>} : memref<64x128xf32, #tpu.memory_space<vmem>>, vector<1x16xf32>,
      %get3A_359 = vector.shape_cast %get3A_358 : vector<1x16xf32> to vector<16xf32>
      %swap3A_360 = arith.index_cast %scan3A_328 : i32 to index
      %swap3A_361 = arith.constant 48 : index
      %swap3A_362 = tpu.vector_load %arg8[%swap3A_360, %swap3A_361] {strides = array<i32>} : memref<64x128xf32, #tpu.memory_space<vmem>>, vector<1x16xf32>,
      %swap3A_363 = vector.shape_cast %swap3A_362 : vector<1x16xf32> to vector<16xf32>
      %swap3A_364 = vector.shape_cast %get3A_359 : vector<16xf32> to vector<1x16xf32>
      tpu.vector_store %arg8[%swap3A_360, %swap3A_361], %swap3A_364 {add = true, strides = array<i32>} : memref<64x128xf32, #tpu.memory_space<vmem>>, vector<1x16xf32>,
      %get3A_365 = arith.index_cast %scan3A_328 : i32 to index
      %get3A_366 = arith.constant 64 : index
      %get3A_367 = tpu.vector_load %arg10[%get3A_365, %get3A_366] {strides = array<i32>} : memref<64x128xf32, #tpu.memory_space<vmem>>, vector<1x16xf32>,
      %get3A_368 = vector.shape_cast %get3A_367 : vector<1x16xf32> to vector<16xf32>
      %swap3A_369 = arith.index_cast %scan3A_328 : i32 to index
      %swap3A_370 = arith.constant 64 : index
      %swap3A_371 = tpu.vector_load %arg8[%swap3A_369, %swap3A_370] {strides = array<i32>} : memref<64x128xf32, #tpu.memory_space<vmem>>, vector<1x16xf32>,
      %swap3A_372 = vector.shape_cast %swap3A_371 : vector<1x16xf32> to vector<16xf32>
      %swap3A_373 = vector.shape_cast %get3A_368 : vector<16xf32> to vector<1x16xf32>
      tpu.vector_store %arg8[%swap3A_369, %swap3A_370], %swap3A_373 {add = true, strides = array<i32>} : memref<64x128xf32, #tpu.memory_space<vmem>>, vector<1x16xf32>,
      %get3A_374 = arith.index_cast %scan3A_328 : i32 to index
      %get3A_375 = arith.constant 80 : index
      %get3A_376 = tpu.vector_load %arg10[%get3A_374, %get3A_375] {strides = array<i32>} : memref<64x128xf32, #tpu.memory_space<vmem>>, vector<1x16xf32>,
      %get3A_377 = vector.shape_cast %get3A_376 : vector<1x16xf32> to vector<16xf32>
      %swap3A_378 = arith.index_cast %scan3A_328 : i32 to index
      %swap3A_379 = arith.constant 80 : index
      %swap3A_380 = tpu.vector_load %arg8[%swap3A_378, %swap3A_379] {strides = array<i32>} : memref<64x128xf32, #tpu.memory_space<vmem>>, vector<1x16xf32>,
      %swap3A_381 = vector.shape_cast %swap3A_380 : vector<1x16xf32> to vector<16xf32>
      %swap3A_382 = vector.shape_cast %get3A_377 : vector<16xf32> to vector<1x16xf32>
      tpu.vector_store %arg8[%swap3A_378, %swap3A_379], %swap3A_382 {add = true, strides = array<i32>} : memref<64x128xf32, #tpu.memory_space<vmem>>, vector<1x16xf32>,
      %get3A_383 = arith.index_cast %scan3A_328 : i32 to index
      %get3A_384 = arith.constant 96 : index
      %get3A_385 = tpu.vector_load %arg10[%get3A_383, %get3A_384] {strides = array<i32>} : memref<64x128xf32, #tpu.memory_space<vmem>>, vector<1x16xf32>,
      %get3A_386 = vector.shape_cast %get3A_385 : vector<1x16xf32> to vector<16xf32>
      %swap3A_387 = arith.index_cast %scan3A_328 : i32 to index
      %swap3A_388 = arith.constant 96 : index
      %swap3A_389 = tpu.vector_load %arg8[%swap3A_387, %swap3A_388] {strides = array<i32>} : memref<64x128xf32, #tpu.memory_space<vmem>>, vector<1x16xf32>,
      %swap3A_390 = vector.shape_cast %swap3A_389 : vector<1x16xf32> to vector<16xf32>
      %swap3A_391 = vector.shape_cast %get3A_386 : vector<16xf32> to vector<1x16xf32>
      tpu.vector_store %arg8[%swap3A_387, %swap3A_388], %swap3A_391 {add = true, strides = array<i32>} : memref<64x128xf32, #tpu.memory_space<vmem>>, vector<1x16xf32>,
      %get3A_392 = arith.index_cast %scan3A_328 : i32 to index
      %get3A_393 = arith.constant 112 : index
      %get3A_394 = tpu.vector_load %arg10[%get3A_392, %get3A_393] {strides = array<i32>} : memref<64x128xf32, #tpu.memory_space<vmem>>, vector<1x16xf32>,
      %get3A_395 = vector.shape_cast %get3A_394 : vector<1x16xf32> to vector<16xf32>
      %swap3A_396 = arith.index_cast %scan3A_328 : i32 to index
      %swap3A_397 = arith.constant 112 : index
      %swap3A_398 = tpu.vector_load %arg8[%swap3A_396, %swap3A_397] {strides = array<i32>} : memref<64x128xf32, #tpu.memory_space<vmem>>, vector<1x16xf32>,
      %swap3A_399 = vector.shape_cast %swap3A_398 : vector<1x16xf32> to vector<16xf32>
      %swap3A_400 = vector.shape_cast %get3A_395 : vector<16xf32> to vector<1x16xf32>
      tpu.vector_store %arg8[%swap3A_396, %swap3A_397], %swap3A_400 {add = true, strides = array<i32>} : memref<64x128xf32, #tpu.memory_space<vmem>>, vector<1x16xf32>,
    }
    %scan3A_178 = arith.constant 64 : i32
    %add3A_179 = arith.constant 20480 : i32
    %add3A_180 = arith.addi %add3A_179, %mul3A_2 : i32
    "tpu.region"() ({
      %run_scoped3A = tpu.sem_alloc : memref<!tpu.dma_semaphore, #tpu.memory_space<semaphore_mem>>
      %dma_start3A_256 = arith.constant 0 : i32
      %dma_start3A_257 = tpu.memref_slice %arg5[%add3A_180, %dma_start3A_256] : memref<32768x128xf32, #tpu.memory_space<hbm>> -> memref<64x128xf32, #tpu.memory_space<hbm>>
      %dma_start3A_258 = arith.constant 0 : i32
      %dma_start3A_259 = tpu.memref_slice %arg5[%add3A_180, %dma_start3A_258] : memref<32768x128xf32, #tpu.memory_space<hbm>> -> memref<64x128xf32, #tpu.memory_space<hbm>>
      tpu.enqueue_dma source(%arg8 : memref<64x128xf32, #tpu.memory_space<vmem>>) target(%dma_start3A_259 : memref<64x128xf32, #tpu.memory_space<hbm>>) target_semaphore(%run_scoped3A : memref<!tpu.dma_semaphore, #tpu.memory_space<semaphore_mem>>)
      %dma_wait3A_260 = arith.constant 0 : i32
      %dma_wait3A_261 = tpu.memref_slice %arg5[%add3A_180, %dma_wait3A_260] : memref<32768x128xf32, #tpu.memory_space<hbm>> -> memref<64x128xf32, #tpu.memory_space<hbm>>
      %dma_wait3A_262 = arith.constant 0 : i32
      %dma_wait3A_263 = tpu.memref_slice %arg5[%add3A_180, %dma_wait3A_262] : memref<32768x128xf32, #tpu.memory_space<hbm>> -> memref<64x128xf32, #tpu.memory_space<hbm>>
      tpu.wait_dma2 semaphore(%run_scoped3A : memref<!tpu.dma_semaphore, #tpu.memory_space<semaphore_mem>>) src(%arg8 : memref<64x128xf32, #tpu.memory_space<vmem>>) dst(%dma_wait3A_263 : memref<64x128xf32, #tpu.memory_space<hbm>>)
      tpu.yield
    }) : () -> ()
    %add3A_181 = arith.constant 24576 : i32
    %add3A_182 = arith.addi %add3A_181, %mul3A_2 : i32
    "tpu.region"() ({
      %run_scoped3A = tpu.sem_alloc : memref<!tpu.dma_semaphore, #tpu.memory_space<semaphore_mem>>
      %dma_start3A_256 = tpu.memref_slice %arg2[%add3A_182] : memref<32768xi32, #tpu.memory_space<hbm>> -> memref<64xi32, #tpu.memory_space<hbm>>
      %dma_start3A_257 = tpu.memref_slice %arg2[%add3A_182] : memref<32768xi32, #tpu.memory_space<hbm>> -> memref<64xi32, #tpu.memory_space<hbm>>
      tpu.enqueue_dma source(%dma_start3A_257 : memref<64xi32, #tpu.memory_space<hbm>>) target(%arg6 : memref<64xi32, #tpu.memory_space<vmem>>) target_semaphore(%run_scoped3A : memref<!tpu.dma_semaphore, #tpu.memory_space<semaphore_mem>>)
      %dma_wait3A_258 = tpu.memref_slice %arg2[%add3A_182] : memref<32768xi32, #tpu.memory_space<hbm>> -> memref<64xi32, #tpu.memory_space<hbm>>
      %dma_wait3A_259 = tpu.memref_slice %arg2[%add3A_182] : memref<32768xi32, #tpu.memory_space<hbm>> -> memref<64xi32, #tpu.memory_space<hbm>>
      tpu.wait_dma2 semaphore(%run_scoped3A : memref<!tpu.dma_semaphore, #tpu.memory_space<semaphore_mem>>) src(%dma_wait3A_259 : memref<64xi32, #tpu.memory_space<hbm>>) dst(%arg6 : memref<64xi32, #tpu.memory_space<vmem>>)
      tpu.yield
    }) : () -> ()
    %dma_start3A_183 = arith.constant 0 : i32
    %dma_start3A_184 = arith.constant 0 : i32
    %dma_start3A_185 = tpu.memref_slice %arg3[%dma_start3A_183, %dma_start3A_184] : memref<100000x128xf32, #tpu.memory_space<hbm>> -> memref<100000x128xf32, #tpu.memory_space<hbm>>
    tpu.enqueue_indirect_dma source(%dma_start3A_185 : memref<100000x128xf32, #tpu.memory_space<hbm>>) target(%arg8 : memref<64x128xf32, #tpu.memory_space<vmem>>) offsets(%arg6 : memref<64xi32, #tpu.memory_space<vmem>>) semaphore(%arg11 : memref<!tpu.dma_semaphore, #tpu.memory_space<semaphore_mem>>)
    %dma_wait3A_186 = arith.constant 0 : i32
    %dma_wait3A_187 = arith.constant 0 : i32
    %dma_wait3A_188 = tpu.memref_slice %arg3[%dma_wait3A_186, %dma_wait3A_187] : memref<100000x128xf32, #tpu.memory_space<hbm>> -> memref<100000x128xf32, #tpu.memory_space<hbm>>
    tpu.wait_indirect_dma semaphore(%arg12 : memref<!tpu.dma_semaphore, #tpu.memory_space<semaphore_mem>>) src(%dma_wait3A_188 : memref<100000x128xf32, #tpu.memory_space<hbm>>) dst(%arg9 : memref<64x128xf32, #tpu.memory_space<vmem>>)
    %scan3A_189 = arith.constant 0 : i32
    %scan3A_190 = arith.constant 0 : i32
    %scan3A_191 = arith.constant 64 : i32
    %scan3A_192 = arith.addi %scan3A_190, %scan3A_191 : i32
    %scan3A_193 = arith.constant 2 : i32
    scf.for %scan3A_256 = %scan3A_190 to %scan3A_192 step %scan3A_193  : i32 {
      %get3A = arith.index_cast %scan3A_256 : i32 to index
      %get3A_257 = arith.constant 0 : index
      %get3A_258 = tpu.vector_load %arg10[%get3A, %get3A_257] {strides = array<i32>} : memref<64x128xf32, #tpu.memory_space<vmem>>, vector<1x16xf32>,
      %get3A_259 = vector.shape_cast %get3A_258 : vector<1x16xf32> to vector<16xf32>
      %swap3A = arith.index_cast %scan3A_256 : i32 to index
      %swap3A_260 = arith.constant 0 : index
      %swap3A_261 = tpu.vector_load %arg9[%swap3A, %swap3A_260] {strides = array<i32>} : memref<64x128xf32, #tpu.memory_space<vmem>>, vector<1x16xf32>,
      %swap3A_262 = vector.shape_cast %swap3A_261 : vector<1x16xf32> to vector<16xf32>
      %swap3A_263 = vector.shape_cast %get3A_259 : vector<16xf32> to vector<1x16xf32>
      tpu.vector_store %arg9[%swap3A, %swap3A_260], %swap3A_263 {add = true, strides = array<i32>} : memref<64x128xf32, #tpu.memory_space<vmem>>, vector<1x16xf32>,
      %get3A_264 = arith.index_cast %scan3A_256 : i32 to index
      %get3A_265 = arith.constant 16 : index
      %get3A_266 = tpu.vector_load %arg10[%get3A_264, %get3A_265] {strides = array<i32>} : memref<64x128xf32, #tpu.memory_space<vmem>>, vector<1x16xf32>,
      %get3A_267 = vector.shape_cast %get3A_266 : vector<1x16xf32> to vector<16xf32>
      %swap3A_268 = arith.index_cast %scan3A_256 : i32 to index
      %swap3A_269 = arith.constant 16 : index
      %swap3A_270 = tpu.vector_load %arg9[%swap3A_268, %swap3A_269] {strides = array<i32>} : memref<64x128xf32, #tpu.memory_space<vmem>>, vector<1x16xf32>,
      %swap3A_271 = vector.shape_cast %swap3A_270 : vector<1x16xf32> to vector<16xf32>
      %swap3A_272 = vector.shape_cast %get3A_267 : vector<16xf32> to vector<1x16xf32>
      tpu.vector_store %arg9[%swap3A_268, %swap3A_269], %swap3A_272 {add = true, strides = array<i32>} : memref<64x128xf32, #tpu.memory_space<vmem>>, vector<1x16xf32>,
      %get3A_273 = arith.index_cast %scan3A_256 : i32 to index
      %get3A_274 = arith.constant 32 : index
      %get3A_275 = tpu.vector_load %arg10[%get3A_273, %get3A_274] {strides = array<i32>} : memref<64x128xf32, #tpu.memory_space<vmem>>, vector<1x16xf32>,
      %get3A_276 = vector.shape_cast %get3A_275 : vector<1x16xf32> to vector<16xf32>
      %swap3A_277 = arith.index_cast %scan3A_256 : i32 to index
      %swap3A_278 = arith.constant 32 : index
      %swap3A_279 = tpu.vector_load %arg9[%swap3A_277, %swap3A_278] {strides = array<i32>} : memref<64x128xf32, #tpu.memory_space<vmem>>, vector<1x16xf32>,
      %swap3A_280 = vector.shape_cast %swap3A_279 : vector<1x16xf32> to vector<16xf32>
      %swap3A_281 = vector.shape_cast %get3A_276 : vector<16xf32> to vector<1x16xf32>
      tpu.vector_store %arg9[%swap3A_277, %swap3A_278], %swap3A_281 {add = true, strides = array<i32>} : memref<64x128xf32, #tpu.memory_space<vmem>>, vector<1x16xf32>,
      %get3A_282 = arith.index_cast %scan3A_256 : i32 to index
      %get3A_283 = arith.constant 48 : index
      %get3A_284 = tpu.vector_load %arg10[%get3A_282, %get3A_283] {strides = array<i32>} : memref<64x128xf32, #tpu.memory_space<vmem>>, vector<1x16xf32>,
      %get3A_285 = vector.shape_cast %get3A_284 : vector<1x16xf32> to vector<16xf32>
      %swap3A_286 = arith.index_cast %scan3A_256 : i32 to index
      %swap3A_287 = arith.constant 48 : index
      %swap3A_288 = tpu.vector_load %arg9[%swap3A_286, %swap3A_287] {strides = array<i32>} : memref<64x128xf32, #tpu.memory_space<vmem>>, vector<1x16xf32>,
      %swap3A_289 = vector.shape_cast %swap3A_288 : vector<1x16xf32> to vector<16xf32>
      %swap3A_290 = vector.shape_cast %get3A_285 : vector<16xf32> to vector<1x16xf32>
      tpu.vector_store %arg9[%swap3A_286, %swap3A_287], %swap3A_290 {add = true, strides = array<i32>} : memref<64x128xf32, #tpu.memory_space<vmem>>, vector<1x16xf32>,
      %get3A_291 = arith.index_cast %scan3A_256 : i32 to index
      %get3A_292 = arith.constant 64 : index
      %get3A_293 = tpu.vector_load %arg10[%get3A_291, %get3A_292] {strides = array<i32>} : memref<64x128xf32, #tpu.memory_space<vmem>>, vector<1x16xf32>,
      %get3A_294 = vector.shape_cast %get3A_293 : vector<1x16xf32> to vector<16xf32>
      %swap3A_295 = arith.index_cast %scan3A_256 : i32 to index
      %swap3A_296 = arith.constant 64 : index
      %swap3A_297 = tpu.vector_load %arg9[%swap3A_295, %swap3A_296] {strides = array<i32>} : memref<64x128xf32, #tpu.memory_space<vmem>>, vector<1x16xf32>,
      %swap3A_298 = vector.shape_cast %swap3A_297 : vector<1x16xf32> to vector<16xf32>
      %swap3A_299 = vector.shape_cast %get3A_294 : vector<16xf32> to vector<1x16xf32>
      tpu.vector_store %arg9[%swap3A_295, %swap3A_296], %swap3A_299 {add = true, strides = array<i32>} : memref<64x128xf32, #tpu.memory_space<vmem>>, vector<1x16xf32>,
      %get3A_300 = arith.index_cast %scan3A_256 : i32 to index
      %get3A_301 = arith.constant 80 : index
      %get3A_302 = tpu.vector_load %arg10[%get3A_300, %get3A_301] {strides = array<i32>} : memref<64x128xf32, #tpu.memory_space<vmem>>, vector<1x16xf32>,
      %get3A_303 = vector.shape_cast %get3A_302 : vector<1x16xf32> to vector<16xf32>
      %swap3A_304 = arith.index_cast %scan3A_256 : i32 to index
      %swap3A_305 = arith.constant 80 : index
      %swap3A_306 = tpu.vector_load %arg9[%swap3A_304, %swap3A_305] {strides = array<i32>} : memref<64x128xf32, #tpu.memory_space<vmem>>, vector<1x16xf32>,
      %swap3A_307 = vector.shape_cast %swap3A_306 : vector<1x16xf32> to vector<16xf32>
      %swap3A_308 = vector.shape_cast %get3A_303 : vector<16xf32> to vector<1x16xf32>
      tpu.vector_store %arg9[%swap3A_304, %swap3A_305], %swap3A_308 {add = true, strides = array<i32>} : memref<64x128xf32, #tpu.memory_space<vmem>>, vector<1x16xf32>,
      %get3A_309 = arith.index_cast %scan3A_256 : i32 to index
      %get3A_310 = arith.constant 96 : index
      %get3A_311 = tpu.vector_load %arg10[%get3A_309, %get3A_310] {strides = array<i32>} : memref<64x128xf32, #tpu.memory_space<vmem>>, vector<1x16xf32>,
      %get3A_312 = vector.shape_cast %get3A_311 : vector<1x16xf32> to vector<16xf32>
      %swap3A_313 = arith.index_cast %scan3A_256 : i32 to index
      %swap3A_314 = arith.constant 96 : index
      %swap3A_315 = tpu.vector_load %arg9[%swap3A_313, %swap3A_314] {strides = array<i32>} : memref<64x128xf32, #tpu.memory_space<vmem>>, vector<1x16xf32>,
      %swap3A_316 = vector.shape_cast %swap3A_315 : vector<1x16xf32> to vector<16xf32>
      %swap3A_317 = vector.shape_cast %get3A_312 : vector<16xf32> to vector<1x16xf32>
      tpu.vector_store %arg9[%swap3A_313, %swap3A_314], %swap3A_317 {add = true, strides = array<i32>} : memref<64x128xf32, #tpu.memory_space<vmem>>, vector<1x16xf32>,
      %get3A_318 = arith.index_cast %scan3A_256 : i32 to index
      %get3A_319 = arith.constant 112 : index
      %get3A_320 = tpu.vector_load %arg10[%get3A_318, %get3A_319] {strides = array<i32>} : memref<64x128xf32, #tpu.memory_space<vmem>>, vector<1x16xf32>,
      %get3A_321 = vector.shape_cast %get3A_320 : vector<1x16xf32> to vector<16xf32>
      %swap3A_322 = arith.index_cast %scan3A_256 : i32 to index
      %swap3A_323 = arith.constant 112 : index
      %swap3A_324 = tpu.vector_load %arg9[%swap3A_322, %swap3A_323] {strides = array<i32>} : memref<64x128xf32, #tpu.memory_space<vmem>>, vector<1x16xf32>,
      %swap3A_325 = vector.shape_cast %swap3A_324 : vector<1x16xf32> to vector<16xf32>
      %swap3A_326 = vector.shape_cast %get3A_321 : vector<16xf32> to vector<1x16xf32>
      tpu.vector_store %arg9[%swap3A_322, %swap3A_323], %swap3A_326 {add = true, strides = array<i32>} : memref<64x128xf32, #tpu.memory_space<vmem>>, vector<1x16xf32>,
      %scan3A_327 = arith.constant 1 : i32
      %scan3A_328 = arith.addi %scan3A_256, %scan3A_327 : i32
      %get3A_329 = arith.index_cast %scan3A_328 : i32 to index
      %get3A_330 = arith.constant 0 : index
      %get3A_331 = tpu.vector_load %arg10[%get3A_329, %get3A_330] {strides = array<i32>} : memref<64x128xf32, #tpu.memory_space<vmem>>, vector<1x16xf32>,
      %get3A_332 = vector.shape_cast %get3A_331 : vector<1x16xf32> to vector<16xf32>
      %swap3A_333 = arith.index_cast %scan3A_328 : i32 to index
      %swap3A_334 = arith.constant 0 : index
      %swap3A_335 = tpu.vector_load %arg9[%swap3A_333, %swap3A_334] {strides = array<i32>} : memref<64x128xf32, #tpu.memory_space<vmem>>, vector<1x16xf32>,
      %swap3A_336 = vector.shape_cast %swap3A_335 : vector<1x16xf32> to vector<16xf32>
      %swap3A_337 = vector.shape_cast %get3A_332 : vector<16xf32> to vector<1x16xf32>
      tpu.vector_store %arg9[%swap3A_333, %swap3A_334], %swap3A_337 {add = true, strides = array<i32>} : memref<64x128xf32, #tpu.memory_space<vmem>>, vector<1x16xf32>,
      %get3A_338 = arith.index_cast %scan3A_328 : i32 to index
      %get3A_339 = arith.constant 16 : index
      %get3A_340 = tpu.vector_load %arg10[%get3A_338, %get3A_339] {strides = array<i32>} : memref<64x128xf32, #tpu.memory_space<vmem>>, vector<1x16xf32>,
      %get3A_341 = vector.shape_cast %get3A_340 : vector<1x16xf32> to vector<16xf32>
      %swap3A_342 = arith.index_cast %scan3A_328 : i32 to index
      %swap3A_343 = arith.constant 16 : index
      %swap3A_344 = tpu.vector_load %arg9[%swap3A_342, %swap3A_343] {strides = array<i32>} : memref<64x128xf32, #tpu.memory_space<vmem>>, vector<1x16xf32>,
      %swap3A_345 = vector.shape_cast %swap3A_344 : vector<1x16xf32> to vector<16xf32>
      %swap3A_346 = vector.shape_cast %get3A_341 : vector<16xf32> to vector<1x16xf32>
      tpu.vector_store %arg9[%swap3A_342, %swap3A_343], %swap3A_346 {add = true, strides = array<i32>} : memref<64x128xf32, #tpu.memory_space<vmem>>, vector<1x16xf32>,
      %get3A_347 = arith.index_cast %scan3A_328 : i32 to index
      %get3A_348 = arith.constant 32 : index
      %get3A_349 = tpu.vector_load %arg10[%get3A_347, %get3A_348] {strides = array<i32>} : memref<64x128xf32, #tpu.memory_space<vmem>>, vector<1x16xf32>,
      %get3A_350 = vector.shape_cast %get3A_349 : vector<1x16xf32> to vector<16xf32>
      %swap3A_351 = arith.index_cast %scan3A_328 : i32 to index
      %swap3A_352 = arith.constant 32 : index
      %swap3A_353 = tpu.vector_load %arg9[%swap3A_351, %swap3A_352] {strides = array<i32>} : memref<64x128xf32, #tpu.memory_space<vmem>>, vector<1x16xf32>,
      %swap3A_354 = vector.shape_cast %swap3A_353 : vector<1x16xf32> to vector<16xf32>
      %swap3A_355 = vector.shape_cast %get3A_350 : vector<16xf32> to vector<1x16xf32>
      tpu.vector_store %arg9[%swap3A_351, %swap3A_352], %swap3A_355 {add = true, strides = array<i32>} : memref<64x128xf32, #tpu.memory_space<vmem>>, vector<1x16xf32>,
      %get3A_356 = arith.index_cast %scan3A_328 : i32 to index
      %get3A_357 = arith.constant 48 : index
      %get3A_358 = tpu.vector_load %arg10[%get3A_356, %get3A_357] {strides = array<i32>} : memref<64x128xf32, #tpu.memory_space<vmem>>, vector<1x16xf32>,
      %get3A_359 = vector.shape_cast %get3A_358 : vector<1x16xf32> to vector<16xf32>
      %swap3A_360 = arith.index_cast %scan3A_328 : i32 to index
      %swap3A_361 = arith.constant 48 : index
      %swap3A_362 = tpu.vector_load %arg9[%swap3A_360, %swap3A_361] {strides = array<i32>} : memref<64x128xf32, #tpu.memory_space<vmem>>, vector<1x16xf32>,
      %swap3A_363 = vector.shape_cast %swap3A_362 : vector<1x16xf32> to vector<16xf32>
      %swap3A_364 = vector.shape_cast %get3A_359 : vector<16xf32> to vector<1x16xf32>
      tpu.vector_store %arg9[%swap3A_360, %swap3A_361], %swap3A_364 {add = true, strides = array<i32>} : memref<64x128xf32, #tpu.memory_space<vmem>>, vector<1x16xf32>,
      %get3A_365 = arith.index_cast %scan3A_328 : i32 to index
      %get3A_366 = arith.constant 64 : index
      %get3A_367 = tpu.vector_load %arg10[%get3A_365, %get3A_366] {strides = array<i32>} : memref<64x128xf32, #tpu.memory_space<vmem>>, vector<1x16xf32>,
      %get3A_368 = vector.shape_cast %get3A_367 : vector<1x16xf32> to vector<16xf32>
      %swap3A_369 = arith.index_cast %scan3A_328 : i32 to index
      %swap3A_370 = arith.constant 64 : index
      %swap3A_371 = tpu.vector_load %arg9[%swap3A_369, %swap3A_370] {strides = array<i32>} : memref<64x128xf32, #tpu.memory_space<vmem>>, vector<1x16xf32>,
      %swap3A_372 = vector.shape_cast %swap3A_371 : vector<1x16xf32> to vector<16xf32>
      %swap3A_373 = vector.shape_cast %get3A_368 : vector<16xf32> to vector<1x16xf32>
      tpu.vector_store %arg9[%swap3A_369, %swap3A_370], %swap3A_373 {add = true, strides = array<i32>} : memref<64x128xf32, #tpu.memory_space<vmem>>, vector<1x16xf32>,
      %get3A_374 = arith.index_cast %scan3A_328 : i32 to index
      %get3A_375 = arith.constant 80 : index
      %get3A_376 = tpu.vector_load %arg10[%get3A_374, %get3A_375] {strides = array<i32>} : memref<64x128xf32, #tpu.memory_space<vmem>>, vector<1x16xf32>,
      %get3A_377 = vector.shape_cast %get3A_376 : vector<1x16xf32> to vector<16xf32>
      %swap3A_378 = arith.index_cast %scan3A_328 : i32 to index
      %swap3A_379 = arith.constant 80 : index
      %swap3A_380 = tpu.vector_load %arg9[%swap3A_378, %swap3A_379] {strides = array<i32>} : memref<64x128xf32, #tpu.memory_space<vmem>>, vector<1x16xf32>,
      %swap3A_381 = vector.shape_cast %swap3A_380 : vector<1x16xf32> to vector<16xf32>
      %swap3A_382 = vector.shape_cast %get3A_377 : vector<16xf32> to vector<1x16xf32>
      tpu.vector_store %arg9[%swap3A_378, %swap3A_379], %swap3A_382 {add = true, strides = array<i32>} : memref<64x128xf32, #tpu.memory_space<vmem>>, vector<1x16xf32>,
      %get3A_383 = arith.index_cast %scan3A_328 : i32 to index
      %get3A_384 = arith.constant 96 : index
      %get3A_385 = tpu.vector_load %arg10[%get3A_383, %get3A_384] {strides = array<i32>} : memref<64x128xf32, #tpu.memory_space<vmem>>, vector<1x16xf32>,
      %get3A_386 = vector.shape_cast %get3A_385 : vector<1x16xf32> to vector<16xf32>
      %swap3A_387 = arith.index_cast %scan3A_328 : i32 to index
      %swap3A_388 = arith.constant 96 : index
      %swap3A_389 = tpu.vector_load %arg9[%swap3A_387, %swap3A_388] {strides = array<i32>} : memref<64x128xf32, #tpu.memory_space<vmem>>, vector<1x16xf32>,
      %swap3A_390 = vector.shape_cast %swap3A_389 : vector<1x16xf32> to vector<16xf32>
      %swap3A_391 = vector.shape_cast %get3A_386 : vector<16xf32> to vector<1x16xf32>
      tpu.vector_store %arg9[%swap3A_387, %swap3A_388], %swap3A_391 {add = true, strides = array<i32>} : memref<64x128xf32, #tpu.memory_space<vmem>>, vector<1x16xf32>,
      %get3A_392 = arith.index_cast %scan3A_328 : i32 to index
      %get3A_393 = arith.constant 112 : index
      %get3A_394 = tpu.vector_load %arg10[%get3A_392, %get3A_393] {strides = array<i32>} : memref<64x128xf32, #tpu.memory_space<vmem>>, vector<1x16xf32>,
      %get3A_395 = vector.shape_cast %get3A_394 : vector<1x16xf32> to vector<16xf32>
      %swap3A_396 = arith.index_cast %scan3A_328 : i32 to index
      %swap3A_397 = arith.constant 112 : index
      %swap3A_398 = tpu.vector_load %arg9[%swap3A_396, %swap3A_397] {strides = array<i32>} : memref<64x128xf32, #tpu.memory_space<vmem>>, vector<1x16xf32>,
      %swap3A_399 = vector.shape_cast %swap3A_398 : vector<1x16xf32> to vector<16xf32>
      %swap3A_400 = vector.shape_cast %get3A_395 : vector<16xf32> to vector<1x16xf32>
      tpu.vector_store %arg9[%swap3A_396, %swap3A_397], %swap3A_400 {add = true, strides = array<i32>} : memref<64x128xf32, #tpu.memory_space<vmem>>, vector<1x16xf32>,
    }
    %scan3A_194 = arith.constant 64 : i32
    %add3A_195 = arith.constant 22528 : i32
    %add3A_196 = arith.addi %add3A_195, %mul3A_2 : i32
    "tpu.region"() ({
      %run_scoped3A = tpu.sem_alloc : memref<!tpu.dma_semaphore, #tpu.memory_space<semaphore_mem>>
      %dma_start3A_256 = arith.constant 0 : i32
      %dma_start3A_257 = tpu.memref_slice %arg5[%add3A_196, %dma_start3A_256] : memref<32768x128xf32, #tpu.memory_space<hbm>> -> memref<64x128xf32, #tpu.memory_space<hbm>>
      %dma_start3A_258 = arith.constant 0 : i32
      %dma_start3A_259 = tpu.memref_slice %arg5[%add3A_196, %dma_start3A_258] : memref<32768x128xf32, #tpu.memory_space<hbm>> -> memref<64x128xf32, #tpu.memory_space<hbm>>
      tpu.enqueue_dma source(%arg9 : memref<64x128xf32, #tpu.memory_space<vmem>>) target(%dma_start3A_259 : memref<64x128xf32, #tpu.memory_space<hbm>>) target_semaphore(%run_scoped3A : memref<!tpu.dma_semaphore, #tpu.memory_space<semaphore_mem>>)
      %dma_wait3A_260 = arith.constant 0 : i32
      %dma_wait3A_261 = tpu.memref_slice %arg5[%add3A_196, %dma_wait3A_260] : memref<32768x128xf32, #tpu.memory_space<hbm>> -> memref<64x128xf32, #tpu.memory_space<hbm>>
      %dma_wait3A_262 = arith.constant 0 : i32
      %dma_wait3A_263 = tpu.memref_slice %arg5[%add3A_196, %dma_wait3A_262] : memref<32768x128xf32, #tpu.memory_space<hbm>> -> memref<64x128xf32, #tpu.memory_space<hbm>>
      tpu.wait_dma2 semaphore(%run_scoped3A : memref<!tpu.dma_semaphore, #tpu.memory_space<semaphore_mem>>) src(%arg9 : memref<64x128xf32, #tpu.memory_space<vmem>>) dst(%dma_wait3A_263 : memref<64x128xf32, #tpu.memory_space<hbm>>)
      tpu.yield
    }) : () -> ()
    %add3A_197 = arith.constant 26624 : i32
    %add3A_198 = arith.addi %add3A_197, %mul3A_2 : i32
    "tpu.region"() ({
      %run_scoped3A = tpu.sem_alloc : memref<!tpu.dma_semaphore, #tpu.memory_space<semaphore_mem>>
      %dma_start3A_256 = tpu.memref_slice %arg2[%add3A_198] : memref<32768xi32, #tpu.memory_space<hbm>> -> memref<64xi32, #tpu.memory_space<hbm>>
      %dma_start3A_257 = tpu.memref_slice %arg2[%add3A_198] : memref<32768xi32, #tpu.memory_space<hbm>> -> memref<64xi32, #tpu.memory_space<hbm>>
      tpu.enqueue_dma source(%dma_start3A_257 : memref<64xi32, #tpu.memory_space<hbm>>) target(%arg7 : memref<64xi32, #tpu.memory_space<vmem>>) target_semaphore(%run_scoped3A : memref<!tpu.dma_semaphore, #tpu.memory_space<semaphore_mem>>)
      %dma_wait3A_258 = tpu.memref_slice %arg2[%add3A_198] : memref<32768xi32, #tpu.memory_space<hbm>> -> memref<64xi32, #tpu.memory_space<hbm>>
      %dma_wait3A_259 = tpu.memref_slice %arg2[%add3A_198] : memref<32768xi32, #tpu.memory_space<hbm>> -> memref<64xi32, #tpu.memory_space<hbm>>
      tpu.wait_dma2 semaphore(%run_scoped3A : memref<!tpu.dma_semaphore, #tpu.memory_space<semaphore_mem>>) src(%dma_wait3A_259 : memref<64xi32, #tpu.memory_space<hbm>>) dst(%arg7 : memref<64xi32, #tpu.memory_space<vmem>>)
      tpu.yield
    }) : () -> ()
    %dma_start3A_199 = arith.constant 0 : i32
    %dma_start3A_200 = arith.constant 0 : i32
    %dma_start3A_201 = tpu.memref_slice %arg3[%dma_start3A_199, %dma_start3A_200] : memref<100000x128xf32, #tpu.memory_space<hbm>> -> memref<100000x128xf32, #tpu.memory_space<hbm>>
    tpu.enqueue_indirect_dma source(%dma_start3A_201 : memref<100000x128xf32, #tpu.memory_space<hbm>>) target(%arg9 : memref<64x128xf32, #tpu.memory_space<vmem>>) offsets(%arg7 : memref<64xi32, #tpu.memory_space<vmem>>) semaphore(%arg12 : memref<!tpu.dma_semaphore, #tpu.memory_space<semaphore_mem>>)
    %dma_wait3A_202 = arith.constant 0 : i32
    %dma_wait3A_203 = arith.constant 0 : i32
    %dma_wait3A_204 = tpu.memref_slice %arg3[%dma_wait3A_202, %dma_wait3A_203] : memref<100000x128xf32, #tpu.memory_space<hbm>> -> memref<100000x128xf32, #tpu.memory_space<hbm>>
    tpu.wait_indirect_dma semaphore(%arg11 : memref<!tpu.dma_semaphore, #tpu.memory_space<semaphore_mem>>) src(%dma_wait3A_204 : memref<100000x128xf32, #tpu.memory_space<hbm>>) dst(%arg8 : memref<64x128xf32, #tpu.memory_space<vmem>>)
    %scan3A_205 = arith.constant 0 : i32
    %scan3A_206 = arith.constant 0 : i32
    %scan3A_207 = arith.constant 64 : i32
    %scan3A_208 = arith.addi %scan3A_206, %scan3A_207 : i32
    %scan3A_209 = arith.constant 2 : i32
    scf.for %scan3A_256 = %scan3A_206 to %scan3A_208 step %scan3A_209  : i32 {
      %get3A = arith.index_cast %scan3A_256 : i32 to index
      %get3A_257 = arith.constant 0 : index
      %get3A_258 = tpu.vector_load %arg10[%get3A, %get3A_257] {strides = array<i32>} : memref<64x128xf32, #tpu.memory_space<vmem>>, vector<1x16xf32>,
      %get3A_259 = vector.shape_cast %get3A_258 : vector<1x16xf32> to vector<16xf32>
      %swap3A = arith.index_cast %scan3A_256 : i32 to index
      %swap3A_260 = arith.constant 0 : index
      %swap3A_261 = tpu.vector_load %arg8[%swap3A, %swap3A_260] {strides = array<i32>} : memref<64x128xf32, #tpu.memory_space<vmem>>, vector<1x16xf32>,
      %swap3A_262 = vector.shape_cast %swap3A_261 : vector<1x16xf32> to vector<16xf32>
      %swap3A_263 = vector.shape_cast %get3A_259 : vector<16xf32> to vector<1x16xf32>
      tpu.vector_store %arg8[%swap3A, %swap3A_260], %swap3A_263 {add = true, strides = array<i32>} : memref<64x128xf32, #tpu.memory_space<vmem>>, vector<1x16xf32>,
      %get3A_264 = arith.index_cast %scan3A_256 : i32 to index
      %get3A_265 = arith.constant 16 : index
      %get3A_266 = tpu.vector_load %arg10[%get3A_264, %get3A_265] {strides = array<i32>} : memref<64x128xf32, #tpu.memory_space<vmem>>, vector<1x16xf32>,
      %get3A_267 = vector.shape_cast %get3A_266 : vector<1x16xf32> to vector<16xf32>
      %swap3A_268 = arith.index_cast %scan3A_256 : i32 to index
      %swap3A_269 = arith.constant 16 : index
      %swap3A_270 = tpu.vector_load %arg8[%swap3A_268, %swap3A_269] {strides = array<i32>} : memref<64x128xf32, #tpu.memory_space<vmem>>, vector<1x16xf32>,
      %swap3A_271 = vector.shape_cast %swap3A_270 : vector<1x16xf32> to vector<16xf32>
      %swap3A_272 = vector.shape_cast %get3A_267 : vector<16xf32> to vector<1x16xf32>
      tpu.vector_store %arg8[%swap3A_268, %swap3A_269], %swap3A_272 {add = true, strides = array<i32>} : memref<64x128xf32, #tpu.memory_space<vmem>>, vector<1x16xf32>,
      %get3A_273 = arith.index_cast %scan3A_256 : i32 to index
      %get3A_274 = arith.constant 32 : index
      %get3A_275 = tpu.vector_load %arg10[%get3A_273, %get3A_274] {strides = array<i32>} : memref<64x128xf32, #tpu.memory_space<vmem>>, vector<1x16xf32>,
      %get3A_276 = vector.shape_cast %get3A_275 : vector<1x16xf32> to vector<16xf32>
      %swap3A_277 = arith.index_cast %scan3A_256 : i32 to index
      %swap3A_278 = arith.constant 32 : index
      %swap3A_279 = tpu.vector_load %arg8[%swap3A_277, %swap3A_278] {strides = array<i32>} : memref<64x128xf32, #tpu.memory_space<vmem>>, vector<1x16xf32>,
      %swap3A_280 = vector.shape_cast %swap3A_279 : vector<1x16xf32> to vector<16xf32>
      %swap3A_281 = vector.shape_cast %get3A_276 : vector<16xf32> to vector<1x16xf32>
      tpu.vector_store %arg8[%swap3A_277, %swap3A_278], %swap3A_281 {add = true, strides = array<i32>} : memref<64x128xf32, #tpu.memory_space<vmem>>, vector<1x16xf32>,
      %get3A_282 = arith.index_cast %scan3A_256 : i32 to index
      %get3A_283 = arith.constant 48 : index
      %get3A_284 = tpu.vector_load %arg10[%get3A_282, %get3A_283] {strides = array<i32>} : memref<64x128xf32, #tpu.memory_space<vmem>>, vector<1x16xf32>,
      %get3A_285 = vector.shape_cast %get3A_284 : vector<1x16xf32> to vector<16xf32>
      %swap3A_286 = arith.index_cast %scan3A_256 : i32 to index
      %swap3A_287 = arith.constant 48 : index
      %swap3A_288 = tpu.vector_load %arg8[%swap3A_286, %swap3A_287] {strides = array<i32>} : memref<64x128xf32, #tpu.memory_space<vmem>>, vector<1x16xf32>,
      %swap3A_289 = vector.shape_cast %swap3A_288 : vector<1x16xf32> to vector<16xf32>
      %swap3A_290 = vector.shape_cast %get3A_285 : vector<16xf32> to vector<1x16xf32>
      tpu.vector_store %arg8[%swap3A_286, %swap3A_287], %swap3A_290 {add = true, strides = array<i32>} : memref<64x128xf32, #tpu.memory_space<vmem>>, vector<1x16xf32>,
      %get3A_291 = arith.index_cast %scan3A_256 : i32 to index
      %get3A_292 = arith.constant 64 : index
      %get3A_293 = tpu.vector_load %arg10[%get3A_291, %get3A_292] {strides = array<i32>} : memref<64x128xf32, #tpu.memory_space<vmem>>, vector<1x16xf32>,
      %get3A_294 = vector.shape_cast %get3A_293 : vector<1x16xf32> to vector<16xf32>
      %swap3A_295 = arith.index_cast %scan3A_256 : i32 to index
      %swap3A_296 = arith.constant 64 : index
      %swap3A_297 = tpu.vector_load %arg8[%swap3A_295, %swap3A_296] {strides = array<i32>} : memref<64x128xf32, #tpu.memory_space<vmem>>, vector<1x16xf32>,
      %swap3A_298 = vector.shape_cast %swap3A_297 : vector<1x16xf32> to vector<16xf32>
      %swap3A_299 = vector.shape_cast %get3A_294 : vector<16xf32> to vector<1x16xf32>
      tpu.vector_store %arg8[%swap3A_295, %swap3A_296], %swap3A_299 {add = true, strides = array<i32>} : memref<64x128xf32, #tpu.memory_space<vmem>>, vector<1x16xf32>,
      %get3A_300 = arith.index_cast %scan3A_256 : i32 to index
      %get3A_301 = arith.constant 80 : index
      %get3A_302 = tpu.vector_load %arg10[%get3A_300, %get3A_301] {strides = array<i32>} : memref<64x128xf32, #tpu.memory_space<vmem>>, vector<1x16xf32>,
      %get3A_303 = vector.shape_cast %get3A_302 : vector<1x16xf32> to vector<16xf32>
      %swap3A_304 = arith.index_cast %scan3A_256 : i32 to index
      %swap3A_305 = arith.constant 80 : index
      %swap3A_306 = tpu.vector_load %arg8[%swap3A_304, %swap3A_305] {strides = array<i32>} : memref<64x128xf32, #tpu.memory_space<vmem>>, vector<1x16xf32>,
      %swap3A_307 = vector.shape_cast %swap3A_306 : vector<1x16xf32> to vector<16xf32>
      %swap3A_308 = vector.shape_cast %get3A_303 : vector<16xf32> to vector<1x16xf32>
      tpu.vector_store %arg8[%swap3A_304, %swap3A_305], %swap3A_308 {add = true, strides = array<i32>} : memref<64x128xf32, #tpu.memory_space<vmem>>, vector<1x16xf32>,
      %get3A_309 = arith.index_cast %scan3A_256 : i32 to index
      %get3A_310 = arith.constant 96 : index
      %get3A_311 = tpu.vector_load %arg10[%get3A_309, %get3A_310] {strides = array<i32>} : memref<64x128xf32, #tpu.memory_space<vmem>>, vector<1x16xf32>,
      %get3A_312 = vector.shape_cast %get3A_311 : vector<1x16xf32> to vector<16xf32>
      %swap3A_313 = arith.index_cast %scan3A_256 : i32 to index
      %swap3A_314 = arith.constant 96 : index
      %swap3A_315 = tpu.vector_load %arg8[%swap3A_313, %swap3A_314] {strides = array<i32>} : memref<64x128xf32, #tpu.memory_space<vmem>>, vector<1x16xf32>,
      %swap3A_316 = vector.shape_cast %swap3A_315 : vector<1x16xf32> to vector<16xf32>
      %swap3A_317 = vector.shape_cast %get3A_312 : vector<16xf32> to vector<1x16xf32>
      tpu.vector_store %arg8[%swap3A_313, %swap3A_314], %swap3A_317 {add = true, strides = array<i32>} : memref<64x128xf32, #tpu.memory_space<vmem>>, vector<1x16xf32>,
      %get3A_318 = arith.index_cast %scan3A_256 : i32 to index
      %get3A_319 = arith.constant 112 : index
      %get3A_320 = tpu.vector_load %arg10[%get3A_318, %get3A_319] {strides = array<i32>} : memref<64x128xf32, #tpu.memory_space<vmem>>, vector<1x16xf32>,
      %get3A_321 = vector.shape_cast %get3A_320 : vector<1x16xf32> to vector<16xf32>
      %swap3A_322 = arith.index_cast %scan3A_256 : i32 to index
      %swap3A_323 = arith.constant 112 : index
      %swap3A_324 = tpu.vector_load %arg8[%swap3A_322, %swap3A_323] {strides = array<i32>} : memref<64x128xf32, #tpu.memory_space<vmem>>, vector<1x16xf32>,
      %swap3A_325 = vector.shape_cast %swap3A_324 : vector<1x16xf32> to vector<16xf32>
      %swap3A_326 = vector.shape_cast %get3A_321 : vector<16xf32> to vector<1x16xf32>
      tpu.vector_store %arg8[%swap3A_322, %swap3A_323], %swap3A_326 {add = true, strides = array<i32>} : memref<64x128xf32, #tpu.memory_space<vmem>>, vector<1x16xf32>,
      %scan3A_327 = arith.constant 1 : i32
      %scan3A_328 = arith.addi %scan3A_256, %scan3A_327 : i32
      %get3A_329 = arith.index_cast %scan3A_328 : i32 to index
      %get3A_330 = arith.constant 0 : index
      %get3A_331 = tpu.vector_load %arg10[%get3A_329, %get3A_330] {strides = array<i32>} : memref<64x128xf32, #tpu.memory_space<vmem>>, vector<1x16xf32>,
      %get3A_332 = vector.shape_cast %get3A_331 : vector<1x16xf32> to vector<16xf32>
      %swap3A_333 = arith.index_cast %scan3A_328 : i32 to index
      %swap3A_334 = arith.constant 0 : index
      %swap3A_335 = tpu.vector_load %arg8[%swap3A_333, %swap3A_334] {strides = array<i32>} : memref<64x128xf32, #tpu.memory_space<vmem>>, vector<1x16xf32>,
      %swap3A_336 = vector.shape_cast %swap3A_335 : vector<1x16xf32> to vector<16xf32>
      %swap3A_337 = vector.shape_cast %get3A_332 : vector<16xf32> to vector<1x16xf32>
      tpu.vector_store %arg8[%swap3A_333, %swap3A_334], %swap3A_337 {add = true, strides = array<i32>} : memref<64x128xf32, #tpu.memory_space<vmem>>, vector<1x16xf32>,
      %get3A_338 = arith.index_cast %scan3A_328 : i32 to index
      %get3A_339 = arith.constant 16 : index
      %get3A_340 = tpu.vector_load %arg10[%get3A_338, %get3A_339] {strides = array<i32>} : memref<64x128xf32, #tpu.memory_space<vmem>>, vector<1x16xf32>,
      %get3A_341 = vector.shape_cast %get3A_340 : vector<1x16xf32> to vector<16xf32>
      %swap3A_342 = arith.index_cast %scan3A_328 : i32 to index
      %swap3A_343 = arith.constant 16 : index
      %swap3A_344 = tpu.vector_load %arg8[%swap3A_342, %swap3A_343] {strides = array<i32>} : memref<64x128xf32, #tpu.memory_space<vmem>>, vector<1x16xf32>,
      %swap3A_345 = vector.shape_cast %swap3A_344 : vector<1x16xf32> to vector<16xf32>
      %swap3A_346 = vector.shape_cast %get3A_341 : vector<16xf32> to vector<1x16xf32>
      tpu.vector_store %arg8[%swap3A_342, %swap3A_343], %swap3A_346 {add = true, strides = array<i32>} : memref<64x128xf32, #tpu.memory_space<vmem>>, vector<1x16xf32>,
      %get3A_347 = arith.index_cast %scan3A_328 : i32 to index
      %get3A_348 = arith.constant 32 : index
      %get3A_349 = tpu.vector_load %arg10[%get3A_347, %get3A_348] {strides = array<i32>} : memref<64x128xf32, #tpu.memory_space<vmem>>, vector<1x16xf32>,
      %get3A_350 = vector.shape_cast %get3A_349 : vector<1x16xf32> to vector<16xf32>
      %swap3A_351 = arith.index_cast %scan3A_328 : i32 to index
      %swap3A_352 = arith.constant 32 : index
      %swap3A_353 = tpu.vector_load %arg8[%swap3A_351, %swap3A_352] {strides = array<i32>} : memref<64x128xf32, #tpu.memory_space<vmem>>, vector<1x16xf32>,
      %swap3A_354 = vector.shape_cast %swap3A_353 : vector<1x16xf32> to vector<16xf32>
      %swap3A_355 = vector.shape_cast %get3A_350 : vector<16xf32> to vector<1x16xf32>
      tpu.vector_store %arg8[%swap3A_351, %swap3A_352], %swap3A_355 {add = true, strides = array<i32>} : memref<64x128xf32, #tpu.memory_space<vmem>>, vector<1x16xf32>,
      %get3A_356 = arith.index_cast %scan3A_328 : i32 to index
      %get3A_357 = arith.constant 48 : index
      %get3A_358 = tpu.vector_load %arg10[%get3A_356, %get3A_357] {strides = array<i32>} : memref<64x128xf32, #tpu.memory_space<vmem>>, vector<1x16xf32>,
      %get3A_359 = vector.shape_cast %get3A_358 : vector<1x16xf32> to vector<16xf32>
      %swap3A_360 = arith.index_cast %scan3A_328 : i32 to index
      %swap3A_361 = arith.constant 48 : index
      %swap3A_362 = tpu.vector_load %arg8[%swap3A_360, %swap3A_361] {strides = array<i32>} : memref<64x128xf32, #tpu.memory_space<vmem>>, vector<1x16xf32>,
      %swap3A_363 = vector.shape_cast %swap3A_362 : vector<1x16xf32> to vector<16xf32>
      %swap3A_364 = vector.shape_cast %get3A_359 : vector<16xf32> to vector<1x16xf32>
      tpu.vector_store %arg8[%swap3A_360, %swap3A_361], %swap3A_364 {add = true, strides = array<i32>} : memref<64x128xf32, #tpu.memory_space<vmem>>, vector<1x16xf32>,
      %get3A_365 = arith.index_cast %scan3A_328 : i32 to index
      %get3A_366 = arith.constant 64 : index
      %get3A_367 = tpu.vector_load %arg10[%get3A_365, %get3A_366] {strides = array<i32>} : memref<64x128xf32, #tpu.memory_space<vmem>>, vector<1x16xf32>,
      %get3A_368 = vector.shape_cast %get3A_367 : vector<1x16xf32> to vector<16xf32>
      %swap3A_369 = arith.index_cast %scan3A_328 : i32 to index
      %swap3A_370 = arith.constant 64 : index
      %swap3A_371 = tpu.vector_load %arg8[%swap3A_369, %swap3A_370] {strides = array<i32>} : memref<64x128xf32, #tpu.memory_space<vmem>>, vector<1x16xf32>,
      %swap3A_372 = vector.shape_cast %swap3A_371 : vector<1x16xf32> to vector<16xf32>
      %swap3A_373 = vector.shape_cast %get3A_368 : vector<16xf32> to vector<1x16xf32>
      tpu.vector_store %arg8[%swap3A_369, %swap3A_370], %swap3A_373 {add = true, strides = array<i32>} : memref<64x128xf32, #tpu.memory_space<vmem>>, vector<1x16xf32>,
      %get3A_374 = arith.index_cast %scan3A_328 : i32 to index
      %get3A_375 = arith.constant 80 : index
      %get3A_376 = tpu.vector_load %arg10[%get3A_374, %get3A_375] {strides = array<i32>} : memref<64x128xf32, #tpu.memory_space<vmem>>, vector<1x16xf32>,
      %get3A_377 = vector.shape_cast %get3A_376 : vector<1x16xf32> to vector<16xf32>
      %swap3A_378 = arith.index_cast %scan3A_328 : i32 to index
      %swap3A_379 = arith.constant 80 : index
      %swap3A_380 = tpu.vector_load %arg8[%swap3A_378, %swap3A_379] {strides = array<i32>} : memref<64x128xf32, #tpu.memory_space<vmem>>, vector<1x16xf32>,
      %swap3A_381 = vector.shape_cast %swap3A_380 : vector<1x16xf32> to vector<16xf32>
      %swap3A_382 = vector.shape_cast %get3A_377 : vector<16xf32> to vector<1x16xf32>
      tpu.vector_store %arg8[%swap3A_378, %swap3A_379], %swap3A_382 {add = true, strides = array<i32>} : memref<64x128xf32, #tpu.memory_space<vmem>>, vector<1x16xf32>,
      %get3A_383 = arith.index_cast %scan3A_328 : i32 to index
      %get3A_384 = arith.constant 96 : index
      %get3A_385 = tpu.vector_load %arg10[%get3A_383, %get3A_384] {strides = array<i32>} : memref<64x128xf32, #tpu.memory_space<vmem>>, vector<1x16xf32>,
      %get3A_386 = vector.shape_cast %get3A_385 : vector<1x16xf32> to vector<16xf32>
      %swap3A_387 = arith.index_cast %scan3A_328 : i32 to index
      %swap3A_388 = arith.constant 96 : index
      %swap3A_389 = tpu.vector_load %arg8[%swap3A_387, %swap3A_388] {strides = array<i32>} : memref<64x128xf32, #tpu.memory_space<vmem>>, vector<1x16xf32>,
      %swap3A_390 = vector.shape_cast %swap3A_389 : vector<1x16xf32> to vector<16xf32>
      %swap3A_391 = vector.shape_cast %get3A_386 : vector<16xf32> to vector<1x16xf32>
      tpu.vector_store %arg8[%swap3A_387, %swap3A_388], %swap3A_391 {add = true, strides = array<i32>} : memref<64x128xf32, #tpu.memory_space<vmem>>, vector<1x16xf32>,
      %get3A_392 = arith.index_cast %scan3A_328 : i32 to index
      %get3A_393 = arith.constant 112 : index
      %get3A_394 = tpu.vector_load %arg10[%get3A_392, %get3A_393] {strides = array<i32>} : memref<64x128xf32, #tpu.memory_space<vmem>>, vector<1x16xf32>,
      %get3A_395 = vector.shape_cast %get3A_394 : vector<1x16xf32> to vector<16xf32>
      %swap3A_396 = arith.index_cast %scan3A_328 : i32 to index
      %swap3A_397 = arith.constant 112 : index
      %swap3A_398 = tpu.vector_load %arg8[%swap3A_396, %swap3A_397] {strides = array<i32>} : memref<64x128xf32, #tpu.memory_space<vmem>>, vector<1x16xf32>,
      %swap3A_399 = vector.shape_cast %swap3A_398 : vector<1x16xf32> to vector<16xf32>
      %swap3A_400 = vector.shape_cast %get3A_395 : vector<16xf32> to vector<1x16xf32>
      tpu.vector_store %arg8[%swap3A_396, %swap3A_397], %swap3A_400 {add = true, strides = array<i32>} : memref<64x128xf32, #tpu.memory_space<vmem>>, vector<1x16xf32>,
    }
    %scan3A_210 = arith.constant 64 : i32
    %add3A_211 = arith.constant 24576 : i32
    %add3A_212 = arith.addi %add3A_211, %mul3A_2 : i32
    "tpu.region"() ({
      %run_scoped3A = tpu.sem_alloc : memref<!tpu.dma_semaphore, #tpu.memory_space<semaphore_mem>>
      %dma_start3A_256 = arith.constant 0 : i32
      %dma_start3A_257 = tpu.memref_slice %arg5[%add3A_212, %dma_start3A_256] : memref<32768x128xf32, #tpu.memory_space<hbm>> -> memref<64x128xf32, #tpu.memory_space<hbm>>
      %dma_start3A_258 = arith.constant 0 : i32
      %dma_start3A_259 = tpu.memref_slice %arg5[%add3A_212, %dma_start3A_258] : memref<32768x128xf32, #tpu.memory_space<hbm>> -> memref<64x128xf32, #tpu.memory_space<hbm>>
      tpu.enqueue_dma source(%arg8 : memref<64x128xf32, #tpu.memory_space<vmem>>) target(%dma_start3A_259 : memref<64x128xf32, #tpu.memory_space<hbm>>) target_semaphore(%run_scoped3A : memref<!tpu.dma_semaphore, #tpu.memory_space<semaphore_mem>>)
      %dma_wait3A_260 = arith.constant 0 : i32
      %dma_wait3A_261 = tpu.memref_slice %arg5[%add3A_212, %dma_wait3A_260] : memref<32768x128xf32, #tpu.memory_space<hbm>> -> memref<64x128xf32, #tpu.memory_space<hbm>>
      %dma_wait3A_262 = arith.constant 0 : i32
      %dma_wait3A_263 = tpu.memref_slice %arg5[%add3A_212, %dma_wait3A_262] : memref<32768x128xf32, #tpu.memory_space<hbm>> -> memref<64x128xf32, #tpu.memory_space<hbm>>
      tpu.wait_dma2 semaphore(%run_scoped3A : memref<!tpu.dma_semaphore, #tpu.memory_space<semaphore_mem>>) src(%arg8 : memref<64x128xf32, #tpu.memory_space<vmem>>) dst(%dma_wait3A_263 : memref<64x128xf32, #tpu.memory_space<hbm>>)
      tpu.yield
    }) : () -> ()
    %add3A_213 = arith.constant 28672 : i32
    %add3A_214 = arith.addi %add3A_213, %mul3A_2 : i32
    "tpu.region"() ({
      %run_scoped3A = tpu.sem_alloc : memref<!tpu.dma_semaphore, #tpu.memory_space<semaphore_mem>>
      %dma_start3A_256 = tpu.memref_slice %arg2[%add3A_214] : memref<32768xi32, #tpu.memory_space<hbm>> -> memref<64xi32, #tpu.memory_space<hbm>>
      %dma_start3A_257 = tpu.memref_slice %arg2[%add3A_214] : memref<32768xi32, #tpu.memory_space<hbm>> -> memref<64xi32, #tpu.memory_space<hbm>>
      tpu.enqueue_dma source(%dma_start3A_257 : memref<64xi32, #tpu.memory_space<hbm>>) target(%arg6 : memref<64xi32, #tpu.memory_space<vmem>>) target_semaphore(%run_scoped3A : memref<!tpu.dma_semaphore, #tpu.memory_space<semaphore_mem>>)
      %dma_wait3A_258 = tpu.memref_slice %arg2[%add3A_214] : memref<32768xi32, #tpu.memory_space<hbm>> -> memref<64xi32, #tpu.memory_space<hbm>>
      %dma_wait3A_259 = tpu.memref_slice %arg2[%add3A_214] : memref<32768xi32, #tpu.memory_space<hbm>> -> memref<64xi32, #tpu.memory_space<hbm>>
      tpu.wait_dma2 semaphore(%run_scoped3A : memref<!tpu.dma_semaphore, #tpu.memory_space<semaphore_mem>>) src(%dma_wait3A_259 : memref<64xi32, #tpu.memory_space<hbm>>) dst(%arg6 : memref<64xi32, #tpu.memory_space<vmem>>)
      tpu.yield
    }) : () -> ()
    %dma_start3A_215 = arith.constant 0 : i32
    %dma_start3A_216 = arith.constant 0 : i32
    %dma_start3A_217 = tpu.memref_slice %arg3[%dma_start3A_215, %dma_start3A_216] : memref<100000x128xf32, #tpu.memory_space<hbm>> -> memref<100000x128xf32, #tpu.memory_space<hbm>>
    tpu.enqueue_indirect_dma source(%dma_start3A_217 : memref<100000x128xf32, #tpu.memory_space<hbm>>) target(%arg8 : memref<64x128xf32, #tpu.memory_space<vmem>>) offsets(%arg6 : memref<64xi32, #tpu.memory_space<vmem>>) semaphore(%arg11 : memref<!tpu.dma_semaphore, #tpu.memory_space<semaphore_mem>>)
    %dma_wait3A_218 = arith.constant 0 : i32
    %dma_wait3A_219 = arith.constant 0 : i32
    %dma_wait3A_220 = tpu.memref_slice %arg3[%dma_wait3A_218, %dma_wait3A_219] : memref<100000x128xf32, #tpu.memory_space<hbm>> -> memref<100000x128xf32, #tpu.memory_space<hbm>>
    tpu.wait_indirect_dma semaphore(%arg12 : memref<!tpu.dma_semaphore, #tpu.memory_space<semaphore_mem>>) src(%dma_wait3A_220 : memref<100000x128xf32, #tpu.memory_space<hbm>>) dst(%arg9 : memref<64x128xf32, #tpu.memory_space<vmem>>)
    %scan3A_221 = arith.constant 0 : i32
    %scan3A_222 = arith.constant 0 : i32
    %scan3A_223 = arith.constant 64 : i32
    %scan3A_224 = arith.addi %scan3A_222, %scan3A_223 : i32
    %scan3A_225 = arith.constant 2 : i32
    scf.for %scan3A_256 = %scan3A_222 to %scan3A_224 step %scan3A_225  : i32 {
      %get3A = arith.index_cast %scan3A_256 : i32 to index
      %get3A_257 = arith.constant 0 : index
      %get3A_258 = tpu.vector_load %arg10[%get3A, %get3A_257] {strides = array<i32>} : memref<64x128xf32, #tpu.memory_space<vmem>>, vector<1x16xf32>,
      %get3A_259 = vector.shape_cast %get3A_258 : vector<1x16xf32> to vector<16xf32>
      %swap3A = arith.index_cast %scan3A_256 : i32 to index
      %swap3A_260 = arith.constant 0 : index
      %swap3A_261 = tpu.vector_load %arg9[%swap3A, %swap3A_260] {strides = array<i32>} : memref<64x128xf32, #tpu.memory_space<vmem>>, vector<1x16xf32>,
      %swap3A_262 = vector.shape_cast %swap3A_261 : vector<1x16xf32> to vector<16xf32>
      %swap3A_263 = vector.shape_cast %get3A_259 : vector<16xf32> to vector<1x16xf32>
      tpu.vector_store %arg9[%swap3A, %swap3A_260], %swap3A_263 {add = true, strides = array<i32>} : memref<64x128xf32, #tpu.memory_space<vmem>>, vector<1x16xf32>,
      %get3A_264 = arith.index_cast %scan3A_256 : i32 to index
      %get3A_265 = arith.constant 16 : index
      %get3A_266 = tpu.vector_load %arg10[%get3A_264, %get3A_265] {strides = array<i32>} : memref<64x128xf32, #tpu.memory_space<vmem>>, vector<1x16xf32>,
      %get3A_267 = vector.shape_cast %get3A_266 : vector<1x16xf32> to vector<16xf32>
      %swap3A_268 = arith.index_cast %scan3A_256 : i32 to index
      %swap3A_269 = arith.constant 16 : index
      %swap3A_270 = tpu.vector_load %arg9[%swap3A_268, %swap3A_269] {strides = array<i32>} : memref<64x128xf32, #tpu.memory_space<vmem>>, vector<1x16xf32>,
      %swap3A_271 = vector.shape_cast %swap3A_270 : vector<1x16xf32> to vector<16xf32>
      %swap3A_272 = vector.shape_cast %get3A_267 : vector<16xf32> to vector<1x16xf32>
      tpu.vector_store %arg9[%swap3A_268, %swap3A_269], %swap3A_272 {add = true, strides = array<i32>} : memref<64x128xf32, #tpu.memory_space<vmem>>, vector<1x16xf32>,
      %get3A_273 = arith.index_cast %scan3A_256 : i32 to index
      %get3A_274 = arith.constant 32 : index
      %get3A_275 = tpu.vector_load %arg10[%get3A_273, %get3A_274] {strides = array<i32>} : memref<64x128xf32, #tpu.memory_space<vmem>>, vector<1x16xf32>,
      %get3A_276 = vector.shape_cast %get3A_275 : vector<1x16xf32> to vector<16xf32>
      %swap3A_277 = arith.index_cast %scan3A_256 : i32 to index
      %swap3A_278 = arith.constant 32 : index
      %swap3A_279 = tpu.vector_load %arg9[%swap3A_277, %swap3A_278] {strides = array<i32>} : memref<64x128xf32, #tpu.memory_space<vmem>>, vector<1x16xf32>,
      %swap3A_280 = vector.shape_cast %swap3A_279 : vector<1x16xf32> to vector<16xf32>
      %swap3A_281 = vector.shape_cast %get3A_276 : vector<16xf32> to vector<1x16xf32>
      tpu.vector_store %arg9[%swap3A_277, %swap3A_278], %swap3A_281 {add = true, strides = array<i32>} : memref<64x128xf32, #tpu.memory_space<vmem>>, vector<1x16xf32>,
      %get3A_282 = arith.index_cast %scan3A_256 : i32 to index
      %get3A_283 = arith.constant 48 : index
      %get3A_284 = tpu.vector_load %arg10[%get3A_282, %get3A_283] {strides = array<i32>} : memref<64x128xf32, #tpu.memory_space<vmem>>, vector<1x16xf32>,
      %get3A_285 = vector.shape_cast %get3A_284 : vector<1x16xf32> to vector<16xf32>
      %swap3A_286 = arith.index_cast %scan3A_256 : i32 to index
      %swap3A_287 = arith.constant 48 : index
      %swap3A_288 = tpu.vector_load %arg9[%swap3A_286, %swap3A_287] {strides = array<i32>} : memref<64x128xf32, #tpu.memory_space<vmem>>, vector<1x16xf32>,
      %swap3A_289 = vector.shape_cast %swap3A_288 : vector<1x16xf32> to vector<16xf32>
      %swap3A_290 = vector.shape_cast %get3A_285 : vector<16xf32> to vector<1x16xf32>
      tpu.vector_store %arg9[%swap3A_286, %swap3A_287], %swap3A_290 {add = true, strides = array<i32>} : memref<64x128xf32, #tpu.memory_space<vmem>>, vector<1x16xf32>,
      %get3A_291 = arith.index_cast %scan3A_256 : i32 to index
      %get3A_292 = arith.constant 64 : index
      %get3A_293 = tpu.vector_load %arg10[%get3A_291, %get3A_292] {strides = array<i32>} : memref<64x128xf32, #tpu.memory_space<vmem>>, vector<1x16xf32>,
      %get3A_294 = vector.shape_cast %get3A_293 : vector<1x16xf32> to vector<16xf32>
      %swap3A_295 = arith.index_cast %scan3A_256 : i32 to index
      %swap3A_296 = arith.constant 64 : index
      %swap3A_297 = tpu.vector_load %arg9[%swap3A_295, %swap3A_296] {strides = array<i32>} : memref<64x128xf32, #tpu.memory_space<vmem>>, vector<1x16xf32>,
      %swap3A_298 = vector.shape_cast %swap3A_297 : vector<1x16xf32> to vector<16xf32>
      %swap3A_299 = vector.shape_cast %get3A_294 : vector<16xf32> to vector<1x16xf32>
      tpu.vector_store %arg9[%swap3A_295, %swap3A_296], %swap3A_299 {add = true, strides = array<i32>} : memref<64x128xf32, #tpu.memory_space<vmem>>, vector<1x16xf32>,
      %get3A_300 = arith.index_cast %scan3A_256 : i32 to index
      %get3A_301 = arith.constant 80 : index
      %get3A_302 = tpu.vector_load %arg10[%get3A_300, %get3A_301] {strides = array<i32>} : memref<64x128xf32, #tpu.memory_space<vmem>>, vector<1x16xf32>,
      %get3A_303 = vector.shape_cast %get3A_302 : vector<1x16xf32> to vector<16xf32>
      %swap3A_304 = arith.index_cast %scan3A_256 : i32 to index
      %swap3A_305 = arith.constant 80 : index
      %swap3A_306 = tpu.vector_load %arg9[%swap3A_304, %swap3A_305] {strides = array<i32>} : memref<64x128xf32, #tpu.memory_space<vmem>>, vector<1x16xf32>,
      %swap3A_307 = vector.shape_cast %swap3A_306 : vector<1x16xf32> to vector<16xf32>
      %swap3A_308 = vector.shape_cast %get3A_303 : vector<16xf32> to vector<1x16xf32>
      tpu.vector_store %arg9[%swap3A_304, %swap3A_305], %swap3A_308 {add = true, strides = array<i32>} : memref<64x128xf32, #tpu.memory_space<vmem>>, vector<1x16xf32>,
      %get3A_309 = arith.index_cast %scan3A_256 : i32 to index
      %get3A_310 = arith.constant 96 : index
      %get3A_311 = tpu.vector_load %arg10[%get3A_309, %get3A_310] {strides = array<i32>} : memref<64x128xf32, #tpu.memory_space<vmem>>, vector<1x16xf32>,
      %get3A_312 = vector.shape_cast %get3A_311 : vector<1x16xf32> to vector<16xf32>
      %swap3A_313 = arith.index_cast %scan3A_256 : i32 to index
      %swap3A_314 = arith.constant 96 : index
      %swap3A_315 = tpu.vector_load %arg9[%swap3A_313, %swap3A_314] {strides = array<i32>} : memref<64x128xf32, #tpu.memory_space<vmem>>, vector<1x16xf32>,
      %swap3A_316 = vector.shape_cast %swap3A_315 : vector<1x16xf32> to vector<16xf32>
      %swap3A_317 = vector.shape_cast %get3A_312 : vector<16xf32> to vector<1x16xf32>
      tpu.vector_store %arg9[%swap3A_313, %swap3A_314], %swap3A_317 {add = true, strides = array<i32>} : memref<64x128xf32, #tpu.memory_space<vmem>>, vector<1x16xf32>,
      %get3A_318 = arith.index_cast %scan3A_256 : i32 to index
      %get3A_319 = arith.constant 112 : index
      %get3A_320 = tpu.vector_load %arg10[%get3A_318, %get3A_319] {strides = array<i32>} : memref<64x128xf32, #tpu.memory_space<vmem>>, vector<1x16xf32>,
      %get3A_321 = vector.shape_cast %get3A_320 : vector<1x16xf32> to vector<16xf32>
      %swap3A_322 = arith.index_cast %scan3A_256 : i32 to index
      %swap3A_323 = arith.constant 112 : index
      %swap3A_324 = tpu.vector_load %arg9[%swap3A_322, %swap3A_323] {strides = array<i32>} : memref<64x128xf32, #tpu.memory_space<vmem>>, vector<1x16xf32>,
      %swap3A_325 = vector.shape_cast %swap3A_324 : vector<1x16xf32> to vector<16xf32>
      %swap3A_326 = vector.shape_cast %get3A_321 : vector<16xf32> to vector<1x16xf32>
      tpu.vector_store %arg9[%swap3A_322, %swap3A_323], %swap3A_326 {add = true, strides = array<i32>} : memref<64x128xf32, #tpu.memory_space<vmem>>, vector<1x16xf32>,
      %scan3A_327 = arith.constant 1 : i32
      %scan3A_328 = arith.addi %scan3A_256, %scan3A_327 : i32
      %get3A_329 = arith.index_cast %scan3A_328 : i32 to index
      %get3A_330 = arith.constant 0 : index
      %get3A_331 = tpu.vector_load %arg10[%get3A_329, %get3A_330] {strides = array<i32>} : memref<64x128xf32, #tpu.memory_space<vmem>>, vector<1x16xf32>,
      %get3A_332 = vector.shape_cast %get3A_331 : vector<1x16xf32> to vector<16xf32>
      %swap3A_333 = arith.index_cast %scan3A_328 : i32 to index
      %swap3A_334 = arith.constant 0 : index
      %swap3A_335 = tpu.vector_load %arg9[%swap3A_333, %swap3A_334] {strides = array<i32>} : memref<64x128xf32, #tpu.memory_space<vmem>>, vector<1x16xf32>,
      %swap3A_336 = vector.shape_cast %swap3A_335 : vector<1x16xf32> to vector<16xf32>
      %swap3A_337 = vector.shape_cast %get3A_332 : vector<16xf32> to vector<1x16xf32>
      tpu.vector_store %arg9[%swap3A_333, %swap3A_334], %swap3A_337 {add = true, strides = array<i32>} : memref<64x128xf32, #tpu.memory_space<vmem>>, vector<1x16xf32>,
      %get3A_338 = arith.index_cast %scan3A_328 : i32 to index
      %get3A_339 = arith.constant 16 : index
      %get3A_340 = tpu.vector_load %arg10[%get3A_338, %get3A_339] {strides = array<i32>} : memref<64x128xf32, #tpu.memory_space<vmem>>, vector<1x16xf32>,
      %get3A_341 = vector.shape_cast %get3A_340 : vector<1x16xf32> to vector<16xf32>
      %swap3A_342 = arith.index_cast %scan3A_328 : i32 to index
      %swap3A_343 = arith.constant 16 : index
      %swap3A_344 = tpu.vector_load %arg9[%swap3A_342, %swap3A_343] {strides = array<i32>} : memref<64x128xf32, #tpu.memory_space<vmem>>, vector<1x16xf32>,
      %swap3A_345 = vector.shape_cast %swap3A_344 : vector<1x16xf32> to vector<16xf32>
      %swap3A_346 = vector.shape_cast %get3A_341 : vector<16xf32> to vector<1x16xf32>
      tpu.vector_store %arg9[%swap3A_342, %swap3A_343], %swap3A_346 {add = true, strides = array<i32>} : memref<64x128xf32, #tpu.memory_space<vmem>>, vector<1x16xf32>,
      %get3A_347 = arith.index_cast %scan3A_328 : i32 to index
      %get3A_348 = arith.constant 32 : index
      %get3A_349 = tpu.vector_load %arg10[%get3A_347, %get3A_348] {strides = array<i32>} : memref<64x128xf32, #tpu.memory_space<vmem>>, vector<1x16xf32>,
      %get3A_350 = vector.shape_cast %get3A_349 : vector<1x16xf32> to vector<16xf32>
      %swap3A_351 = arith.index_cast %scan3A_328 : i32 to index
      %swap3A_352 = arith.constant 32 : index
      %swap3A_353 = tpu.vector_load %arg9[%swap3A_351, %swap3A_352] {strides = array<i32>} : memref<64x128xf32, #tpu.memory_space<vmem>>, vector<1x16xf32>,
      %swap3A_354 = vector.shape_cast %swap3A_353 : vector<1x16xf32> to vector<16xf32>
      %swap3A_355 = vector.shape_cast %get3A_350 : vector<16xf32> to vector<1x16xf32>
      tpu.vector_store %arg9[%swap3A_351, %swap3A_352], %swap3A_355 {add = true, strides = array<i32>} : memref<64x128xf32, #tpu.memory_space<vmem>>, vector<1x16xf32>,
      %get3A_356 = arith.index_cast %scan3A_328 : i32 to index
      %get3A_357 = arith.constant 48 : index
      %get3A_358 = tpu.vector_load %arg10[%get3A_356, %get3A_357] {strides = array<i32>} : memref<64x128xf32, #tpu.memory_space<vmem>>, vector<1x16xf32>,
      %get3A_359 = vector.shape_cast %get3A_358 : vector<1x16xf32> to vector<16xf32>
      %swap3A_360 = arith.index_cast %scan3A_328 : i32 to index
      %swap3A_361 = arith.constant 48 : index
      %swap3A_362 = tpu.vector_load %arg9[%swap3A_360, %swap3A_361] {strides = array<i32>} : memref<64x128xf32, #tpu.memory_space<vmem>>, vector<1x16xf32>,
      %swap3A_363 = vector.shape_cast %swap3A_362 : vector<1x16xf32> to vector<16xf32>
      %swap3A_364 = vector.shape_cast %get3A_359 : vector<16xf32> to vector<1x16xf32>
      tpu.vector_store %arg9[%swap3A_360, %swap3A_361], %swap3A_364 {add = true, strides = array<i32>} : memref<64x128xf32, #tpu.memory_space<vmem>>, vector<1x16xf32>,
      %get3A_365 = arith.index_cast %scan3A_328 : i32 to index
      %get3A_366 = arith.constant 64 : index
      %get3A_367 = tpu.vector_load %arg10[%get3A_365, %get3A_366] {strides = array<i32>} : memref<64x128xf32, #tpu.memory_space<vmem>>, vector<1x16xf32>,
      %get3A_368 = vector.shape_cast %get3A_367 : vector<1x16xf32> to vector<16xf32>
      %swap3A_369 = arith.index_cast %scan3A_328 : i32 to index
      %swap3A_370 = arith.constant 64 : index
      %swap3A_371 = tpu.vector_load %arg9[%swap3A_369, %swap3A_370] {strides = array<i32>} : memref<64x128xf32, #tpu.memory_space<vmem>>, vector<1x16xf32>,
      %swap3A_372 = vector.shape_cast %swap3A_371 : vector<1x16xf32> to vector<16xf32>
      %swap3A_373 = vector.shape_cast %get3A_368 : vector<16xf32> to vector<1x16xf32>
      tpu.vector_store %arg9[%swap3A_369, %swap3A_370], %swap3A_373 {add = true, strides = array<i32>} : memref<64x128xf32, #tpu.memory_space<vmem>>, vector<1x16xf32>,
      %get3A_374 = arith.index_cast %scan3A_328 : i32 to index
      %get3A_375 = arith.constant 80 : index
      %get3A_376 = tpu.vector_load %arg10[%get3A_374, %get3A_375] {strides = array<i32>} : memref<64x128xf32, #tpu.memory_space<vmem>>, vector<1x16xf32>,
      %get3A_377 = vector.shape_cast %get3A_376 : vector<1x16xf32> to vector<16xf32>
      %swap3A_378 = arith.index_cast %scan3A_328 : i32 to index
      %swap3A_379 = arith.constant 80 : index
      %swap3A_380 = tpu.vector_load %arg9[%swap3A_378, %swap3A_379] {strides = array<i32>} : memref<64x128xf32, #tpu.memory_space<vmem>>, vector<1x16xf32>,
      %swap3A_381 = vector.shape_cast %swap3A_380 : vector<1x16xf32> to vector<16xf32>
      %swap3A_382 = vector.shape_cast %get3A_377 : vector<16xf32> to vector<1x16xf32>
      tpu.vector_store %arg9[%swap3A_378, %swap3A_379], %swap3A_382 {add = true, strides = array<i32>} : memref<64x128xf32, #tpu.memory_space<vmem>>, vector<1x16xf32>,
      %get3A_383 = arith.index_cast %scan3A_328 : i32 to index
      %get3A_384 = arith.constant 96 : index
      %get3A_385 = tpu.vector_load %arg10[%get3A_383, %get3A_384] {strides = array<i32>} : memref<64x128xf32, #tpu.memory_space<vmem>>, vector<1x16xf32>,
      %get3A_386 = vector.shape_cast %get3A_385 : vector<1x16xf32> to vector<16xf32>
      %swap3A_387 = arith.index_cast %scan3A_328 : i32 to index
      %swap3A_388 = arith.constant 96 : index
      %swap3A_389 = tpu.vector_load %arg9[%swap3A_387, %swap3A_388] {strides = array<i32>} : memref<64x128xf32, #tpu.memory_space<vmem>>, vector<1x16xf32>,
      %swap3A_390 = vector.shape_cast %swap3A_389 : vector<1x16xf32> to vector<16xf32>
      %swap3A_391 = vector.shape_cast %get3A_386 : vector<16xf32> to vector<1x16xf32>
      tpu.vector_store %arg9[%swap3A_387, %swap3A_388], %swap3A_391 {add = true, strides = array<i32>} : memref<64x128xf32, #tpu.memory_space<vmem>>, vector<1x16xf32>,
      %get3A_392 = arith.index_cast %scan3A_328 : i32 to index
      %get3A_393 = arith.constant 112 : index
      %get3A_394 = tpu.vector_load %arg10[%get3A_392, %get3A_393] {strides = array<i32>} : memref<64x128xf32, #tpu.memory_space<vmem>>, vector<1x16xf32>,
      %get3A_395 = vector.shape_cast %get3A_394 : vector<1x16xf32> to vector<16xf32>
      %swap3A_396 = arith.index_cast %scan3A_328 : i32 to index
      %swap3A_397 = arith.constant 112 : index
      %swap3A_398 = tpu.vector_load %arg9[%swap3A_396, %swap3A_397] {strides = array<i32>} : memref<64x128xf32, #tpu.memory_space<vmem>>, vector<1x16xf32>,
      %swap3A_399 = vector.shape_cast %swap3A_398 : vector<1x16xf32> to vector<16xf32>
      %swap3A_400 = vector.shape_cast %get3A_395 : vector<16xf32> to vector<1x16xf32>
      tpu.vector_store %arg9[%swap3A_396, %swap3A_397], %swap3A_400 {add = true, strides = array<i32>} : memref<64x128xf32, #tpu.memory_space<vmem>>, vector<1x16xf32>,
    }
    %scan3A_226 = arith.constant 64 : i32
    %add3A_227 = arith.constant 26624 : i32
    %add3A_228 = arith.addi %add3A_227, %mul3A_2 : i32
    "tpu.region"() ({
      %run_scoped3A = tpu.sem_alloc : memref<!tpu.dma_semaphore, #tpu.memory_space<semaphore_mem>>
      %dma_start3A_256 = arith.constant 0 : i32
      %dma_start3A_257 = tpu.memref_slice %arg5[%add3A_228, %dma_start3A_256] : memref<32768x128xf32, #tpu.memory_space<hbm>> -> memref<64x128xf32, #tpu.memory_space<hbm>>
      %dma_start3A_258 = arith.constant 0 : i32
      %dma_start3A_259 = tpu.memref_slice %arg5[%add3A_228, %dma_start3A_258] : memref<32768x128xf32, #tpu.memory_space<hbm>> -> memref<64x128xf32, #tpu.memory_space<hbm>>
      tpu.enqueue_dma source(%arg9 : memref<64x128xf32, #tpu.memory_space<vmem>>) target(%dma_start3A_259 : memref<64x128xf32, #tpu.memory_space<hbm>>) target_semaphore(%run_scoped3A : memref<!tpu.dma_semaphore, #tpu.memory_space<semaphore_mem>>)
      %dma_wait3A_260 = arith.constant 0 : i32
      %dma_wait3A_261 = tpu.memref_slice %arg5[%add3A_228, %dma_wait3A_260] : memref<32768x128xf32, #tpu.memory_space<hbm>> -> memref<64x128xf32, #tpu.memory_space<hbm>>
      %dma_wait3A_262 = arith.constant 0 : i32
      %dma_wait3A_263 = tpu.memref_slice %arg5[%add3A_228, %dma_wait3A_262] : memref<32768x128xf32, #tpu.memory_space<hbm>> -> memref<64x128xf32, #tpu.memory_space<hbm>>
      tpu.wait_dma2 semaphore(%run_scoped3A : memref<!tpu.dma_semaphore, #tpu.memory_space<semaphore_mem>>) src(%arg9 : memref<64x128xf32, #tpu.memory_space<vmem>>) dst(%dma_wait3A_263 : memref<64x128xf32, #tpu.memory_space<hbm>>)
      tpu.yield
    }) : () -> ()
    %add3A_229 = arith.constant 30720 : i32
    %add3A_230 = arith.addi %add3A_229, %mul3A_2 : i32
    "tpu.region"() ({
      %run_scoped3A = tpu.sem_alloc : memref<!tpu.dma_semaphore, #tpu.memory_space<semaphore_mem>>
      %dma_start3A_256 = tpu.memref_slice %arg2[%add3A_230] : memref<32768xi32, #tpu.memory_space<hbm>> -> memref<64xi32, #tpu.memory_space<hbm>>
      %dma_start3A_257 = tpu.memref_slice %arg2[%add3A_230] : memref<32768xi32, #tpu.memory_space<hbm>> -> memref<64xi32, #tpu.memory_space<hbm>>
      tpu.enqueue_dma source(%dma_start3A_257 : memref<64xi32, #tpu.memory_space<hbm>>) target(%arg7 : memref<64xi32, #tpu.memory_space<vmem>>) target_semaphore(%run_scoped3A : memref<!tpu.dma_semaphore, #tpu.memory_space<semaphore_mem>>)
      %dma_wait3A_258 = tpu.memref_slice %arg2[%add3A_230] : memref<32768xi32, #tpu.memory_space<hbm>> -> memref<64xi32, #tpu.memory_space<hbm>>
      %dma_wait3A_259 = tpu.memref_slice %arg2[%add3A_230] : memref<32768xi32, #tpu.memory_space<hbm>> -> memref<64xi32, #tpu.memory_space<hbm>>
      tpu.wait_dma2 semaphore(%run_scoped3A : memref<!tpu.dma_semaphore, #tpu.memory_space<semaphore_mem>>) src(%dma_wait3A_259 : memref<64xi32, #tpu.memory_space<hbm>>) dst(%arg7 : memref<64xi32, #tpu.memory_space<vmem>>)
      tpu.yield
    }) : () -> ()
    %dma_start3A_231 = arith.constant 0 : i32
    %dma_start3A_232 = arith.constant 0 : i32
    %dma_start3A_233 = tpu.memref_slice %arg3[%dma_start3A_231, %dma_start3A_232] : memref<100000x128xf32, #tpu.memory_space<hbm>> -> memref<100000x128xf32, #tpu.memory_space<hbm>>
    tpu.enqueue_indirect_dma source(%dma_start3A_233 : memref<100000x128xf32, #tpu.memory_space<hbm>>) target(%arg9 : memref<64x128xf32, #tpu.memory_space<vmem>>) offsets(%arg7 : memref<64xi32, #tpu.memory_space<vmem>>) semaphore(%arg12 : memref<!tpu.dma_semaphore, #tpu.memory_space<semaphore_mem>>)
    %dma_wait3A_234 = arith.constant 0 : i32
    %dma_wait3A_235 = arith.constant 0 : i32
    %dma_wait3A_236 = tpu.memref_slice %arg3[%dma_wait3A_234, %dma_wait3A_235] : memref<100000x128xf32, #tpu.memory_space<hbm>> -> memref<100000x128xf32, #tpu.memory_space<hbm>>
    tpu.wait_indirect_dma semaphore(%arg11 : memref<!tpu.dma_semaphore, #tpu.memory_space<semaphore_mem>>) src(%dma_wait3A_236 : memref<100000x128xf32, #tpu.memory_space<hbm>>) dst(%arg8 : memref<64x128xf32, #tpu.memory_space<vmem>>)
    %scan3A_237 = arith.constant 0 : i32
    %scan3A_238 = arith.constant 0 : i32
    %scan3A_239 = arith.constant 64 : i32
    %scan3A_240 = arith.addi %scan3A_238, %scan3A_239 : i32
    %scan3A_241 = arith.constant 2 : i32
    scf.for %scan3A_256 = %scan3A_238 to %scan3A_240 step %scan3A_241  : i32 {
      %get3A = arith.index_cast %scan3A_256 : i32 to index
      %get3A_257 = arith.constant 0 : index
      %get3A_258 = tpu.vector_load %arg10[%get3A, %get3A_257] {strides = array<i32>} : memref<64x128xf32, #tpu.memory_space<vmem>>, vector<1x16xf32>,
      %get3A_259 = vector.shape_cast %get3A_258 : vector<1x16xf32> to vector<16xf32>
      %swap3A = arith.index_cast %scan3A_256 : i32 to index
      %swap3A_260 = arith.constant 0 : index
      %swap3A_261 = tpu.vector_load %arg8[%swap3A, %swap3A_260] {strides = array<i32>} : memref<64x128xf32, #tpu.memory_space<vmem>>, vector<1x16xf32>,
      %swap3A_262 = vector.shape_cast %swap3A_261 : vector<1x16xf32> to vector<16xf32>
      %swap3A_263 = vector.shape_cast %get3A_259 : vector<16xf32> to vector<1x16xf32>
      tpu.vector_store %arg8[%swap3A, %swap3A_260], %swap3A_263 {add = true, strides = array<i32>} : memref<64x128xf32, #tpu.memory_space<vmem>>, vector<1x16xf32>,
      %get3A_264 = arith.index_cast %scan3A_256 : i32 to index
      %get3A_265 = arith.constant 16 : index
      %get3A_266 = tpu.vector_load %arg10[%get3A_264, %get3A_265] {strides = array<i32>} : memref<64x128xf32, #tpu.memory_space<vmem>>, vector<1x16xf32>,
      %get3A_267 = vector.shape_cast %get3A_266 : vector<1x16xf32> to vector<16xf32>
      %swap3A_268 = arith.index_cast %scan3A_256 : i32 to index
      %swap3A_269 = arith.constant 16 : index
      %swap3A_270 = tpu.vector_load %arg8[%swap3A_268, %swap3A_269] {strides = array<i32>} : memref<64x128xf32, #tpu.memory_space<vmem>>, vector<1x16xf32>,
      %swap3A_271 = vector.shape_cast %swap3A_270 : vector<1x16xf32> to vector<16xf32>
      %swap3A_272 = vector.shape_cast %get3A_267 : vector<16xf32> to vector<1x16xf32>
      tpu.vector_store %arg8[%swap3A_268, %swap3A_269], %swap3A_272 {add = true, strides = array<i32>} : memref<64x128xf32, #tpu.memory_space<vmem>>, vector<1x16xf32>,
      %get3A_273 = arith.index_cast %scan3A_256 : i32 to index
      %get3A_274 = arith.constant 32 : index
      %get3A_275 = tpu.vector_load %arg10[%get3A_273, %get3A_274] {strides = array<i32>} : memref<64x128xf32, #tpu.memory_space<vmem>>, vector<1x16xf32>,
      %get3A_276 = vector.shape_cast %get3A_275 : vector<1x16xf32> to vector<16xf32>
      %swap3A_277 = arith.index_cast %scan3A_256 : i32 to index
      %swap3A_278 = arith.constant 32 : index
      %swap3A_279 = tpu.vector_load %arg8[%swap3A_277, %swap3A_278] {strides = array<i32>} : memref<64x128xf32, #tpu.memory_space<vmem>>, vector<1x16xf32>,
      %swap3A_280 = vector.shape_cast %swap3A_279 : vector<1x16xf32> to vector<16xf32>
      %swap3A_281 = vector.shape_cast %get3A_276 : vector<16xf32> to vector<1x16xf32>
      tpu.vector_store %arg8[%swap3A_277, %swap3A_278], %swap3A_281 {add = true, strides = array<i32>} : memref<64x128xf32, #tpu.memory_space<vmem>>, vector<1x16xf32>,
      %get3A_282 = arith.index_cast %scan3A_256 : i32 to index
      %get3A_283 = arith.constant 48 : index
      %get3A_284 = tpu.vector_load %arg10[%get3A_282, %get3A_283] {strides = array<i32>} : memref<64x128xf32, #tpu.memory_space<vmem>>, vector<1x16xf32>,
      %get3A_285 = vector.shape_cast %get3A_284 : vector<1x16xf32> to vector<16xf32>
      %swap3A_286 = arith.index_cast %scan3A_256 : i32 to index
      %swap3A_287 = arith.constant 48 : index
      %swap3A_288 = tpu.vector_load %arg8[%swap3A_286, %swap3A_287] {strides = array<i32>} : memref<64x128xf32, #tpu.memory_space<vmem>>, vector<1x16xf32>,
      %swap3A_289 = vector.shape_cast %swap3A_288 : vector<1x16xf32> to vector<16xf32>
      %swap3A_290 = vector.shape_cast %get3A_285 : vector<16xf32> to vector<1x16xf32>
      tpu.vector_store %arg8[%swap3A_286, %swap3A_287], %swap3A_290 {add = true, strides = array<i32>} : memref<64x128xf32, #tpu.memory_space<vmem>>, vector<1x16xf32>,
      %get3A_291 = arith.index_cast %scan3A_256 : i32 to index
      %get3A_292 = arith.constant 64 : index
      %get3A_293 = tpu.vector_load %arg10[%get3A_291, %get3A_292] {strides = array<i32>} : memref<64x128xf32, #tpu.memory_space<vmem>>, vector<1x16xf32>,
      %get3A_294 = vector.shape_cast %get3A_293 : vector<1x16xf32> to vector<16xf32>
      %swap3A_295 = arith.index_cast %scan3A_256 : i32 to index
      %swap3A_296 = arith.constant 64 : index
      %swap3A_297 = tpu.vector_load %arg8[%swap3A_295, %swap3A_296] {strides = array<i32>} : memref<64x128xf32, #tpu.memory_space<vmem>>, vector<1x16xf32>,
      %swap3A_298 = vector.shape_cast %swap3A_297 : vector<1x16xf32> to vector<16xf32>
      %swap3A_299 = vector.shape_cast %get3A_294 : vector<16xf32> to vector<1x16xf32>
      tpu.vector_store %arg8[%swap3A_295, %swap3A_296], %swap3A_299 {add = true, strides = array<i32>} : memref<64x128xf32, #tpu.memory_space<vmem>>, vector<1x16xf32>,
      %get3A_300 = arith.index_cast %scan3A_256 : i32 to index
      %get3A_301 = arith.constant 80 : index
      %get3A_302 = tpu.vector_load %arg10[%get3A_300, %get3A_301] {strides = array<i32>} : memref<64x128xf32, #tpu.memory_space<vmem>>, vector<1x16xf32>,
      %get3A_303 = vector.shape_cast %get3A_302 : vector<1x16xf32> to vector<16xf32>
      %swap3A_304 = arith.index_cast %scan3A_256 : i32 to index
      %swap3A_305 = arith.constant 80 : index
      %swap3A_306 = tpu.vector_load %arg8[%swap3A_304, %swap3A_305] {strides = array<i32>} : memref<64x128xf32, #tpu.memory_space<vmem>>, vector<1x16xf32>,
      %swap3A_307 = vector.shape_cast %swap3A_306 : vector<1x16xf32> to vector<16xf32>
      %swap3A_308 = vector.shape_cast %get3A_303 : vector<16xf32> to vector<1x16xf32>
      tpu.vector_store %arg8[%swap3A_304, %swap3A_305], %swap3A_308 {add = true, strides = array<i32>} : memref<64x128xf32, #tpu.memory_space<vmem>>, vector<1x16xf32>,
      %get3A_309 = arith.index_cast %scan3A_256 : i32 to index
      %get3A_310 = arith.constant 96 : index
      %get3A_311 = tpu.vector_load %arg10[%get3A_309, %get3A_310] {strides = array<i32>} : memref<64x128xf32, #tpu.memory_space<vmem>>, vector<1x16xf32>,
      %get3A_312 = vector.shape_cast %get3A_311 : vector<1x16xf32> to vector<16xf32>
      %swap3A_313 = arith.index_cast %scan3A_256 : i32 to index
      %swap3A_314 = arith.constant 96 : index
      %swap3A_315 = tpu.vector_load %arg8[%swap3A_313, %swap3A_314] {strides = array<i32>} : memref<64x128xf32, #tpu.memory_space<vmem>>, vector<1x16xf32>,
      %swap3A_316 = vector.shape_cast %swap3A_315 : vector<1x16xf32> to vector<16xf32>
      %swap3A_317 = vector.shape_cast %get3A_312 : vector<16xf32> to vector<1x16xf32>
      tpu.vector_store %arg8[%swap3A_313, %swap3A_314], %swap3A_317 {add = true, strides = array<i32>} : memref<64x128xf32, #tpu.memory_space<vmem>>, vector<1x16xf32>,
      %get3A_318 = arith.index_cast %scan3A_256 : i32 to index
      %get3A_319 = arith.constant 112 : index
      %get3A_320 = tpu.vector_load %arg10[%get3A_318, %get3A_319] {strides = array<i32>} : memref<64x128xf32, #tpu.memory_space<vmem>>, vector<1x16xf32>,
      %get3A_321 = vector.shape_cast %get3A_320 : vector<1x16xf32> to vector<16xf32>
      %swap3A_322 = arith.index_cast %scan3A_256 : i32 to index
      %swap3A_323 = arith.constant 112 : index
      %swap3A_324 = tpu.vector_load %arg8[%swap3A_322, %swap3A_323] {strides = array<i32>} : memref<64x128xf32, #tpu.memory_space<vmem>>, vector<1x16xf32>,
      %swap3A_325 = vector.shape_cast %swap3A_324 : vector<1x16xf32> to vector<16xf32>
      %swap3A_326 = vector.shape_cast %get3A_321 : vector<16xf32> to vector<1x16xf32>
      tpu.vector_store %arg8[%swap3A_322, %swap3A_323], %swap3A_326 {add = true, strides = array<i32>} : memref<64x128xf32, #tpu.memory_space<vmem>>, vector<1x16xf32>,
      %scan3A_327 = arith.constant 1 : i32
      %scan3A_328 = arith.addi %scan3A_256, %scan3A_327 : i32
      %get3A_329 = arith.index_cast %scan3A_328 : i32 to index
      %get3A_330 = arith.constant 0 : index
      %get3A_331 = tpu.vector_load %arg10[%get3A_329, %get3A_330] {strides = array<i32>} : memref<64x128xf32, #tpu.memory_space<vmem>>, vector<1x16xf32>,
      %get3A_332 = vector.shape_cast %get3A_331 : vector<1x16xf32> to vector<16xf32>
      %swap3A_333 = arith.index_cast %scan3A_328 : i32 to index
      %swap3A_334 = arith.constant 0 : index
      %swap3A_335 = tpu.vector_load %arg8[%swap3A_333, %swap3A_334] {strides = array<i32>} : memref<64x128xf32, #tpu.memory_space<vmem>>, vector<1x16xf32>,
      %swap3A_336 = vector.shape_cast %swap3A_335 : vector<1x16xf32> to vector<16xf32>
      %swap3A_337 = vector.shape_cast %get3A_332 : vector<16xf32> to vector<1x16xf32>
      tpu.vector_store %arg8[%swap3A_333, %swap3A_334], %swap3A_337 {add = true, strides = array<i32>} : memref<64x128xf32, #tpu.memory_space<vmem>>, vector<1x16xf32>,
      %get3A_338 = arith.index_cast %scan3A_328 : i32 to index
      %get3A_339 = arith.constant 16 : index
      %get3A_340 = tpu.vector_load %arg10[%get3A_338, %get3A_339] {strides = array<i32>} : memref<64x128xf32, #tpu.memory_space<vmem>>, vector<1x16xf32>,
      %get3A_341 = vector.shape_cast %get3A_340 : vector<1x16xf32> to vector<16xf32>
      %swap3A_342 = arith.index_cast %scan3A_328 : i32 to index
      %swap3A_343 = arith.constant 16 : index
      %swap3A_344 = tpu.vector_load %arg8[%swap3A_342, %swap3A_343] {strides = array<i32>} : memref<64x128xf32, #tpu.memory_space<vmem>>, vector<1x16xf32>,
      %swap3A_345 = vector.shape_cast %swap3A_344 : vector<1x16xf32> to vector<16xf32>
      %swap3A_346 = vector.shape_cast %get3A_341 : vector<16xf32> to vector<1x16xf32>
      tpu.vector_store %arg8[%swap3A_342, %swap3A_343], %swap3A_346 {add = true, strides = array<i32>} : memref<64x128xf32, #tpu.memory_space<vmem>>, vector<1x16xf32>,
      %get3A_347 = arith.index_cast %scan3A_328 : i32 to index
      %get3A_348 = arith.constant 32 : index
      %get3A_349 = tpu.vector_load %arg10[%get3A_347, %get3A_348] {strides = array<i32>} : memref<64x128xf32, #tpu.memory_space<vmem>>, vector<1x16xf32>,
      %get3A_350 = vector.shape_cast %get3A_349 : vector<1x16xf32> to vector<16xf32>
      %swap3A_351 = arith.index_cast %scan3A_328 : i32 to index
      %swap3A_352 = arith.constant 32 : index
      %swap3A_353 = tpu.vector_load %arg8[%swap3A_351, %swap3A_352] {strides = array<i32>} : memref<64x128xf32, #tpu.memory_space<vmem>>, vector<1x16xf32>,
      %swap3A_354 = vector.shape_cast %swap3A_353 : vector<1x16xf32> to vector<16xf32>
      %swap3A_355 = vector.shape_cast %get3A_350 : vector<16xf32> to vector<1x16xf32>
      tpu.vector_store %arg8[%swap3A_351, %swap3A_352], %swap3A_355 {add = true, strides = array<i32>} : memref<64x128xf32, #tpu.memory_space<vmem>>, vector<1x16xf32>,
      %get3A_356 = arith.index_cast %scan3A_328 : i32 to index
      %get3A_357 = arith.constant 48 : index
      %get3A_358 = tpu.vector_load %arg10[%get3A_356, %get3A_357] {strides = array<i32>} : memref<64x128xf32, #tpu.memory_space<vmem>>, vector<1x16xf32>,
      %get3A_359 = vector.shape_cast %get3A_358 : vector<1x16xf32> to vector<16xf32>
      %swap3A_360 = arith.index_cast %scan3A_328 : i32 to index
      %swap3A_361 = arith.constant 48 : index
      %swap3A_362 = tpu.vector_load %arg8[%swap3A_360, %swap3A_361] {strides = array<i32>} : memref<64x128xf32, #tpu.memory_space<vmem>>, vector<1x16xf32>,
      %swap3A_363 = vector.shape_cast %swap3A_362 : vector<1x16xf32> to vector<16xf32>
      %swap3A_364 = vector.shape_cast %get3A_359 : vector<16xf32> to vector<1x16xf32>
      tpu.vector_store %arg8[%swap3A_360, %swap3A_361], %swap3A_364 {add = true, strides = array<i32>} : memref<64x128xf32, #tpu.memory_space<vmem>>, vector<1x16xf32>,
      %get3A_365 = arith.index_cast %scan3A_328 : i32 to index
      %get3A_366 = arith.constant 64 : index
      %get3A_367 = tpu.vector_load %arg10[%get3A_365, %get3A_366] {strides = array<i32>} : memref<64x128xf32, #tpu.memory_space<vmem>>, vector<1x16xf32>,
      %get3A_368 = vector.shape_cast %get3A_367 : vector<1x16xf32> to vector<16xf32>
      %swap3A_369 = arith.index_cast %scan3A_328 : i32 to index
      %swap3A_370 = arith.constant 64 : index
      %swap3A_371 = tpu.vector_load %arg8[%swap3A_369, %swap3A_370] {strides = array<i32>} : memref<64x128xf32, #tpu.memory_space<vmem>>, vector<1x16xf32>,
      %swap3A_372 = vector.shape_cast %swap3A_371 : vector<1x16xf32> to vector<16xf32>
      %swap3A_373 = vector.shape_cast %get3A_368 : vector<16xf32> to vector<1x16xf32>
      tpu.vector_store %arg8[%swap3A_369, %swap3A_370], %swap3A_373 {add = true, strides = array<i32>} : memref<64x128xf32, #tpu.memory_space<vmem>>, vector<1x16xf32>,
      %get3A_374 = arith.index_cast %scan3A_328 : i32 to index
      %get3A_375 = arith.constant 80 : index
      %get3A_376 = tpu.vector_load %arg10[%get3A_374, %get3A_375] {strides = array<i32>} : memref<64x128xf32, #tpu.memory_space<vmem>>, vector<1x16xf32>,
      %get3A_377 = vector.shape_cast %get3A_376 : vector<1x16xf32> to vector<16xf32>
      %swap3A_378 = arith.index_cast %scan3A_328 : i32 to index
      %swap3A_379 = arith.constant 80 : index
      %swap3A_380 = tpu.vector_load %arg8[%swap3A_378, %swap3A_379] {strides = array<i32>} : memref<64x128xf32, #tpu.memory_space<vmem>>, vector<1x16xf32>,
      %swap3A_381 = vector.shape_cast %swap3A_380 : vector<1x16xf32> to vector<16xf32>
      %swap3A_382 = vector.shape_cast %get3A_377 : vector<16xf32> to vector<1x16xf32>
      tpu.vector_store %arg8[%swap3A_378, %swap3A_379], %swap3A_382 {add = true, strides = array<i32>} : memref<64x128xf32, #tpu.memory_space<vmem>>, vector<1x16xf32>,
      %get3A_383 = arith.index_cast %scan3A_328 : i32 to index
      %get3A_384 = arith.constant 96 : index
      %get3A_385 = tpu.vector_load %arg10[%get3A_383, %get3A_384] {strides = array<i32>} : memref<64x128xf32, #tpu.memory_space<vmem>>, vector<1x16xf32>,
      %get3A_386 = vector.shape_cast %get3A_385 : vector<1x16xf32> to vector<16xf32>
      %swap3A_387 = arith.index_cast %scan3A_328 : i32 to index
      %swap3A_388 = arith.constant 96 : index
      %swap3A_389 = tpu.vector_load %arg8[%swap3A_387, %swap3A_388] {strides = array<i32>} : memref<64x128xf32, #tpu.memory_space<vmem>>, vector<1x16xf32>,
      %swap3A_390 = vector.shape_cast %swap3A_389 : vector<1x16xf32> to vector<16xf32>
      %swap3A_391 = vector.shape_cast %get3A_386 : vector<16xf32> to vector<1x16xf32>
      tpu.vector_store %arg8[%swap3A_387, %swap3A_388], %swap3A_391 {add = true, strides = array<i32>} : memref<64x128xf32, #tpu.memory_space<vmem>>, vector<1x16xf32>,
      %get3A_392 = arith.index_cast %scan3A_328 : i32 to index
      %get3A_393 = arith.constant 112 : index
      %get3A_394 = tpu.vector_load %arg10[%get3A_392, %get3A_393] {strides = array<i32>} : memref<64x128xf32, #tpu.memory_space<vmem>>, vector<1x16xf32>,
      %get3A_395 = vector.shape_cast %get3A_394 : vector<1x16xf32> to vector<16xf32>
      %swap3A_396 = arith.index_cast %scan3A_328 : i32 to index
      %swap3A_397 = arith.constant 112 : index
      %swap3A_398 = tpu.vector_load %arg8[%swap3A_396, %swap3A_397] {strides = array<i32>} : memref<64x128xf32, #tpu.memory_space<vmem>>, vector<1x16xf32>,
      %swap3A_399 = vector.shape_cast %swap3A_398 : vector<1x16xf32> to vector<16xf32>
      %swap3A_400 = vector.shape_cast %get3A_395 : vector<16xf32> to vector<1x16xf32>
      tpu.vector_store %arg8[%swap3A_396, %swap3A_397], %swap3A_400 {add = true, strides = array<i32>} : memref<64x128xf32, #tpu.memory_space<vmem>>, vector<1x16xf32>,
    }
    %scan3A_242 = arith.constant 64 : i32
    %add3A_243 = arith.constant 28672 : i32
    %add3A_244 = arith.addi %add3A_243, %mul3A_2 : i32
    "tpu.region"() ({
      %run_scoped3A = tpu.sem_alloc : memref<!tpu.dma_semaphore, #tpu.memory_space<semaphore_mem>>
      %dma_start3A_256 = arith.constant 0 : i32
      %dma_start3A_257 = tpu.memref_slice %arg5[%add3A_244, %dma_start3A_256] : memref<32768x128xf32, #tpu.memory_space<hbm>> -> memref<64x128xf32, #tpu.memory_space<hbm>>
      %dma_start3A_258 = arith.constant 0 : i32
      %dma_start3A_259 = tpu.memref_slice %arg5[%add3A_244, %dma_start3A_258] : memref<32768x128xf32, #tpu.memory_space<hbm>> -> memref<64x128xf32, #tpu.memory_space<hbm>>
      tpu.enqueue_dma source(%arg8 : memref<64x128xf32, #tpu.memory_space<vmem>>) target(%dma_start3A_259 : memref<64x128xf32, #tpu.memory_space<hbm>>) target_semaphore(%run_scoped3A : memref<!tpu.dma_semaphore, #tpu.memory_space<semaphore_mem>>)
      %dma_wait3A_260 = arith.constant 0 : i32
      %dma_wait3A_261 = tpu.memref_slice %arg5[%add3A_244, %dma_wait3A_260] : memref<32768x128xf32, #tpu.memory_space<hbm>> -> memref<64x128xf32, #tpu.memory_space<hbm>>
      %dma_wait3A_262 = arith.constant 0 : i32
      %dma_wait3A_263 = tpu.memref_slice %arg5[%add3A_244, %dma_wait3A_262] : memref<32768x128xf32, #tpu.memory_space<hbm>> -> memref<64x128xf32, #tpu.memory_space<hbm>>
      tpu.wait_dma2 semaphore(%run_scoped3A : memref<!tpu.dma_semaphore, #tpu.memory_space<semaphore_mem>>) src(%arg8 : memref<64x128xf32, #tpu.memory_space<vmem>>) dst(%dma_wait3A_263 : memref<64x128xf32, #tpu.memory_space<hbm>>)
      tpu.yield
    }) : () -> ()
    %dma_wait3A_245 = arith.constant 0 : i32
    %dma_wait3A_246 = arith.constant 0 : i32
    %dma_wait3A_247 = tpu.memref_slice %arg3[%dma_wait3A_245, %dma_wait3A_246] : memref<100000x128xf32, #tpu.memory_space<hbm>> -> memref<100000x128xf32, #tpu.memory_space<hbm>>
    tpu.wait_indirect_dma semaphore(%arg12 : memref<!tpu.dma_semaphore, #tpu.memory_space<semaphore_mem>>) src(%dma_wait3A_247 : memref<100000x128xf32, #tpu.memory_space<hbm>>) dst(%arg9 : memref<64x128xf32, #tpu.memory_space<vmem>>)
    %scan3A_248 = arith.constant 0 : i32
    %scan3A_249 = arith.constant 0 : i32
    %scan3A_250 = arith.constant 64 : i32
    %scan3A_251 = arith.addi %scan3A_249, %scan3A_250 : i32
    %scan3A_252 = arith.constant 2 : i32
    scf.for %scan3A_256 = %scan3A_249 to %scan3A_251 step %scan3A_252  : i32 {
      %get3A = arith.index_cast %scan3A_256 : i32 to index
      %get3A_257 = arith.constant 0 : index
      %get3A_258 = tpu.vector_load %arg10[%get3A, %get3A_257] {strides = array<i32>} : memref<64x128xf32, #tpu.memory_space<vmem>>, vector<1x16xf32>,
      %get3A_259 = vector.shape_cast %get3A_258 : vector<1x16xf32> to vector<16xf32>
      %swap3A = arith.index_cast %scan3A_256 : i32 to index
      %swap3A_260 = arith.constant 0 : index
      %swap3A_261 = tpu.vector_load %arg9[%swap3A, %swap3A_260] {strides = array<i32>} : memref<64x128xf32, #tpu.memory_space<vmem>>, vector<1x16xf32>,
      %swap3A_262 = vector.shape_cast %swap3A_261 : vector<1x16xf32> to vector<16xf32>
      %swap3A_263 = vector.shape_cast %get3A_259 : vector<16xf32> to vector<1x16xf32>
      tpu.vector_store %arg9[%swap3A, %swap3A_260], %swap3A_263 {add = true, strides = array<i32>} : memref<64x128xf32, #tpu.memory_space<vmem>>, vector<1x16xf32>,
      %get3A_264 = arith.index_cast %scan3A_256 : i32 to index
      %get3A_265 = arith.constant 16 : index
      %get3A_266 = tpu.vector_load %arg10[%get3A_264, %get3A_265] {strides = array<i32>} : memref<64x128xf32, #tpu.memory_space<vmem>>, vector<1x16xf32>,
      %get3A_267 = vector.shape_cast %get3A_266 : vector<1x16xf32> to vector<16xf32>
      %swap3A_268 = arith.index_cast %scan3A_256 : i32 to index
      %swap3A_269 = arith.constant 16 : index
      %swap3A_270 = tpu.vector_load %arg9[%swap3A_268, %swap3A_269] {strides = array<i32>} : memref<64x128xf32, #tpu.memory_space<vmem>>, vector<1x16xf32>,
      %swap3A_271 = vector.shape_cast %swap3A_270 : vector<1x16xf32> to vector<16xf32>
      %swap3A_272 = vector.shape_cast %get3A_267 : vector<16xf32> to vector<1x16xf32>
      tpu.vector_store %arg9[%swap3A_268, %swap3A_269], %swap3A_272 {add = true, strides = array<i32>} : memref<64x128xf32, #tpu.memory_space<vmem>>, vector<1x16xf32>,
      %get3A_273 = arith.index_cast %scan3A_256 : i32 to index
      %get3A_274 = arith.constant 32 : index
      %get3A_275 = tpu.vector_load %arg10[%get3A_273, %get3A_274] {strides = array<i32>} : memref<64x128xf32, #tpu.memory_space<vmem>>, vector<1x16xf32>,
      %get3A_276 = vector.shape_cast %get3A_275 : vector<1x16xf32> to vector<16xf32>
      %swap3A_277 = arith.index_cast %scan3A_256 : i32 to index
      %swap3A_278 = arith.constant 32 : index
      %swap3A_279 = tpu.vector_load %arg9[%swap3A_277, %swap3A_278] {strides = array<i32>} : memref<64x128xf32, #tpu.memory_space<vmem>>, vector<1x16xf32>,
      %swap3A_280 = vector.shape_cast %swap3A_279 : vector<1x16xf32> to vector<16xf32>
      %swap3A_281 = vector.shape_cast %get3A_276 : vector<16xf32> to vector<1x16xf32>
      tpu.vector_store %arg9[%swap3A_277, %swap3A_278], %swap3A_281 {add = true, strides = array<i32>} : memref<64x128xf32, #tpu.memory_space<vmem>>, vector<1x16xf32>,
      %get3A_282 = arith.index_cast %scan3A_256 : i32 to index
      %get3A_283 = arith.constant 48 : index
      %get3A_284 = tpu.vector_load %arg10[%get3A_282, %get3A_283] {strides = array<i32>} : memref<64x128xf32, #tpu.memory_space<vmem>>, vector<1x16xf32>,
      %get3A_285 = vector.shape_cast %get3A_284 : vector<1x16xf32> to vector<16xf32>
      %swap3A_286 = arith.index_cast %scan3A_256 : i32 to index
      %swap3A_287 = arith.constant 48 : index
      %swap3A_288 = tpu.vector_load %arg9[%swap3A_286, %swap3A_287] {strides = array<i32>} : memref<64x128xf32, #tpu.memory_space<vmem>>, vector<1x16xf32>,
      %swap3A_289 = vector.shape_cast %swap3A_288 : vector<1x16xf32> to vector<16xf32>
      %swap3A_290 = vector.shape_cast %get3A_285 : vector<16xf32> to vector<1x16xf32>
      tpu.vector_store %arg9[%swap3A_286, %swap3A_287], %swap3A_290 {add = true, strides = array<i32>} : memref<64x128xf32, #tpu.memory_space<vmem>>, vector<1x16xf32>,
      %get3A_291 = arith.index_cast %scan3A_256 : i32 to index
      %get3A_292 = arith.constant 64 : index
      %get3A_293 = tpu.vector_load %arg10[%get3A_291, %get3A_292] {strides = array<i32>} : memref<64x128xf32, #tpu.memory_space<vmem>>, vector<1x16xf32>,
      %get3A_294 = vector.shape_cast %get3A_293 : vector<1x16xf32> to vector<16xf32>
      %swap3A_295 = arith.index_cast %scan3A_256 : i32 to index
      %swap3A_296 = arith.constant 64 : index
      %swap3A_297 = tpu.vector_load %arg9[%swap3A_295, %swap3A_296] {strides = array<i32>} : memref<64x128xf32, #tpu.memory_space<vmem>>, vector<1x16xf32>,
      %swap3A_298 = vector.shape_cast %swap3A_297 : vector<1x16xf32> to vector<16xf32>
      %swap3A_299 = vector.shape_cast %get3A_294 : vector<16xf32> to vector<1x16xf32>
      tpu.vector_store %arg9[%swap3A_295, %swap3A_296], %swap3A_299 {add = true, strides = array<i32>} : memref<64x128xf32, #tpu.memory_space<vmem>>, vector<1x16xf32>,
      %get3A_300 = arith.index_cast %scan3A_256 : i32 to index
      %get3A_301 = arith.constant 80 : index
      %get3A_302 = tpu.vector_load %arg10[%get3A_300, %get3A_301] {strides = array<i32>} : memref<64x128xf32, #tpu.memory_space<vmem>>, vector<1x16xf32>,
      %get3A_303 = vector.shape_cast %get3A_302 : vector<1x16xf32> to vector<16xf32>
      %swap3A_304 = arith.index_cast %scan3A_256 : i32 to index
      %swap3A_305 = arith.constant 80 : index
      %swap3A_306 = tpu.vector_load %arg9[%swap3A_304, %swap3A_305] {strides = array<i32>} : memref<64x128xf32, #tpu.memory_space<vmem>>, vector<1x16xf32>,
      %swap3A_307 = vector.shape_cast %swap3A_306 : vector<1x16xf32> to vector<16xf32>
      %swap3A_308 = vector.shape_cast %get3A_303 : vector<16xf32> to vector<1x16xf32>
      tpu.vector_store %arg9[%swap3A_304, %swap3A_305], %swap3A_308 {add = true, strides = array<i32>} : memref<64x128xf32, #tpu.memory_space<vmem>>, vector<1x16xf32>,
      %get3A_309 = arith.index_cast %scan3A_256 : i32 to index
      %get3A_310 = arith.constant 96 : index
      %get3A_311 = tpu.vector_load %arg10[%get3A_309, %get3A_310] {strides = array<i32>} : memref<64x128xf32, #tpu.memory_space<vmem>>, vector<1x16xf32>,
      %get3A_312 = vector.shape_cast %get3A_311 : vector<1x16xf32> to vector<16xf32>
      %swap3A_313 = arith.index_cast %scan3A_256 : i32 to index
      %swap3A_314 = arith.constant 96 : index
      %swap3A_315 = tpu.vector_load %arg9[%swap3A_313, %swap3A_314] {strides = array<i32>} : memref<64x128xf32, #tpu.memory_space<vmem>>, vector<1x16xf32>,
      %swap3A_316 = vector.shape_cast %swap3A_315 : vector<1x16xf32> to vector<16xf32>
      %swap3A_317 = vector.shape_cast %get3A_312 : vector<16xf32> to vector<1x16xf32>
      tpu.vector_store %arg9[%swap3A_313, %swap3A_314], %swap3A_317 {add = true, strides = array<i32>} : memref<64x128xf32, #tpu.memory_space<vmem>>, vector<1x16xf32>,
      %get3A_318 = arith.index_cast %scan3A_256 : i32 to index
      %get3A_319 = arith.constant 112 : index
      %get3A_320 = tpu.vector_load %arg10[%get3A_318, %get3A_319] {strides = array<i32>} : memref<64x128xf32, #tpu.memory_space<vmem>>, vector<1x16xf32>,
      %get3A_321 = vector.shape_cast %get3A_320 : vector<1x16xf32> to vector<16xf32>
      %swap3A_322 = arith.index_cast %scan3A_256 : i32 to index
      %swap3A_323 = arith.constant 112 : index
      %swap3A_324 = tpu.vector_load %arg9[%swap3A_322, %swap3A_323] {strides = array<i32>} : memref<64x128xf32, #tpu.memory_space<vmem>>, vector<1x16xf32>,
      %swap3A_325 = vector.shape_cast %swap3A_324 : vector<1x16xf32> to vector<16xf32>
      %swap3A_326 = vector.shape_cast %get3A_321 : vector<16xf32> to vector<1x16xf32>
      tpu.vector_store %arg9[%swap3A_322, %swap3A_323], %swap3A_326 {add = true, strides = array<i32>} : memref<64x128xf32, #tpu.memory_space<vmem>>, vector<1x16xf32>,
      %scan3A_327 = arith.constant 1 : i32
      %scan3A_328 = arith.addi %scan3A_256, %scan3A_327 : i32
      %get3A_329 = arith.index_cast %scan3A_328 : i32 to index
      %get3A_330 = arith.constant 0 : index
      %get3A_331 = tpu.vector_load %arg10[%get3A_329, %get3A_330] {strides = array<i32>} : memref<64x128xf32, #tpu.memory_space<vmem>>, vector<1x16xf32>,
      %get3A_332 = vector.shape_cast %get3A_331 : vector<1x16xf32> to vector<16xf32>
      %swap3A_333 = arith.index_cast %scan3A_328 : i32 to index
      %swap3A_334 = arith.constant 0 : index
      %swap3A_335 = tpu.vector_load %arg9[%swap3A_333, %swap3A_334] {strides = array<i32>} : memref<64x128xf32, #tpu.memory_space<vmem>>, vector<1x16xf32>,
      %swap3A_336 = vector.shape_cast %swap3A_335 : vector<1x16xf32> to vector<16xf32>
      %swap3A_337 = vector.shape_cast %get3A_332 : vector<16xf32> to vector<1x16xf32>
      tpu.vector_store %arg9[%swap3A_333, %swap3A_334], %swap3A_337 {add = true, strides = array<i32>} : memref<64x128xf32, #tpu.memory_space<vmem>>, vector<1x16xf32>,
      %get3A_338 = arith.index_cast %scan3A_328 : i32 to index
      %get3A_339 = arith.constant 16 : index
      %get3A_340 = tpu.vector_load %arg10[%get3A_338, %get3A_339] {strides = array<i32>} : memref<64x128xf32, #tpu.memory_space<vmem>>, vector<1x16xf32>,
      %get3A_341 = vector.shape_cast %get3A_340 : vector<1x16xf32> to vector<16xf32>
      %swap3A_342 = arith.index_cast %scan3A_328 : i32 to index
      %swap3A_343 = arith.constant 16 : index
      %swap3A_344 = tpu.vector_load %arg9[%swap3A_342, %swap3A_343] {strides = array<i32>} : memref<64x128xf32, #tpu.memory_space<vmem>>, vector<1x16xf32>,
      %swap3A_345 = vector.shape_cast %swap3A_344 : vector<1x16xf32> to vector<16xf32>
      %swap3A_346 = vector.shape_cast %get3A_341 : vector<16xf32> to vector<1x16xf32>
      tpu.vector_store %arg9[%swap3A_342, %swap3A_343], %swap3A_346 {add = true, strides = array<i32>} : memref<64x128xf32, #tpu.memory_space<vmem>>, vector<1x16xf32>,
      %get3A_347 = arith.index_cast %scan3A_328 : i32 to index
      %get3A_348 = arith.constant 32 : index
      %get3A_349 = tpu.vector_load %arg10[%get3A_347, %get3A_348] {strides = array<i32>} : memref<64x128xf32, #tpu.memory_space<vmem>>, vector<1x16xf32>,
      %get3A_350 = vector.shape_cast %get3A_349 : vector<1x16xf32> to vector<16xf32>
      %swap3A_351 = arith.index_cast %scan3A_328 : i32 to index
      %swap3A_352 = arith.constant 32 : index
      %swap3A_353 = tpu.vector_load %arg9[%swap3A_351, %swap3A_352] {strides = array<i32>} : memref<64x128xf32, #tpu.memory_space<vmem>>, vector<1x16xf32>,
      %swap3A_354 = vector.shape_cast %swap3A_353 : vector<1x16xf32> to vector<16xf32>
      %swap3A_355 = vector.shape_cast %get3A_350 : vector<16xf32> to vector<1x16xf32>
      tpu.vector_store %arg9[%swap3A_351, %swap3A_352], %swap3A_355 {add = true, strides = array<i32>} : memref<64x128xf32, #tpu.memory_space<vmem>>, vector<1x16xf32>,
      %get3A_356 = arith.index_cast %scan3A_328 : i32 to index
      %get3A_357 = arith.constant 48 : index
      %get3A_358 = tpu.vector_load %arg10[%get3A_356, %get3A_357] {strides = array<i32>} : memref<64x128xf32, #tpu.memory_space<vmem>>, vector<1x16xf32>,
      %get3A_359 = vector.shape_cast %get3A_358 : vector<1x16xf32> to vector<16xf32>
      %swap3A_360 = arith.index_cast %scan3A_328 : i32 to index
      %swap3A_361 = arith.constant 48 : index
      %swap3A_362 = tpu.vector_load %arg9[%swap3A_360, %swap3A_361] {strides = array<i32>} : memref<64x128xf32, #tpu.memory_space<vmem>>, vector<1x16xf32>,
      %swap3A_363 = vector.shape_cast %swap3A_362 : vector<1x16xf32> to vector<16xf32>
      %swap3A_364 = vector.shape_cast %get3A_359 : vector<16xf32> to vector<1x16xf32>
      tpu.vector_store %arg9[%swap3A_360, %swap3A_361], %swap3A_364 {add = true, strides = array<i32>} : memref<64x128xf32, #tpu.memory_space<vmem>>, vector<1x16xf32>,
      %get3A_365 = arith.index_cast %scan3A_328 : i32 to index
      %get3A_366 = arith.constant 64 : index
      %get3A_367 = tpu.vector_load %arg10[%get3A_365, %get3A_366] {strides = array<i32>} : memref<64x128xf32, #tpu.memory_space<vmem>>, vector<1x16xf32>,
      %get3A_368 = vector.shape_cast %get3A_367 : vector<1x16xf32> to vector<16xf32>
      %swap3A_369 = arith.index_cast %scan3A_328 : i32 to index
      %swap3A_370 = arith.constant 64 : index
      %swap3A_371 = tpu.vector_load %arg9[%swap3A_369, %swap3A_370] {strides = array<i32>} : memref<64x128xf32, #tpu.memory_space<vmem>>, vector<1x16xf32>,
      %swap3A_372 = vector.shape_cast %swap3A_371 : vector<1x16xf32> to vector<16xf32>
      %swap3A_373 = vector.shape_cast %get3A_368 : vector<16xf32> to vector<1x16xf32>
      tpu.vector_store %arg9[%swap3A_369, %swap3A_370], %swap3A_373 {add = true, strides = array<i32>} : memref<64x128xf32, #tpu.memory_space<vmem>>, vector<1x16xf32>,
      %get3A_374 = arith.index_cast %scan3A_328 : i32 to index
      %get3A_375 = arith.constant 80 : index
      %get3A_376 = tpu.vector_load %arg10[%get3A_374, %get3A_375] {strides = array<i32>} : memref<64x128xf32, #tpu.memory_space<vmem>>, vector<1x16xf32>,
      %get3A_377 = vector.shape_cast %get3A_376 : vector<1x16xf32> to vector<16xf32>
      %swap3A_378 = arith.index_cast %scan3A_328 : i32 to index
      %swap3A_379 = arith.constant 80 : index
      %swap3A_380 = tpu.vector_load %arg9[%swap3A_378, %swap3A_379] {strides = array<i32>} : memref<64x128xf32, #tpu.memory_space<vmem>>, vector<1x16xf32>,
      %swap3A_381 = vector.shape_cast %swap3A_380 : vector<1x16xf32> to vector<16xf32>
      %swap3A_382 = vector.shape_cast %get3A_377 : vector<16xf32> to vector<1x16xf32>
      tpu.vector_store %arg9[%swap3A_378, %swap3A_379], %swap3A_382 {add = true, strides = array<i32>} : memref<64x128xf32, #tpu.memory_space<vmem>>, vector<1x16xf32>,
      %get3A_383 = arith.index_cast %scan3A_328 : i32 to index
      %get3A_384 = arith.constant 96 : index
      %get3A_385 = tpu.vector_load %arg10[%get3A_383, %get3A_384] {strides = array<i32>} : memref<64x128xf32, #tpu.memory_space<vmem>>, vector<1x16xf32>,
      %get3A_386 = vector.shape_cast %get3A_385 : vector<1x16xf32> to vector<16xf32>
      %swap3A_387 = arith.index_cast %scan3A_328 : i32 to index
      %swap3A_388 = arith.constant 96 : index
      %swap3A_389 = tpu.vector_load %arg9[%swap3A_387, %swap3A_388] {strides = array<i32>} : memref<64x128xf32, #tpu.memory_space<vmem>>, vector<1x16xf32>,
      %swap3A_390 = vector.shape_cast %swap3A_389 : vector<1x16xf32> to vector<16xf32>
      %swap3A_391 = vector.shape_cast %get3A_386 : vector<16xf32> to vector<1x16xf32>
      tpu.vector_store %arg9[%swap3A_387, %swap3A_388], %swap3A_391 {add = true, strides = array<i32>} : memref<64x128xf32, #tpu.memory_space<vmem>>, vector<1x16xf32>,
      %get3A_392 = arith.index_cast %scan3A_328 : i32 to index
      %get3A_393 = arith.constant 112 : index
      %get3A_394 = tpu.vector_load %arg10[%get3A_392, %get3A_393] {strides = array<i32>} : memref<64x128xf32, #tpu.memory_space<vmem>>, vector<1x16xf32>,
      %get3A_395 = vector.shape_cast %get3A_394 : vector<1x16xf32> to vector<16xf32>
      %swap3A_396 = arith.index_cast %scan3A_328 : i32 to index
      %swap3A_397 = arith.constant 112 : index
      %swap3A_398 = tpu.vector_load %arg9[%swap3A_396, %swap3A_397] {strides = array<i32>} : memref<64x128xf32, #tpu.memory_space<vmem>>, vector<1x16xf32>,
      %swap3A_399 = vector.shape_cast %swap3A_398 : vector<1x16xf32> to vector<16xf32>
      %swap3A_400 = vector.shape_cast %get3A_395 : vector<16xf32> to vector<1x16xf32>
      tpu.vector_store %arg9[%swap3A_396, %swap3A_397], %swap3A_400 {add = true, strides = array<i32>} : memref<64x128xf32, #tpu.memory_space<vmem>>, vector<1x16xf32>,
    }
    %scan3A_253 = arith.constant 64 : i32
    %add3A_254 = arith.constant 30720 : i32
    %add3A_255 = arith.addi %add3A_254, %mul3A_2 : i32
    "tpu.region"() ({
      %run_scoped3A = tpu.sem_alloc : memref<!tpu.dma_semaphore, #tpu.memory_space<semaphore_mem>>
      %dma_start3A_256 = arith.constant 0 : i32
      %dma_start3A_257 = tpu.memref_slice %arg5[%add3A_255, %dma_start3A_256] : memref<32768x128xf32, #tpu.memory_space<hbm>> -> memref<64x128xf32, #tpu.memory_space<hbm>>
      %dma_start3A_258 = arith.constant 0 : i32
      %dma_start3A_259 = tpu.memref_slice %arg5[%add3A_255, %dma_start3A_258] : memref<32768x128xf32, #tpu.memory_space<hbm>> -> memref<64x128xf32, #tpu.memory_space<hbm>>
      tpu.enqueue_dma source(%arg9 : memref<64x128xf32, #tpu.memory_space<vmem>>) target(%dma_start3A_259 : memref<64x128xf32, #tpu.memory_space<hbm>>) target_semaphore(%run_scoped3A : memref<!tpu.dma_semaphore, #tpu.memory_space<semaphore_mem>>)
      %dma_wait3A_260 = arith.constant 0 : i32
      %dma_wait3A_261 = tpu.memref_slice %arg5[%add3A_255, %dma_wait3A_260] : memref<32768x128xf32, #tpu.memory_space<hbm>> -> memref<64x128xf32, #tpu.memory_space<hbm>>
      %dma_wait3A_262 = arith.constant 0 : i32
      %dma_wait3A_263 = tpu.memref_slice %arg5[%add3A_255, %dma_wait3A_262] : memref<32768x128xf32, #tpu.memory_space<hbm>> -> memref<64x128xf32, #tpu.memory_space<hbm>>
      tpu.wait_dma2 semaphore(%run_scoped3A : memref<!tpu.dma_semaphore, #tpu.memory_space<semaphore_mem>>) src(%arg9 : memref<64x128xf32, #tpu.memory_space<vmem>>) dst(%dma_wait3A_263 : memref<64x128xf32, #tpu.memory_space<hbm>>)
      tpu.yield
    }) : () -> ()
    return
  }
}

</mosaic_0001>

<sc_bundles>
// kernel: kernel.3.cloned.1.call-start
scs
__scs_entry_jumppad:
0x0: {  	(pc) =	sbr.rel $0x88, $3  }
0x1: {  	(tag) =	ssettag $0x0;
	lr =	simm.s32 $0x1  }
0x2: {  	[smem:$0x3F9E] =	sst lr;
	_ =	strace $0xD0000000  }
0x3: {  	_ = 	snop  }
0x4: {  	_ = 	snop  }
0x5: {  	_ = 	snop  }
0x6: {  	_ = 	snop  }
0x7: {  	_ = 	snop  }
__scs_overlays_trampoline_lowered:
0x8: {  	[smem:$0x3FAD] =	sst s0  }
0x9: {  	[smem:$0x3FAE] =	sst s1  }
0xa: {  	[smem:$0x3FAF] =	sst s2  }
0xb: {  	[smem:$0x3FB0] =	sst s3  }
0xc: {  	[smem:$0x3FB1] =	sst s4  }
0xd: {  	[smem:$0x3FB2] =	sst s5  }
0xe: {  	[smem:$0x3FB3] =	sst s6  }
0xf: {  	[smem:$0x3FB4] =	sst s7  }
0x10: {  	[smem:$0x3FB5] =	sst s8  }
0x11: {  	[smem:$0x3FB6] =	sst s9;
	s0 =	simm.s32 @!p0 $0x0  }
0x12: {  	s1 =	sld [smem:$0x3F9C];
	s0 =	simm.s32 @p0 $0x1  }
0x13: {  	[smem:$0x3FB7] =	sst s0;
	s0 =	simm.s32 @!p1 $0x0  }
0x14: {  	s2 =	sld [smem:$0x3F9B];
	s0 =	simm.s32 @p1 $0x1  }
0x15: {  	[smem:$0x3FB8] =	sst s0;
	s0 =	simm.s32 @!p2 $0x0  }
0x16: {  	s3 =	sld [smem:$0x3FDB];
	s0 =	simm.s32 @p2 $0x1  }
0x17: {  	s4 =	simm.s32 $0x1BF5;
	[smem:$0x3FBA] =	sst s0  }
0x18: {  	s0 =	sld [smem:$0x3F9D];
	_ =	swait.ge [sflag:s4], $0x0  }
0x19: {  	s7 =	sld [smem:$0x3F9E]  }
0x1a: {  	s8 =	sadd.s32 $0xFFFFE003, lr  }
0x1b: {  	s9 =	sadd.s32 $0xFFFFFEF7, lr;
	s5 =	simm.s32 $0xFFFFFFFF;
	p2 =	slt.u32 s8, $0xFFFFF086  }
0x1c: {  	p1 =	slt.u32 s9, $0xF7A;
	s5 =	simm.s32 @!p2 $0x0  }
0x1d: {  	s5 =	simm.s32 @p1 $0x1;
	p0 =	seq.s32 s7, s2  }
0x1e: {  	s7 =	smul.u32 @!p0 $0xF7A, s2;
	p2 =	seq.s32 @!p0 s5, $0x0  }
0x1f: {  	s9 =	smul.u32 $0xF7A, s1;
	s8 =	simm.s32 @!p0 $0x1BF5;
	p2 =	por !p2, p0  }
0x20: {  	[sflag:s8] =	ssyncset.s32 @!p0 $0xFFFFF086;
	s6 =	sadd.s32 @!p0 s3, s7;
	s7 =	simm.s32 @!p0 $0x108  }
0x21: {  	s3 =	sadd.s32 s3, s9;
	s6 =	sadd.s32 @!p0 $0x88, s6;
	s7 =	simm.s32 @p2 $0x1082  }
0x22: {  	[simem:s7], [sflag:s8] =	dma.local @!p0 [hbm:s6], $0xF7A  }
0x23: {  	s9 =	sor.u32 $0xD0000000, s2;
	s6 =	simm.s32 $0x108;
	_ =	swait.ge @!p0 [sflag:s8], $0x0  }
0x24: {  	s3 =	sadd.s32 $0x88, s3;
	s6 =	simm.s32 @!p1 $0x1082;
	[sflag:s4] =	ssyncset.s32 $0xFFFFF086  }
0x25: {  	[simem:s6], [sflag:s4] =	dma.local [hbm:s3], $0xF7A  }
0x26: {  	[smem:$0x3F9E] =	sst s1;
	(tag) =	ssettag s2;
	_ =	strace s9  }
0x27: {  	s1 =	sld [smem:$0x3FAE]  }
0x28: {  	s2 =	sld [smem:$0x3FAF]  }
0x29: {  	s4 =	sld [smem:$0x3FB1]  }
0x2a: {  	p0 =	seq.s32 s5, $0x0;
	s5 =	sld [smem:$0x3FB2]  }
0x2b: {  	s6 =	sld [smem:$0x3FB3]  }
0x2c: {  	s7 =	sld [smem:$0x3FB4]  }
0x2d: {  	s3 =	simm.s32 $0x108;
	s8 =	sld [smem:$0x3FB5]  }
0x2e: {  	s3 =	simm.s32 @!p0 $0x1082;
	s9 =	sld [smem:$0x3FB6]  }
0x2f: {  	lr =	sadd.s32 s0, s3;
	s0 =	sld [smem:$0x3FAD]  }
0x30: {  	s3 =	sld [smem:$0x3FB0]  }
0x31: {  	[smem:$0x3FB9] =	sst s10  }
0x32: {  	s10 =	sld [smem:$0x3FB7];
	_ =	sdelay $0x3  }
0x33: {  	p0 =	seq.s32 s10, $0x1;
	s10 =	sld [smem:$0x3FB9];
	_ =	sdelay $0x3  }
0x34: {  	[smem:$0x3FB9] =	sst s10  }
0x35: {  	s10 =	sld [smem:$0x3FB8];
	_ =	sdelay $0x3  }
0x36: {  	p1 =	seq.s32 s10, $0x1;
	s10 =	sld [smem:$0x3FB9];
	_ =	sdelay $0x3  }
0x37: {  	[smem:$0x3FB9] =	sst s10  }
0x38: {  	s10 =	sld [smem:$0x3FBA]  }
0x39: {  	_ = 	snop;
	(pc) =	sbr.ind lr, $3  }
0x3a: {  	_ = 	snop  }
0x3b: {  	_ = 	snop  }
0x3c: {  	p2 =	seq.s32 s10, $0x1;
	s10 =	sld [smem:$0x3FB9]  }
0x3d: {  	_ =	shalt  }
0x3e: {  	_ =	shalt  }
0x3f: {  	_ =	shalt  }
0x40: {  	_ =	shalt  }
0x41: {  	_ =	shalt  }
0x42: {  	_ =	shalt  }
0x43: {  	_ =	shalt  }
0x44: {  	_ =	shalt  }
0x45: {  	_ =	shalt  }
0x46: {  	_ =	shalt  }
0x47: {  	_ =	shalt  }
0x48: {  	_ =	shalt  }
0x49: {  	_ =	shalt  }
0x4a: {  	_ =	shalt  }
0x4b: {  	_ =	shalt  }
0x4c: {  	_ =	shalt  }
0x4d: {  	_ =	shalt  }
0x4e: {  	_ =	shalt  }
0x4f: {  	_ =	shalt  }
0x50: {  	_ =	shalt  }
0x51: {  	_ =	shalt  }
0x52: {  	_ =	shalt  }
0x53: {  	_ =	shalt  }
0x54: {  	_ =	shalt  }
0x55: {  	_ =	shalt  }
0x56: {  	_ =	shalt  }
0x57: {  	_ =	shalt  }
0x58: {  	_ =	shalt  }
0x59: {  	_ =	shalt  }
0x5a: {  	_ =	shalt  }
0x5b: {  	_ =	shalt  }
0x5c: {  	_ =	shalt  }
0x5d: {  	_ =	shalt  }
0x5e: {  	_ =	shalt  }
0x5f: {  	_ =	shalt  }
0x60: {  	_ =	shalt  }
0x61: {  	_ =	shalt  }
0x62: {  	_ =	shalt  }
0x63: {  	_ =	shalt  }
0x64: {  	_ =	shalt  }
0x65: {  	_ =	shalt  }
0x66: {  	_ =	shalt  }
0x67: {  	_ =	shalt  }
0x68: {  	_ =	shalt  }
0x69: {  	_ =	shalt  }
0x6a: {  	_ =	shalt  }
0x6b: {  	_ =	shalt  }
0x6c: {  	_ =	shalt  }
0x6d: {  	_ =	shalt  }
0x6e: {  	_ =	shalt  }
0x6f: {  	_ =	shalt  }
0x70: {  	_ =	shalt  }
0x71: {  	_ =	shalt  }
0x72: {  	_ =	shalt  }
0x73: {  	_ =	shalt  }
0x74: {  	_ =	shalt  }
0x75: {  	_ =	shalt  }
0x76: {  	_ =	shalt  }
0x77: {  	_ =	shalt  }
0x78: {  	_ =	shalt  }
0x79: {  	_ =	shalt  }
0x7a: {  	_ =	shalt  }
0x7b: {  	_ =	shalt  }
0x7c: {  	_ =	shalt  }
0x7d: {  	_ =	shalt  }
0x7e: {  	_ =	shalt  }
0x7f: {  	_ =	shalt  }
0x80: {  	_ =	shalt  }
0x81: {  	_ =	shalt  }
0x82: {  	_ =	shalt  }
0x83: {  	_ =	shalt  }
0x84: {  	_ =	shalt  }
0x85: {  	_ =	shalt  }
0x86: {  	_ =	shalt  }
0x87: {  	_ =	shalt  }
.Lfunc_end0:
.L_simem_size_0:
called_computation_lowered:
.L_overlay_start_0:
0x88: {  	s2 =	sld [smem:$0x3FD9]  }
0x89: {  	s3 =	sld [smem:$0x3FFE];
	_ =	sdelay $0x1  }
0x8a: {  	s1 =	srdreg.scid  }
0x8b: {  	s0 =	sand.u32 $0x1, s1  }
0x8c: {  	s17 =	sshll.u32 s0, $0xA;
	s2 =	sadd.s32 s3, s2  }
0x8d: {  	s2 =	sadd.s32 s2, s17  }
0x8e: {  	[smem:$0x3FC5] =	sst s2  }
0x8f: {  	_ = 	snop  }
0x90: {  	s2 =	sld [smem:$0x3FC8]  }
0x91: {  	s18 =	sld [smem:$0x3FC7]  }
0x92: {  	s4 =	sld [smem:$0x3FD0];
	(tm) =	ssettm $0x1  }
0x93: {  	s5 =	sld [smem:$0x3FFB];
	_ =	sdelay $0x3  }
0x94: {  	_ =	strace s5  }
0x95: {  	s5 =	sld [smem:$0x3FFC];
	_ =	sdelay $0x3  }
0x96: {  	_ =	strace s5  }
0x97: {  	s5 =	sld [smem:$0x3FFD];
	_ =	sdelay $0x3  }
0x98: {  	_ =	strace s5  }
0x99: {  	_ =	strace $0x8FFFFFFF  }
0x9a: {  	s19 =	sld [smem:$0x3FDB];
	_ =	sdelay $0x1  }
0x9b: {  	s6 =	simm.s32 $_scs_section_size  }
0x9c: {  	s7 =	simm.s32 $_size__tile_overlayer_lowered;
	s8 =	simm.s32 $_tile_overlayer_lowered  }
0x9d: {  	s22 =	simm.s32 $0x1BFF;
	s21 =	sshll.u32 s8, $0x1;
	s5 =	sadd.s32 s6, s19  }
0x9e: {  	s9 =	simm.s32 $0x0;
	s20 =	sshll.u32 s7, $0x1;
	s7 =	sadd.s32 s21, s5  }
0x9f: {  	[timem:s9], [sflag:s22] =	dma.local [hbm:s7], s20  }
0xa0: {  	_ =	swait.ge [sflag:s22], s20  }
0xa1: {  	s6 =	ssub.s32 $0x0, s20;
	[sflag:s22] =	ssyncset.done $0x0  }
0xa2: {  	[sflag:s22] =	ssyncadd.s32 s6;
	_ =	sdelay $0x1  }
0xa3: {  	s23 =	simm.s32 $0x1B8B  }
0xa4: {  	_ =	swait.ge [sflag:s23], $0x1  }
0xa5: {  	[sflag:s23] =	ssyncset.done $0x0  }
0xa6: {  	s25 =	simm.s32 $0x1B8E;
	s24 =	sld [smem:$0x3FFE];
	[sflag:s23] =	ssyncadd.s32 $0xFFFFFFFF  }
0xa7: {  	s26 =	simm.s32 $execute0_lowered;
	[smem:$0x3FD2] =	sst s25  }
0xa8: {  	s7 =	sshll.u32 s26, $0x1;
	_ =	strace $0x80000046;
	[dreg:$0x1] =	wrdreg $0xFFFFFFFF  }
0xa9: {  	s28 =	simm.s32 $_size_execute0_lowered;
	s5 =	sadd.s32 s5, s7;
	[dreg:$0x0] =	wrdreg $0x0  }
0xaa: {  	s7 =	sshll.u32 s28, $0x1;
	[dreg:$0x2] =	wrdreg s5  }
0xab: {  	[dreg:$0x3] =	wrdreg s7  }
0xac: {  	[dreg:$0x4] =	wrdreg $0xC0  }
0xad: {  	_ =	task [dreg:s9], $0x5FFFF  }
0xae: {  	[dreg:$0x1] =	wrdreg $0xFFFFFFFF  }
0xaf: {  	[dreg:$0x0] =	wrdreg $0x60  }
0xb0: {  	[dreg:$0x2] =	wrdreg s24  }
0xb1: {  	[dreg:$0x3] =	wrdreg s2  }
0xb2: {  	[dreg:$0x4] =	wrdreg s18  }
0xb3: {  	[dreg:$0x5] =	wrdreg s4  }
0xb4: {  	[dreg:$0x6] =	wrdreg $0x9  }
0xb5: {  	_ =	task.clear_ibuf [dreg:s9], $0x7FFFF;
	_ =	strace $0x90000046  }
0xb6: {  	s29 =	simm.s32 $0x9;
	_ =	strace $0x80000048  }
0xb7: {  	_ =	swait.ge [sflag:s29], $0x1  }
0xb8: {  	[sflag:s29] =	ssyncadd.s32 $0xFFFFFFFF  }
0xb9: {  	_ =	strace $0x90000048  }
0xba: {  	_ =	sfence  }
0xbb: {  	s30 =	sld [smem:$0x0];
	_ =	sdelay $0x2  }
0xbc: {  	s31 =	sshll.u32 s1, $0xD;
	s1 =	sshrl.u32 s1, $0x2  }
0xbd: {  	s3 =	sand.u32 $0x4000, s31;
	s1 =	sadd.s32 s1, s30  }
0xbe: {  	s0 =	sor.u32 s3, s0;
	s1 =	sshll.u32 s1, $0x11  }
0xbf: {  	s0 =	sor.u32 s1, s0  }
0xc0: {  	s0 =	sadd.s32 $0x8F2B, s0  }
0xc1: {  	[sflag:s0] =	ssyncadd.remote.s32 $0x1  }
0xc2: {  	_ =	sfence.sel $0xFFFF  }
0xc3: {  	[dreg:$0x0] =	wrdreg $0xFFFFFFFF;
	(pc) =	sbr.abs _section_cstart, $3  }
0xc4: {  	[dreg:$0x1] =	wrdreg $0xFFFFFFFF  }
0xc5: {  	_ =	task.clear_ibuf [dreg:s9], $0x2FFFF;
	_ =	strace $0x9FFFFFFF  }
0xc6: {  	(tm) =	ssettm $0x7FFFFFFF  }
0xc7: {  	_ =	shalt  }
tec
execute0_lowered:
.L_overlay_start_1:
0x0: {  	(tag) =	ssettag $0x1  }
0x1: {  	s0 =	rddreg [dreg:$0x0];
	s2 =	srdreg.scid  }
0x2: {  	s1 =	simm.s32 $0x0;
	s4 =	stileid.u32;
	s2 =	sand.u32 $0x1, s2  }
0x3: {  	s4 =	sshll.u32 s4, $0x7;
	s3 =	ssub.s32 $0x2, s2;
	s2 =	sshll.u32 s2, $0x6  }
0x4: {  	[smem:$0x7FF] =	sst s1;
	s5 =	sshrl.u32 s3, $0x1;
	s2 =	sor.u32 s2, s4  }
0x5: {  	s0 =	sadd.s32 $0x400, s0;
	s3 =	ssub.s32 s3, s5;
	s6 =	sshrl.u32 s2, $0x3  }
0x6: {  	s4 =	sor.u32 $0x800, s2;
	s5 =	sor.u32 $0x1000, s2;
	[dreg:$0x15] =	wrdreg s3  }
0x7: {  	s3 =	sadd.s32 s0, s6;
	s7 =	sshrl.u32 s4, $0x3;
	s8 =	sshrl.u32 s5, $0x3  }
0x8: {  	[dreg:$0x16] =	wrdreg s3;
	s3 =	sadd.s32 s0, s7;
	s7 =	sor.u32 $0x1800, s2  }
0x9: {  	s6 =	sadd.s32 s0, s8;
	s8 =	sor.u32 $0x2000, s2;
	s9 =	sshrl.u32 s7, $0x3  }
0xa: {  	s10 =	sshrl.u32 s8, $0x3;
	s21 =	sadd.s32 s0, s9;
	s9 =	sor.u32 $0x2800, s2  }
0xb: {  	s22 =	sadd.s32 s0, s10;
	s10 =	sor.u32 $0x3000, s2;
	s11 =	sshrl.u32 s9, $0x3  }
0xc: {  	s12 =	sshrl.u32 s10, $0x3;
	s23 =	sadd.s32 s0, s11;
	s11 =	sor.u32 $0x3800, s2  }
0xd: {  	s24 =	sadd.s32 s0, s12;
	s12 =	sor.u32 $0x4000, s2;
	s13 =	sshrl.u32 s11, $0x3  }
0xe: {  	s14 =	sshrl.u32 s12, $0x3;
	s25 =	sadd.s32 s0, s13;
	s13 =	sor.u32 $0x4800, s2  }
0xf: {  	s26 =	sadd.s32 s0, s14;
	s14 =	sor.u32 $0x5000, s2;
	s15 =	sshrl.u32 s13, $0x3  }
0x10: {  	s16 =	sshrl.u32 s14, $0x3;
	s28 =	sadd.s32 s0, s15;
	s15 =	sor.u32 $0x5800, s2  }
0x11: {  	s29 =	sadd.s32 s0, s16;
	s16 =	sor.u32 $0x6000, s2;
	s17 =	sshrl.u32 s15, $0x3  }
0x12: {  	s18 =	sshrl.u32 s16, $0x3;
	s30 =	sadd.s32 s0, s17;
	s17 =	sor.u32 $0x6800, s2  }
0x13: {  	s31 =	sadd.s32 s0, s18;
	s18 =	sor.u32 $0x7000, s2;
	s19 =	sshrl.u32 s17, $0x3  }
0x14: {  	[dreg:$0x17] =	wrdreg s3;
	s20 =	sshrl.u32 s18, $0x3;
	s3 =	sadd.s32 s0, s19  }
0x15: {  	[dreg:$0x5] =	wrdreg s3;
	s3 =	sadd.s32 s0, s20  }
0x16: {  	s19 =	sor.u32 $0x7800, s2;
	[dreg:$0x6] =	wrdreg s3  }
0x17: {  	s20 =	sshrl.u32 s19, $0x3;
	s3 =	rddreg [dreg:$0x2]  }
0x18: {  	s0 =	sadd.s32 s0, s20;
	s20 =	rddreg [dreg:$0x3]  }
0x19: {  	[dreg:$0x7] =	wrdreg s0;
	s0 =	sshll.u32 s2, $0x4  }
0x1a: {  	s2 =	sadd.s32 s3, s0;
	s0 =	sadd.s32 s20, s0;
	s3 =	sshll.u32 s4, $0x4  }
0x1b: {  	s4 =	sshll.u32 s5, $0x4;
	s5 =	sshll.u32 s7, $0x4;
	[dreg:$0x8] =	wrdreg s2  }
0x1c: {  	[dreg:$0x9] =	wrdreg s0;
	s0 =	sadd.s32 s20, s3;
	s2 =	sshll.u32 s8, $0x4  }
0x1d: {  	s3 =	sshll.u32 s9, $0x4;
	s8 =	sshll.u32 s12, $0x4;
	s9 =	sshll.u32 s13, $0x4  }
0x1e: {  	s12 =	sshll.u32 s15, $0x4;
	s15 =	sshll.u32 s18, $0x4;
	s18 =	rddreg [dreg:$0x16]  }
0x1f: {  	s13 =	sshll.u32 s16, $0x4;
	s16 =	sshll.u32 s19, $0x4;
	s19 =	rddreg [dreg:$0x17]  }
0x20: {  	s7 =	sadd.s32 s20, s5;
	[dreg:$0xa] =	wrdreg s0  }
0x21: {  	s0 =	sadd.s32 s20, s4;
	[dreg:$0xc] =	wrdreg s7  }
0x22: {  	s4 =	sshll.u32 s10, $0x4;
	s10 =	sadd.s32 s20, s9;
	[dreg:$0xb] =	wrdreg s0  }
0x23: {  	s0 =	sadd.s32 s20, s2;
	[dreg:$0x12] =	wrdreg s10  }
0x24: {  	s7 =	sshll.u32 s11, $0x4;
	s5 =	sadd.s32 s20, s4;
	[dreg:$0xd] =	wrdreg s0  }
0x25: {  	s11 =	sshll.u32 s14, $0x4;
	s14 =	sshll.u32 s17, $0x4;
	[dreg:$0xf] =	wrdreg s5  }
0x26: {  	s9 =	simm.s32 $0x100;
	s0 =	sadd.s32 s20, s3;
	s3 =	rddreg [dreg:$0x1]  }
0x27: {  	s2 =	sadd.s32 s20, s14;
	[dreg:$0xe] =	wrdreg s0;
	s0 =	sadd.s32 s20, s7  }
0x28: {  	s4 =	sadd.s32 s20, s15;
	[dreg:$0x10] =	wrdreg s0;
	s0 =	sadd.s32 s20, s8  }
0x29: {  	s10 =	simm.s32 $0x80;
	[dreg:$0x11] =	wrdreg s0;
	s0 =	sadd.s32 s20, s11  }
0x2a: {  	s14 =	simm.s32 $0x0;
	[dreg:$0x13] =	wrdreg s0;
	s0 =	sadd.s32 s20, s12  }
0x2b: {  	s5 =	sadd.s32 s20, s16;
	s7 =	simm.s32 $0x3;
	[dreg:$0x14] =	wrdreg s0  }
0x2c: {  	s8 =	simm.s32 $0x40;
	s11 =	simm.s32 $0x2100;
	_ =	strace $0x80000047  }
0x2d: {  	s12 =	simm.s32 $0x1;
	s0 =	sadd.s32 s20, s13;
	s17 =	rddreg [dreg:$0x15]  }
0x2e: {  	s20 =	smov.u32 s6;
	s13 =	simm.s32 $0x2;
	s6 =	smax.u32 s17, $0x1  }
.LBB2_1:
0x2f: {  	s15 =	rddreg [dreg:$0x8];
	s16 =	simm.s32 $0x4100  }
0x30: {  	[tilespmem:s16], [sflag:$0x3] =	stream.linear.gather [hbm4b:s15+s1], $0x2000, $0x38;
	[tilespmem:$0x6100] =	vst v63  }
0x31: {  	_ =	swait.ge [sflag:s7], $0x2000  }
0x32: {  	[sflag:s7] =	ssyncset.done $0x0  }
0x33: {  	[sflag:s7] =	ssyncadd.s32 $0xFFFFE000  }
0x34: {  	[tilespmem:s1], [sflag:$0x3] =	stream.linear.gather [hbm4b:s18+s1], $0x40, $0x38;
	[tilespmem:$0x6100] =	vst v63  }
0x35: {  	_ =	swait.ge [sflag:s7], $0x40  }
0x36: {  	[sflag:s7] =	ssyncset.done $0x0  }
0x37: {  	[sflag:s7] =	ssyncadd.s32 $0xFFFFFFC0  }
0x38: {  	[tilespmem:s9], [sflag:$0x1] =	stream.indirect.gather [hbm4b:s3+s8], $0x80, s1, s8, $0xb8;
	[tilespmem:$0x6100] =	vst v63  }
0x39: {  	_ = 	snop  }
0x3a: {  	[tilespmem:s10], [sflag:$0x3] =	stream.linear.gather [hbm4b:s19+s1], $0x40, $0x38;
	[tilespmem:$0x6100] =	vst v63  }
0x3b: {  	_ =	swait.ge [sflag:s7], $0x40  }
0x3c: {  	[sflag:s7] =	ssyncset.done $0x0  }
0x3d: {  	[sflag:s7] =	ssyncadd.s32 $0xFFFFFFC0  }
0x3e: {  	[tilespmem:s11], [sflag:$0x2] =	stream.indirect.gather [hbm4b:s3+s8], $0x80, s10, s8, $0xb8;
	[tilespmem:$0x6100] =	vst v63  }
0x3f: {  	_ =	swait.ge [sflag:s12], $0x2000  }
0x40: {  	[sflag:s12] =	ssyncset.done $0x0  }
0x41: {  	s15 =	simm.s32 $0x0;
	[sflag:s12] =	ssyncadd.s32 $0xFFFFE000  }
0x42: {  	v0 =	vld [tilespmem:s15+$0x41F0]  }
0x43: {  	v1 =	vld [tilespmem:s15+$0x4100]  }
0x44: {  	v2 =	vld [tilespmem:s15+$0x4110]  }
0x45: {  	v3 =	vld [tilespmem:s15+$0x4120]  }
0x46: {  	v4 =	vld [tilespmem:s15+$0x4130]  }
0x47: {  	v5 =	vld [tilespmem:s15+$0x4140]  }
0x48: {  	v6 =	vld [tilespmem:s15+$0x4150]  }
0x49: {  	v7 =	vld [tilespmem:s15+$0x4160]  }
0x4a: {  	v8 =	vld [tilespmem:s15+$0x4170]  }
0x4b: {  	v9 =	vld [tilespmem:s15+$0x4180]  }
0x4c: {  	v10 =	vld [tilespmem:s15+$0x4190]  }
0x4d: {  	v11 =	vld [tilespmem:s15+$0x41A0]  }
0x4e: {  	v12 =	vld [tilespmem:s15+$0x41B0]  }
0x4f: {  	v13 =	vld [tilespmem:s15+$0x41C0]  }
0x50: {  	v14 =	vld [tilespmem:s15+$0x41D0]  }
0x51: {  	[tilespmem:s15+$0x1F0] =	vst.add.f32.msk $0xffff, v0  }
0x52: {  	v0 =	vld [tilespmem:s15+$0x41E0]  }
0x53: {  	[tilespmem:s15+$0x100] =	vst.add.f32.msk $0xffff, v1  }
0x54: {  	[tilespmem:s15+$0x110] =	vst.add.f32.msk $0xffff, v2  }
0x55: {  	[tilespmem:s15+$0x120] =	vst.add.f32.msk $0xffff, v3  }
0x56: {  	[tilespmem:s15+$0x130] =	vst.add.f32.msk $0xffff, v4  }
0x57: {  	[tilespmem:s15+$0x140] =	vst.add.f32.msk $0xffff, v5  }
0x58: {  	[tilespmem:s15+$0x150] =	vst.add.f32.msk $0xffff, v6  }
0x59: {  	[tilespmem:s15+$0x160] =	vst.add.f32.msk $0xffff, v7  }
0x5a: {  	[tilespmem:s15+$0x170] =	vst.add.f32.msk $0xffff, v8  }
0x5b: {  	[tilespmem:s15+$0x180] =	vst.add.f32.msk $0xffff, v9  }
0x5c: {  	[tilespmem:s15+$0x190] =	vst.add.f32.msk $0xffff, v10  }
0x5d: {  	[tilespmem:s15+$0x1A0] =	vst.add.f32.msk $0xffff, v11  }
0x5e: {  	[tilespmem:s15+$0x1B0] =	vst.add.f32.msk $0xffff, v12  }
0x5f: {  	[tilespmem:s15+$0x1C0] =	vst.add.f32.msk $0xffff, v13  }
0x60: {  	s17 =	simm.s32 $0x400;
	s16 =	simm.s32 $0x0;
	[tilespmem:s15+$0x1D0] =	vst.add.f32.msk $0xffff, v14  }
.LBB2_2:
0x61: {  	s16 =	sadd.s32 $0x2, s16;
	[tilespmem:s15+$0x1E0] =	vst.add.f32.msk $0xffff, v0;
	s15 =	sshra.s32 s17, $0x2  }
0x62: {  	v0 =	vld [tilespmem:s15+$0x41F0];
	p0 =	slt.u32 s16, $0x3E  }
0x63: {  	v1 =	vld [tilespmem:s15+$0x4100]  }
0x64: {  	v2 =	vld [tilespmem:s15+$0x4110]  }
0x65: {  	v3 =	vld [tilespmem:s15+$0x4120]  }
0x66: {  	v4 =	vld [tilespmem:s15+$0x4130]  }
0x67: {  	[tilespmem:s15+$0x1F0] =	vst.add.f32.msk $0xffff, v0  }
0x68: {  	v5 =	vld [tilespmem:s15+$0x4140]  }
0x69: {  	v6 =	vld [tilespmem:s15+$0x4150]  }
0x6a: {  	v7 =	vld [tilespmem:s15+$0x4160]  }
0x6b: {  	v8 =	vld [tilespmem:s15+$0x4170]  }
0x6c: {  	v9 =	vld [tilespmem:s15+$0x4180]  }
0x6d: {  	v10 =	vld [tilespmem:s15+$0x4190]  }
0x6e: {  	v11 =	vld [tilespmem:s15+$0x41A0]  }
0x6f: {  	v12 =	vld [tilespmem:s15+$0x41B0]  }
0x70: {  	v13 =	vld [tilespmem:s15+$0x41C0]  }
0x71: {  	v14 =	vld [tilespmem:s15+$0x41D0]  }
0x72: {  	v0 =	vld [tilespmem:s15+$0x41E0]  }
0x73: {  	[tilespmem:s15+$0x100] =	vst.add.f32.msk $0xffff, v1  }
0x74: {  	[tilespmem:s15+$0x110] =	vst.add.f32.msk $0xffff, v2  }
0x75: {  	[tilespmem:s15+$0x120] =	vst.add.f32.msk $0xffff, v3  }
0x76: {  	[tilespmem:s15+$0x130] =	vst.add.f32.msk $0xffff, v4  }
0x77: {  	[tilespmem:s15+$0x140] =	vst.add.f32.msk $0xffff, v5  }
0x78: {  	[tilespmem:s15+$0x150] =	vst.add.f32.msk $0xffff, v6  }
0x79: {  	[tilespmem:s15+$0x160] =	vst.add.f32.msk $0xffff, v7  }
0x7a: {  	[tilespmem:s15+$0x170] =	vst.add.f32.msk $0xffff, v8  }
0x7b: {  	[tilespmem:s15+$0x180] =	vst.add.f32.msk $0xffff, v9  }
.Ltmp0:
0x7c: {  	[tilespmem:s15+$0x190] =	vst.add.f32.msk $0xffff, v10;
	(pc) =	sbr.rel @p0 .LBB2_2-.Ltmp0, $4  }
0x7d: {  	[tilespmem:s15+$0x1A0] =	vst.add.f32.msk $0xffff, v11  }
0x7e: {  	[tilespmem:s15+$0x1B0] =	vst.add.f32.msk $0xffff, v12  }
0x7f: {  	[tilespmem:s15+$0x1C0] =	vst.add.f32.msk $0xffff, v13  }
0x80: {  	s17 =	sadd.s32 $0x400, s17;
	[tilespmem:s15+$0x1D0] =	vst.add.f32.msk $0xffff, v14  }
0x81: {  	[tilespmem:s15+$0x1E0] =	vst.add.f32.msk $0xffff, v0;
	s17 =	simm.s32 $0x0;
	s16 =	rddreg [dreg:$0x9]  }
0x82: {  	[hbm4b:s16+s17] =	stream.linear.scatter [tilespmem:s9], [sflag:$0x3], $0x2000, $0x38;
	[tilespmem:$0x6100] =	vst v63  }
0x83: {  	_ =	swait.ge [sflag:s7], $0x2000  }
0x84: {  	[sflag:s7] =	ssyncset.done $0x0  }
0x85: {  	[sflag:s7] =	ssyncadd.s32 $0xFFFFE000  }
0x86: {  	[tilespmem:s17], [sflag:$0x3] =	stream.linear.gather [hbm4b:s20+s17], $0x40, $0x38;
	[tilespmem:$0x6100] =	vst v63  }
0x87: {  	_ =	swait.ge [sflag:s7], $0x40  }
0x88: {  	[sflag:s7] =	ssyncset.done $0x0  }
0x89: {  	[sflag:s7] =	ssyncadd.s32 $0xFFFFFFC0  }
0x8a: {  	[tilespmem:s9], [sflag:$0x1] =	stream.indirect.gather [hbm4b:s3+s8], $0x80, s17, s8, $0xb8;
	[tilespmem:$0x6100] =	vst v63  }
0x8b: {  	_ =	swait.ge [sflag:s13], $0x2000  }
0x8c: {  	[sflag:s13] =	ssyncset.done $0x0  }
0x8d: {  	s15 =	simm.s32 $0x0;
	[sflag:s13] =	ssyncadd.s32 $0xFFFFE000  }
0x8e: {  	v0 =	vld [tilespmem:s15+$0x41F0]  }
0x8f: {  	v1 =	vld [tilespmem:s15+$0x4100]  }
0x90: {  	v2 =	vld [tilespmem:s15+$0x4110]  }
0x91: {  	v3 =	vld [tilespmem:s15+$0x4120]  }
0x92: {  	v4 =	vld [tilespmem:s15+$0x4130]  }
0x93: {  	v5 =	vld [tilespmem:s15+$0x4140]  }
0x94: {  	v6 =	vld [tilespmem:s15+$0x4150]  }
0x95: {  	v7 =	vld [tilespmem:s15+$0x4160]  }
0x96: {  	v8 =	vld [tilespmem:s15+$0x4170]  }
0x97: {  	v9 =	vld [tilespmem:s15+$0x4180]  }
0x98: {  	v10 =	vld [tilespmem:s15+$0x4190]  }
0x99: {  	v11 =	vld [tilespmem:s15+$0x41A0]  }
0x9a: {  	v12 =	vld [tilespmem:s15+$0x41B0]  }
0x9b: {  	v13 =	vld [tilespmem:s15+$0x41C0]  }
0x9c: {  	v14 =	vld [tilespmem:s15+$0x41D0]  }
0x9d: {  	[tilespmem:s15+$0x21F0] =	vst.add.f32.msk $0xffff, v0  }
0x9e: {  	v0 =	vld [tilespmem:s15+$0x41E0]  }
0x9f: {  	[tilespmem:s15+$0x2100] =	vst.add.f32.msk $0xffff, v1  }
0xa0: {  	[tilespmem:s15+$0x2110] =	vst.add.f32.msk $0xffff, v2  }
0xa1: {  	[tilespmem:s15+$0x2120] =	vst.add.f32.msk $0xffff, v3  }
0xa2: {  	[tilespmem:s15+$0x2130] =	vst.add.f32.msk $0xffff, v4  }
0xa3: {  	[tilespmem:s15+$0x2140] =	vst.add.f32.msk $0xffff, v5  }
0xa4: {  	[tilespmem:s15+$0x2150] =	vst.add.f32.msk $0xffff, v6  }
0xa5: {  	[tilespmem:s15+$0x2160] =	vst.add.f32.msk $0xffff, v7  }
0xa6: {  	[tilespmem:s15+$0x2170] =	vst.add.f32.msk $0xffff, v8  }
0xa7: {  	[tilespmem:s15+$0x2180] =	vst.add.f32.msk $0xffff, v9  }
0xa8: {  	[tilespmem:s15+$0x2190] =	vst.add.f32.msk $0xffff, v10  }
0xa9: {  	[tilespmem:s15+$0x21A0] =	vst.add.f32.msk $0xffff, v11  }
0xaa: {  	[tilespmem:s15+$0x21B0] =	vst.add.f32.msk $0xffff, v12  }
0xab: {  	[tilespmem:s15+$0x21C0] =	vst.add.f32.msk $0xffff, v13  }
0xac: {  	s16 =	simm.s32 $0x0;
	s17 =	simm.s32 $0x400;
	[tilespmem:s15+$0x21D0] =	vst.add.f32.msk $0xffff, v14  }
.LBB2_4:
0xad: {  	s16 =	sadd.s32 $0x2, s16;
	[tilespmem:s15+$0x21E0] =	vst.add.f32.msk $0xffff, v0;
	s15 =	sshra.s32 s17, $0x2  }
0xae: {  	v0 =	vld [tilespmem:s15+$0x41F0];
	p0 =	slt.u32 s16, $0x3E  }
0xaf: {  	v1 =	vld [tilespmem:s15+$0x4100]  }
0xb0: {  	v2 =	vld [tilespmem:s15+$0x4110]  }
0xb1: {  	v3 =	vld [tilespmem:s15+$0x4120]  }
0xb2: {  	v4 =	vld [tilespmem:s15+$0x4130]  }
0xb3: {  	[tilespmem:s15+$0x21F0] =	vst.add.f32.msk $0xffff, v0  }
0xb4: {  	v5 =	vld [tilespmem:s15+$0x4140]  }
0xb5: {  	v6 =	vld [tilespmem:s15+$0x4150]  }
0xb6: {  	v7 =	vld [tilespmem:s15+$0x4160]  }
0xb7: {  	v8 =	vld [tilespmem:s15+$0x4170]  }
0xb8: {  	v9 =	vld [tilespmem:s15+$0x4180]  }
0xb9: {  	v10 =	vld [tilespmem:s15+$0x4190]  }
0xba: {  	v11 =	vld [tilespmem:s15+$0x41A0]  }
0xbb: {  	v12 =	vld [tilespmem:s15+$0x41B0]  }
0xbc: {  	v13 =	vld [tilespmem:s15+$0x41C0]  }
0xbd: {  	v14 =	vld [tilespmem:s15+$0x41D0]  }
0xbe: {  	v0 =	vld [tilespmem:s15+$0x41E0]  }
0xbf: {  	[tilespmem:s15+$0x2100] =	vst.add.f32.msk $0xffff, v1  }
0xc0: {  	[tilespmem:s15+$0x2110] =	vst.add.f32.msk $0xffff, v2  }
0xc1: {  	[tilespmem:s15+$0x2120] =	vst.add.f32.msk $0xffff, v3  }
0xc2: {  	[tilespmem:s15+$0x2130] =	vst.add.f32.msk $0xffff, v4  }
0xc3: {  	[tilespmem:s15+$0x2140] =	vst.add.f32.msk $0xffff, v5  }
0xc4: {  	[tilespmem:s15+$0x2150] =	vst.add.f32.msk $0xffff, v6  }
0xc5: {  	[tilespmem:s15+$0x2160] =	vst.add.f32.msk $0xffff, v7  }
0xc6: {  	[tilespmem:s15+$0x2170] =	vst.add.f32.msk $0xffff, v8  }
0xc7: {  	[tilespmem:s15+$0x2180] =	vst.add.f32.msk $0xffff, v9  }
.Ltmp1:
0xc8: {  	[tilespmem:s15+$0x2190] =	vst.add.f32.msk $0xffff, v10;
	(pc) =	sbr.rel @p0 .LBB2_4-.Ltmp1, $4  }
0xc9: {  	[tilespmem:s15+$0x21A0] =	vst.add.f32.msk $0xffff, v11  }
0xca: {  	[tilespmem:s15+$0x21B0] =	vst.add.f32.msk $0xffff, v12  }
0xcb: {  	[tilespmem:s15+$0x21C0] =	vst.add.f32.msk $0xffff, v13  }
0xcc: {  	s17 =	sadd.s32 $0x400, s17;
	[tilespmem:s15+$0x21D0] =	vst.add.f32.msk $0xffff, v14  }
0xcd: {  	[tilespmem:s15+$0x21E0] =	vst.add.f32.msk $0xffff, v0;
	s17 =	simm.s32 $0x0;
	s16 =	rddreg [dreg:$0xa]  }
0xce: {  	[hbm4b:s16+s17] =	stream.linear.scatter [tilespmem:s11], [sflag:$0x3], $0x2000, $0x38;
	[tilespmem:$0x6100] =	vst v63  }
0xcf: {  	_ =	swait.ge [sflag:s7], $0x2000  }
0xd0: {  	[sflag:s7] =	ssyncset.done $0x0  }
0xd1: {  	[sflag:s7] =	ssyncadd.s32 $0xFFFFE000  }
0xd2: {  	[tilespmem:s10], [sflag:$0x3] =	stream.linear.gather [hbm4b:s21+s17], $0x40, $0x38;
	[tilespmem:$0x6100] =	vst v63  }
0xd3: {  	_ =	swait.ge [sflag:s7], $0x40  }
0xd4: {  	[sflag:s7] =	ssyncset.done $0x0  }
0xd5: {  	[sflag:s7] =	ssyncadd.s32 $0xFFFFFFC0  }
0xd6: {  	[tilespmem:s11], [sflag:$0x2] =	stream.indirect.gather [hbm4b:s3+s8], $0x80, s10, s8, $0xb8;
	[tilespmem:$0x6100] =	vst v63  }
0xd7: {  	_ =	swait.ge [sflag:s12], $0x2000  }
0xd8: {  	[sflag:s12] =	ssyncset.done $0x0  }
0xd9: {  	s15 =	simm.s32 $0x0;
	[sflag:s12] =	ssyncadd.s32 $0xFFFFE000  }
0xda: {  	v0 =	vld [tilespmem:s15+$0x41F0]  }
0xdb: {  	v1 =	vld [tilespmem:s15+$0x4100]  }
0xdc: {  	v2 =	vld [tilespmem:s15+$0x4110]  }
0xdd: {  	v3 =	vld [tilespmem:s15+$0x4120]  }
0xde: {  	v4 =	vld [tilespmem:s15+$0x4130]  }
0xdf: {  	v5 =	vld [tilespmem:s15+$0x4140]  }
0xe0: {  	v6 =	vld [tilespmem:s15+$0x4150]  }
0xe1: {  	v7 =	vld [tilespmem:s15+$0x4160]  }
0xe2: {  	v8 =	vld [tilespmem:s15+$0x4170]  }
0xe3: {  	v9 =	vld [tilespmem:s15+$0x4180]  }
0xe4: {  	v10 =	vld [tilespmem:s15+$0x4190]  }
0xe5: {  	v11 =	vld [tilespmem:s15+$0x41A0]  }
0xe6: {  	v12 =	vld [tilespmem:s15+$0x41B0]  }
0xe7: {  	v13 =	vld [tilespmem:s15+$0x41C0]  }
0xe8: {  	v14 =	vld [tilespmem:s15+$0x41D0]  }
0xe9: {  	[tilespmem:s15+$0x1F0] =	vst.add.f32.msk $0xffff, v0  }
0xea: {  	v0 =	vld [tilespmem:s15+$0x41E0]  }
0xeb: {  	[tilespmem:s15+$0x100] =	vst.add.f32.msk $0xffff, v1  }
0xec: {  	[tilespmem:s15+$0x110] =	vst.add.f32.msk $0xffff, v2  }
0xed: {  	[tilespmem:s15+$0x120] =	vst.add.f32.msk $0xffff, v3  }
0xee: {  	[tilespmem:s15+$0x130] =	vst.add.f32.msk $0xffff, v4  }
0xef: {  	[tilespmem:s15+$0x140] =	vst.add.f32.msk $0xffff, v5  }
0xf0: {  	[tilespmem:s15+$0x150] =	vst.add.f32.msk $0xffff, v6  }
0xf1: {  	[tilespmem:s15+$0x160] =	vst.add.f32.msk $0xffff, v7  }
0xf2: {  	[tilespmem:s15+$0x170] =	vst.add.f32.msk $0xffff, v8  }
0xf3: {  	[tilespmem:s15+$0x180] =	vst.add.f32.msk $0xffff, v9  }
0xf4: {  	[tilespmem:s15+$0x190] =	vst.add.f32.msk $0xffff, v10  }
0xf5: {  	[tilespmem:s15+$0x1A0] =	vst.add.f32.msk $0xffff, v11  }
0xf6: {  	[tilespmem:s15+$0x1B0] =	vst.add.f32.msk $0xffff, v12  }
0xf7: {  	[tilespmem:s15+$0x1C0] =	vst.add.f32.msk $0xffff, v13  }
0xf8: {  	s16 =	simm.s32 $0x0;
	s17 =	simm.s32 $0x400;
	[tilespmem:s15+$0x1D0] =	vst.add.f32.msk $0xffff, v14  }
.LBB2_6:
0xf9: {  	s16 =	sadd.s32 $0x2, s16;
	[tilespmem:s15+$0x1E0] =	vst.add.f32.msk $0xffff, v0;
	s15 =	sshra.s32 s17, $0x2  }
0xfa: {  	v0 =	vld [tilespmem:s15+$0x41F0];
	p0 =	slt.u32 s16, $0x3E  }
0xfb: {  	v1 =	vld [tilespmem:s15+$0x4100]  }
0xfc: {  	v2 =	vld [tilespmem:s15+$0x4110]  }
0xfd: {  	v3 =	vld [tilespmem:s15+$0x4120]  }
0xfe: {  	v4 =	vld [tilespmem:s15+$0x4130]  }
0xff: {  	[tilespmem:s15+$0x1F0] =	vst.add.f32.msk $0xffff, v0  }
0x100: {  	v5 =	vld [tilespmem:s15+$0x4140]  }
0x101: {  	v6 =	vld [tilespmem:s15+$0x4150]  }
0x102: {  	v7 =	vld [tilespmem:s15+$0x4160]  }
0x103: {  	v8 =	vld [tilespmem:s15+$0x4170]  }
0x104: {  	v9 =	vld [tilespmem:s15+$0x4180]  }
0x105: {  	v10 =	vld [tilespmem:s15+$0x4190]  }
0x106: {  	v11 =	vld [tilespmem:s15+$0x41A0]  }
0x107: {  	v12 =	vld [tilespmem:s15+$0x41B0]  }
0x108: {  	v13 =	vld [tilespmem:s15+$0x41C0]  }
0x109: {  	v14 =	vld [tilespmem:s15+$0x41D0]  }
0x10a: {  	v0 =	vld [tilespmem:s15+$0x41E0]  }
0x10b: {  	[tilespmem:s15+$0x100] =	vst.add.f32.msk $0xffff, v1  }
0x10c: {  	[tilespmem:s15+$0x110] =	vst.add.f32.msk $0xffff, v2  }
0x10d: {  	[tilespmem:s15+$0x120] =	vst.add.f32.msk $0xffff, v3  }
0x10e: {  	[tilespmem:s15+$0x130] =	vst.add.f32.msk $0xffff, v4  }
0x10f: {  	[tilespmem:s15+$0x140] =	vst.add.f32.msk $0xffff, v5  }
0x110: {  	[tilespmem:s15+$0x150] =	vst.add.f32.msk $0xffff, v6  }
0x111: {  	[tilespmem:s15+$0x160] =	vst.add.f32.msk $0xffff, v7  }
0x112: {  	[tilespmem:s15+$0x170] =	vst.add.f32.msk $0xffff, v8  }
0x113: {  	[tilespmem:s15+$0x180] =	vst.add.f32.msk $0xffff, v9  }
.Ltmp2:
0x114: {  	[tilespmem:s15+$0x190] =	vst.add.f32.msk $0xffff, v10;
	(pc) =	sbr.rel @p0 .LBB2_6-.Ltmp2, $4  }
0x115: {  	[tilespmem:s15+$0x1A0] =	vst.add.f32.msk $0xffff, v11  }
0x116: {  	[tilespmem:s15+$0x1B0] =	vst.add.f32.msk $0xffff, v12  }
0x117: {  	[tilespmem:s15+$0x1C0] =	vst.add.f32.msk $0xffff, v13  }
0x118: {  	s17 =	sadd.s32 $0x400, s17;
	[tilespmem:s15+$0x1D0] =	vst.add.f32.msk $0xffff, v14  }
0x119: {  	[tilespmem:s15+$0x1E0] =	vst.add.f32.msk $0xffff, v0;
	s17 =	simm.s32 $0x0;
	s16 =	rddreg [dreg:$0xb]  }
0x11a: {  	[hbm4b:s16+s17] =	stream.linear.scatter [tilespmem:s9], [sflag:$0x3], $0x2000, $0x38;
	[tilespmem:$0x6100] =	vst v63  }
0x11b: {  	_ =	swait.ge [sflag:s7], $0x2000  }
0x11c: {  	[sflag:s7] =	ssyncset.done $0x0  }
0x11d: {  	[sflag:s7] =	ssyncadd.s32 $0xFFFFE000  }
0x11e: {  	[tilespmem:s17], [sflag:$0x3] =	stream.linear.gather [hbm4b:s22+s17], $0x40, $0x38;
	[tilespmem:$0x6100] =	vst v63  }
0x11f: {  	_ =	swait.ge [sflag:s7], $0x40  }
0x120: {  	[sflag:s7] =	ssyncset.done $0x0  }
0x121: {  	[sflag:s7] =	ssyncadd.s32 $0xFFFFFFC0  }
0x122: {  	[tilespmem:s9], [sflag:$0x1] =	stream.indirect.gather [hbm4b:s3+s8], $0x80, s17, s8, $0xb8;
	[tilespmem:$0x6100] =	vst v63  }
0x123: {  	_ =	swait.ge [sflag:s13], $0x2000  }
0x124: {  	[sflag:s13] =	ssyncset.done $0x0  }
0x125: {  	s15 =	simm.s32 $0x0;
	[sflag:s13] =	ssyncadd.s32 $0xFFFFE000  }
0x126: {  	v0 =	vld [tilespmem:s15+$0x41F0]  }
0x127: {  	v1 =	vld [tilespmem:s15+$0x4100]  }
0x128: {  	v2 =	vld [tilespmem:s15+$0x4110]  }
0x129: {  	v3 =	vld [tilespmem:s15+$0x4120]  }
0x12a: {  	v4 =	vld [tilespmem:s15+$0x4130]  }
0x12b: {  	v5 =	vld [tilespmem:s15+$0x4140]  }
0x12c: {  	v6 =	vld [tilespmem:s15+$0x4150]  }
0x12d: {  	v7 =	vld [tilespmem:s15+$0x4160]  }
0x12e: {  	v8 =	vld [tilespmem:s15+$0x4170]  }
0x12f: {  	v9 =	vld [tilespmem:s15+$0x4180]  }
0x130: {  	v10 =	vld [tilespmem:s15+$0x4190]  }
0x131: {  	v11 =	vld [tilespmem:s15+$0x41A0]  }
0x132: {  	v12 =	vld [tilespmem:s15+$0x41B0]  }
0x133: {  	v13 =	vld [tilespmem:s15+$0x41C0]  }
0x134: {  	v14 =	vld [tilespmem:s15+$0x41D0]  }
0x135: {  	[tilespmem:s15+$0x21F0] =	vst.add.f32.msk $0xffff, v0  }
0x136: {  	v0 =	vld [tilespmem:s15+$0x41E0]  }
0x137: {  	[tilespmem:s15+$0x2100] =	vst.add.f32.msk $0xffff, v1  }
0x138: {  	[tilespmem:s15+$0x2110] =	vst.add.f32.msk $0xffff, v2  }
0x139: {  	[tilespmem:s15+$0x2120] =	vst.add.f32.msk $0xffff, v3  }
0x13a: {  	[tilespmem:s15+$0x2130] =	vst.add.f32.msk $0xffff, v4  }
0x13b: {  	[tilespmem:s15+$0x2140] =	vst.add.f32.msk $0xffff, v5  }
0x13c: {  	[tilespmem:s15+$0x2150] =	vst.add.f32.msk $0xffff, v6  }
0x13d: {  	[tilespmem:s15+$0x2160] =	vst.add.f32.msk $0xffff, v7  }
0x13e: {  	[tilespmem:s15+$0x2170] =	vst.add.f32.msk $0xffff, v8  }
0x13f: {  	[tilespmem:s15+$0x2180] =	vst.add.f32.msk $0xffff, v9  }
0x140: {  	[tilespmem:s15+$0x2190] =	vst.add.f32.msk $0xffff, v10  }
0x141: {  	[tilespmem:s15+$0x21A0] =	vst.add.f32.msk $0xffff, v11  }
0x142: {  	[tilespmem:s15+$0x21B0] =	vst.add.f32.msk $0xffff, v12  }
0x143: {  	[tilespmem:s15+$0x21C0] =	vst.add.f32.msk $0xffff, v13  }
0x144: {  	s16 =	simm.s32 $0x0;
	s17 =	simm.s32 $0x400;
	[tilespmem:s15+$0x21D0] =	vst.add.f32.msk $0xffff, v14  }
.LBB2_8:
0x145: {  	s16 =	sadd.s32 $0x2, s16;
	[tilespmem:s15+$0x21E0] =	vst.add.f32.msk $0xffff, v0;
	s15 =	sshra.s32 s17, $0x2  }
0x146: {  	v0 =	vld [tilespmem:s15+$0x41F0];
	p0 =	slt.u32 s16, $0x3E  }
0x147: {  	v1 =	vld [tilespmem:s15+$0x4100]  }
0x148: {  	v2 =	vld [tilespmem:s15+$0x4110]  }
0x149: {  	v3 =	vld [tilespmem:s15+$0x4120]  }
0x14a: {  	v4 =	vld [tilespmem:s15+$0x4130]  }
0x14b: {  	[tilespmem:s15+$0x21F0] =	vst.add.f32.msk $0xffff, v0  }
0x14c: {  	v5 =	vld [tilespmem:s15+$0x4140]  }
0x14d: {  	v6 =	vld [tilespmem:s15+$0x4150]  }
0x14e: {  	v7 =	vld [tilespmem:s15+$0x4160]  }
0x14f: {  	v8 =	vld [tilespmem:s15+$0x4170]  }
0x150: {  	v9 =	vld [tilespmem:s15+$0x4180]  }
0x151: {  	v10 =	vld [tilespmem:s15+$0x4190]  }
0x152: {  	v11 =	vld [tilespmem:s15+$0x41A0]  }
0x153: {  	v12 =	vld [tilespmem:s15+$0x41B0]  }
0x154: {  	v13 =	vld [tilespmem:s15+$0x41C0]  }
0x155: {  	v14 =	vld [tilespmem:s15+$0x41D0]  }
0x156: {  	v0 =	vld [tilespmem:s15+$0x41E0]  }
0x157: {  	[tilespmem:s15+$0x2100] =	vst.add.f32.msk $0xffff, v1  }
0x158: {  	[tilespmem:s15+$0x2110] =	vst.add.f32.msk $0xffff, v2  }
0x159: {  	[tilespmem:s15+$0x2120] =	vst.add.f32.msk $0xffff, v3  }
0x15a: {  	[tilespmem:s15+$0x2130] =	vst.add.f32.msk $0xffff, v4  }
0x15b: {  	[tilespmem:s15+$0x2140] =	vst.add.f32.msk $0xffff, v5  }
0x15c: {  	[tilespmem:s15+$0x2150] =	vst.add.f32.msk $0xffff, v6  }
0x15d: {  	[tilespmem:s15+$0x2160] =	vst.add.f32.msk $0xffff, v7  }
0x15e: {  	[tilespmem:s15+$0x2170] =	vst.add.f32.msk $0xffff, v8  }
0x15f: {  	[tilespmem:s15+$0x2180] =	vst.add.f32.msk $0xffff, v9  }
.Ltmp3:
0x160: {  	[tilespmem:s15+$0x2190] =	vst.add.f32.msk $0xffff, v10;
	(pc) =	sbr.rel @p0 .LBB2_8-.Ltmp3, $4  }
0x161: {  	[tilespmem:s15+$0x21A0] =	vst.add.f32.msk $0xffff, v11  }
0x162: {  	[tilespmem:s15+$0x21B0] =	vst.add.f32.msk $0xffff, v12  }
0x163: {  	[tilespmem:s15+$0x21C0] =	vst.add.f32.msk $0xffff, v13  }
0x164: {  	s17 =	sadd.s32 $0x400, s17;
	[tilespmem:s15+$0x21D0] =	vst.add.f32.msk $0xffff, v14  }
0x165: {  	[tilespmem:s15+$0x21E0] =	vst.add.f32.msk $0xffff, v0;
	s17 =	simm.s32 $0x0;
	s16 =	rddreg [dreg:$0xc]  }
0x166: {  	[hbm4b:s16+s17] =	stream.linear.scatter [tilespmem:s11], [sflag:$0x3], $0x2000, $0x38;
	[tilespmem:$0x6100] =	vst v63  }
0x167: {  	_ =	swait.ge [sflag:s7], $0x2000  }
0x168: {  	[sflag:s7] =	ssyncset.done $0x0  }
0x169: {  	[sflag:s7] =	ssyncadd.s32 $0xFFFFE000  }
0x16a: {  	[tilespmem:s10], [sflag:$0x3] =	stream.linear.gather [hbm4b:s23+s17], $0x40, $0x38;
	[tilespmem:$0x6100] =	vst v63  }
0x16b: {  	_ =	swait.ge [sflag:s7], $0x40  }
0x16c: {  	[sflag:s7] =	ssyncset.done $0x0  }
0x16d: {  	[sflag:s7] =	ssyncadd.s32 $0xFFFFFFC0  }
0x16e: {  	[tilespmem:s11], [sflag:$0x2] =	stream.indirect.gather [hbm4b:s3+s8], $0x80, s10, s8, $0xb8;
	[tilespmem:$0x6100] =	vst v63  }
0x16f: {  	_ =	swait.ge [sflag:s12], $0x2000  }
0x170: {  	[sflag:s12] =	ssyncset.done $0x0  }
0x171: {  	s15 =	simm.s32 $0x0;
	[sflag:s12] =	ssyncadd.s32 $0xFFFFE000  }
0x172: {  	v0 =	vld [tilespmem:s15+$0x41F0]  }
0x173: {  	v1 =	vld [tilespmem:s15+$0x4100]  }
0x174: {  	v2 =	vld [tilespmem:s15+$0x4110]  }
0x175: {  	v3 =	vld [tilespmem:s15+$0x4120]  }
0x176: {  	v4 =	vld [tilespmem:s15+$0x4130]  }
0x177: {  	v5 =	vld [tilespmem:s15+$0x4140]  }
0x178: {  	v6 =	vld [tilespmem:s15+$0x4150]  }
0x179: {  	v7 =	vld [tilespmem:s15+$0x4160]  }
0x17a: {  	v8 =	vld [tilespmem:s15+$0x4170]  }
0x17b: {  	v9 =	vld [tilespmem:s15+$0x4180]  }
0x17c: {  	v10 =	vld [tilespmem:s15+$0x4190]  }
0x17d: {  	v11 =	vld [tilespmem:s15+$0x41A0]  }
0x17e: {  	v12 =	vld [tilespmem:s15+$0x41B0]  }
0x17f: {  	v13 =	vld [tilespmem:s15+$0x41C0]  }
0x180: {  	v14 =	vld [tilespmem:s15+$0x41D0]  }
0x181: {  	[tilespmem:s15+$0x1F0] =	vst.add.f32.msk $0xffff, v0  }
0x182: {  	v0 =	vld [tilespmem:s15+$0x41E0]  }
0x183: {  	[tilespmem:s15+$0x100] =	vst.add.f32.msk $0xffff, v1  }
0x184: {  	[tilespmem:s15+$0x110] =	vst.add.f32.msk $0xffff, v2  }
0x185: {  	[tilespmem:s15+$0x120] =	vst.add.f32.msk $0xffff, v3  }
0x186: {  	[tilespmem:s15+$0x130] =	vst.add.f32.msk $0xffff, v4  }
0x187: {  	[tilespmem:s15+$0x140] =	vst.add.f32.msk $0xffff, v5  }
0x188: {  	[tilespmem:s15+$0x150] =	vst.add.f32.msk $0xffff, v6  }
0x189: {  	[tilespmem:s15+$0x160] =	vst.add.f32.msk $0xffff, v7  }
0x18a: {  	[tilespmem:s15+$0x170] =	vst.add.f32.msk $0xffff, v8  }
0x18b: {  	[tilespmem:s15+$0x180] =	vst.add.f32.msk $0xffff, v9  }
0x18c: {  	[tilespmem:s15+$0x190] =	vst.add.f32.msk $0xffff, v10  }
0x18d: {  	[tilespmem:s15+$0x1A0] =	vst.add.f32.msk $0xffff, v11  }
0x18e: {  	[tilespmem:s15+$0x1B0] =	vst.add.f32.msk $0xffff, v12  }
0x18f: {  	[tilespmem:s15+$0x1C0] =	vst.add.f32.msk $0xffff, v13  }
0x190: {  	s16 =	simm.s32 $0x0;
	s17 =	simm.s32 $0x400;
	[tilespmem:s15+$0x1D0] =	vst.add.f32.msk $0xffff, v14  }
.LBB2_10:
0x191: {  	s16 =	sadd.s32 $0x2, s16;
	[tilespmem:s15+$0x1E0] =	vst.add.f32.msk $0xffff, v0;
	s15 =	sshra.s32 s17, $0x2  }
0x192: {  	v0 =	vld [tilespmem:s15+$0x41F0];
	p0 =	slt.u32 s16, $0x3E  }
0x193: {  	v1 =	vld [tilespmem:s15+$0x4100]  }
0x194: {  	v2 =	vld [tilespmem:s15+$0x4110]  }
0x195: {  	v3 =	vld [tilespmem:s15+$0x4120]  }
0x196: {  	v4 =	vld [tilespmem:s15+$0x4130]  }
0x197: {  	[tilespmem:s15+$0x1F0] =	vst.add.f32.msk $0xffff, v0  }
0x198: {  	v5 =	vld [tilespmem:s15+$0x4140]  }
0x199: {  	v6 =	vld [tilespmem:s15+$0x4150]  }
0x19a: {  	v7 =	vld [tilespmem:s15+$0x4160]  }
0x19b: {  	v8 =	vld [tilespmem:s15+$0x4170]  }
0x19c: {  	v9 =	vld [tilespmem:s15+$0x4180]  }
0x19d: {  	v10 =	vld [tilespmem:s15+$0x4190]  }
0x19e: {  	v11 =	vld [tilespmem:s15+$0x41A0]  }
0x19f: {  	v12 =	vld [tilespmem:s15+$0x41B0]  }
0x1a0: {  	v13 =	vld [tilespmem:s15+$0x41C0]  }
0x1a1: {  	v14 =	vld [tilespmem:s15+$0x41D0]  }
0x1a2: {  	v0 =	vld [tilespmem:s15+$0x41E0]  }
0x1a3: {  	[tilespmem:s15+$0x100] =	vst.add.f32.msk $0xffff, v1  }
0x1a4: {  	[tilespmem:s15+$0x110] =	vst.add.f32.msk $0xffff, v2  }
0x1a5: {  	[tilespmem:s15+$0x120] =	vst.add.f32.msk $0xffff, v3  }
0x1a6: {  	[tilespmem:s15+$0x130] =	vst.add.f32.msk $0xffff, v4  }
0x1a7: {  	[tilespmem:s15+$0x140] =	vst.add.f32.msk $0xffff, v5  }
0x1a8: {  	[tilespmem:s15+$0x150] =	vst.add.f32.msk $0xffff, v6  }
0x1a9: {  	[tilespmem:s15+$0x160] =	vst.add.f32.msk $0xffff, v7  }
0x1aa: {  	[tilespmem:s15+$0x170] =	vst.add.f32.msk $0xffff, v8  }
0x1ab: {  	[tilespmem:s15+$0x180] =	vst.add.f32.msk $0xffff, v9  }
.Ltmp4:
0x1ac: {  	[tilespmem:s15+$0x190] =	vst.add.f32.msk $0xffff, v10;
	(pc) =	sbr.rel @p0 .LBB2_10-.Ltmp4, $4  }
0x1ad: {  	[tilespmem:s15+$0x1A0] =	vst.add.f32.msk $0xffff, v11  }
0x1ae: {  	[tilespmem:s15+$0x1B0] =	vst.add.f32.msk $0xffff, v12  }
0x1af: {  	[tilespmem:s15+$0x1C0] =	vst.add.f32.msk $0xffff, v13  }
0x1b0: {  	s17 =	sadd.s32 $0x400, s17;
	[tilespmem:s15+$0x1D0] =	vst.add.f32.msk $0xffff, v14  }
0x1b1: {  	[tilespmem:s15+$0x1E0] =	vst.add.f32.msk $0xffff, v0;
	s17 =	simm.s32 $0x0;
	s16 =	rddreg [dreg:$0xd]  }
0x1b2: {  	[hbm4b:s16+s17] =	stream.linear.scatter [tilespmem:s9], [sflag:$0x3], $0x2000, $0x38;
	[tilespmem:$0x6100] =	vst v63  }
0x1b3: {  	_ =	swait.ge [sflag:s7], $0x2000  }
0x1b4: {  	[sflag:s7] =	ssyncset.done $0x0  }
0x1b5: {  	[sflag:s7] =	ssyncadd.s32 $0xFFFFE000  }
0x1b6: {  	[tilespmem:s17], [sflag:$0x3] =	stream.linear.gather [hbm4b:s24+s17], $0x40, $0x38;
	[tilespmem:$0x6100] =	vst v63  }
0x1b7: {  	_ =	swait.ge [sflag:s7], $0x40  }
0x1b8: {  	[sflag:s7] =	ssyncset.done $0x0  }
0x1b9: {  	[sflag:s7] =	ssyncadd.s32 $0xFFFFFFC0  }
0x1ba: {  	[tilespmem:s9], [sflag:$0x1] =	stream.indirect.gather [hbm4b:s3+s8], $0x80, s17, s8, $0xb8;
	[tilespmem:$0x6100] =	vst v63  }
0x1bb: {  	_ =	swait.ge [sflag:s13], $0x2000  }
0x1bc: {  	[sflag:s13] =	ssyncset.done $0x0  }
0x1bd: {  	s15 =	simm.s32 $0x0;
	[sflag:s13] =	ssyncadd.s32 $0xFFFFE000  }
0x1be: {  	v0 =	vld [tilespmem:s15+$0x41F0]  }
0x1bf: {  	v1 =	vld [tilespmem:s15+$0x4100]  }
0x1c0: {  	v2 =	vld [tilespmem:s15+$0x4110]  }
0x1c1: {  	v3 =	vld [tilespmem:s15+$0x4120]  }
0x1c2: {  	v4 =	vld [tilespmem:s15+$0x4130]  }
0x1c3: {  	v5 =	vld [tilespmem:s15+$0x4140]  }
0x1c4: {  	v6 =	vld [tilespmem:s15+$0x4150]  }
0x1c5: {  	v7 =	vld [tilespmem:s15+$0x4160]  }
0x1c6: {  	v8 =	vld [tilespmem:s15+$0x4170]  }
0x1c7: {  	v9 =	vld [tilespmem:s15+$0x4180]  }
0x1c8: {  	v10 =	vld [tilespmem:s15+$0x4190]  }
0x1c9: {  	v11 =	vld [tilespmem:s15+$0x41A0]  }
0x1ca: {  	v12 =	vld [tilespmem:s15+$0x41B0]  }
0x1cb: {  	v13 =	vld [tilespmem:s15+$0x41C0]  }
0x1cc: {  	v14 =	vld [tilespmem:s15+$0x41D0]  }
0x1cd: {  	[tilespmem:s15+$0x21F0] =	vst.add.f32.msk $0xffff, v0  }
0x1ce: {  	v0 =	vld [tilespmem:s15+$0x41E0]  }
0x1cf: {  	[tilespmem:s15+$0x2100] =	vst.add.f32.msk $0xffff, v1  }
0x1d0: {  	[tilespmem:s15+$0x2110] =	vst.add.f32.msk $0xffff, v2  }
0x1d1: {  	[tilespmem:s15+$0x2120] =	vst.add.f32.msk $0xffff, v3  }
0x1d2: {  	[tilespmem:s15+$0x2130] =	vst.add.f32.msk $0xffff, v4  }
0x1d3: {  	[tilespmem:s15+$0x2140] =	vst.add.f32.msk $0xffff, v5  }
0x1d4: {  	[tilespmem:s15+$0x2150] =	vst.add.f32.msk $0xffff, v6  }
0x1d5: {  	[tilespmem:s15+$0x2160] =	vst.add.f32.msk $0xffff, v7  }
0x1d6: {  	[tilespmem:s15+$0x2170] =	vst.add.f32.msk $0xffff, v8  }
0x1d7: {  	[tilespmem:s15+$0x2180] =	vst.add.f32.msk $0xffff, v9  }
0x1d8: {  	[tilespmem:s15+$0x2190] =	vst.add.f32.msk $0xffff, v10  }
0x1d9: {  	[tilespmem:s15+$0x21A0] =	vst.add.f32.msk $0xffff, v11  }
0x1da: {  	[tilespmem:s15+$0x21B0] =	vst.add.f32.msk $0xffff, v12  }
0x1db: {  	[tilespmem:s15+$0x21C0] =	vst.add.f32.msk $0xffff, v13  }
0x1dc: {  	s16 =	simm.s32 $0x0;
	s17 =	simm.s32 $0x400;
	[tilespmem:s15+$0x21D0] =	vst.add.f32.msk $0xffff, v14  }
.LBB2_12:
0x1dd: {  	s16 =	sadd.s32 $0x2, s16;
	[tilespmem:s15+$0x21E0] =	vst.add.f32.msk $0xffff, v0;
	s15 =	sshra.s32 s17, $0x2  }
0x1de: {  	v0 =	vld [tilespmem:s15+$0x41F0];
	p0 =	slt.u32 s16, $0x3E  }
0x1df: {  	v1 =	vld [tilespmem:s15+$0x4100]  }
0x1e0: {  	v2 =	vld [tilespmem:s15+$0x4110]  }
0x1e1: {  	v3 =	vld [tilespmem:s15+$0x4120]  }
0x1e2: {  	v4 =	vld [tilespmem:s15+$0x4130]  }
0x1e3: {  	[tilespmem:s15+$0x21F0] =	vst.add.f32.msk $0xffff, v0  }
0x1e4: {  	v5 =	vld [tilespmem:s15+$0x4140]  }
0x1e5: {  	v6 =	vld [tilespmem:s15+$0x4150]  }
0x1e6: {  	v7 =	vld [tilespmem:s15+$0x4160]  }
0x1e7: {  	v8 =	vld [tilespmem:s15+$0x4170]  }
0x1e8: {  	v9 =	vld [tilespmem:s15+$0x4180]  }
0x1e9: {  	v10 =	vld [tilespmem:s15+$0x4190]  }
0x1ea: {  	v11 =	vld [tilespmem:s15+$0x41A0]  }
0x1eb: {  	v12 =	vld [tilespmem:s15+$0x41B0]  }
0x1ec: {  	v13 =	vld [tilespmem:s15+$0x41C0]  }
0x1ed: {  	v14 =	vld [tilespmem:s15+$0x41D0]  }
0x1ee: {  	v0 =	vld [tilespmem:s15+$0x41E0]  }
0x1ef: {  	[tilespmem:s15+$0x2100] =	vst.add.f32.msk $0xffff, v1  }
0x1f0: {  	[tilespmem:s15+$0x2110] =	vst.add.f32.msk $0xffff, v2  }
0x1f1: {  	[tilespmem:s15+$0x2120] =	vst.add.f32.msk $0xffff, v3  }
0x1f2: {  	[tilespmem:s15+$0x2130] =	vst.add.f32.msk $0xffff, v4  }
0x1f3: {  	[tilespmem:s15+$0x2140] =	vst.add.f32.msk $0xffff, v5  }
0x1f4: {  	[tilespmem:s15+$0x2150] =	vst.add.f32.msk $0xffff, v6  }
0x1f5: {  	[tilespmem:s15+$0x2160] =	vst.add.f32.msk $0xffff, v7  }
0x1f6: {  	[tilespmem:s15+$0x2170] =	vst.add.f32.msk $0xffff, v8  }
0x1f7: {  	[tilespmem:s15+$0x2180] =	vst.add.f32.msk $0xffff, v9  }
.Ltmp5:
0x1f8: {  	[tilespmem:s15+$0x2190] =	vst.add.f32.msk $0xffff, v10;
	(pc) =	sbr.rel @p0 .LBB2_12-.Ltmp5, $4  }
0x1f9: {  	[tilespmem:s15+$0x21A0] =	vst.add.f32.msk $0xffff, v11  }
0x1fa: {  	[tilespmem:s15+$0x21B0] =	vst.add.f32.msk $0xffff, v12  }
0x1fb: {  	[tilespmem:s15+$0x21C0] =	vst.add.f32.msk $0xffff, v13  }
0x1fc: {  	s17 =	sadd.s32 $0x400, s17;
	[tilespmem:s15+$0x21D0] =	vst.add.f32.msk $0xffff, v14  }
0x1fd: {  	[tilespmem:s15+$0x21E0] =	vst.add.f32.msk $0xffff, v0;
	s17 =	simm.s32 $0x0;
	s16 =	rddreg [dreg:$0xe]  }
0x1fe: {  	[hbm4b:s16+s17] =	stream.linear.scatter [tilespmem:s11], [sflag:$0x3], $0x2000, $0x38;
	[tilespmem:$0x6100] =	vst v63  }
0x1ff: {  	_ =	swait.ge [sflag:s7], $0x2000  }
0x200: {  	[sflag:s7] =	ssyncset.done $0x0  }
0x201: {  	[sflag:s7] =	ssyncadd.s32 $0xFFFFE000  }
0x202: {  	[tilespmem:s10], [sflag:$0x3] =	stream.linear.gather [hbm4b:s25+s17], $0x40, $0x38;
	[tilespmem:$0x6100] =	vst v63  }
0x203: {  	_ =	swait.ge [sflag:s7], $0x40  }
0x204: {  	[sflag:s7] =	ssyncset.done $0x0  }
0x205: {  	[sflag:s7] =	ssyncadd.s32 $0xFFFFFFC0  }
0x206: {  	[tilespmem:s11], [sflag:$0x2] =	stream.indirect.gather [hbm4b:s3+s8], $0x80, s10, s8, $0xb8;
	[tilespmem:$0x6100] =	vst v63  }
0x207: {  	_ =	swait.ge [sflag:s12], $0x2000  }
0x208: {  	[sflag:s12] =	ssyncset.done $0x0  }
0x209: {  	s15 =	simm.s32 $0x0;
	[sflag:s12] =	ssyncadd.s32 $0xFFFFE000  }
0x20a: {  	v0 =	vld [tilespmem:s15+$0x41F0]  }
0x20b: {  	v1 =	vld [tilespmem:s15+$0x4100]  }
0x20c: {  	v2 =	vld [tilespmem:s15+$0x4110]  }
0x20d: {  	v3 =	vld [tilespmem:s15+$0x4120]  }
0x20e: {  	v4 =	vld [tilespmem:s15+$0x4130]  }
0x20f: {  	v5 =	vld [tilespmem:s15+$0x4140]  }
0x210: {  	v6 =	vld [tilespmem:s15+$0x4150]  }
0x211: {  	v7 =	vld [tilespmem:s15+$0x4160]  }
0x212: {  	v8 =	vld [tilespmem:s15+$0x4170]  }
0x213: {  	v9 =	vld [tilespmem:s15+$0x4180]  }
0x214: {  	v10 =	vld [tilespmem:s15+$0x4190]  }
0x215: {  	v11 =	vld [tilespmem:s15+$0x41A0]  }
0x216: {  	v12 =	vld [tilespmem:s15+$0x41B0]  }
0x217: {  	v13 =	vld [tilespmem:s15+$0x41C0]  }
0x218: {  	v14 =	vld [tilespmem:s15+$0x41D0]  }
0x219: {  	[tilespmem:s15+$0x1F0] =	vst.add.f32.msk $0xffff, v0  }
0x21a: {  	v0 =	vld [tilespmem:s15+$0x41E0]  }
0x21b: {  	[tilespmem:s15+$0x100] =	vst.add.f32.msk $0xffff, v1  }
0x21c: {  	[tilespmem:s15+$0x110] =	vst.add.f32.msk $0xffff, v2  }
0x21d: {  	[tilespmem:s15+$0x120] =	vst.add.f32.msk $0xffff, v3  }
0x21e: {  	[tilespmem:s15+$0x130] =	vst.add.f32.msk $0xffff, v4  }
0x21f: {  	[tilespmem:s15+$0x140] =	vst.add.f32.msk $0xffff, v5  }
0x220: {  	[tilespmem:s15+$0x150] =	vst.add.f32.msk $0xffff, v6  }
0x221: {  	[tilespmem:s15+$0x160] =	vst.add.f32.msk $0xffff, v7  }
0x222: {  	[tilespmem:s15+$0x170] =	vst.add.f32.msk $0xffff, v8  }
0x223: {  	[tilespmem:s15+$0x180] =	vst.add.f32.msk $0xffff, v9  }
0x224: {  	[tilespmem:s15+$0x190] =	vst.add.f32.msk $0xffff, v10  }
0x225: {  	[tilespmem:s15+$0x1A0] =	vst.add.f32.msk $0xffff, v11  }
0x226: {  	[tilespmem:s15+$0x1B0] =	vst.add.f32.msk $0xffff, v12  }
0x227: {  	[tilespmem:s15+$0x1C0] =	vst.add.f32.msk $0xffff, v13  }
0x228: {  	s16 =	simm.s32 $0x0;
	s17 =	simm.s32 $0x400;
	[tilespmem:s15+$0x1D0] =	vst.add.f32.msk $0xffff, v14  }
.LBB2_14:
0x229: {  	s16 =	sadd.s32 $0x2, s16;
	[tilespmem:s15+$0x1E0] =	vst.add.f32.msk $0xffff, v0;
	s15 =	sshra.s32 s17, $0x2  }
0x22a: {  	v0 =	vld [tilespmem:s15+$0x41F0];
	p0 =	slt.u32 s16, $0x3E  }
0x22b: {  	v1 =	vld [tilespmem:s15+$0x4100]  }
0x22c: {  	v2 =	vld [tilespmem:s15+$0x4110]  }
0x22d: {  	v3 =	vld [tilespmem:s15+$0x4120]  }
0x22e: {  	v4 =	vld [tilespmem:s15+$0x4130]  }
0x22f: {  	[tilespmem:s15+$0x1F0] =	vst.add.f32.msk $0xffff, v0  }
0x230: {  	v5 =	vld [tilespmem:s15+$0x4140]  }
0x231: {  	v6 =	vld [tilespmem:s15+$0x4150]  }
0x232: {  	v7 =	vld [tilespmem:s15+$0x4160]  }
0x233: {  	v8 =	vld [tilespmem:s15+$0x4170]  }
0x234: {  	v9 =	vld [tilespmem:s15+$0x4180]  }
0x235: {  	v10 =	vld [tilespmem:s15+$0x4190]  }
0x236: {  	v11 =	vld [tilespmem:s15+$0x41A0]  }
0x237: {  	v12 =	vld [tilespmem:s15+$0x41B0]  }
0x238: {  	v13 =	vld [tilespmem:s15+$0x41C0]  }
0x239: {  	v14 =	vld [tilespmem:s15+$0x41D0]  }
0x23a: {  	v0 =	vld [tilespmem:s15+$0x41E0]  }
0x23b: {  	[tilespmem:s15+$0x100] =	vst.add.f32.msk $0xffff, v1  }
0x23c: {  	[tilespmem:s15+$0x110] =	vst.add.f32.msk $0xffff, v2  }
0x23d: {  	[tilespmem:s15+$0x120] =	vst.add.f32.msk $0xffff, v3  }
0x23e: {  	[tilespmem:s15+$0x130] =	vst.add.f32.msk $0xffff, v4  }
0x23f: {  	[tilespmem:s15+$0x140] =	vst.add.f32.msk $0xffff, v5  }
0x240: {  	[tilespmem:s15+$0x150] =	vst.add.f32.msk $0xffff, v6  }
0x241: {  	[tilespmem:s15+$0x160] =	vst.add.f32.msk $0xffff, v7  }
0x242: {  	[tilespmem:s15+$0x170] =	vst.add.f32.msk $0xffff, v8  }
0x243: {  	[tilespmem:s15+$0x180] =	vst.add.f32.msk $0xffff, v9  }
.Ltmp6:
0x244: {  	[tilespmem:s15+$0x190] =	vst.add.f32.msk $0xffff, v10;
	(pc) =	sbr.rel @p0 .LBB2_14-.Ltmp6, $4  }
0x245: {  	[tilespmem:s15+$0x1A0] =	vst.add.f32.msk $0xffff, v11  }
0x246: {  	[tilespmem:s15+$0x1B0] =	vst.add.f32.msk $0xffff, v12  }
0x247: {  	[tilespmem:s15+$0x1C0] =	vst.add.f32.msk $0xffff, v13  }
0x248: {  	s17 =	sadd.s32 $0x400, s17;
	[tilespmem:s15+$0x1D0] =	vst.add.f32.msk $0xffff, v14  }
0x249: {  	[tilespmem:s15+$0x1E0] =	vst.add.f32.msk $0xffff, v0;
	s17 =	simm.s32 $0x0;
	s16 =	rddreg [dreg:$0xf]  }
0x24a: {  	[hbm4b:s16+s17] =	stream.linear.scatter [tilespmem:s9], [sflag:$0x3], $0x2000, $0x38;
	[tilespmem:$0x6100] =	vst v63  }
0x24b: {  	_ =	swait.ge [sflag:s7], $0x2000  }
0x24c: {  	[sflag:s7] =	ssyncset.done $0x0  }
0x24d: {  	[sflag:s7] =	ssyncadd.s32 $0xFFFFE000  }
0x24e: {  	[tilespmem:s17], [sflag:$0x3] =	stream.linear.gather [hbm4b:s26+s17], $0x40, $0x38;
	[tilespmem:$0x6100] =	vst v63  }
0x24f: {  	_ =	swait.ge [sflag:s7], $0x40  }
0x250: {  	[sflag:s7] =	ssyncset.done $0x0  }
0x251: {  	[sflag:s7] =	ssyncadd.s32 $0xFFFFFFC0  }
0x252: {  	[tilespmem:s9], [sflag:$0x1] =	stream.indirect.gather [hbm4b:s3+s8], $0x80, s17, s8, $0xb8;
	[tilespmem:$0x6100] =	vst v63  }
0x253: {  	_ =	swait.ge [sflag:s13], $0x2000  }
0x254: {  	[sflag:s13] =	ssyncset.done $0x0  }
0x255: {  	s15 =	simm.s32 $0x0;
	[sflag:s13] =	ssyncadd.s32 $0xFFFFE000  }
0x256: {  	v0 =	vld [tilespmem:s15+$0x41F0]  }
0x257: {  	v1 =	vld [tilespmem:s15+$0x4100]  }
0x258: {  	v2 =	vld [tilespmem:s15+$0x4110]  }
0x259: {  	v3 =	vld [tilespmem:s15+$0x4120]  }
0x25a: {  	v4 =	vld [tilespmem:s15+$0x4130]  }
0x25b: {  	v5 =	vld [tilespmem:s15+$0x4140]  }
0x25c: {  	v6 =	vld [tilespmem:s15+$0x4150]  }
0x25d: {  	v7 =	vld [tilespmem:s15+$0x4160]  }
0x25e: {  	v8 =	vld [tilespmem:s15+$0x4170]  }
0x25f: {  	v9 =	vld [tilespmem:s15+$0x4180]  }
0x260: {  	v10 =	vld [tilespmem:s15+$0x4190]  }
0x261: {  	v11 =	vld [tilespmem:s15+$0x41A0]  }
0x262: {  	v12 =	vld [tilespmem:s15+$0x41B0]  }
0x263: {  	v13 =	vld [tilespmem:s15+$0x41C0]  }
0x264: {  	v14 =	vld [tilespmem:s15+$0x41D0]  }
0x265: {  	[tilespmem:s15+$0x21F0] =	vst.add.f32.msk $0xffff, v0  }
0x266: {  	v0 =	vld [tilespmem:s15+$0x41E0]  }
0x267: {  	[tilespmem:s15+$0x2100] =	vst.add.f32.msk $0xffff, v1  }
0x268: {  	[tilespmem:s15+$0x2110] =	vst.add.f32.msk $0xffff, v2  }
0x269: {  	[tilespmem:s15+$0x2120] =	vst.add.f32.msk $0xffff, v3  }
0x26a: {  	[tilespmem:s15+$0x2130] =	vst.add.f32.msk $0xffff, v4  }
0x26b: {  	[tilespmem:s15+$0x2140] =	vst.add.f32.msk $0xffff, v5  }
0x26c: {  	[tilespmem:s15+$0x2150] =	vst.add.f32.msk $0xffff, v6  }
0x26d: {  	[tilespmem:s15+$0x2160] =	vst.add.f32.msk $0xffff, v7  }
0x26e: {  	[tilespmem:s15+$0x2170] =	vst.add.f32.msk $0xffff, v8  }
0x26f: {  	[tilespmem:s15+$0x2180] =	vst.add.f32.msk $0xffff, v9  }
0x270: {  	[tilespmem:s15+$0x2190] =	vst.add.f32.msk $0xffff, v10  }
0x271: {  	[tilespmem:s15+$0x21A0] =	vst.add.f32.msk $0xffff, v11  }
0x272: {  	[tilespmem:s15+$0x21B0] =	vst.add.f32.msk $0xffff, v12  }
0x273: {  	[tilespmem:s15+$0x21C0] =	vst.add.f32.msk $0xffff, v13  }
0x274: {  	s16 =	simm.s32 $0x0;
	s17 =	simm.s32 $0x400;
	[tilespmem:s15+$0x21D0] =	vst.add.f32.msk $0xffff, v14  }
.LBB2_16:
0x275: {  	s16 =	sadd.s32 $0x2, s16;
	[tilespmem:s15+$0x21E0] =	vst.add.f32.msk $0xffff, v0;
	s15 =	sshra.s32 s17, $0x2  }
0x276: {  	v0 =	vld [tilespmem:s15+$0x41F0];
	p0 =	slt.u32 s16, $0x3E  }
0x277: {  	v1 =	vld [tilespmem:s15+$0x4100]  }
0x278: {  	v2 =	vld [tilespmem:s15+$0x4110]  }
0x279: {  	v3 =	vld [tilespmem:s15+$0x4120]  }
0x27a: {  	v4 =	vld [tilespmem:s15+$0x4130]  }
0x27b: {  	[tilespmem:s15+$0x21F0] =	vst.add.f32.msk $0xffff, v0  }
0x27c: {  	v5 =	vld [tilespmem:s15+$0x4140]  }
0x27d: {  	v6 =	vld [tilespmem:s15+$0x4150]  }
0x27e: {  	v7 =	vld [tilespmem:s15+$0x4160]  }
0x27f: {  	v8 =	vld [tilespmem:s15+$0x4170]  }
0x280: {  	v9 =	vld [tilespmem:s15+$0x4180]  }
0x281: {  	v10 =	vld [tilespmem:s15+$0x4190]  }
0x282: {  	v11 =	vld [tilespmem:s15+$0x41A0]  }
0x283: {  	v12 =	vld [tilespmem:s15+$0x41B0]  }
0x284: {  	v13 =	vld [tilespmem:s15+$0x41C0]  }
0x285: {  	v14 =	vld [tilespmem:s15+$0x41D0]  }
0x286: {  	v0 =	vld [tilespmem:s15+$0x41E0]  }
0x287: {  	[tilespmem:s15+$0x2100] =	vst.add.f32.msk $0xffff, v1  }
0x288: {  	[tilespmem:s15+$0x2110] =	vst.add.f32.msk $0xffff, v2  }
0x289: {  	[tilespmem:s15+$0x2120] =	vst.add.f32.msk $0xffff, v3  }
0x28a: {  	[tilespmem:s15+$0x2130] =	vst.add.f32.msk $0xffff, v4  }
0x28b: {  	[tilespmem:s15+$0x2140] =	vst.add.f32.msk $0xffff, v5  }
0x28c: {  	[tilespmem:s15+$0x2150] =	vst.add.f32.msk $0xffff, v6  }
0x28d: {  	[tilespmem:s15+$0x2160] =	vst.add.f32.msk $0xffff, v7  }
0x28e: {  	[tilespmem:s15+$0x2170] =	vst.add.f32.msk $0xffff, v8  }
0x28f: {  	[tilespmem:s15+$0x2180] =	vst.add.f32.msk $0xffff, v9  }
.Ltmp7:
0x290: {  	[tilespmem:s15+$0x2190] =	vst.add.f32.msk $0xffff, v10;
	(pc) =	sbr.rel @p0 .LBB2_16-.Ltmp7, $4  }
0x291: {  	[tilespmem:s15+$0x21A0] =	vst.add.f32.msk $0xffff, v11  }
0x292: {  	[tilespmem:s15+$0x21B0] =	vst.add.f32.msk $0xffff, v12  }
0x293: {  	[tilespmem:s15+$0x21C0] =	vst.add.f32.msk $0xffff, v13  }
0x294: {  	s17 =	sadd.s32 $0x400, s17;
	[tilespmem:s15+$0x21D0] =	vst.add.f32.msk $0xffff, v14  }
0x295: {  	[tilespmem:s15+$0x21E0] =	vst.add.f32.msk $0xffff, v0;
	s17 =	simm.s32 $0x0;
	s16 =	rddreg [dreg:$0x10]  }
0x296: {  	[hbm4b:s16+s17] =	stream.linear.scatter [tilespmem:s11], [sflag:$0x3], $0x2000, $0x38;
	[tilespmem:$0x6100] =	vst v63  }
0x297: {  	_ =	swait.ge [sflag:s7], $0x2000  }
0x298: {  	[sflag:s7] =	ssyncset.done $0x0  }
0x299: {  	[sflag:s7] =	ssyncadd.s32 $0xFFFFE000  }
0x29a: {  	[tilespmem:s10], [sflag:$0x3] =	stream.linear.gather [hbm4b:s28+s17], $0x40, $0x38;
	[tilespmem:$0x6100] =	vst v63  }
0x29b: {  	_ =	swait.ge [sflag:s7], $0x40  }
0x29c: {  	[sflag:s7] =	ssyncset.done $0x0  }
0x29d: {  	[sflag:s7] =	ssyncadd.s32 $0xFFFFFFC0  }
0x29e: {  	[tilespmem:s11], [sflag:$0x2] =	stream.indirect.gather [hbm4b:s3+s8], $0x80, s10, s8, $0xb8;
	[tilespmem:$0x6100] =	vst v63  }
0x29f: {  	_ =	swait.ge [sflag:s12], $0x2000  }
0x2a0: {  	[sflag:s12] =	ssyncset.done $0x0  }
0x2a1: {  	s15 =	simm.s32 $0x0;
	[sflag:s12] =	ssyncadd.s32 $0xFFFFE000  }
0x2a2: {  	v0 =	vld [tilespmem:s15+$0x41F0]  }
0x2a3: {  	v1 =	vld [tilespmem:s15+$0x4100]  }
0x2a4: {  	v2 =	vld [tilespmem:s15+$0x4110]  }
0x2a5: {  	v3 =	vld [tilespmem:s15+$0x4120]  }
0x2a6: {  	v4 =	vld [tilespmem:s15+$0x4130]  }
0x2a7: {  	v5 =	vld [tilespmem:s15+$0x4140]  }
0x2a8: {  	v6 =	vld [tilespmem:s15+$0x4150]  }
0x2a9: {  	v7 =	vld [tilespmem:s15+$0x4160]  }
0x2aa: {  	v8 =	vld [tilespmem:s15+$0x4170]  }
0x2ab: {  	v9 =	vld [tilespmem:s15+$0x4180]  }
0x2ac: {  	v10 =	vld [tilespmem:s15+$0x4190]  }
0x2ad: {  	v11 =	vld [tilespmem:s15+$0x41A0]  }
0x2ae: {  	v12 =	vld [tilespmem:s15+$0x41B0]  }
0x2af: {  	v13 =	vld [tilespmem:s15+$0x41C0]  }
0x2b0: {  	v14 =	vld [tilespmem:s15+$0x41D0]  }
0x2b1: {  	[tilespmem:s15+$0x1F0] =	vst.add.f32.msk $0xffff, v0  }
0x2b2: {  	v0 =	vld [tilespmem:s15+$0x41E0]  }
0x2b3: {  	[tilespmem:s15+$0x100] =	vst.add.f32.msk $0xffff, v1  }
0x2b4: {  	[tilespmem:s15+$0x110] =	vst.add.f32.msk $0xffff, v2  }
0x2b5: {  	[tilespmem:s15+$0x120] =	vst.add.f32.msk $0xffff, v3  }
0x2b6: {  	[tilespmem:s15+$0x130] =	vst.add.f32.msk $0xffff, v4  }
0x2b7: {  	[tilespmem:s15+$0x140] =	vst.add.f32.msk $0xffff, v5  }
0x2b8: {  	[tilespmem:s15+$0x150] =	vst.add.f32.msk $0xffff, v6  }
0x2b9: {  	[tilespmem:s15+$0x160] =	vst.add.f32.msk $0xffff, v7  }
0x2ba: {  	[tilespmem:s15+$0x170] =	vst.add.f32.msk $0xffff, v8  }
0x2bb: {  	[tilespmem:s15+$0x180] =	vst.add.f32.msk $0xffff, v9  }
0x2bc: {  	[tilespmem:s15+$0x190] =	vst.add.f32.msk $0xffff, v10  }
0x2bd: {  	[tilespmem:s15+$0x1A0] =	vst.add.f32.msk $0xffff, v11  }
0x2be: {  	[tilespmem:s15+$0x1B0] =	vst.add.f32.msk $0xffff, v12  }
0x2bf: {  	[tilespmem:s15+$0x1C0] =	vst.add.f32.msk $0xffff, v13  }
0x2c0: {  	s16 =	simm.s32 $0x0;
	s17 =	simm.s32 $0x400;
	[tilespmem:s15+$0x1D0] =	vst.add.f32.msk $0xffff, v14  }
.LBB2_18:
0x2c1: {  	s16 =	sadd.s32 $0x2, s16;
	[tilespmem:s15+$0x1E0] =	vst.add.f32.msk $0xffff, v0;
	s15 =	sshra.s32 s17, $0x2  }
0x2c2: {  	v0 =	vld [tilespmem:s15+$0x41F0];
	p0 =	slt.u32 s16, $0x3E  }
0x2c3: {  	v1 =	vld [tilespmem:s15+$0x4100]  }
0x2c4: {  	v2 =	vld [tilespmem:s15+$0x4110]  }
0x2c5: {  	v3 =	vld [tilespmem:s15+$0x4120]  }
0x2c6: {  	v4 =	vld [tilespmem:s15+$0x4130]  }
0x2c7: {  	[tilespmem:s15+$0x1F0] =	vst.add.f32.msk $0xffff, v0  }
0x2c8: {  	v5 =	vld [tilespmem:s15+$0x4140]  }
0x2c9: {  	v6 =	vld [tilespmem:s15+$0x4150]  }
0x2ca: {  	v7 =	vld [tilespmem:s15+$0x4160]  }
0x2cb: {  	v8 =	vld [tilespmem:s15+$0x4170]  }
0x2cc: {  	v9 =	vld [tilespmem:s15+$0x4180]  }
0x2cd: {  	v10 =	vld [tilespmem:s15+$0x4190]  }
0x2ce: {  	v11 =	vld [tilespmem:s15+$0x41A0]  }
0x2cf: {  	v12 =	vld [tilespmem:s15+$0x41B0]  }
0x2d0: {  	v13 =	vld [tilespmem:s15+$0x41C0]  }
0x2d1: {  	v14 =	vld [tilespmem:s15+$0x41D0]  }
0x2d2: {  	v0 =	vld [tilespmem:s15+$0x41E0]  }
0x2d3: {  	[tilespmem:s15+$0x100] =	vst.add.f32.msk $0xffff, v1  }
0x2d4: {  	[tilespmem:s15+$0x110] =	vst.add.f32.msk $0xffff, v2  }
0x2d5: {  	[tilespmem:s15+$0x120] =	vst.add.f32.msk $0xffff, v3  }
0x2d6: {  	[tilespmem:s15+$0x130] =	vst.add.f32.msk $0xffff, v4  }
0x2d7: {  	[tilespmem:s15+$0x140] =	vst.add.f32.msk $0xffff, v5  }
0x2d8: {  	[tilespmem:s15+$0x150] =	vst.add.f32.msk $0xffff, v6  }
0x2d9: {  	[tilespmem:s15+$0x160] =	vst.add.f32.msk $0xffff, v7  }
0x2da: {  	[tilespmem:s15+$0x170] =	vst.add.f32.msk $0xffff, v8  }
0x2db: {  	[tilespmem:s15+$0x180] =	vst.add.f32.msk $0xffff, v9  }
.Ltmp8:
0x2dc: {  	[tilespmem:s15+$0x190] =	vst.add.f32.msk $0xffff, v10;
	(pc) =	sbr.rel @p0 .LBB2_18-.Ltmp8, $4  }
0x2dd: {  	[tilespmem:s15+$0x1A0] =	vst.add.f32.msk $0xffff, v11  }
0x2de: {  	[tilespmem:s15+$0x1B0] =	vst.add.f32.msk $0xffff, v12  }
0x2df: {  	[tilespmem:s15+$0x1C0] =	vst.add.f32.msk $0xffff, v13  }
0x2e0: {  	s17 =	sadd.s32 $0x400, s17;
	[tilespmem:s15+$0x1D0] =	vst.add.f32.msk $0xffff, v14  }
0x2e1: {  	[tilespmem:s15+$0x1E0] =	vst.add.f32.msk $0xffff, v0;
	s17 =	simm.s32 $0x0;
	s16 =	rddreg [dreg:$0x11]  }
0x2e2: {  	[hbm4b:s16+s17] =	stream.linear.scatter [tilespmem:s9], [sflag:$0x3], $0x2000, $0x38;
	[tilespmem:$0x6100] =	vst v63  }
0x2e3: {  	_ =	swait.ge [sflag:s7], $0x2000  }
0x2e4: {  	[sflag:s7] =	ssyncset.done $0x0  }
0x2e5: {  	[sflag:s7] =	ssyncadd.s32 $0xFFFFE000  }
0x2e6: {  	[tilespmem:s17], [sflag:$0x3] =	stream.linear.gather [hbm4b:s29+s17], $0x40, $0x38;
	[tilespmem:$0x6100] =	vst v63  }
0x2e7: {  	_ =	swait.ge [sflag:s7], $0x40  }
0x2e8: {  	[sflag:s7] =	ssyncset.done $0x0  }
0x2e9: {  	[sflag:s7] =	ssyncadd.s32 $0xFFFFFFC0  }
0x2ea: {  	[tilespmem:s9], [sflag:$0x1] =	stream.indirect.gather [hbm4b:s3+s8], $0x80, s17, s8, $0xb8;
	[tilespmem:$0x6100] =	vst v63  }
0x2eb: {  	_ =	swait.ge [sflag:s13], $0x2000  }
0x2ec: {  	[sflag:s13] =	ssyncset.done $0x0  }
0x2ed: {  	s15 =	simm.s32 $0x0;
	[sflag:s13] =	ssyncadd.s32 $0xFFFFE000  }
0x2ee: {  	v0 =	vld [tilespmem:s15+$0x41F0]  }
0x2ef: {  	v1 =	vld [tilespmem:s15+$0x4100]  }
0x2f0: {  	v2 =	vld [tilespmem:s15+$0x4110]  }
0x2f1: {  	v3 =	vld [tilespmem:s15+$0x4120]  }
0x2f2: {  	v4 =	vld [tilespmem:s15+$0x4130]  }
0x2f3: {  	v5 =	vld [tilespmem:s15+$0x4140]  }
0x2f4: {  	v6 =	vld [tilespmem:s15+$0x4150]  }
0x2f5: {  	v7 =	vld [tilespmem:s15+$0x4160]  }
0x2f6: {  	v8 =	vld [tilespmem:s15+$0x4170]  }
0x2f7: {  	v9 =	vld [tilespmem:s15+$0x4180]  }
0x2f8: {  	v10 =	vld [tilespmem:s15+$0x4190]  }
0x2f9: {  	v11 =	vld [tilespmem:s15+$0x41A0]  }
0x2fa: {  	v12 =	vld [tilespmem:s15+$0x41B0]  }
0x2fb: {  	v13 =	vld [tilespmem:s15+$0x41C0]  }
0x2fc: {  	v14 =	vld [tilespmem:s15+$0x41D0]  }
0x2fd: {  	[tilespmem:s15+$0x21F0] =	vst.add.f32.msk $0xffff, v0  }
0x2fe: {  	v0 =	vld [tilespmem:s15+$0x41E0]  }
0x2ff: {  	[tilespmem:s15+$0x2100] =	vst.add.f32.msk $0xffff, v1  }
0x300: {  	[tilespmem:s15+$0x2110] =	vst.add.f32.msk $0xffff, v2  }
0x301: {  	[tilespmem:s15+$0x2120] =	vst.add.f32.msk $0xffff, v3  }
0x302: {  	[tilespmem:s15+$0x2130] =	vst.add.f32.msk $0xffff, v4  }
0x303: {  	[tilespmem:s15+$0x2140] =	vst.add.f32.msk $0xffff, v5  }
0x304: {  	[tilespmem:s15+$0x2150] =	vst.add.f32.msk $0xffff, v6  }
0x305: {  	[tilespmem:s15+$0x2160] =	vst.add.f32.msk $0xffff, v7  }
0x306: {  	[tilespmem:s15+$0x2170] =	vst.add.f32.msk $0xffff, v8  }
0x307: {  	[tilespmem:s15+$0x2180] =	vst.add.f32.msk $0xffff, v9  }
0x308: {  	[tilespmem:s15+$0x2190] =	vst.add.f32.msk $0xffff, v10  }
0x309: {  	[tilespmem:s15+$0x21A0] =	vst.add.f32.msk $0xffff, v11  }
0x30a: {  	[tilespmem:s15+$0x21B0] =	vst.add.f32.msk $0xffff, v12  }
0x30b: {  	[tilespmem:s15+$0x21C0] =	vst.add.f32.msk $0xffff, v13  }
0x30c: {  	s16 =	simm.s32 $0x0;
	s17 =	simm.s32 $0x400;
	[tilespmem:s15+$0x21D0] =	vst.add.f32.msk $0xffff, v14  }
.LBB2_20:
0x30d: {  	s16 =	sadd.s32 $0x2, s16;
	[tilespmem:s15+$0x21E0] =	vst.add.f32.msk $0xffff, v0;
	s15 =	sshra.s32 s17, $0x2  }
0x30e: {  	v0 =	vld [tilespmem:s15+$0x41F0];
	p0 =	slt.u32 s16, $0x3E  }
0x30f: {  	v1 =	vld [tilespmem:s15+$0x4100]  }
0x310: {  	v2 =	vld [tilespmem:s15+$0x4110]  }
0x311: {  	v3 =	vld [tilespmem:s15+$0x4120]  }
0x312: {  	v4 =	vld [tilespmem:s15+$0x4130]  }
0x313: {  	[tilespmem:s15+$0x21F0] =	vst.add.f32.msk $0xffff, v0  }
0x314: {  	v5 =	vld [tilespmem:s15+$0x4140]  }
0x315: {  	v6 =	vld [tilespmem:s15+$0x4150]  }
0x316: {  	v7 =	vld [tilespmem:s15+$0x4160]  }
0x317: {  	v8 =	vld [tilespmem:s15+$0x4170]  }
0x318: {  	v9 =	vld [tilespmem:s15+$0x4180]  }
0x319: {  	v10 =	vld [tilespmem:s15+$0x4190]  }
0x31a: {  	v11 =	vld [tilespmem:s15+$0x41A0]  }
0x31b: {  	v12 =	vld [tilespmem:s15+$0x41B0]  }
0x31c: {  	v13 =	vld [tilespmem:s15+$0x41C0]  }
0x31d: {  	v14 =	vld [tilespmem:s15+$0x41D0]  }
0x31e: {  	v0 =	vld [tilespmem:s15+$0x41E0]  }
0x31f: {  	[tilespmem:s15+$0x2100] =	vst.add.f32.msk $0xffff, v1  }
0x320: {  	[tilespmem:s15+$0x2110] =	vst.add.f32.msk $0xffff, v2  }
0x321: {  	[tilespmem:s15+$0x2120] =	vst.add.f32.msk $0xffff, v3  }
0x322: {  	[tilespmem:s15+$0x2130] =	vst.add.f32.msk $0xffff, v4  }
0x323: {  	[tilespmem:s15+$0x2140] =	vst.add.f32.msk $0xffff, v5  }
0x324: {  	[tilespmem:s15+$0x2150] =	vst.add.f32.msk $0xffff, v6  }
0x325: {  	[tilespmem:s15+$0x2160] =	vst.add.f32.msk $0xffff, v7  }
0x326: {  	[tilespmem:s15+$0x2170] =	vst.add.f32.msk $0xffff, v8  }
0x327: {  	[tilespmem:s15+$0x2180] =	vst.add.f32.msk $0xffff, v9  }
.Ltmp9:
0x328: {  	[tilespmem:s15+$0x2190] =	vst.add.f32.msk $0xffff, v10;
	(pc) =	sbr.rel @p0 .LBB2_20-.Ltmp9, $4  }
0x329: {  	[tilespmem:s15+$0x21A0] =	vst.add.f32.msk $0xffff, v11  }
0x32a: {  	[tilespmem:s15+$0x21B0] =	vst.add.f32.msk $0xffff, v12  }
0x32b: {  	[tilespmem:s15+$0x21C0] =	vst.add.f32.msk $0xffff, v13  }
0x32c: {  	s17 =	sadd.s32 $0x400, s17;
	[tilespmem:s15+$0x21D0] =	vst.add.f32.msk $0xffff, v14  }
0x32d: {  	[tilespmem:s15+$0x21E0] =	vst.add.f32.msk $0xffff, v0;
	s17 =	simm.s32 $0x0;
	s16 =	rddreg [dreg:$0x12]  }
0x32e: {  	[hbm4b:s16+s17] =	stream.linear.scatter [tilespmem:s11], [sflag:$0x3], $0x2000, $0x38;
	[tilespmem:$0x6100] =	vst v63  }
0x32f: {  	_ =	swait.ge [sflag:s7], $0x2000  }
0x330: {  	[sflag:s7] =	ssyncset.done $0x0  }
0x331: {  	[sflag:s7] =	ssyncadd.s32 $0xFFFFE000  }
0x332: {  	[tilespmem:s10], [sflag:$0x3] =	stream.linear.gather [hbm4b:s30+s17], $0x40, $0x38;
	[tilespmem:$0x6100] =	vst v63  }
0x333: {  	_ =	swait.ge [sflag:s7], $0x40  }
0x334: {  	[sflag:s7] =	ssyncset.done $0x0  }
0x335: {  	[sflag:s7] =	ssyncadd.s32 $0xFFFFFFC0  }
0x336: {  	[tilespmem:s11], [sflag:$0x2] =	stream.indirect.gather [hbm4b:s3+s8], $0x80, s10, s8, $0xb8;
	[tilespmem:$0x6100] =	vst v63  }
0x337: {  	_ =	swait.ge [sflag:s12], $0x2000  }
0x338: {  	[sflag:s12] =	ssyncset.done $0x0  }
0x339: {  	s15 =	simm.s32 $0x0;
	[sflag:s12] =	ssyncadd.s32 $0xFFFFE000  }
0x33a: {  	v0 =	vld [tilespmem:s15+$0x41F0]  }
0x33b: {  	v1 =	vld [tilespmem:s15+$0x4100]  }
0x33c: {  	v2 =	vld [tilespmem:s15+$0x4110]  }
0x33d: {  	v3 =	vld [tilespmem:s15+$0x4120]  }
0x33e: {  	v4 =	vld [tilespmem:s15+$0x4130]  }
0x33f: {  	v5 =	vld [tilespmem:s15+$0x4140]  }
0x340: {  	v6 =	vld [tilespmem:s15+$0x4150]  }
0x341: {  	v7 =	vld [tilespmem:s15+$0x4160]  }
0x342: {  	v8 =	vld [tilespmem:s15+$0x4170]  }
0x343: {  	v9 =	vld [tilespmem:s15+$0x4180]  }
0x344: {  	v10 =	vld [tilespmem:s15+$0x4190]  }
0x345: {  	v11 =	vld [tilespmem:s15+$0x41A0]  }
0x346: {  	v12 =	vld [tilespmem:s15+$0x41B0]  }
0x347: {  	v13 =	vld [tilespmem:s15+$0x41C0]  }
0x348: {  	v14 =	vld [tilespmem:s15+$0x41D0]  }
0x349: {  	[tilespmem:s15+$0x1F0] =	vst.add.f32.msk $0xffff, v0  }
0x34a: {  	v0 =	vld [tilespmem:s15+$0x41E0]  }
0x34b: {  	[tilespmem:s15+$0x100] =	vst.add.f32.msk $0xffff, v1  }
0x34c: {  	[tilespmem:s15+$0x110] =	vst.add.f32.msk $0xffff, v2  }
0x34d: {  	[tilespmem:s15+$0x120] =	vst.add.f32.msk $0xffff, v3  }
0x34e: {  	[tilespmem:s15+$0x130] =	vst.add.f32.msk $0xffff, v4  }
0x34f: {  	[tilespmem:s15+$0x140] =	vst.add.f32.msk $0xffff, v5  }
0x350: {  	[tilespmem:s15+$0x150] =	vst.add.f32.msk $0xffff, v6  }
0x351: {  	[tilespmem:s15+$0x160] =	vst.add.f32.msk $0xffff, v7  }
0x352: {  	[tilespmem:s15+$0x170] =	vst.add.f32.msk $0xffff, v8  }
0x353: {  	[tilespmem:s15+$0x180] =	vst.add.f32.msk $0xffff, v9  }
0x354: {  	[tilespmem:s15+$0x190] =	vst.add.f32.msk $0xffff, v10  }
0x355: {  	[tilespmem:s15+$0x1A0] =	vst.add.f32.msk $0xffff, v11  }
0x356: {  	[tilespmem:s15+$0x1B0] =	vst.add.f32.msk $0xffff, v12  }
0x357: {  	[tilespmem:s15+$0x1C0] =	vst.add.f32.msk $0xffff, v13  }
0x358: {  	s16 =	simm.s32 $0x0;
	s17 =	simm.s32 $0x400;
	[tilespmem:s15+$0x1D0] =	vst.add.f32.msk $0xffff, v14  }
.LBB2_22:
0x359: {  	s16 =	sadd.s32 $0x2, s16;
	[tilespmem:s15+$0x1E0] =	vst.add.f32.msk $0xffff, v0;
	s15 =	sshra.s32 s17, $0x2  }
0x35a: {  	v0 =	vld [tilespmem:s15+$0x41F0];
	p0 =	slt.u32 s16, $0x3E  }
0x35b: {  	v1 =	vld [tilespmem:s15+$0x4100]  }
0x35c: {  	v2 =	vld [tilespmem:s15+$0x4110]  }
0x35d: {  	v3 =	vld [tilespmem:s15+$0x4120]  }
0x35e: {  	v4 =	vld [tilespmem:s15+$0x4130]  }
0x35f: {  	[tilespmem:s15+$0x1F0] =	vst.add.f32.msk $0xffff, v0  }
0x360: {  	v5 =	vld [tilespmem:s15+$0x4140]  }
0x361: {  	v6 =	vld [tilespmem:s15+$0x4150]  }
0x362: {  	v7 =	vld [tilespmem:s15+$0x4160]  }
0x363: {  	v8 =	vld [tilespmem:s15+$0x4170]  }
0x364: {  	v9 =	vld [tilespmem:s15+$0x4180]  }
0x365: {  	v10 =	vld [tilespmem:s15+$0x4190]  }
0x366: {  	v11 =	vld [tilespmem:s15+$0x41A0]  }
0x367: {  	v12 =	vld [tilespmem:s15+$0x41B0]  }
0x368: {  	v13 =	vld [tilespmem:s15+$0x41C0]  }
0x369: {  	v14 =	vld [tilespmem:s15+$0x41D0]  }
0x36a: {  	v0 =	vld [tilespmem:s15+$0x41E0]  }
0x36b: {  	[tilespmem:s15+$0x100] =	vst.add.f32.msk $0xffff, v1  }
0x36c: {  	[tilespmem:s15+$0x110] =	vst.add.f32.msk $0xffff, v2  }
0x36d: {  	[tilespmem:s15+$0x120] =	vst.add.f32.msk $0xffff, v3  }
0x36e: {  	[tilespmem:s15+$0x130] =	vst.add.f32.msk $0xffff, v4  }
0x36f: {  	[tilespmem:s15+$0x140] =	vst.add.f32.msk $0xffff, v5  }
0x370: {  	[tilespmem:s15+$0x150] =	vst.add.f32.msk $0xffff, v6  }
0x371: {  	[tilespmem:s15+$0x160] =	vst.add.f32.msk $0xffff, v7  }
0x372: {  	[tilespmem:s15+$0x170] =	vst.add.f32.msk $0xffff, v8  }
0x373: {  	[tilespmem:s15+$0x180] =	vst.add.f32.msk $0xffff, v9  }
.Ltmp10:
0x374: {  	[tilespmem:s15+$0x190] =	vst.add.f32.msk $0xffff, v10;
	(pc) =	sbr.rel @p0 .LBB2_22-.Ltmp10, $4  }
0x375: {  	[tilespmem:s15+$0x1A0] =	vst.add.f32.msk $0xffff, v11  }
0x376: {  	[tilespmem:s15+$0x1B0] =	vst.add.f32.msk $0xffff, v12  }
0x377: {  	[tilespmem:s15+$0x1C0] =	vst.add.f32.msk $0xffff, v13  }
0x378: {  	s17 =	sadd.s32 $0x400, s17;
	[tilespmem:s15+$0x1D0] =	vst.add.f32.msk $0xffff, v14  }
0x379: {  	[tilespmem:s15+$0x1E0] =	vst.add.f32.msk $0xffff, v0;
	s17 =	simm.s32 $0x0;
	s16 =	rddreg [dreg:$0x13]  }
0x37a: {  	[hbm4b:s16+s17] =	stream.linear.scatter [tilespmem:s9], [sflag:$0x3], $0x2000, $0x38;
	[tilespmem:$0x6100] =	vst v63  }
0x37b: {  	_ =	swait.ge [sflag:s7], $0x2000  }
0x37c: {  	[sflag:s7] =	ssyncset.done $0x0  }
0x37d: {  	[sflag:s7] =	ssyncadd.s32 $0xFFFFE000  }
0x37e: {  	[tilespmem:s17], [sflag:$0x3] =	stream.linear.gather [hbm4b:s31+s17], $0x40, $0x38;
	[tilespmem:$0x6100] =	vst v63  }
0x37f: {  	_ =	swait.ge [sflag:s7], $0x40  }
0x380: {  	[sflag:s7] =	ssyncset.done $0x0  }
0x381: {  	[sflag:s7] =	ssyncadd.s32 $0xFFFFFFC0  }
0x382: {  	[tilespmem:s9], [sflag:$0x1] =	stream.indirect.gather [hbm4b:s3+s8], $0x80, s17, s8, $0xb8;
	[tilespmem:$0x6100] =	vst v63  }
0x383: {  	_ =	swait.ge [sflag:s13], $0x2000  }
0x384: {  	[sflag:s13] =	ssyncset.done $0x0  }
0x385: {  	s15 =	simm.s32 $0x0;
	[sflag:s13] =	ssyncadd.s32 $0xFFFFE000  }
0x386: {  	v0 =	vld [tilespmem:s15+$0x41F0]  }
0x387: {  	v1 =	vld [tilespmem:s15+$0x4100]  }
0x388: {  	v2 =	vld [tilespmem:s15+$0x4110]  }
0x389: {  	v3 =	vld [tilespmem:s15+$0x4120]  }
0x38a: {  	v4 =	vld [tilespmem:s15+$0x4130]  }
0x38b: {  	v5 =	vld [tilespmem:s15+$0x4140]  }
0x38c: {  	v6 =	vld [tilespmem:s15+$0x4150]  }
0x38d: {  	v7 =	vld [tilespmem:s15+$0x4160]  }
0x38e: {  	v8 =	vld [tilespmem:s15+$0x4170]  }
0x38f: {  	v9 =	vld [tilespmem:s15+$0x4180]  }
0x390: {  	v10 =	vld [tilespmem:s15+$0x4190]  }
0x391: {  	v11 =	vld [tilespmem:s15+$0x41A0]  }
0x392: {  	v12 =	vld [tilespmem:s15+$0x41B0]  }
0x393: {  	v13 =	vld [tilespmem:s15+$0x41C0]  }
0x394: {  	v14 =	vld [tilespmem:s15+$0x41D0]  }
0x395: {  	[tilespmem:s15+$0x21F0] =	vst.add.f32.msk $0xffff, v0  }
0x396: {  	v0 =	vld [tilespmem:s15+$0x41E0]  }
0x397: {  	[tilespmem:s15+$0x2100] =	vst.add.f32.msk $0xffff, v1  }
0x398: {  	[tilespmem:s15+$0x2110] =	vst.add.f32.msk $0xffff, v2  }
0x399: {  	[tilespmem:s15+$0x2120] =	vst.add.f32.msk $0xffff, v3  }
0x39a: {  	[tilespmem:s15+$0x2130] =	vst.add.f32.msk $0xffff, v4  }
0x39b: {  	[tilespmem:s15+$0x2140] =	vst.add.f32.msk $0xffff, v5  }
0x39c: {  	[tilespmem:s15+$0x2150] =	vst.add.f32.msk $0xffff, v6  }
0x39d: {  	[tilespmem:s15+$0x2160] =	vst.add.f32.msk $0xffff, v7  }
0x39e: {  	[tilespmem:s15+$0x2170] =	vst.add.f32.msk $0xffff, v8  }
0x39f: {  	[tilespmem:s15+$0x2180] =	vst.add.f32.msk $0xffff, v9  }
0x3a0: {  	[tilespmem:s15+$0x2190] =	vst.add.f32.msk $0xffff, v10  }
0x3a1: {  	[tilespmem:s15+$0x21A0] =	vst.add.f32.msk $0xffff, v11  }
0x3a2: {  	[tilespmem:s15+$0x21B0] =	vst.add.f32.msk $0xffff, v12  }
0x3a3: {  	[tilespmem:s15+$0x21C0] =	vst.add.f32.msk $0xffff, v13  }
0x3a4: {  	s16 =	simm.s32 $0x0;
	s17 =	simm.s32 $0x400;
	[tilespmem:s15+$0x21D0] =	vst.add.f32.msk $0xffff, v14  }
.LBB2_24:
0x3a5: {  	s16 =	sadd.s32 $0x2, s16;
	[tilespmem:s15+$0x21E0] =	vst.add.f32.msk $0xffff, v0;
	s15 =	sshra.s32 s17, $0x2  }
0x3a6: {  	v0 =	vld [tilespmem:s15+$0x41F0];
	p0 =	slt.u32 s16, $0x3E  }
0x3a7: {  	v1 =	vld [tilespmem:s15+$0x4100]  }
0x3a8: {  	v2 =	vld [tilespmem:s15+$0x4110]  }
0x3a9: {  	v3 =	vld [tilespmem:s15+$0x4120]  }
0x3aa: {  	v4 =	vld [tilespmem:s15+$0x4130]  }
0x3ab: {  	[tilespmem:s15+$0x21F0] =	vst.add.f32.msk $0xffff, v0  }
0x3ac: {  	v5 =	vld [tilespmem:s15+$0x4140]  }
0x3ad: {  	v6 =	vld [tilespmem:s15+$0x4150]  }
0x3ae: {  	v7 =	vld [tilespmem:s15+$0x4160]  }
0x3af: {  	v8 =	vld [tilespmem:s15+$0x4170]  }
0x3b0: {  	v9 =	vld [tilespmem:s15+$0x4180]  }
0x3b1: {  	v10 =	vld [tilespmem:s15+$0x4190]  }
0x3b2: {  	v11 =	vld [tilespmem:s15+$0x41A0]  }
0x3b3: {  	v12 =	vld [tilespmem:s15+$0x41B0]  }
0x3b4: {  	v13 =	vld [tilespmem:s15+$0x41C0]  }
0x3b5: {  	v14 =	vld [tilespmem:s15+$0x41D0]  }
0x3b6: {  	v0 =	vld [tilespmem:s15+$0x41E0]  }
0x3b7: {  	[tilespmem:s15+$0x2100] =	vst.add.f32.msk $0xffff, v1  }
0x3b8: {  	[tilespmem:s15+$0x2110] =	vst.add.f32.msk $0xffff, v2  }
0x3b9: {  	[tilespmem:s15+$0x2120] =	vst.add.f32.msk $0xffff, v3  }
0x3ba: {  	[tilespmem:s15+$0x2130] =	vst.add.f32.msk $0xffff, v4  }
0x3bb: {  	[tilespmem:s15+$0x2140] =	vst.add.f32.msk $0xffff, v5  }
0x3bc: {  	[tilespmem:s15+$0x2150] =	vst.add.f32.msk $0xffff, v6  }
0x3bd: {  	[tilespmem:s15+$0x2160] =	vst.add.f32.msk $0xffff, v7  }
0x3be: {  	[tilespmem:s15+$0x2170] =	vst.add.f32.msk $0xffff, v8  }
0x3bf: {  	[tilespmem:s15+$0x2180] =	vst.add.f32.msk $0xffff, v9  }
.Ltmp11:
0x3c0: {  	[tilespmem:s15+$0x2190] =	vst.add.f32.msk $0xffff, v10;
	(pc) =	sbr.rel @p0 .LBB2_24-.Ltmp11, $4  }
0x3c1: {  	[tilespmem:s15+$0x21A0] =	vst.add.f32.msk $0xffff, v11  }
0x3c2: {  	[tilespmem:s15+$0x21B0] =	vst.add.f32.msk $0xffff, v12  }
0x3c3: {  	[tilespmem:s15+$0x21C0] =	vst.add.f32.msk $0xffff, v13  }
0x3c4: {  	s17 =	sadd.s32 $0x400, s17;
	[tilespmem:s15+$0x21D0] =	vst.add.f32.msk $0xffff, v14  }
0x3c5: {  	[tilespmem:s15+$0x21E0] =	vst.add.f32.msk $0xffff, v0;
	s15 =	simm.s32 $0x0;
	s16 =	rddreg [dreg:$0x14]  }
0x3c6: {  	[hbm4b:s16+s15] =	stream.linear.scatter [tilespmem:s11], [sflag:$0x3], $0x2000, $0x38;
	[tilespmem:$0x6100] =	vst v63  }
0x3c7: {  	_ =	swait.ge [sflag:s7], $0x2000  }
0x3c8: {  	[sflag:s7] =	ssyncset.done $0x0  }
0x3c9: {  	s17 =	rddreg [dreg:$0x5];
	[sflag:s7] =	ssyncadd.s32 $0xFFFFE000  }
0x3ca: {  	[tilespmem:s10], [sflag:$0x3] =	stream.linear.gather [hbm4b:s17+s15], $0x40, $0x38;
	[tilespmem:$0x6100] =	vst v63  }
0x3cb: {  	_ =	swait.ge [sflag:s7], $0x40  }
0x3cc: {  	[sflag:s7] =	ssyncset.done $0x0  }
0x3cd: {  	[sflag:s7] =	ssyncadd.s32 $0xFFFFFFC0  }
0x3ce: {  	[tilespmem:s11], [sflag:$0x2] =	stream.indirect.gather [hbm4b:s3+s8], $0x80, s10, s8, $0xb8;
	[tilespmem:$0x6100] =	vst v63  }
0x3cf: {  	_ =	swait.ge [sflag:s12], $0x2000  }
0x3d0: {  	[sflag:s12] =	ssyncset.done $0x0  }
0x3d1: {  	s15 =	simm.s32 $0x0;
	[sflag:s12] =	ssyncadd.s32 $0xFFFFE000  }
0x3d2: {  	v0 =	vld [tilespmem:s15+$0x41F0]  }
0x3d3: {  	v1 =	vld [tilespmem:s15+$0x4100]  }
0x3d4: {  	v2 =	vld [tilespmem:s15+$0x4110]  }
0x3d5: {  	v3 =	vld [tilespmem:s15+$0x4120]  }
0x3d6: {  	v4 =	vld [tilespmem:s15+$0x4130]  }
0x3d7: {  	v5 =	vld [tilespmem:s15+$0x4140]  }
0x3d8: {  	v6 =	vld [tilespmem:s15+$0x4150]  }
0x3d9: {  	v7 =	vld [tilespmem:s15+$0x4160]  }
0x3da: {  	v8 =	vld [tilespmem:s15+$0x4170]  }
0x3db: {  	v9 =	vld [tilespmem:s15+$0x4180]  }
0x3dc: {  	v10 =	vld [tilespmem:s15+$0x4190]  }
0x3dd: {  	v11 =	vld [tilespmem:s15+$0x41A0]  }
0x3de: {  	v12 =	vld [tilespmem:s15+$0x41B0]  }
0x3df: {  	v13 =	vld [tilespmem:s15+$0x41C0]  }
0x3e0: {  	v14 =	vld [tilespmem:s15+$0x41D0]  }
0x3e1: {  	[tilespmem:s15+$0x1F0] =	vst.add.f32.msk $0xffff, v0  }
0x3e2: {  	v0 =	vld [tilespmem:s15+$0x41E0]  }
0x3e3: {  	[tilespmem:s15+$0x100] =	vst.add.f32.msk $0xffff, v1  }
0x3e4: {  	[tilespmem:s15+$0x110] =	vst.add.f32.msk $0xffff, v2  }
0x3e5: {  	[tilespmem:s15+$0x120] =	vst.add.f32.msk $0xffff, v3  }
0x3e6: {  	[tilespmem:s15+$0x130] =	vst.add.f32.msk $0xffff, v4  }
0x3e7: {  	[tilespmem:s15+$0x140] =	vst.add.f32.msk $0xffff, v5  }
0x3e8: {  	[tilespmem:s15+$0x150] =	vst.add.f32.msk $0xffff, v6  }
0x3e9: {  	[tilespmem:s15+$0x160] =	vst.add.f32.msk $0xffff, v7  }
0x3ea: {  	[tilespmem:s15+$0x170] =	vst.add.f32.msk $0xffff, v8  }
0x3eb: {  	[tilespmem:s15+$0x180] =	vst.add.f32.msk $0xffff, v9  }
0x3ec: {  	[tilespmem:s15+$0x190] =	vst.add.f32.msk $0xffff, v10  }
0x3ed: {  	[tilespmem:s15+$0x1A0] =	vst.add.f32.msk $0xffff, v11  }
0x3ee: {  	[tilespmem:s15+$0x1B0] =	vst.add.f32.msk $0xffff, v12  }
0x3ef: {  	[tilespmem:s15+$0x1C0] =	vst.add.f32.msk $0xffff, v13  }
0x3f0: {  	s16 =	simm.s32 $0x0;
	s17 =	simm.s32 $0x400;
	[tilespmem:s15+$0x1D0] =	vst.add.f32.msk $0xffff, v14  }
.LBB2_26:
0x3f1: {  	s16 =	sadd.s32 $0x2, s16;
	[tilespmem:s15+$0x1E0] =	vst.add.f32.msk $0xffff, v0;
	s15 =	sshra.s32 s17, $0x2  }
0x3f2: {  	v0 =	vld [tilespmem:s15+$0x41F0];
	p0 =	slt.u32 s16, $0x3E  }
0x3f3: {  	v1 =	vld [tilespmem:s15+$0x4100]  }
0x3f4: {  	v2 =	vld [tilespmem:s15+$0x4110]  }
0x3f5: {  	v3 =	vld [tilespmem:s15+$0x4120]  }
0x3f6: {  	v4 =	vld [tilespmem:s15+$0x4130]  }
0x3f7: {  	[tilespmem:s15+$0x1F0] =	vst.add.f32.msk $0xffff, v0  }
0x3f8: {  	v5 =	vld [tilespmem:s15+$0x4140]  }
0x3f9: {  	v6 =	vld [tilespmem:s15+$0x4150]  }
0x3fa: {  	v7 =	vld [tilespmem:s15+$0x4160]  }
0x3fb: {  	v8 =	vld [tilespmem:s15+$0x4170]  }
0x3fc: {  	v9 =	vld [tilespmem:s15+$0x4180]  }
0x3fd: {  	v10 =	vld [tilespmem:s15+$0x4190]  }
0x3fe: {  	v11 =	vld [tilespmem:s15+$0x41A0]  }
0x3ff: {  	v12 =	vld [tilespmem:s15+$0x41B0]  }
0x400: {  	v13 =	vld [tilespmem:s15+$0x41C0]  }
0x401: {  	v14 =	vld [tilespmem:s15+$0x41D0]  }
0x402: {  	v0 =	vld [tilespmem:s15+$0x41E0]  }
0x403: {  	[tilespmem:s15+$0x100] =	vst.add.f32.msk $0xffff, v1  }
0x404: {  	[tilespmem:s15+$0x110] =	vst.add.f32.msk $0xffff, v2  }
0x405: {  	[tilespmem:s15+$0x120] =	vst.add.f32.msk $0xffff, v3  }
0x406: {  	[tilespmem:s15+$0x130] =	vst.add.f32.msk $0xffff, v4  }
0x407: {  	[tilespmem:s15+$0x140] =	vst.add.f32.msk $0xffff, v5  }
0x408: {  	[tilespmem:s15+$0x150] =	vst.add.f32.msk $0xffff, v6  }
0x409: {  	[tilespmem:s15+$0x160] =	vst.add.f32.msk $0xffff, v7  }
0x40a: {  	[tilespmem:s15+$0x170] =	vst.add.f32.msk $0xffff, v8  }
0x40b: {  	[tilespmem:s15+$0x180] =	vst.add.f32.msk $0xffff, v9  }
.Ltmp12:
0x40c: {  	[tilespmem:s15+$0x190] =	vst.add.f32.msk $0xffff, v10;
	(pc) =	sbr.rel @p0 .LBB2_26-.Ltmp12, $4  }
0x40d: {  	[tilespmem:s15+$0x1A0] =	vst.add.f32.msk $0xffff, v11  }
0x40e: {  	[tilespmem:s15+$0x1B0] =	vst.add.f32.msk $0xffff, v12  }
0x40f: {  	[tilespmem:s15+$0x1C0] =	vst.add.f32.msk $0xffff, v13  }
0x410: {  	s17 =	sadd.s32 $0x400, s17;
	[tilespmem:s15+$0x1D0] =	vst.add.f32.msk $0xffff, v14  }
0x411: {  	[tilespmem:s15+$0x1E0] =	vst.add.f32.msk $0xffff, v0;
	s17 =	simm.s32 $0x0  }
0x412: {  	[hbm4b:s0+s17] =	stream.linear.scatter [tilespmem:s9], [sflag:$0x3], $0x2000, $0x38;
	[tilespmem:$0x6100] =	vst v63  }
0x413: {  	_ =	swait.ge [sflag:s7], $0x2000  }
0x414: {  	[sflag:s7] =	ssyncset.done $0x0  }
0x415: {  	s16 =	rddreg [dreg:$0x6];
	[sflag:s7] =	ssyncadd.s32 $0xFFFFE000  }
0x416: {  	[tilespmem:s17], [sflag:$0x3] =	stream.linear.gather [hbm4b:s16+s17], $0x40, $0x38;
	[tilespmem:$0x6100] =	vst v63  }
0x417: {  	_ =	swait.ge [sflag:s7], $0x40  }
0x418: {  	[sflag:s7] =	ssyncset.done $0x0  }
0x419: {  	[sflag:s7] =	ssyncadd.s32 $0xFFFFFFC0  }
0x41a: {  	[tilespmem:s9], [sflag:$0x1] =	stream.indirect.gather [hbm4b:s3+s8], $0x80, s17, s8, $0xb8;
	[tilespmem:$0x6100] =	vst v63  }
0x41b: {  	_ =	swait.ge [sflag:s13], $0x2000  }
0x41c: {  	[sflag:s13] =	ssyncset.done $0x0  }
0x41d: {  	s15 =	simm.s32 $0x0;
	[sflag:s13] =	ssyncadd.s32 $0xFFFFE000  }
0x41e: {  	v0 =	vld [tilespmem:s15+$0x41F0]  }
0x41f: {  	v1 =	vld [tilespmem:s15+$0x4100]  }
0x420: {  	v2 =	vld [tilespmem:s15+$0x4110]  }
0x421: {  	v3 =	vld [tilespmem:s15+$0x4120]  }
0x422: {  	v4 =	vld [tilespmem:s15+$0x4130]  }
0x423: {  	v5 =	vld [tilespmem:s15+$0x4140]  }
0x424: {  	v6 =	vld [tilespmem:s15+$0x4150]  }
0x425: {  	v7 =	vld [tilespmem:s15+$0x4160]  }
0x426: {  	v8 =	vld [tilespmem:s15+$0x4170]  }
0x427: {  	v9 =	vld [tilespmem:s15+$0x4180]  }
0x428: {  	v10 =	vld [tilespmem:s15+$0x4190]  }
0x429: {  	v11 =	vld [tilespmem:s15+$0x41A0]  }
0x42a: {  	v12 =	vld [tilespmem:s15+$0x41B0]  }
0x42b: {  	v13 =	vld [tilespmem:s15+$0x41C0]  }
0x42c: {  	v14 =	vld [tilespmem:s15+$0x41D0]  }
0x42d: {  	[tilespmem:s15+$0x21F0] =	vst.add.f32.msk $0xffff, v0  }
0x42e: {  	v0 =	vld [tilespmem:s15+$0x41E0]  }
0x42f: {  	[tilespmem:s15+$0x2100] =	vst.add.f32.msk $0xffff, v1  }
0x430: {  	[tilespmem:s15+$0x2110] =	vst.add.f32.msk $0xffff, v2  }
0x431: {  	[tilespmem:s15+$0x2120] =	vst.add.f32.msk $0xffff, v3  }
0x432: {  	[tilespmem:s15+$0x2130] =	vst.add.f32.msk $0xffff, v4  }
0x433: {  	[tilespmem:s15+$0x2140] =	vst.add.f32.msk $0xffff, v5  }
0x434: {  	[tilespmem:s15+$0x2150] =	vst.add.f32.msk $0xffff, v6  }
0x435: {  	[tilespmem:s15+$0x2160] =	vst.add.f32.msk $0xffff, v7  }
0x436: {  	[tilespmem:s15+$0x2170] =	vst.add.f32.msk $0xffff, v8  }
0x437: {  	[tilespmem:s15+$0x2180] =	vst.add.f32.msk $0xffff, v9  }
0x438: {  	[tilespmem:s15+$0x2190] =	vst.add.f32.msk $0xffff, v10  }
0x439: {  	[tilespmem:s15+$0x21A0] =	vst.add.f32.msk $0xffff, v11  }
0x43a: {  	[tilespmem:s15+$0x21B0] =	vst.add.f32.msk $0xffff, v12  }
0x43b: {  	[tilespmem:s15+$0x21C0] =	vst.add.f32.msk $0xffff, v13  }
0x43c: {  	s16 =	simm.s32 $0x0;
	s17 =	simm.s32 $0x400;
	[tilespmem:s15+$0x21D0] =	vst.add.f32.msk $0xffff, v14  }
.LBB2_28:
0x43d: {  	s16 =	sadd.s32 $0x2, s16;
	[tilespmem:s15+$0x21E0] =	vst.add.f32.msk $0xffff, v0;
	s15 =	sshra.s32 s17, $0x2  }
0x43e: {  	v0 =	vld [tilespmem:s15+$0x41F0];
	p0 =	slt.u32 s16, $0x3E  }
0x43f: {  	v1 =	vld [tilespmem:s15+$0x4100]  }
0x440: {  	v2 =	vld [tilespmem:s15+$0x4110]  }
0x441: {  	v3 =	vld [tilespmem:s15+$0x4120]  }
0x442: {  	v4 =	vld [tilespmem:s15+$0x4130]  }
0x443: {  	[tilespmem:s15+$0x21F0] =	vst.add.f32.msk $0xffff, v0  }
0x444: {  	v5 =	vld [tilespmem:s15+$0x4140]  }
0x445: {  	v6 =	vld [tilespmem:s15+$0x4150]  }
0x446: {  	v7 =	vld [tilespmem:s15+$0x4160]  }
0x447: {  	v8 =	vld [tilespmem:s15+$0x4170]  }
0x448: {  	v9 =	vld [tilespmem:s15+$0x4180]  }
0x449: {  	v10 =	vld [tilespmem:s15+$0x4190]  }
0x44a: {  	v11 =	vld [tilespmem:s15+$0x41A0]  }
0x44b: {  	v12 =	vld [tilespmem:s15+$0x41B0]  }
0x44c: {  	v13 =	vld [tilespmem:s15+$0x41C0]  }
0x44d: {  	v14 =	vld [tilespmem:s15+$0x41D0]  }
0x44e: {  	v0 =	vld [tilespmem:s15+$0x41E0]  }
0x44f: {  	[tilespmem:s15+$0x2100] =	vst.add.f32.msk $0xffff, v1  }
0x450: {  	[tilespmem:s15+$0x2110] =	vst.add.f32.msk $0xffff, v2  }
0x451: {  	[tilespmem:s15+$0x2120] =	vst.add.f32.msk $0xffff, v3  }
0x452: {  	[tilespmem:s15+$0x2130] =	vst.add.f32.msk $0xffff, v4  }
0x453: {  	[tilespmem:s15+$0x2140] =	vst.add.f32.msk $0xffff, v5  }
0x454: {  	[tilespmem:s15+$0x2150] =	vst.add.f32.msk $0xffff, v6  }
0x455: {  	[tilespmem:s15+$0x2160] =	vst.add.f32.msk $0xffff, v7  }
0x456: {  	[tilespmem:s15+$0x2170] =	vst.add.f32.msk $0xffff, v8  }
0x457: {  	[tilespmem:s15+$0x2180] =	vst.add.f32.msk $0xffff, v9  }
.Ltmp13:
0x458: {  	[tilespmem:s15+$0x2190] =	vst.add.f32.msk $0xffff, v10;
	(pc) =	sbr.rel @p0 .LBB2_28-.Ltmp13, $4  }
0x459: {  	[tilespmem:s15+$0x21A0] =	vst.add.f32.msk $0xffff, v11  }
0x45a: {  	[tilespmem:s15+$0x21B0] =	vst.add.f32.msk $0xffff, v12  }
0x45b: {  	[tilespmem:s15+$0x21C0] =	vst.add.f32.msk $0xffff, v13  }
0x45c: {  	s17 =	sadd.s32 $0x400, s17;
	[tilespmem:s15+$0x21D0] =	vst.add.f32.msk $0xffff, v14  }
0x45d: {  	[tilespmem:s15+$0x21E0] =	vst.add.f32.msk $0xffff, v0;
	s17 =	simm.s32 $0x0  }
0x45e: {  	[hbm4b:s2+s17] =	stream.linear.scatter [tilespmem:s11], [sflag:$0x3], $0x2000, $0x38;
	[tilespmem:$0x6100] =	vst v63  }
0x45f: {  	_ =	swait.ge [sflag:s7], $0x2000  }
0x460: {  	[sflag:s7] =	ssyncset.done $0x0  }
0x461: {  	s16 =	rddreg [dreg:$0x7];
	[sflag:s7] =	ssyncadd.s32 $0xFFFFE000  }
0x462: {  	[tilespmem:s10], [sflag:$0x3] =	stream.linear.gather [hbm4b:s16+s17], $0x40, $0x38;
	[tilespmem:$0x6100] =	vst v63  }
0x463: {  	_ =	swait.ge [sflag:s7], $0x40  }
0x464: {  	[sflag:s7] =	ssyncset.done $0x0  }
0x465: {  	[sflag:s7] =	ssyncadd.s32 $0xFFFFFFC0  }
0x466: {  	[tilespmem:s11], [sflag:$0x2] =	stream.indirect.gather [hbm4b:s3+s8], $0x80, s10, s8, $0xb8;
	[tilespmem:$0x6100] =	vst v63  }
0x467: {  	_ =	swait.ge [sflag:s12], $0x2000  }
0x468: {  	[sflag:s12] =	ssyncset.done $0x0  }
0x469: {  	s15 =	simm.s32 $0x0;
	[sflag:s12] =	ssyncadd.s32 $0xFFFFE000  }
0x46a: {  	v0 =	vld [tilespmem:s15+$0x41F0]  }
0x46b: {  	v1 =	vld [tilespmem:s15+$0x4100]  }
0x46c: {  	v2 =	vld [tilespmem:s15+$0x4110]  }
0x46d: {  	v3 =	vld [tilespmem:s15+$0x4120]  }
0x46e: {  	v4 =	vld [tilespmem:s15+$0x4130]  }
0x46f: {  	v5 =	vld [tilespmem:s15+$0x4140]  }
0x470: {  	v6 =	vld [tilespmem:s15+$0x4150]  }
0x471: {  	v7 =	vld [tilespmem:s15+$0x4160]  }
0x472: {  	v8 =	vld [tilespmem:s15+$0x4170]  }
0x473: {  	v9 =	vld [tilespmem:s15+$0x4180]  }
0x474: {  	v10 =	vld [tilespmem:s15+$0x4190]  }
0x475: {  	v11 =	vld [tilespmem:s15+$0x41A0]  }
0x476: {  	v12 =	vld [tilespmem:s15+$0x41B0]  }
0x477: {  	v13 =	vld [tilespmem:s15+$0x41C0]  }
0x478: {  	v14 =	vld [tilespmem:s15+$0x41D0]  }
0x479: {  	[tilespmem:s15+$0x1F0] =	vst.add.f32.msk $0xffff, v0  }
0x47a: {  	v0 =	vld [tilespmem:s15+$0x41E0]  }
0x47b: {  	[tilespmem:s15+$0x100] =	vst.add.f32.msk $0xffff, v1  }
0x47c: {  	[tilespmem:s15+$0x110] =	vst.add.f32.msk $0xffff, v2  }
0x47d: {  	[tilespmem:s15+$0x120] =	vst.add.f32.msk $0xffff, v3  }
0x47e: {  	[tilespmem:s15+$0x130] =	vst.add.f32.msk $0xffff, v4  }
0x47f: {  	[tilespmem:s15+$0x140] =	vst.add.f32.msk $0xffff, v5  }
0x480: {  	[tilespmem:s15+$0x150] =	vst.add.f32.msk $0xffff, v6  }
0x481: {  	[tilespmem:s15+$0x160] =	vst.add.f32.msk $0xffff, v7  }
0x482: {  	[tilespmem:s15+$0x170] =	vst.add.f32.msk $0xffff, v8  }
0x483: {  	[tilespmem:s15+$0x180] =	vst.add.f32.msk $0xffff, v9  }
0x484: {  	[tilespmem:s15+$0x190] =	vst.add.f32.msk $0xffff, v10  }
0x485: {  	[tilespmem:s15+$0x1A0] =	vst.add.f32.msk $0xffff, v11  }
0x486: {  	[tilespmem:s15+$0x1B0] =	vst.add.f32.msk $0xffff, v12  }
0x487: {  	[tilespmem:s15+$0x1C0] =	vst.add.f32.msk $0xffff, v13  }
0x488: {  	s16 =	simm.s32 $0x0;
	s17 =	simm.s32 $0x400;
	[tilespmem:s15+$0x1D0] =	vst.add.f32.msk $0xffff, v14  }
.LBB2_30:
0x489: {  	s16 =	sadd.s32 $0x2, s16;
	[tilespmem:s15+$0x1E0] =	vst.add.f32.msk $0xffff, v0;
	s15 =	sshra.s32 s17, $0x2  }
0x48a: {  	v0 =	vld [tilespmem:s15+$0x41F0];
	p0 =	slt.u32 s16, $0x3E  }
0x48b: {  	v1 =	vld [tilespmem:s15+$0x4100]  }
0x48c: {  	v2 =	vld [tilespmem:s15+$0x4110]  }
0x48d: {  	v3 =	vld [tilespmem:s15+$0x4120]  }
0x48e: {  	v4 =	vld [tilespmem:s15+$0x4130]  }
0x48f: {  	[tilespmem:s15+$0x1F0] =	vst.add.f32.msk $0xffff, v0  }
0x490: {  	v5 =	vld [tilespmem:s15+$0x4140]  }
0x491: {  	v6 =	vld [tilespmem:s15+$0x4150]  }
0x492: {  	v7 =	vld [tilespmem:s15+$0x4160]  }
0x493: {  	v8 =	vld [tilespmem:s15+$0x4170]  }
0x494: {  	v9 =	vld [tilespmem:s15+$0x4180]  }
0x495: {  	v10 =	vld [tilespmem:s15+$0x4190]  }
0x496: {  	v11 =	vld [tilespmem:s15+$0x41A0]  }
0x497: {  	v12 =	vld [tilespmem:s15+$0x41B0]  }
0x498: {  	v13 =	vld [tilespmem:s15+$0x41C0]  }
0x499: {  	v14 =	vld [tilespmem:s15+$0x41D0]  }
0x49a: {  	v0 =	vld [tilespmem:s15+$0x41E0]  }
0x49b: {  	[tilespmem:s15+$0x100] =	vst.add.f32.msk $0xffff, v1  }
0x49c: {  	[tilespmem:s15+$0x110] =	vst.add.f32.msk $0xffff, v2  }
0x49d: {  	[tilespmem:s15+$0x120] =	vst.add.f32.msk $0xffff, v3  }
0x49e: {  	[tilespmem:s15+$0x130] =	vst.add.f32.msk $0xffff, v4  }
0x49f: {  	[tilespmem:s15+$0x140] =	vst.add.f32.msk $0xffff, v5  }
0x4a0: {  	[tilespmem:s15+$0x150] =	vst.add.f32.msk $0xffff, v6  }
0x4a1: {  	[tilespmem:s15+$0x160] =	vst.add.f32.msk $0xffff, v7  }
0x4a2: {  	[tilespmem:s15+$0x170] =	vst.add.f32.msk $0xffff, v8  }
0x4a3: {  	[tilespmem:s15+$0x180] =	vst.add.f32.msk $0xffff, v9  }
.Ltmp14:
0x4a4: {  	[tilespmem:s15+$0x190] =	vst.add.f32.msk $0xffff, v10;
	(pc) =	sbr.rel @p0 .LBB2_30-.Ltmp14, $4  }
0x4a5: {  	[tilespmem:s15+$0x1A0] =	vst.add.f32.msk $0xffff, v11  }
0x4a6: {  	[tilespmem:s15+$0x1B0] =	vst.add.f32.msk $0xffff, v12  }
0x4a7: {  	[tilespmem:s15+$0x1C0] =	vst.add.f32.msk $0xffff, v13  }
0x4a8: {  	s17 =	sadd.s32 $0x400, s17;
	[tilespmem:s15+$0x1D0] =	vst.add.f32.msk $0xffff, v14  }
0x4a9: {  	[tilespmem:s15+$0x1E0] =	vst.add.f32.msk $0xffff, v0;
	s17 =	simm.s32 $0x0  }
0x4aa: {  	[hbm4b:s4+s17] =	stream.linear.scatter [tilespmem:s9], [sflag:$0x3], $0x2000, $0x38;
	[tilespmem:$0x6100] =	vst v63  }
0x4ab: {  	_ =	swait.ge [sflag:s7], $0x2000  }
0x4ac: {  	[sflag:s7] =	ssyncset.done $0x0  }
0x4ad: {  	[sflag:s7] =	ssyncadd.s32 $0xFFFFE000  }
0x4ae: {  	_ =	swait.ge [sflag:s13], $0x2000  }
0x4af: {  	[sflag:s13] =	ssyncset.done $0x0  }
0x4b0: {  	s15 =	simm.s32 $0x0;
	[sflag:s13] =	ssyncadd.s32 $0xFFFFE000  }
0x4b1: {  	v0 =	vld [tilespmem:s15+$0x41F0]  }
0x4b2: {  	v1 =	vld [tilespmem:s15+$0x4100]  }
0x4b3: {  	v2 =	vld [tilespmem:s15+$0x4110]  }
0x4b4: {  	v3 =	vld [tilespmem:s15+$0x4120]  }
0x4b5: {  	v4 =	vld [tilespmem:s15+$0x4130]  }
0x4b6: {  	v5 =	vld [tilespmem:s15+$0x4140]  }
0x4b7: {  	v6 =	vld [tilespmem:s15+$0x4150]  }
0x4b8: {  	v7 =	vld [tilespmem:s15+$0x4160]  }
0x4b9: {  	v8 =	vld [tilespmem:s15+$0x4170]  }
0x4ba: {  	v9 =	vld [tilespmem:s15+$0x4180]  }
0x4bb: {  	v10 =	vld [tilespmem:s15+$0x4190]  }
0x4bc: {  	v11 =	vld [tilespmem:s15+$0x41A0]  }
0x4bd: {  	v12 =	vld [tilespmem:s15+$0x41B0]  }
0x4be: {  	v13 =	vld [tilespmem:s15+$0x41C0]  }
0x4bf: {  	v14 =	vld [tilespmem:s15+$0x41D0]  }
0x4c0: {  	[tilespmem:s15+$0x21F0] =	vst.add.f32.msk $0xffff, v0  }
0x4c1: {  	v0 =	vld [tilespmem:s15+$0x41E0]  }
0x4c2: {  	[tilespmem:s15+$0x2100] =	vst.add.f32.msk $0xffff, v1  }
0x4c3: {  	[tilespmem:s15+$0x2110] =	vst.add.f32.msk $0xffff, v2  }
0x4c4: {  	[tilespmem:s15+$0x2120] =	vst.add.f32.msk $0xffff, v3  }
0x4c5: {  	[tilespmem:s15+$0x2130] =	vst.add.f32.msk $0xffff, v4  }
0x4c6: {  	[tilespmem:s15+$0x2140] =	vst.add.f32.msk $0xffff, v5  }
0x4c7: {  	[tilespmem:s15+$0x2150] =	vst.add.f32.msk $0xffff, v6  }
0x4c8: {  	[tilespmem:s15+$0x2160] =	vst.add.f32.msk $0xffff, v7  }
0x4c9: {  	[tilespmem:s15+$0x2170] =	vst.add.f32.msk $0xffff, v8  }
0x4ca: {  	[tilespmem:s15+$0x2180] =	vst.add.f32.msk $0xffff, v9  }
0x4cb: {  	[tilespmem:s15+$0x2190] =	vst.add.f32.msk $0xffff, v10  }
0x4cc: {  	[tilespmem:s15+$0x21A0] =	vst.add.f32.msk $0xffff, v11  }
0x4cd: {  	[tilespmem:s15+$0x21B0] =	vst.add.f32.msk $0xffff, v12  }
0x4ce: {  	[tilespmem:s15+$0x21C0] =	vst.add.f32.msk $0xffff, v13  }
0x4cf: {  	s16 =	simm.s32 $0x0;
	s17 =	simm.s32 $0x400;
	[tilespmem:s15+$0x21D0] =	vst.add.f32.msk $0xffff, v14  }
.LBB2_32:
0x4d0: {  	s16 =	sadd.s32 $0x2, s16;
	[tilespmem:s15+$0x21E0] =	vst.add.f32.msk $0xffff, v0;
	s15 =	sshra.s32 s17, $0x2  }
0x4d1: {  	v0 =	vld [tilespmem:s15+$0x41F0];
	p0 =	slt.u32 s16, $0x3E  }
0x4d2: {  	v1 =	vld [tilespmem:s15+$0x4100]  }
0x4d3: {  	v2 =	vld [tilespmem:s15+$0x4110]  }
0x4d4: {  	v3 =	vld [tilespmem:s15+$0x4120]  }
0x4d5: {  	v4 =	vld [tilespmem:s15+$0x4130]  }
0x4d6: {  	[tilespmem:s15+$0x21F0] =	vst.add.f32.msk $0xffff, v0  }
0x4d7: {  	v5 =	vld [tilespmem:s15+$0x4140]  }
0x4d8: {  	v6 =	vld [tilespmem:s15+$0x4150]  }
0x4d9: {  	v7 =	vld [tilespmem:s15+$0x4160]  }
0x4da: {  	v8 =	vld [tilespmem:s15+$0x4170]  }
0x4db: {  	v9 =	vld [tilespmem:s15+$0x4180]  }
0x4dc: {  	v10 =	vld [tilespmem:s15+$0x4190]  }
0x4dd: {  	v11 =	vld [tilespmem:s15+$0x41A0]  }
0x4de: {  	v12 =	vld [tilespmem:s15+$0x41B0]  }
0x4df: {  	v13 =	vld [tilespmem:s15+$0x41C0]  }
0x4e0: {  	v14 =	vld [tilespmem:s15+$0x41D0]  }
0x4e1: {  	v0 =	vld [tilespmem:s15+$0x41E0]  }
0x4e2: {  	[tilespmem:s15+$0x2100] =	vst.add.f32.msk $0xffff, v1  }
0x4e3: {  	[tilespmem:s15+$0x2110] =	vst.add.f32.msk $0xffff, v2  }
0x4e4: {  	[tilespmem:s15+$0x2120] =	vst.add.f32.msk $0xffff, v3  }
0x4e5: {  	[tilespmem:s15+$0x2130] =	vst.add.f32.msk $0xffff, v4  }
0x4e6: {  	[tilespmem:s15+$0x2140] =	vst.add.f32.msk $0xffff, v5  }
0x4e7: {  	[tilespmem:s15+$0x2150] =	vst.add.f32.msk $0xffff, v6  }
0x4e8: {  	[tilespmem:s15+$0x2160] =	vst.add.f32.msk $0xffff, v7  }
0x4e9: {  	[tilespmem:s15+$0x2170] =	vst.add.f32.msk $0xffff, v8  }
0x4ea: {  	[tilespmem:s15+$0x2180] =	vst.add.f32.msk $0xffff, v9  }
.Ltmp15:
0x4eb: {  	[tilespmem:s15+$0x2190] =	vst.add.f32.msk $0xffff, v10;
	(pc) =	sbr.rel @p0 .LBB2_32-.Ltmp15, $4  }
0x4ec: {  	[tilespmem:s15+$0x21A0] =	vst.add.f32.msk $0xffff, v11  }
0x4ed: {  	[tilespmem:s15+$0x21B0] =	vst.add.f32.msk $0xffff, v12  }
0x4ee: {  	[tilespmem:s15+$0x21C0] =	vst.add.f32.msk $0xffff, v13  }
0x4ef: {  	s17 =	sadd.s32 $0x400, s17;
	[tilespmem:s15+$0x21D0] =	vst.add.f32.msk $0xffff, v14  }
0x4f0: {  	s14 =	sadd.s32 $0x1, s14  }
0x4f1: {  	p0 =	sne.s32 s14, s6  }
.Ltmp16:
0x4f2: {  	[tilespmem:s15+$0x21E0] =	vst.add.f32.msk $0xffff, v0;
	(pc) =	sbr.rel @p0 .LBB2_1-.Ltmp16, $4  }
0x4f3: {  	[hbm4b:s5+s1] =	stream.linear.scatter [tilespmem:s11], [sflag:$0x3], $0x2000, $0x38;
	[tilespmem:$0x6100] =	vst v63  }
0x4f4: {  	_ =	swait.ge [sflag:s7], $0x2000  }
0x4f5: {  	[sflag:s7] =	ssyncset.done $0x0  }
0x4f6: {  	[sflag:s7] =	ssyncadd.s32 $0xFFFFE000  }
0x4f7: {  	_ =	sfence.sel $0x180000  }
0x4f8: {  	[bflag:$0x0] =	sbarrier.arrive $0xFFFF  }
0x4f9: {  	_ =	strace $0x90000047  }
0x4fa: {  	s0 =	stileid.u32;
	[bflag:$0x2] =	sbarrier.arrive $0xFFFF  }
0x4fb: {  	p0 =	sne.s32 s0, $0x0;
	s0 =	rddreg [dreg:$0x4]  }
0x4fc: {  	s0 =	sadd.s32 @!p0 $0x100000, s0  }
0x4fd: {  	[sflag:s0] =	ssyncadd.tile.s32 @!p0 $0x1;
	_ =	shalt  }
.Lfunc_end2:
_tile_overlayer_lowered:
.L_overlay_start_2:
0x4fe: {  	(tag) =	ssettag $0x2  }
0x4ff: {  	s0 =	rddreg [dreg:$0x0];
	s2 =	stileid.u32  }
0x500: {  	s1 =	rddreg [dreg:$0x1];
	p0 =	sne.s32 s2, $0x0  }
0x501: {  	s3 =	rddreg [dreg:$0x2];
	[bflag:$0x3] =	sbarrier.arrive $0xFFFF;
	s2 =	simm.s32 @!p0 $0x1C03  }
0x502: {  	[timem:s3], [sflag:s2] =	dma.local @!p0 [hbm:s0], s1  }
0x503: {  	s0 =	simm.s32 @!p0 $0x3  }
0x504: {  	_ =	swait.ge @!p0 [sflag:s0], s1  }
0x505: {  	s1 =	ssub.s32 @!p0 $0x0, s1;
	[sflag:s0] =	ssyncset.done @!p0 $0x0  }
0x506: {  	[sflag:s0] =	ssyncadd.s32 @!p0 s1  }
0x507: {  	[bflag:$0x3] =	sbarrier.arrive $0xFFFF  }
0x508: {  	_ =	shalt  }

</sc_bundles>
